<compile_context>
chip_gen: v7x
topology: tpu7x:2x2x1
jax: 0.10.2.dev20260603
libtpu: 0.0.44.dev20260713+nightly
codegen_flags: <defaults>
</compile_context>

<pallas_src>
import functools

import jax
import jax.numpy as jnp
from jax import lax
from jax.experimental import pallas as pl
from jax.experimental.pallas import tpu as pltpu
from jax.experimental.pallas import tpu_sc as plsc

N_LAYERS = 3
USER_COUNT = 100000
ITEM_COUNT = 100000
N_NODES = USER_COUNT + ITEM_COUNT
EMB = 64
BATCH = 4096

NC = 2
NS = 16
SUB = 128

_sc_mesh = plsc.VectorSubcoreMesh(core_axis_name="c", subcore_axis_name="s")

IDS_PER_TILE = 2 * BATCH // (NC * NS)


def _gmean_body(ids_hbm, e0, e1, e2, e3, out_hbm, idbuf, abuf, tbuf):
    c = lax.axis_index("c")
    s = lax.axis_index("s")
    w = s * NC + c
    base = w * IDS_PER_TILE
    pltpu.sync_copy(ids_hbm.at[pl.ds(base, IDS_PER_TILE)], idbuf)
    for half in range(IDS_PER_TILE // SUB):
        hb = half * SUB
        idx = idbuf.at[pl.ds(hb, SUB)]
        pltpu.sync_copy(e0.at[idx], abuf)

        for t, e in enumerate((e1, e2, e3)):
            pltpu.sync_copy(e.at[idx], tbuf)
            last = t == 2

            def addl(i, _):
                for q in range(EMB // 16):
                    sl = pl.ds(q * 16, 16)
                    acc = abuf[i, sl] + tbuf[i, sl]
                    if last:
                        acc = acc * 0.25
                    abuf[i, sl] = acc
                return 0
            lax.fori_loop(0, SUB, addl, 0)

        pltpu.sync_copy(abuf, out_hbm.at[pl.ds(base + hb, SUB)])


_gmean = functools.partial(
    pl.kernel,
    _gmean_body,
    out_type=jax.ShapeDtypeStruct((2 * BATCH, EMB), jnp.float32),
    mesh=_sc_mesh,
    compiler_params=pltpu.CompilerParams(use_tc_tiling_on_sc=False),
    scratch_types=[
        pltpu.VMEM((IDS_PER_TILE,), jnp.int32),
        pltpu.VMEM((SUB, EMB), jnp.float32),
        pltpu.VMEM((SUB, EMB), jnp.float32),
    ],
)()


def _head_body(u_ref, i_ref, eeg_ref, ctx_ref,
               We1_ref, be1_ref, We2_ref, be2_ref, We3_ref, be3_ref,
               Wctx_ref, bctx_ref,
               Wf1u_ref, Wf1i_ref, Wf1e_ref, Wf1c_ref, bf1_ref,
               Wf2_ref, bf2_ref,
               pred_ref):
    eeg = eeg_ref[...]
    h = jnp.maximum(jnp.dot(eeg, We1_ref[...],
                            preferred_element_type=jnp.float32) + be1_ref[...], 0.0)
    h = jnp.maximum(jnp.dot(h, We2_ref[...],
                            preferred_element_type=jnp.float32) + be2_ref[...], 0.0)
    eeg16 = jnp.dot(h, We3_ref[...], preferred_element_type=jnp.float32) + be3_ref[...]
    ctx = ctx_ref[...]
    B = ctx.shape[0]
    ctx16 = (ctx[:, :, None] * Wctx_ref[...][0][None, None, :]
             + bctx_ref[...][None, None, :])
    ctx_flat = ctx16.reshape(B, -1)
    hidden = (jnp.dot(u_ref[...], Wf1u_ref[...], preferred_element_type=jnp.float32)
              + jnp.dot(i_ref[...], Wf1i_ref[...], preferred_element_type=jnp.float32)
              + jnp.dot(eeg16, Wf1e_ref[...], preferred_element_type=jnp.float32)
              + jnp.dot(ctx_flat, Wf1c_ref[...], preferred_element_type=jnp.float32)
              + bf1_ref[...])
    hidden = jnp.maximum(hidden, 0.0)
    pred = jnp.sum(hidden * Wf2_ref[...][:, 0][None, :], axis=1, keepdims=True)
    pred_ref[...] = pred + bf2_ref[...][None, :]


def _head(u_embed, i_embed, eeg, ctx, W_e1, b_e1, W_e2, b_e2, W_e3, b_e3,
          W_ctx, b_ctx, W_f1, b_f1, W_f2, b_f2):
    B = eeg.shape[0]
    Wf1u = W_f1[0:64]
    Wf1i = W_f1[64:128]
    Wf1e = W_f1[128:144]
    Wf1c = W_f1[144:304]
    return pl.pallas_call(
        _head_body,
        out_shape=jax.ShapeDtypeStruct((B, 1), jnp.float32),
    )(u_embed, i_embed, eeg, ctx, W_e1, b_e1, W_e2, b_e2, W_e3, b_e3,
      W_ctx, b_ctx, Wf1u, Wf1i, Wf1e, Wf1c, b_f1, W_f2, b_f2)


def kernel(user_id, item_id, eeg, ctx, adj_row, adj_col, adj_val,
           user_emb, item_emb, W_e1, b_e1, W_e2, b_e2, W_e3, b_e3,
           W_ctx, b_ctx, W_f1, b_f1, W_f2, b_f2):
    adj_row = adj_row.astype(jnp.int32)
    adj_col = adj_col.astype(jnp.int32)

    ego = jnp.concatenate([user_emb, item_emb], axis=0)
    ego0 = ego
    layers = []
    for _ in range(N_LAYERS):
        gathered = jnp.take(ego, adj_col, axis=0) * adj_val[:, None]
        ego = jax.ops.segment_sum(gathered, adj_row, num_segments=N_NODES)
        layers.append(ego)
    ego1, ego2, ego3 = layers

    ids = jnp.concatenate(
        [user_id.astype(jnp.int32),
         USER_COUNT + item_id[:, 0].astype(jnp.int32)], axis=0)
    ui = _gmean(ids, ego0, ego1, ego2, ego3)
    u_embed = ui[:BATCH]
    i_embed2 = ui[BATCH:]

    prediction = _head(u_embed, i_embed2, eeg, ctx, W_e1, b_e1, W_e2, b_e2,
                       W_e3, b_e3, W_ctx, b_ctx, W_f1, b_f1, W_f2, b_f2)
    return (prediction, u_embed[:, None, :], i_embed2)

# --- scband reference (transcript-rebuilt; emitter-appended) ---
"""Pipeline reference for scband-light-gcnbase-1589137900099 (READ-ONLY COPY).

The authoritative reference and input builder live on the scoring server;
editing this copy changes nothing except your own understanding.
"""

import jax, jax.numpy as jnp
import numpy as np

USER_COUNT = 100000
ITEM_COUNT = 100000
EMB = 64
N_LAYERS = 3
N_EDGES = 6400000
BATCH = 4096
N_CTX = 10


def setup_inputs(seed: int = 0) -> dict:
    key = jax.random.key(seed)
    ks = jax.random.split(key, 24)
    N = USER_COUNT + ITEM_COUNT
    inp = {}
    inp['user_id'] = jax.random.randint(ks[0], (BATCH,), 0, USER_COUNT)
    inp['item_id'] = jax.random.randint(ks[1], (BATCH, 1), 0, ITEM_COUNT)
    inp['eeg'] = jax.random.normal(ks[2], (BATCH, 310), dtype=jnp.float32)
    inp['ctx'] = jax.random.normal(ks[3], (BATCH, N_CTX), dtype=jnp.float32)
    inp['adj_row'] = jax.random.randint(ks[4], (N_EDGES,), 0, N)
    inp['adj_col'] = jax.random.randint(ks[5], (N_EDGES,), 0, N)
    inp['adj_val'] = jax.random.uniform(ks[6], (N_EDGES,), dtype=jnp.float32) * 0.01
    inp['user_emb'] = jax.random.normal(ks[7], (USER_COUNT, EMB), dtype=jnp.float32) * 0.1
    inp['item_emb'] = jax.random.normal(ks[8], (ITEM_COUNT, EMB), dtype=jnp.float32) * 0.1
    # eeg encoder: Linear(310,64) ReLU Linear(64,32) ReLU Linear(32,16)
    inp['W_e1'] = jax.random.normal(ks[9], (310, 64), dtype=jnp.float32) * 0.05
    inp['b_e1'] = jnp.zeros((64,), dtype=jnp.float32)
    inp['W_e2'] = jax.random.normal(ks[10], (64, 32), dtype=jnp.float32) * 0.1
    inp['b_e2'] = jnp.zeros((32,), dtype=jnp.float32)
    inp['W_e3'] = jax.random.normal(ks[11], (32, 16), dtype=jnp.float32) * 0.1
    inp['b_e3'] = jnp.zeros((16,), dtype=jnp.float32)
    # context encoder: Linear(1, 16)
    inp['W_ctx'] = jax.random.normal(ks[12], (1, 16), dtype=jnp.float32) * 0.5
    inp['b_ctx'] = jnp.zeros((16,), dtype=jnp.float32)
    # fc: Linear(64+64+16*11, 64) ReLU Linear(64, 1)
    inp['W_f1'] = jax.random.normal(ks[13], (64 + 64 + 16 * 11, 64), dtype=jnp.float32) * 0.05
    inp['b_f1'] = jnp.zeros((64,), dtype=jnp.float32)
    inp['W_f2'] = jax.random.normal(ks[14], (64, 1), dtype=jnp.float32) * 0.1
    inp['b_f2'] = jnp.zeros((1,), dtype=jnp.float32)
    return inp


def reference(user_id, item_id, eeg, ctx, adj_row, adj_col, adj_val,
              user_emb, item_emb, W_e1, b_e1, W_e2, b_e2, W_e3, b_e3,
              W_ctx, b_ctx, W_f1, b_f1, W_f2, b_f2):
    N = user_emb.shape[0] + item_emb.shape[0]
    # LGCNEncoder: sparse propagation over normalized adjacency
    ego = jnp.concatenate([user_emb, item_emb], axis=0)
    all_embeddings = [ego]
    for _ in range(N_LAYERS):
        gathered = jnp.take(ego, adj_col, axis=0) * adj_val[:, None]
        ego = jax.ops.segment_sum(gathered, adj_row, num_segments=N)
        all_embeddings.append(ego)
    all_emb = jnp.mean(jnp.stack(all_embeddings, axis=1), axis=1)
    u_all = all_emb[:user_emb.shape[0], :]
    i_all = all_emb[user_emb.shape[0]:, :]
    u_embed = jnp.take(u_all, user_id, axis=0)               # [B, E]
    i_embed = jnp.take(i_all, item_id, axis=0)               # [B, 1, E]
    i_embed2 = jnp.squeeze(i_embed, axis=1)                  # [B, E]
    # EEG encoder
    h = jax.nn.relu(eeg @ W_e1 + b_e1)
    h = jax.nn.relu(h @ W_e2 + b_e2)
    eeg16 = h @ W_e3 + b_e3                                   # [B, 16]
    # context encoder applied per scalar context feature (10 features)
    ctx16 = ctx[:, :, None] * W_ctx[0][None, None, :] + b_ctx[None, None, :]  # [B, 10, 16]
    ctx_flat = ctx16.reshape(ctx.shape[0], -1)                # [B, 160]
    combined = jnp.concatenate([u_embed, i_embed2, eeg16, ctx_flat], axis=-1)  # [B, 304]
    hidden = jax.nn.relu(combined @ W_f1 + b_f1)
    pred = (hidden @ W_f2 + b_f2)[:, 0]                       # [B]
    prediction = pred.reshape(user_id.shape[0], -1)           # [B, 1]
    u_v = u_embed[:, None, :]                                 # [B, 1, E] (repeat over 1 item)
    i_v = i_embed2                                            # [B, E]
    return (prediction, u_v, i_v)

if __name__ == "__main__":
    import jax
    _d = setup_inputs()
    print(jax.jit(kernel)(*tuple(_d.values())))

</pallas_src>

<mosaic_0001>
#map = affine_map<(d0, d1) -> (0)>
#map1 = affine_map<(d0, d1) -> (0, 0)>
module attributes {stable_mosaic.version = 14 : i64} {
  func.func @_gmean_body(%arg0: i32, %arg1: i32, %arg2: memref<8192xi32, #tpu.memory_space<hbm>>, %arg3: memref<200000x64xf32, #tpu.memory_space<hbm>>, %arg4: memref<200000x64xf32, #tpu.memory_space<hbm>>, %arg5: memref<200000x64xf32, #tpu.memory_space<hbm>>, %arg6: memref<200000x64xf32, #tpu.memory_space<hbm>>, %arg7: memref<8192x64xf32, #tpu.memory_space<hbm>>, %arg8: memref<256xi32, #tpu.memory_space<vmem>>, %arg9: memref<128x64xf32, #tpu.memory_space<vmem>>, %arg10: memref<128x64xf32, #tpu.memory_space<vmem>>) attributes {dimension_semantics = [#tpu.dimension_semantics<core_parallel>, #tpu.dimension_semantics<subcore_parallel>], iteration_bounds = array<i64: 2, 16>, scalar_prefetch = 0 : i64, scratch_operands = 3 : i64, tpu.core_type = #tpu.core_type<sc_vector_subcore>, window_params = [{transform_indices = #map}, {transform_indices = #map1}, {transform_indices = #map1}, {transform_indices = #map1}, {transform_indices = #map1}, {transform_indices = #map1}]} {
    %mul3A = arith.constant 2 : i32
    %mul3A_0 = arith.muli %arg1, %mul3A : i32
    %add3A = arith.addi %mul3A_0, %arg0 : i32
    %mul3A_1 = arith.constant 256 : i32
    %mul3A_2 = arith.muli %add3A, %mul3A_1 : i32
    "tpu.region"() ({
      %run_scoped3A = tpu.sem_alloc : memref<!tpu.dma_semaphore, #tpu.memory_space<semaphore_mem>>
      %dma_start3A = tpu.memref_slice %arg2[%mul3A_2] : memref<8192xi32, #tpu.memory_space<hbm>> -> memref<256xi32, #tpu.memory_space<hbm>>
      %dma_start3A_48 = tpu.memref_slice %arg2[%mul3A_2] : memref<8192xi32, #tpu.memory_space<hbm>> -> memref<256xi32, #tpu.memory_space<hbm>>
      tpu.enqueue_dma source(%dma_start3A_48 : memref<256xi32, #tpu.memory_space<hbm>>) target(%arg8 : memref<256xi32, #tpu.memory_space<vmem>>) target_semaphore(%run_scoped3A : memref<!tpu.dma_semaphore, #tpu.memory_space<semaphore_mem>>)
      %dma_wait3A = tpu.memref_slice %arg2[%mul3A_2] : memref<8192xi32, #tpu.memory_space<hbm>> -> memref<256xi32, #tpu.memory_space<hbm>>
      %dma_wait3A_49 = tpu.memref_slice %arg2[%mul3A_2] : memref<8192xi32, #tpu.memory_space<hbm>> -> memref<256xi32, #tpu.memory_space<hbm>>
      tpu.wait_dma2 semaphore(%run_scoped3A : memref<!tpu.dma_semaphore, #tpu.memory_space<semaphore_mem>>) src(%dma_wait3A_49 : memref<256xi32, #tpu.memory_space<hbm>>) dst(%arg8 : memref<256xi32, #tpu.memory_space<vmem>>)
      tpu.yield
    }) : () -> ()
    "tpu.region"() ({
      %run_scoped3A = tpu.sem_alloc : memref<!tpu.dma_semaphore, #tpu.memory_space<semaphore_mem>>
      %dma_start3A = arith.constant 0 : i32
      %dma_start3A_48 = tpu.memref_slice %arg8[%dma_start3A] : memref<256xi32, #tpu.memory_space<vmem>> -> memref<128xi32, #tpu.memory_space<vmem>>
      %dma_start3A_49 = arith.constant 0 : i32
      %dma_start3A_50 = arith.constant 0 : i32
      %dma_start3A_51 = tpu.memref_slice %arg3[%dma_start3A_49, %dma_start3A_50] : memref<200000x64xf32, #tpu.memory_space<hbm>> -> memref<200000x64xf32, #tpu.memory_space<hbm>>
      tpu.enqueue_indirect_dma source(%dma_start3A_51 : memref<200000x64xf32, #tpu.memory_space<hbm>>) target(%arg9 : memref<128x64xf32, #tpu.memory_space<vmem>>) offsets(%dma_start3A_48 : memref<128xi32, #tpu.memory_space<vmem>>) semaphore(%run_scoped3A : memref<!tpu.dma_semaphore, #tpu.memory_space<semaphore_mem>>)
      %dma_wait3A = arith.constant 0 : i32
      %dma_wait3A_52 = tpu.memref_slice %arg8[%dma_wait3A] : memref<256xi32, #tpu.memory_space<vmem>> -> memref<128xi32, #tpu.memory_space<vmem>>
      %dma_wait3A_53 = arith.constant 0 : i32
      %dma_wait3A_54 = arith.constant 0 : i32
      %dma_wait3A_55 = tpu.memref_slice %arg3[%dma_wait3A_53, %dma_wait3A_54] : memref<200000x64xf32, #tpu.memory_space<hbm>> -> memref<200000x64xf32, #tpu.memory_space<hbm>>
      tpu.wait_indirect_dma semaphore(%run_scoped3A : memref<!tpu.dma_semaphore, #tpu.memory_space<semaphore_mem>>) src(%dma_wait3A_55 : memref<200000x64xf32, #tpu.memory_space<hbm>>) dst(%arg9 : memref<128x64xf32, #tpu.memory_space<vmem>>)
      tpu.yield
    }) : () -> ()
    "tpu.region"() ({
      %run_scoped3A = tpu.sem_alloc : memref<!tpu.dma_semaphore, #tpu.memory_space<semaphore_mem>>
      %dma_start3A = arith.constant 0 : i32
      %dma_start3A_48 = tpu.memref_slice %arg8[%dma_start3A] : memref<256xi32, #tpu.memory_space<vmem>> -> memref<128xi32, #tpu.memory_space<vmem>>
      %dma_start3A_49 = arith.constant 0 : i32
      %dma_start3A_50 = arith.constant 0 : i32
      %dma_start3A_51 = tpu.memref_slice %arg4[%dma_start3A_49, %dma_start3A_50] : memref<200000x64xf32, #tpu.memory_space<hbm>> -> memref<200000x64xf32, #tpu.memory_space<hbm>>
      tpu.enqueue_indirect_dma source(%dma_start3A_51 : memref<200000x64xf32, #tpu.memory_space<hbm>>) target(%arg10 : memref<128x64xf32, #tpu.memory_space<vmem>>) offsets(%dma_start3A_48 : memref<128xi32, #tpu.memory_space<vmem>>) semaphore(%run_scoped3A : memref<!tpu.dma_semaphore, #tpu.memory_space<semaphore_mem>>)
      %dma_wait3A = arith.constant 0 : i32
      %dma_wait3A_52 = tpu.memref_slice %arg8[%dma_wait3A] : memref<256xi32, #tpu.memory_space<vmem>> -> memref<128xi32, #tpu.memory_space<vmem>>
      %dma_wait3A_53 = arith.constant 0 : i32
      %dma_wait3A_54 = arith.constant 0 : i32
      %dma_wait3A_55 = tpu.memref_slice %arg4[%dma_wait3A_53, %dma_wait3A_54] : memref<200000x64xf32, #tpu.memory_space<hbm>> -> memref<200000x64xf32, #tpu.memory_space<hbm>>
      tpu.wait_indirect_dma semaphore(%run_scoped3A : memref<!tpu.dma_semaphore, #tpu.memory_space<semaphore_mem>>) src(%dma_wait3A_55 : memref<200000x64xf32, #tpu.memory_space<hbm>>) dst(%arg10 : memref<128x64xf32, #tpu.memory_space<vmem>>)
      tpu.yield
    }) : () -> ()
    %scan3A = arith.constant 0 : i32
    %scan3A_3 = arith.constant 0 : i32
    %scan3A_4 = arith.constant 128 : i32
    %scan3A_5 = arith.addi %scan3A_3, %scan3A_4 : i32
    %scan3A_6 = arith.constant 1 : i32
    %scan3A_7 = scf.for %scan3A_48 = %scan3A_3 to %scan3A_5 step %scan3A_6 iter_args(%scan3A_49 = %scan3A) -> (i32)  : i32 {
      %get3A = arith.index_cast %scan3A_48 : i32 to index
      %get3A_50 = arith.constant 0 : index
      %get3A_51 = tpu.vector_load %arg9[%get3A, %get3A_50] {strides = array<i32>} : memref<128x64xf32, #tpu.memory_space<vmem>>, vector<1x16xf32>,
      %get3A_52 = vector.shape_cast %get3A_51 : vector<1x16xf32> to vector<16xf32>
      %get3A_53 = arith.index_cast %scan3A_48 : i32 to index
      %get3A_54 = arith.constant 0 : index
      %get3A_55 = tpu.vector_load %arg10[%get3A_53, %get3A_54] {strides = array<i32>} : memref<128x64xf32, #tpu.memory_space<vmem>>, vector<1x16xf32>,
      %get3A_56 = vector.shape_cast %get3A_55 : vector<1x16xf32> to vector<16xf32>
      %add3A_57 = arith.addf %get3A_52, %get3A_56 : vector<16xf32>
      %swap3A = arith.index_cast %scan3A_48 : i32 to index
      %swap3A_58 = arith.constant 0 : index
      %swap3A_59 = tpu.vector_load %arg9[%swap3A, %swap3A_58] {strides = array<i32>} : memref<128x64xf32, #tpu.memory_space<vmem>>, vector<1x16xf32>,
      %swap3A_60 = vector.shape_cast %swap3A_59 : vector<1x16xf32> to vector<16xf32>
      %swap3A_61 = vector.shape_cast %add3A_57 : vector<16xf32> to vector<1x16xf32>
      tpu.vector_store %arg9[%swap3A, %swap3A_58], %swap3A_61 {strides = array<i32>} : memref<128x64xf32, #tpu.memory_space<vmem>>, vector<1x16xf32>,
      %get3A_62 = arith.index_cast %scan3A_48 : i32 to index
      %get3A_63 = arith.constant 16 : index
      %get3A_64 = tpu.vector_load %arg9[%get3A_62, %get3A_63] {strides = array<i32>} : memref<128x64xf32, #tpu.memory_space<vmem>>, vector<1x16xf32>,
      %get3A_65 = vector.shape_cast %get3A_64 : vector<1x16xf32> to vector<16xf32>
      %get3A_66 = arith.index_cast %scan3A_48 : i32 to index
      %get3A_67 = arith.constant 16 : index
      %get3A_68 = tpu.vector_load %arg10[%get3A_66, %get3A_67] {strides = array<i32>} : memref<128x64xf32, #tpu.memory_space<vmem>>, vector<1x16xf32>,
      %get3A_69 = vector.shape_cast %get3A_68 : vector<1x16xf32> to vector<16xf32>
      %add3A_70 = arith.addf %get3A_65, %get3A_69 : vector<16xf32>
      %swap3A_71 = arith.index_cast %scan3A_48 : i32 to index
      %swap3A_72 = arith.constant 16 : index
      %swap3A_73 = tpu.vector_load %arg9[%swap3A_71, %swap3A_72] {strides = array<i32>} : memref<128x64xf32, #tpu.memory_space<vmem>>, vector<1x16xf32>,
      %swap3A_74 = vector.shape_cast %swap3A_73 : vector<1x16xf32> to vector<16xf32>
      %swap3A_75 = vector.shape_cast %add3A_70 : vector<16xf32> to vector<1x16xf32>
      tpu.vector_store %arg9[%swap3A_71, %swap3A_72], %swap3A_75 {strides = array<i32>} : memref<128x64xf32, #tpu.memory_space<vmem>>, vector<1x16xf32>,
      %get3A_76 = arith.index_cast %scan3A_48 : i32 to index
      %get3A_77 = arith.constant 32 : index
      %get3A_78 = tpu.vector_load %arg9[%get3A_76, %get3A_77] {strides = array<i32>} : memref<128x64xf32, #tpu.memory_space<vmem>>, vector<1x16xf32>,
      %get3A_79 = vector.shape_cast %get3A_78 : vector<1x16xf32> to vector<16xf32>
      %get3A_80 = arith.index_cast %scan3A_48 : i32 to index
      %get3A_81 = arith.constant 32 : index
      %get3A_82 = tpu.vector_load %arg10[%get3A_80, %get3A_81] {strides = array<i32>} : memref<128x64xf32, #tpu.memory_space<vmem>>, vector<1x16xf32>,
      %get3A_83 = vector.shape_cast %get3A_82 : vector<1x16xf32> to vector<16xf32>
      %add3A_84 = arith.addf %get3A_79, %get3A_83 : vector<16xf32>
      %swap3A_85 = arith.index_cast %scan3A_48 : i32 to index
      %swap3A_86 = arith.constant 32 : index
      %swap3A_87 = tpu.vector_load %arg9[%swap3A_85, %swap3A_86] {strides = array<i32>} : memref<128x64xf32, #tpu.memory_space<vmem>>, vector<1x16xf32>,
      %swap3A_88 = vector.shape_cast %swap3A_87 : vector<1x16xf32> to vector<16xf32>
      %swap3A_89 = vector.shape_cast %add3A_84 : vector<16xf32> to vector<1x16xf32>
      tpu.vector_store %arg9[%swap3A_85, %swap3A_86], %swap3A_89 {strides = array<i32>} : memref<128x64xf32, #tpu.memory_space<vmem>>, vector<1x16xf32>,
      %get3A_90 = arith.index_cast %scan3A_48 : i32 to index
      %get3A_91 = arith.constant 48 : index
      %get3A_92 = tpu.vector_load %arg9[%get3A_90, %get3A_91] {strides = array<i32>} : memref<128x64xf32, #tpu.memory_space<vmem>>, vector<1x16xf32>,
      %get3A_93 = vector.shape_cast %get3A_92 : vector<1x16xf32> to vector<16xf32>
      %get3A_94 = arith.index_cast %scan3A_48 : i32 to index
      %get3A_95 = arith.constant 48 : index
      %get3A_96 = tpu.vector_load %arg10[%get3A_94, %get3A_95] {strides = array<i32>} : memref<128x64xf32, #tpu.memory_space<vmem>>, vector<1x16xf32>,
      %get3A_97 = vector.shape_cast %get3A_96 : vector<1x16xf32> to vector<16xf32>
      %add3A_98 = arith.addf %get3A_93, %get3A_97 : vector<16xf32>
      %swap3A_99 = arith.index_cast %scan3A_48 : i32 to index
      %swap3A_100 = arith.constant 48 : index
      %swap3A_101 = tpu.vector_load %arg9[%swap3A_99, %swap3A_100] {strides = array<i32>} : memref<128x64xf32, #tpu.memory_space<vmem>>, vector<1x16xf32>,
      %swap3A_102 = vector.shape_cast %swap3A_101 : vector<1x16xf32> to vector<16xf32>
      %swap3A_103 = vector.shape_cast %add3A_98 : vector<16xf32> to vector<1x16xf32>
      tpu.vector_store %arg9[%swap3A_99, %swap3A_100], %swap3A_103 {strides = array<i32>} : memref<128x64xf32, #tpu.memory_space<vmem>>, vector<1x16xf32>,
      %scan3A_104 = arith.constant 0 : i32
      scf.yield %scan3A_104 : i32
    }
    %scan3A_8 = arith.constant 128 : i32
    "tpu.region"() ({
      %run_scoped3A = tpu.sem_alloc : memref<!tpu.dma_semaphore, #tpu.memory_space<semaphore_mem>>
      %dma_start3A = arith.constant 0 : i32
      %dma_start3A_48 = tpu.memref_slice %arg8[%dma_start3A] : memref<256xi32, #tpu.memory_space<vmem>> -> memref<128xi32, #tpu.memory_space<vmem>>
      %dma_start3A_49 = arith.constant 0 : i32
      %dma_start3A_50 = arith.constant 0 : i32
      %dma_start3A_51 = tpu.memref_slice %arg5[%dma_start3A_49, %dma_start3A_50] : memref<200000x64xf32, #tpu.memory_space<hbm>> -> memref<200000x64xf32, #tpu.memory_space<hbm>>
      tpu.enqueue_indirect_dma source(%dma_start3A_51 : memref<200000x64xf32, #tpu.memory_space<hbm>>) target(%arg10 : memref<128x64xf32, #tpu.memory_space<vmem>>) offsets(%dma_start3A_48 : memref<128xi32, #tpu.memory_space<vmem>>) semaphore(%run_scoped3A : memref<!tpu.dma_semaphore, #tpu.memory_space<semaphore_mem>>)
      %dma_wait3A = arith.constant 0 : i32
      %dma_wait3A_52 = tpu.memref_slice %arg8[%dma_wait3A] : memref<256xi32, #tpu.memory_space<vmem>> -> memref<128xi32, #tpu.memory_space<vmem>>
      %dma_wait3A_53 = arith.constant 0 : i32
      %dma_wait3A_54 = arith.constant 0 : i32
      %dma_wait3A_55 = tpu.memref_slice %arg5[%dma_wait3A_53, %dma_wait3A_54] : memref<200000x64xf32, #tpu.memory_space<hbm>> -> memref<200000x64xf32, #tpu.memory_space<hbm>>
      tpu.wait_indirect_dma semaphore(%run_scoped3A : memref<!tpu.dma_semaphore, #tpu.memory_space<semaphore_mem>>) src(%dma_wait3A_55 : memref<200000x64xf32, #tpu.memory_space<hbm>>) dst(%arg10 : memref<128x64xf32, #tpu.memory_space<vmem>>)
      tpu.yield
    }) : () -> ()
    %scan3A_9 = arith.constant 0 : i32
    %scan3A_10 = arith.constant 0 : i32
    %scan3A_11 = arith.constant 128 : i32
    %scan3A_12 = arith.addi %scan3A_10, %scan3A_11 : i32
    %scan3A_13 = arith.constant 1 : i32
    %scan3A_14 = scf.for %scan3A_48 = %scan3A_10 to %scan3A_12 step %scan3A_13 iter_args(%scan3A_49 = %scan3A_9) -> (i32)  : i32 {
      %get3A = arith.index_cast %scan3A_48 : i32 to index
      %get3A_50 = arith.constant 0 : index
      %get3A_51 = tpu.vector_load %arg9[%get3A, %get3A_50] {strides = array<i32>} : memref<128x64xf32, #tpu.memory_space<vmem>>, vector<1x16xf32>,
      %get3A_52 = vector.shape_cast %get3A_51 : vector<1x16xf32> to vector<16xf32>
      %get3A_53 = arith.index_cast %scan3A_48 : i32 to index
      %get3A_54 = arith.constant 0 : index
      %get3A_55 = tpu.vector_load %arg10[%get3A_53, %get3A_54] {strides = array<i32>} : memref<128x64xf32, #tpu.memory_space<vmem>>, vector<1x16xf32>,
      %get3A_56 = vector.shape_cast %get3A_55 : vector<1x16xf32> to vector<16xf32>
      %add3A_57 = arith.addf %get3A_52, %get3A_56 : vector<16xf32>
      %swap3A = arith.index_cast %scan3A_48 : i32 to index
      %swap3A_58 = arith.constant 0 : index
      %swap3A_59 = tpu.vector_load %arg9[%swap3A, %swap3A_58] {strides = array<i32>} : memref<128x64xf32, #tpu.memory_space<vmem>>, vector<1x16xf32>,
      %swap3A_60 = vector.shape_cast %swap3A_59 : vector<1x16xf32> to vector<16xf32>
      %swap3A_61 = vector.shape_cast %add3A_57 : vector<16xf32> to vector<1x16xf32>
      tpu.vector_store %arg9[%swap3A, %swap3A_58], %swap3A_61 {strides = array<i32>} : memref<128x64xf32, #tpu.memory_space<vmem>>, vector<1x16xf32>,
      %get3A_62 = arith.index_cast %scan3A_48 : i32 to index
      %get3A_63 = arith.constant 16 : index
      %get3A_64 = tpu.vector_load %arg9[%get3A_62, %get3A_63] {strides = array<i32>} : memref<128x64xf32, #tpu.memory_space<vmem>>, vector<1x16xf32>,
      %get3A_65 = vector.shape_cast %get3A_64 : vector<1x16xf32> to vector<16xf32>
      %get3A_66 = arith.index_cast %scan3A_48 : i32 to index
      %get3A_67 = arith.constant 16 : index
      %get3A_68 = tpu.vector_load %arg10[%get3A_66, %get3A_67] {strides = array<i32>} : memref<128x64xf32, #tpu.memory_space<vmem>>, vector<1x16xf32>,
      %get3A_69 = vector.shape_cast %get3A_68 : vector<1x16xf32> to vector<16xf32>
      %add3A_70 = arith.addf %get3A_65, %get3A_69 : vector<16xf32>
      %swap3A_71 = arith.index_cast %scan3A_48 : i32 to index
      %swap3A_72 = arith.constant 16 : index
      %swap3A_73 = tpu.vector_load %arg9[%swap3A_71, %swap3A_72] {strides = array<i32>} : memref<128x64xf32, #tpu.memory_space<vmem>>, vector<1x16xf32>,
      %swap3A_74 = vector.shape_cast %swap3A_73 : vector<1x16xf32> to vector<16xf32>
      %swap3A_75 = vector.shape_cast %add3A_70 : vector<16xf32> to vector<1x16xf32>
      tpu.vector_store %arg9[%swap3A_71, %swap3A_72], %swap3A_75 {strides = array<i32>} : memref<128x64xf32, #tpu.memory_space<vmem>>, vector<1x16xf32>,
      %get3A_76 = arith.index_cast %scan3A_48 : i32 to index
      %get3A_77 = arith.constant 32 : index
      %get3A_78 = tpu.vector_load %arg9[%get3A_76, %get3A_77] {strides = array<i32>} : memref<128x64xf32, #tpu.memory_space<vmem>>, vector<1x16xf32>,
      %get3A_79 = vector.shape_cast %get3A_78 : vector<1x16xf32> to vector<16xf32>
      %get3A_80 = arith.index_cast %scan3A_48 : i32 to index
      %get3A_81 = arith.constant 32 : index
      %get3A_82 = tpu.vector_load %arg10[%get3A_80, %get3A_81] {strides = array<i32>} : memref<128x64xf32, #tpu.memory_space<vmem>>, vector<1x16xf32>,
      %get3A_83 = vector.shape_cast %get3A_82 : vector<1x16xf32> to vector<16xf32>
      %add3A_84 = arith.addf %get3A_79, %get3A_83 : vector<16xf32>
      %swap3A_85 = arith.index_cast %scan3A_48 : i32 to index
      %swap3A_86 = arith.constant 32 : index
      %swap3A_87 = tpu.vector_load %arg9[%swap3A_85, %swap3A_86] {strides = array<i32>} : memref<128x64xf32, #tpu.memory_space<vmem>>, vector<1x16xf32>,
      %swap3A_88 = vector.shape_cast %swap3A_87 : vector<1x16xf32> to vector<16xf32>
      %swap3A_89 = vector.shape_cast %add3A_84 : vector<16xf32> to vector<1x16xf32>
      tpu.vector_store %arg9[%swap3A_85, %swap3A_86], %swap3A_89 {strides = array<i32>} : memref<128x64xf32, #tpu.memory_space<vmem>>, vector<1x16xf32>,
      %get3A_90 = arith.index_cast %scan3A_48 : i32 to index
      %get3A_91 = arith.constant 48 : index
      %get3A_92 = tpu.vector_load %arg9[%get3A_90, %get3A_91] {strides = array<i32>} : memref<128x64xf32, #tpu.memory_space<vmem>>, vector<1x16xf32>,
      %get3A_93 = vector.shape_cast %get3A_92 : vector<1x16xf32> to vector<16xf32>
      %get3A_94 = arith.index_cast %scan3A_48 : i32 to index
      %get3A_95 = arith.constant 48 : index
      %get3A_96 = tpu.vector_load %arg10[%get3A_94, %get3A_95] {strides = array<i32>} : memref<128x64xf32, #tpu.memory_space<vmem>>, vector<1x16xf32>,
      %get3A_97 = vector.shape_cast %get3A_96 : vector<1x16xf32> to vector<16xf32>
      %add3A_98 = arith.addf %get3A_93, %get3A_97 : vector<16xf32>
      %swap3A_99 = arith.index_cast %scan3A_48 : i32 to index
      %swap3A_100 = arith.constant 48 : index
      %swap3A_101 = tpu.vector_load %arg9[%swap3A_99, %swap3A_100] {strides = array<i32>} : memref<128x64xf32, #tpu.memory_space<vmem>>, vector<1x16xf32>,
      %swap3A_102 = vector.shape_cast %swap3A_101 : vector<1x16xf32> to vector<16xf32>
      %swap3A_103 = vector.shape_cast %add3A_98 : vector<16xf32> to vector<1x16xf32>
      tpu.vector_store %arg9[%swap3A_99, %swap3A_100], %swap3A_103 {strides = array<i32>} : memref<128x64xf32, #tpu.memory_space<vmem>>, vector<1x16xf32>,
      %scan3A_104 = arith.constant 0 : i32
      scf.yield %scan3A_104 : i32
    }
    %scan3A_15 = arith.constant 128 : i32
    "tpu.region"() ({
      %run_scoped3A = tpu.sem_alloc : memref<!tpu.dma_semaphore, #tpu.memory_space<semaphore_mem>>
      %dma_start3A = arith.constant 0 : i32
      %dma_start3A_48 = tpu.memref_slice %arg8[%dma_start3A] : memref<256xi32, #tpu.memory_space<vmem>> -> memref<128xi32, #tpu.memory_space<vmem>>
      %dma_start3A_49 = arith.constant 0 : i32
      %dma_start3A_50 = arith.constant 0 : i32
      %dma_start3A_51 = tpu.memref_slice %arg6[%dma_start3A_49, %dma_start3A_50] : memref<200000x64xf32, #tpu.memory_space<hbm>> -> memref<200000x64xf32, #tpu.memory_space<hbm>>
      tpu.enqueue_indirect_dma source(%dma_start3A_51 : memref<200000x64xf32, #tpu.memory_space<hbm>>) target(%arg10 : memref<128x64xf32, #tpu.memory_space<vmem>>) offsets(%dma_start3A_48 : memref<128xi32, #tpu.memory_space<vmem>>) semaphore(%run_scoped3A : memref<!tpu.dma_semaphore, #tpu.memory_space<semaphore_mem>>)
      %dma_wait3A = arith.constant 0 : i32
      %dma_wait3A_52 = tpu.memref_slice %arg8[%dma_wait3A] : memref<256xi32, #tpu.memory_space<vmem>> -> memref<128xi32, #tpu.memory_space<vmem>>
      %dma_wait3A_53 = arith.constant 0 : i32
      %dma_wait3A_54 = arith.constant 0 : i32
      %dma_wait3A_55 = tpu.memref_slice %arg6[%dma_wait3A_53, %dma_wait3A_54] : memref<200000x64xf32, #tpu.memory_space<hbm>> -> memref<200000x64xf32, #tpu.memory_space<hbm>>
      tpu.wait_indirect_dma semaphore(%run_scoped3A : memref<!tpu.dma_semaphore, #tpu.memory_space<semaphore_mem>>) src(%dma_wait3A_55 : memref<200000x64xf32, #tpu.memory_space<hbm>>) dst(%arg10 : memref<128x64xf32, #tpu.memory_space<vmem>>)
      tpu.yield
    }) : () -> ()
    %scan3A_16 = arith.constant 0 : i32
    %scan3A_17 = arith.constant 0 : i32
    %scan3A_18 = arith.constant 128 : i32
    %scan3A_19 = arith.addi %scan3A_17, %scan3A_18 : i32
    %scan3A_20 = arith.constant 1 : i32
    %scan3A_21 = scf.for %scan3A_48 = %scan3A_17 to %scan3A_19 step %scan3A_20 iter_args(%scan3A_49 = %scan3A_16) -> (i32)  : i32 {
      %get3A = arith.index_cast %scan3A_48 : i32 to index
      %get3A_50 = arith.constant 0 : index
      %get3A_51 = tpu.vector_load %arg9[%get3A, %get3A_50] {strides = array<i32>} : memref<128x64xf32, #tpu.memory_space<vmem>>, vector<1x16xf32>,
      %get3A_52 = vector.shape_cast %get3A_51 : vector<1x16xf32> to vector<16xf32>
      %get3A_53 = arith.index_cast %scan3A_48 : i32 to index
      %get3A_54 = arith.constant 0 : index
      %get3A_55 = tpu.vector_load %arg10[%get3A_53, %get3A_54] {strides = array<i32>} : memref<128x64xf32, #tpu.memory_space<vmem>>, vector<1x16xf32>,
      %get3A_56 = vector.shape_cast %get3A_55 : vector<1x16xf32> to vector<16xf32>
      %add3A_57 = arith.addf %get3A_52, %get3A_56 : vector<16xf32>
      %mul3A_58 = arith.constant 2.500000e-01 : f32
      %mul3A_59 = vector.broadcast %mul3A_58 : f32 to vector<16xf32>
      %mul3A_60 = arith.mulf %add3A_57, %mul3A_59 : vector<16xf32>
      %swap3A = arith.index_cast %scan3A_48 : i32 to index
      %swap3A_61 = arith.constant 0 : index
      %swap3A_62 = tpu.vector_load %arg9[%swap3A, %swap3A_61] {strides = array<i32>} : memref<128x64xf32, #tpu.memory_space<vmem>>, vector<1x16xf32>,
      %swap3A_63 = vector.shape_cast %swap3A_62 : vector<1x16xf32> to vector<16xf32>
      %swap3A_64 = vector.shape_cast %mul3A_60 : vector<16xf32> to vector<1x16xf32>
      tpu.vector_store %arg9[%swap3A, %swap3A_61], %swap3A_64 {strides = array<i32>} : memref<128x64xf32, #tpu.memory_space<vmem>>, vector<1x16xf32>,
      %get3A_65 = arith.index_cast %scan3A_48 : i32 to index
      %get3A_66 = arith.constant 16 : index
      %get3A_67 = tpu.vector_load %arg9[%get3A_65, %get3A_66] {strides = array<i32>} : memref<128x64xf32, #tpu.memory_space<vmem>>, vector<1x16xf32>,
      %get3A_68 = vector.shape_cast %get3A_67 : vector<1x16xf32> to vector<16xf32>
      %get3A_69 = arith.index_cast %scan3A_48 : i32 to index
      %get3A_70 = arith.constant 16 : index
      %get3A_71 = tpu.vector_load %arg10[%get3A_69, %get3A_70] {strides = array<i32>} : memref<128x64xf32, #tpu.memory_space<vmem>>, vector<1x16xf32>,
      %get3A_72 = vector.shape_cast %get3A_71 : vector<1x16xf32> to vector<16xf32>
      %add3A_73 = arith.addf %get3A_68, %get3A_72 : vector<16xf32>
      %mul3A_74 = arith.constant 2.500000e-01 : f32
      %mul3A_75 = vector.broadcast %mul3A_74 : f32 to vector<16xf32>
      %mul3A_76 = arith.mulf %add3A_73, %mul3A_75 : vector<16xf32>
      %swap3A_77 = arith.index_cast %scan3A_48 : i32 to index
      %swap3A_78 = arith.constant 16 : index
      %swap3A_79 = tpu.vector_load %arg9[%swap3A_77, %swap3A_78] {strides = array<i32>} : memref<128x64xf32, #tpu.memory_space<vmem>>, vector<1x16xf32>,
      %swap3A_80 = vector.shape_cast %swap3A_79 : vector<1x16xf32> to vector<16xf32>
      %swap3A_81 = vector.shape_cast %mul3A_76 : vector<16xf32> to vector<1x16xf32>
      tpu.vector_store %arg9[%swap3A_77, %swap3A_78], %swap3A_81 {strides = array<i32>} : memref<128x64xf32, #tpu.memory_space<vmem>>, vector<1x16xf32>,
      %get3A_82 = arith.index_cast %scan3A_48 : i32 to index
      %get3A_83 = arith.constant 32 : index
      %get3A_84 = tpu.vector_load %arg9[%get3A_82, %get3A_83] {strides = array<i32>} : memref<128x64xf32, #tpu.memory_space<vmem>>, vector<1x16xf32>,
      %get3A_85 = vector.shape_cast %get3A_84 : vector<1x16xf32> to vector<16xf32>
      %get3A_86 = arith.index_cast %scan3A_48 : i32 to index
      %get3A_87 = arith.constant 32 : index
      %get3A_88 = tpu.vector_load %arg10[%get3A_86, %get3A_87] {strides = array<i32>} : memref<128x64xf32, #tpu.memory_space<vmem>>, vector<1x16xf32>,
      %get3A_89 = vector.shape_cast %get3A_88 : vector<1x16xf32> to vector<16xf32>
      %add3A_90 = arith.addf %get3A_85, %get3A_89 : vector<16xf32>
      %mul3A_91 = arith.constant 2.500000e-01 : f32
      %mul3A_92 = vector.broadcast %mul3A_91 : f32 to vector<16xf32>
      %mul3A_93 = arith.mulf %add3A_90, %mul3A_92 : vector<16xf32>
      %swap3A_94 = arith.index_cast %scan3A_48 : i32 to index
      %swap3A_95 = arith.constant 32 : index
      %swap3A_96 = tpu.vector_load %arg9[%swap3A_94, %swap3A_95] {strides = array<i32>} : memref<128x64xf32, #tpu.memory_space<vmem>>, vector<1x16xf32>,
      %swap3A_97 = vector.shape_cast %swap3A_96 : vector<1x16xf32> to vector<16xf32>
      %swap3A_98 = vector.shape_cast %mul3A_93 : vector<16xf32> to vector<1x16xf32>
      tpu.vector_store %arg9[%swap3A_94, %swap3A_95], %swap3A_98 {strides = array<i32>} : memref<128x64xf32, #tpu.memory_space<vmem>>, vector<1x16xf32>,
      %get3A_99 = arith.index_cast %scan3A_48 : i32 to index
      %get3A_100 = arith.constant 48 : index
      %get3A_101 = tpu.vector_load %arg9[%get3A_99, %get3A_100] {strides = array<i32>} : memref<128x64xf32, #tpu.memory_space<vmem>>, vector<1x16xf32>,
      %get3A_102 = vector.shape_cast %get3A_101 : vector<1x16xf32> to vector<16xf32>
      %get3A_103 = arith.index_cast %scan3A_48 : i32 to index
      %get3A_104 = arith.constant 48 : index
      %get3A_105 = tpu.vector_load %arg10[%get3A_103, %get3A_104] {strides = array<i32>} : memref<128x64xf32, #tpu.memory_space<vmem>>, vector<1x16xf32>,
      %get3A_106 = vector.shape_cast %get3A_105 : vector<1x16xf32> to vector<16xf32>
      %add3A_107 = arith.addf %get3A_102, %get3A_106 : vector<16xf32>
      %mul3A_108 = arith.constant 2.500000e-01 : f32
      %mul3A_109 = vector.broadcast %mul3A_108 : f32 to vector<16xf32>
      %mul3A_110 = arith.mulf %add3A_107, %mul3A_109 : vector<16xf32>
      %swap3A_111 = arith.index_cast %scan3A_48 : i32 to index
      %swap3A_112 = arith.constant 48 : index
      %swap3A_113 = tpu.vector_load %arg9[%swap3A_111, %swap3A_112] {strides = array<i32>} : memref<128x64xf32, #tpu.memory_space<vmem>>, vector<1x16xf32>,
      %swap3A_114 = vector.shape_cast %swap3A_113 : vector<1x16xf32> to vector<16xf32>
      %swap3A_115 = vector.shape_cast %mul3A_110 : vector<16xf32> to vector<1x16xf32>
      tpu.vector_store %arg9[%swap3A_111, %swap3A_112], %swap3A_115 {strides = array<i32>} : memref<128x64xf32, #tpu.memory_space<vmem>>, vector<1x16xf32>,
      %scan3A_116 = arith.constant 0 : i32
      scf.yield %scan3A_116 : i32
    }
    %scan3A_22 = arith.constant 128 : i32
    %add3A_23 = arith.constant 0 : i32
    %add3A_24 = arith.addi %mul3A_2, %add3A_23 : i32
    "tpu.region"() ({
      %run_scoped3A = tpu.sem_alloc : memref<!tpu.dma_semaphore, #tpu.memory_space<semaphore_mem>>
      %dma_start3A = arith.constant 0 : i32
      %dma_start3A_48 = tpu.memref_slice %arg7[%add3A_24, %dma_start3A] : memref<8192x64xf32, #tpu.memory_space<hbm>> -> memref<128x64xf32, #tpu.memory_space<hbm>>
      %dma_start3A_49 = arith.constant 0 : i32
      %dma_start3A_50 = tpu.memref_slice %arg7[%add3A_24, %dma_start3A_49] : memref<8192x64xf32, #tpu.memory_space<hbm>> -> memref<128x64xf32, #tpu.memory_space<hbm>>
      tpu.enqueue_dma source(%arg9 : memref<128x64xf32, #tpu.memory_space<vmem>>) target(%dma_start3A_50 : memref<128x64xf32, #tpu.memory_space<hbm>>) target_semaphore(%run_scoped3A : memref<!tpu.dma_semaphore, #tpu.memory_space<semaphore_mem>>)
      %dma_wait3A = arith.constant 0 : i32
      %dma_wait3A_51 = tpu.memref_slice %arg7[%add3A_24, %dma_wait3A] : memref<8192x64xf32, #tpu.memory_space<hbm>> -> memref<128x64xf32, #tpu.memory_space<hbm>>
      %dma_wait3A_52 = arith.constant 0 : i32
      %dma_wait3A_53 = tpu.memref_slice %arg7[%add3A_24, %dma_wait3A_52] : memref<8192x64xf32, #tpu.memory_space<hbm>> -> memref<128x64xf32, #tpu.memory_space<hbm>>
      tpu.wait_dma2 semaphore(%run_scoped3A : memref<!tpu.dma_semaphore, #tpu.memory_space<semaphore_mem>>) src(%arg9 : memref<128x64xf32, #tpu.memory_space<vmem>>) dst(%dma_wait3A_53 : memref<128x64xf32, #tpu.memory_space<hbm>>)
      tpu.yield
    }) : () -> ()
    "tpu.region"() ({
      %run_scoped3A = tpu.sem_alloc : memref<!tpu.dma_semaphore, #tpu.memory_space<semaphore_mem>>
      %dma_start3A = arith.constant 128 : i32
      %dma_start3A_48 = tpu.memref_slice %arg8[%dma_start3A] : memref<256xi32, #tpu.memory_space<vmem>> -> memref<128xi32, #tpu.memory_space<vmem>>
      %dma_start3A_49 = arith.constant 0 : i32
      %dma_start3A_50 = arith.constant 0 : i32
      %dma_start3A_51 = tpu.memref_slice %arg3[%dma_start3A_49, %dma_start3A_50] : memref<200000x64xf32, #tpu.memory_space<hbm>> -> memref<200000x64xf32, #tpu.memory_space<hbm>>
      tpu.enqueue_indirect_dma source(%dma_start3A_51 : memref<200000x64xf32, #tpu.memory_space<hbm>>) target(%arg9 : memref<128x64xf32, #tpu.memory_space<vmem>>) offsets(%dma_start3A_48 : memref<128xi32, #tpu.memory_space<vmem>>) semaphore(%run_scoped3A : memref<!tpu.dma_semaphore, #tpu.memory_space<semaphore_mem>>)
      %dma_wait3A = arith.constant 128 : i32
      %dma_wait3A_52 = tpu.memref_slice %arg8[%dma_wait3A] : memref<256xi32, #tpu.memory_space<vmem>> -> memref<128xi32, #tpu.memory_space<vmem>>
      %dma_wait3A_53 = arith.constant 0 : i32
      %dma_wait3A_54 = arith.constant 0 : i32
      %dma_wait3A_55 = tpu.memref_slice %arg3[%dma_wait3A_53, %dma_wait3A_54] : memref<200000x64xf32, #tpu.memory_space<hbm>> -> memref<200000x64xf32, #tpu.memory_space<hbm>>
      tpu.wait_indirect_dma semaphore(%run_scoped3A : memref<!tpu.dma_semaphore, #tpu.memory_space<semaphore_mem>>) src(%dma_wait3A_55 : memref<200000x64xf32, #tpu.memory_space<hbm>>) dst(%arg9 : memref<128x64xf32, #tpu.memory_space<vmem>>)
      tpu.yield
    }) : () -> ()
    "tpu.region"() ({
      %run_scoped3A = tpu.sem_alloc : memref<!tpu.dma_semaphore, #tpu.memory_space<semaphore_mem>>
      %dma_start3A = arith.constant 128 : i32
      %dma_start3A_48 = tpu.memref_slice %arg8[%dma_start3A] : memref<256xi32, #tpu.memory_space<vmem>> -> memref<128xi32, #tpu.memory_space<vmem>>
      %dma_start3A_49 = arith.constant 0 : i32
      %dma_start3A_50 = arith.constant 0 : i32
      %dma_start3A_51 = tpu.memref_slice %arg4[%dma_start3A_49, %dma_start3A_50] : memref<200000x64xf32, #tpu.memory_space<hbm>> -> memref<200000x64xf32, #tpu.memory_space<hbm>>
      tpu.enqueue_indirect_dma source(%dma_start3A_51 : memref<200000x64xf32, #tpu.memory_space<hbm>>) target(%arg10 : memref<128x64xf32, #tpu.memory_space<vmem>>) offsets(%dma_start3A_48 : memref<128xi32, #tpu.memory_space<vmem>>) semaphore(%run_scoped3A : memref<!tpu.dma_semaphore, #tpu.memory_space<semaphore_mem>>)
      %dma_wait3A = arith.constant 128 : i32
      %dma_wait3A_52 = tpu.memref_slice %arg8[%dma_wait3A] : memref<256xi32, #tpu.memory_space<vmem>> -> memref<128xi32, #tpu.memory_space<vmem>>
      %dma_wait3A_53 = arith.constant 0 : i32
      %dma_wait3A_54 = arith.constant 0 : i32
      %dma_wait3A_55 = tpu.memref_slice %arg4[%dma_wait3A_53, %dma_wait3A_54] : memref<200000x64xf32, #tpu.memory_space<hbm>> -> memref<200000x64xf32, #tpu.memory_space<hbm>>
      tpu.wait_indirect_dma semaphore(%run_scoped3A : memref<!tpu.dma_semaphore, #tpu.memory_space<semaphore_mem>>) src(%dma_wait3A_55 : memref<200000x64xf32, #tpu.memory_space<hbm>>) dst(%arg10 : memref<128x64xf32, #tpu.memory_space<vmem>>)
      tpu.yield
    }) : () -> ()
    %scan3A_25 = arith.constant 0 : i32
    %scan3A_26 = arith.constant 0 : i32
    %scan3A_27 = arith.constant 128 : i32
    %scan3A_28 = arith.addi %scan3A_26, %scan3A_27 : i32
    %scan3A_29 = arith.constant 1 : i32
    %scan3A_30 = scf.for %scan3A_48 = %scan3A_26 to %scan3A_28 step %scan3A_29 iter_args(%scan3A_49 = %scan3A_25) -> (i32)  : i32 {
      %get3A = arith.index_cast %scan3A_48 : i32 to index
      %get3A_50 = arith.constant 0 : index
      %get3A_51 = tpu.vector_load %arg9[%get3A, %get3A_50] {strides = array<i32>} : memref<128x64xf32, #tpu.memory_space<vmem>>, vector<1x16xf32>,
      %get3A_52 = vector.shape_cast %get3A_51 : vector<1x16xf32> to vector<16xf32>
      %get3A_53 = arith.index_cast %scan3A_48 : i32 to index
      %get3A_54 = arith.constant 0 : index
      %get3A_55 = tpu.vector_load %arg10[%get3A_53, %get3A_54] {strides = array<i32>} : memref<128x64xf32, #tpu.memory_space<vmem>>, vector<1x16xf32>,
      %get3A_56 = vector.shape_cast %get3A_55 : vector<1x16xf32> to vector<16xf32>
      %add3A_57 = arith.addf %get3A_52, %get3A_56 : vector<16xf32>
      %swap3A = arith.index_cast %scan3A_48 : i32 to index
      %swap3A_58 = arith.constant 0 : index
      %swap3A_59 = tpu.vector_load %arg9[%swap3A, %swap3A_58] {strides = array<i32>} : memref<128x64xf32, #tpu.memory_space<vmem>>, vector<1x16xf32>,
      %swap3A_60 = vector.shape_cast %swap3A_59 : vector<1x16xf32> to vector<16xf32>
      %swap3A_61 = vector.shape_cast %add3A_57 : vector<16xf32> to vector<1x16xf32>
      tpu.vector_store %arg9[%swap3A, %swap3A_58], %swap3A_61 {strides = array<i32>} : memref<128x64xf32, #tpu.memory_space<vmem>>, vector<1x16xf32>,
      %get3A_62 = arith.index_cast %scan3A_48 : i32 to index
      %get3A_63 = arith.constant 16 : index
      %get3A_64 = tpu.vector_load %arg9[%get3A_62, %get3A_63] {strides = array<i32>} : memref<128x64xf32, #tpu.memory_space<vmem>>, vector<1x16xf32>,
      %get3A_65 = vector.shape_cast %get3A_64 : vector<1x16xf32> to vector<16xf32>
      %get3A_66 = arith.index_cast %scan3A_48 : i32 to index
      %get3A_67 = arith.constant 16 : index
      %get3A_68 = tpu.vector_load %arg10[%get3A_66, %get3A_67] {strides = array<i32>} : memref<128x64xf32, #tpu.memory_space<vmem>>, vector<1x16xf32>,
      %get3A_69 = vector.shape_cast %get3A_68 : vector<1x16xf32> to vector<16xf32>
      %add3A_70 = arith.addf %get3A_65, %get3A_69 : vector<16xf32>
      %swap3A_71 = arith.index_cast %scan3A_48 : i32 to index
      %swap3A_72 = arith.constant 16 : index
      %swap3A_73 = tpu.vector_load %arg9[%swap3A_71, %swap3A_72] {strides = array<i32>} : memref<128x64xf32, #tpu.memory_space<vmem>>, vector<1x16xf32>,
      %swap3A_74 = vector.shape_cast %swap3A_73 : vector<1x16xf32> to vector<16xf32>
      %swap3A_75 = vector.shape_cast %add3A_70 : vector<16xf32> to vector<1x16xf32>
      tpu.vector_store %arg9[%swap3A_71, %swap3A_72], %swap3A_75 {strides = array<i32>} : memref<128x64xf32, #tpu.memory_space<vmem>>, vector<1x16xf32>,
      %get3A_76 = arith.index_cast %scan3A_48 : i32 to index
      %get3A_77 = arith.constant 32 : index
      %get3A_78 = tpu.vector_load %arg9[%get3A_76, %get3A_77] {strides = array<i32>} : memref<128x64xf32, #tpu.memory_space<vmem>>, vector<1x16xf32>,
      %get3A_79 = vector.shape_cast %get3A_78 : vector<1x16xf32> to vector<16xf32>
      %get3A_80 = arith.index_cast %scan3A_48 : i32 to index
      %get3A_81 = arith.constant 32 : index
      %get3A_82 = tpu.vector_load %arg10[%get3A_80, %get3A_81] {strides = array<i32>} : memref<128x64xf32, #tpu.memory_space<vmem>>, vector<1x16xf32>,
      %get3A_83 = vector.shape_cast %get3A_82 : vector<1x16xf32> to vector<16xf32>
      %add3A_84 = arith.addf %get3A_79, %get3A_83 : vector<16xf32>
      %swap3A_85 = arith.index_cast %scan3A_48 : i32 to index
      %swap3A_86 = arith.constant 32 : index
      %swap3A_87 = tpu.vector_load %arg9[%swap3A_85, %swap3A_86] {strides = array<i32>} : memref<128x64xf32, #tpu.memory_space<vmem>>, vector<1x16xf32>,
      %swap3A_88 = vector.shape_cast %swap3A_87 : vector<1x16xf32> to vector<16xf32>
      %swap3A_89 = vector.shape_cast %add3A_84 : vector<16xf32> to vector<1x16xf32>
      tpu.vector_store %arg9[%swap3A_85, %swap3A_86], %swap3A_89 {strides = array<i32>} : memref<128x64xf32, #tpu.memory_space<vmem>>, vector<1x16xf32>,
      %get3A_90 = arith.index_cast %scan3A_48 : i32 to index
      %get3A_91 = arith.constant 48 : index
      %get3A_92 = tpu.vector_load %arg9[%get3A_90, %get3A_91] {strides = array<i32>} : memref<128x64xf32, #tpu.memory_space<vmem>>, vector<1x16xf32>,
      %get3A_93 = vector.shape_cast %get3A_92 : vector<1x16xf32> to vector<16xf32>
      %get3A_94 = arith.index_cast %scan3A_48 : i32 to index
      %get3A_95 = arith.constant 48 : index
      %get3A_96 = tpu.vector_load %arg10[%get3A_94, %get3A_95] {strides = array<i32>} : memref<128x64xf32, #tpu.memory_space<vmem>>, vector<1x16xf32>,
      %get3A_97 = vector.shape_cast %get3A_96 : vector<1x16xf32> to vector<16xf32>
      %add3A_98 = arith.addf %get3A_93, %get3A_97 : vector<16xf32>
      %swap3A_99 = arith.index_cast %scan3A_48 : i32 to index
      %swap3A_100 = arith.constant 48 : index
      %swap3A_101 = tpu.vector_load %arg9[%swap3A_99, %swap3A_100] {strides = array<i32>} : memref<128x64xf32, #tpu.memory_space<vmem>>, vector<1x16xf32>,
      %swap3A_102 = vector.shape_cast %swap3A_101 : vector<1x16xf32> to vector<16xf32>
      %swap3A_103 = vector.shape_cast %add3A_98 : vector<16xf32> to vector<1x16xf32>
      tpu.vector_store %arg9[%swap3A_99, %swap3A_100], %swap3A_103 {strides = array<i32>} : memref<128x64xf32, #tpu.memory_space<vmem>>, vector<1x16xf32>,
      %scan3A_104 = arith.constant 0 : i32
      scf.yield %scan3A_104 : i32
    }
    %scan3A_31 = arith.constant 128 : i32
    "tpu.region"() ({
      %run_scoped3A = tpu.sem_alloc : memref<!tpu.dma_semaphore, #tpu.memory_space<semaphore_mem>>
      %dma_start3A = arith.constant 128 : i32
      %dma_start3A_48 = tpu.memref_slice %arg8[%dma_start3A] : memref<256xi32, #tpu.memory_space<vmem>> -> memref<128xi32, #tpu.memory_space<vmem>>
      %dma_start3A_49 = arith.constant 0 : i32
      %dma_start3A_50 = arith.constant 0 : i32
      %dma_start3A_51 = tpu.memref_slice %arg5[%dma_start3A_49, %dma_start3A_50] : memref<200000x64xf32, #tpu.memory_space<hbm>> -> memref<200000x64xf32, #tpu.memory_space<hbm>>
      tpu.enqueue_indirect_dma source(%dma_start3A_51 : memref<200000x64xf32, #tpu.memory_space<hbm>>) target(%arg10 : memref<128x64xf32, #tpu.memory_space<vmem>>) offsets(%dma_start3A_48 : memref<128xi32, #tpu.memory_space<vmem>>) semaphore(%run_scoped3A : memref<!tpu.dma_semaphore, #tpu.memory_space<semaphore_mem>>)
      %dma_wait3A = arith.constant 128 : i32
      %dma_wait3A_52 = tpu.memref_slice %arg8[%dma_wait3A] : memref<256xi32, #tpu.memory_space<vmem>> -> memref<128xi32, #tpu.memory_space<vmem>>
      %dma_wait3A_53 = arith.constant 0 : i32
      %dma_wait3A_54 = arith.constant 0 : i32
      %dma_wait3A_55 = tpu.memref_slice %arg5[%dma_wait3A_53, %dma_wait3A_54] : memref<200000x64xf32, #tpu.memory_space<hbm>> -> memref<200000x64xf32, #tpu.memory_space<hbm>>
      tpu.wait_indirect_dma semaphore(%run_scoped3A : memref<!tpu.dma_semaphore, #tpu.memory_space<semaphore_mem>>) src(%dma_wait3A_55 : memref<200000x64xf32, #tpu.memory_space<hbm>>) dst(%arg10 : memref<128x64xf32, #tpu.memory_space<vmem>>)
      tpu.yield
    }) : () -> ()
    %scan3A_32 = arith.constant 0 : i32
    %scan3A_33 = arith.constant 0 : i32
    %scan3A_34 = arith.constant 128 : i32
    %scan3A_35 = arith.addi %scan3A_33, %scan3A_34 : i32
    %scan3A_36 = arith.constant 1 : i32
    %scan3A_37 = scf.for %scan3A_48 = %scan3A_33 to %scan3A_35 step %scan3A_36 iter_args(%scan3A_49 = %scan3A_32) -> (i32)  : i32 {
      %get3A = arith.index_cast %scan3A_48 : i32 to index
      %get3A_50 = arith.constant 0 : index
      %get3A_51 = tpu.vector_load %arg9[%get3A, %get3A_50] {strides = array<i32>} : memref<128x64xf32, #tpu.memory_space<vmem>>, vector<1x16xf32>,
      %get3A_52 = vector.shape_cast %get3A_51 : vector<1x16xf32> to vector<16xf32>
      %get3A_53 = arith.index_cast %scan3A_48 : i32 to index
      %get3A_54 = arith.constant 0 : index
      %get3A_55 = tpu.vector_load %arg10[%get3A_53, %get3A_54] {strides = array<i32>} : memref<128x64xf32, #tpu.memory_space<vmem>>, vector<1x16xf32>,
      %get3A_56 = vector.shape_cast %get3A_55 : vector<1x16xf32> to vector<16xf32>
      %add3A_57 = arith.addf %get3A_52, %get3A_56 : vector<16xf32>
      %swap3A = arith.index_cast %scan3A_48 : i32 to index
      %swap3A_58 = arith.constant 0 : index
      %swap3A_59 = tpu.vector_load %arg9[%swap3A, %swap3A_58] {strides = array<i32>} : memref<128x64xf32, #tpu.memory_space<vmem>>, vector<1x16xf32>,
      %swap3A_60 = vector.shape_cast %swap3A_59 : vector<1x16xf32> to vector<16xf32>
      %swap3A_61 = vector.shape_cast %add3A_57 : vector<16xf32> to vector<1x16xf32>
      tpu.vector_store %arg9[%swap3A, %swap3A_58], %swap3A_61 {strides = array<i32>} : memref<128x64xf32, #tpu.memory_space<vmem>>, vector<1x16xf32>,
      %get3A_62 = arith.index_cast %scan3A_48 : i32 to index
      %get3A_63 = arith.constant 16 : index
      %get3A_64 = tpu.vector_load %arg9[%get3A_62, %get3A_63] {strides = array<i32>} : memref<128x64xf32, #tpu.memory_space<vmem>>, vector<1x16xf32>,
      %get3A_65 = vector.shape_cast %get3A_64 : vector<1x16xf32> to vector<16xf32>
      %get3A_66 = arith.index_cast %scan3A_48 : i32 to index
      %get3A_67 = arith.constant 16 : index
      %get3A_68 = tpu.vector_load %arg10[%get3A_66, %get3A_67] {strides = array<i32>} : memref<128x64xf32, #tpu.memory_space<vmem>>, vector<1x16xf32>,
      %get3A_69 = vector.shape_cast %get3A_68 : vector<1x16xf32> to vector<16xf32>
      %add3A_70 = arith.addf %get3A_65, %get3A_69 : vector<16xf32>
      %swap3A_71 = arith.index_cast %scan3A_48 : i32 to index
      %swap3A_72 = arith.constant 16 : index
      %swap3A_73 = tpu.vector_load %arg9[%swap3A_71, %swap3A_72] {strides = array<i32>} : memref<128x64xf32, #tpu.memory_space<vmem>>, vector<1x16xf32>,
      %swap3A_74 = vector.shape_cast %swap3A_73 : vector<1x16xf32> to vector<16xf32>
      %swap3A_75 = vector.shape_cast %add3A_70 : vector<16xf32> to vector<1x16xf32>
      tpu.vector_store %arg9[%swap3A_71, %swap3A_72], %swap3A_75 {strides = array<i32>} : memref<128x64xf32, #tpu.memory_space<vmem>>, vector<1x16xf32>,
      %get3A_76 = arith.index_cast %scan3A_48 : i32 to index
      %get3A_77 = arith.constant 32 : index
      %get3A_78 = tpu.vector_load %arg9[%get3A_76, %get3A_77] {strides = array<i32>} : memref<128x64xf32, #tpu.memory_space<vmem>>, vector<1x16xf32>,
      %get3A_79 = vector.shape_cast %get3A_78 : vector<1x16xf32> to vector<16xf32>
      %get3A_80 = arith.index_cast %scan3A_48 : i32 to index
      %get3A_81 = arith.constant 32 : index
      %get3A_82 = tpu.vector_load %arg10[%get3A_80, %get3A_81] {strides = array<i32>} : memref<128x64xf32, #tpu.memory_space<vmem>>, vector<1x16xf32>,
      %get3A_83 = vector.shape_cast %get3A_82 : vector<1x16xf32> to vector<16xf32>
      %add3A_84 = arith.addf %get3A_79, %get3A_83 : vector<16xf32>
      %swap3A_85 = arith.index_cast %scan3A_48 : i32 to index
      %swap3A_86 = arith.constant 32 : index
      %swap3A_87 = tpu.vector_load %arg9[%swap3A_85, %swap3A_86] {strides = array<i32>} : memref<128x64xf32, #tpu.memory_space<vmem>>, vector<1x16xf32>,
      %swap3A_88 = vector.shape_cast %swap3A_87 : vector<1x16xf32> to vector<16xf32>
      %swap3A_89 = vector.shape_cast %add3A_84 : vector<16xf32> to vector<1x16xf32>
      tpu.vector_store %arg9[%swap3A_85, %swap3A_86], %swap3A_89 {strides = array<i32>} : memref<128x64xf32, #tpu.memory_space<vmem>>, vector<1x16xf32>,
      %get3A_90 = arith.index_cast %scan3A_48 : i32 to index
      %get3A_91 = arith.constant 48 : index
      %get3A_92 = tpu.vector_load %arg9[%get3A_90, %get3A_91] {strides = array<i32>} : memref<128x64xf32, #tpu.memory_space<vmem>>, vector<1x16xf32>,
      %get3A_93 = vector.shape_cast %get3A_92 : vector<1x16xf32> to vector<16xf32>
      %get3A_94 = arith.index_cast %scan3A_48 : i32 to index
      %get3A_95 = arith.constant 48 : index
      %get3A_96 = tpu.vector_load %arg10[%get3A_94, %get3A_95] {strides = array<i32>} : memref<128x64xf32, #tpu.memory_space<vmem>>, vector<1x16xf32>,
      %get3A_97 = vector.shape_cast %get3A_96 : vector<1x16xf32> to vector<16xf32>
      %add3A_98 = arith.addf %get3A_93, %get3A_97 : vector<16xf32>
      %swap3A_99 = arith.index_cast %scan3A_48 : i32 to index
      %swap3A_100 = arith.constant 48 : index
      %swap3A_101 = tpu.vector_load %arg9[%swap3A_99, %swap3A_100] {strides = array<i32>} : memref<128x64xf32, #tpu.memory_space<vmem>>, vector<1x16xf32>,
      %swap3A_102 = vector.shape_cast %swap3A_101 : vector<1x16xf32> to vector<16xf32>
      %swap3A_103 = vector.shape_cast %add3A_98 : vector<16xf32> to vector<1x16xf32>
      tpu.vector_store %arg9[%swap3A_99, %swap3A_100], %swap3A_103 {strides = array<i32>} : memref<128x64xf32, #tpu.memory_space<vmem>>, vector<1x16xf32>,
      %scan3A_104 = arith.constant 0 : i32
      scf.yield %scan3A_104 : i32
    }
    %scan3A_38 = arith.constant 128 : i32
    "tpu.region"() ({
      %run_scoped3A = tpu.sem_alloc : memref<!tpu.dma_semaphore, #tpu.memory_space<semaphore_mem>>
      %dma_start3A = arith.constant 128 : i32
      %dma_start3A_48 = tpu.memref_slice %arg8[%dma_start3A] : memref<256xi32, #tpu.memory_space<vmem>> -> memref<128xi32, #tpu.memory_space<vmem>>
      %dma_start3A_49 = arith.constant 0 : i32
      %dma_start3A_50 = arith.constant 0 : i32
      %dma_start3A_51 = tpu.memref_slice %arg6[%dma_start3A_49, %dma_start3A_50] : memref<200000x64xf32, #tpu.memory_space<hbm>> -> memref<200000x64xf32, #tpu.memory_space<hbm>>
      tpu.enqueue_indirect_dma source(%dma_start3A_51 : memref<200000x64xf32, #tpu.memory_space<hbm>>) target(%arg10 : memref<128x64xf32, #tpu.memory_space<vmem>>) offsets(%dma_start3A_48 : memref<128xi32, #tpu.memory_space<vmem>>) semaphore(%run_scoped3A : memref<!tpu.dma_semaphore, #tpu.memory_space<semaphore_mem>>)
      %dma_wait3A = arith.constant 128 : i32
      %dma_wait3A_52 = tpu.memref_slice %arg8[%dma_wait3A] : memref<256xi32, #tpu.memory_space<vmem>> -> memref<128xi32, #tpu.memory_space<vmem>>
      %dma_wait3A_53 = arith.constant 0 : i32
      %dma_wait3A_54 = arith.constant 0 : i32
      %dma_wait3A_55 = tpu.memref_slice %arg6[%dma_wait3A_53, %dma_wait3A_54] : memref<200000x64xf32, #tpu.memory_space<hbm>> -> memref<200000x64xf32, #tpu.memory_space<hbm>>
      tpu.wait_indirect_dma semaphore(%run_scoped3A : memref<!tpu.dma_semaphore, #tpu.memory_space<semaphore_mem>>) src(%dma_wait3A_55 : memref<200000x64xf32, #tpu.memory_space<hbm>>) dst(%arg10 : memref<128x64xf32, #tpu.memory_space<vmem>>)
      tpu.yield
    }) : () -> ()
    %scan3A_39 = arith.constant 0 : i32
    %scan3A_40 = arith.constant 0 : i32
    %scan3A_41 = arith.constant 128 : i32
    %scan3A_42 = arith.addi %scan3A_40, %scan3A_41 : i32
    %scan3A_43 = arith.constant 1 : i32
    %scan3A_44 = scf.for %scan3A_48 = %scan3A_40 to %scan3A_42 step %scan3A_43 iter_args(%scan3A_49 = %scan3A_39) -> (i32)  : i32 {
      %get3A = arith.index_cast %scan3A_48 : i32 to index
      %get3A_50 = arith.constant 0 : index
      %get3A_51 = tpu.vector_load %arg9[%get3A, %get3A_50] {strides = array<i32>} : memref<128x64xf32, #tpu.memory_space<vmem>>, vector<1x16xf32>,
      %get3A_52 = vector.shape_cast %get3A_51 : vector<1x16xf32> to vector<16xf32>
      %get3A_53 = arith.index_cast %scan3A_48 : i32 to index
      %get3A_54 = arith.constant 0 : index
      %get3A_55 = tpu.vector_load %arg10[%get3A_53, %get3A_54] {strides = array<i32>} : memref<128x64xf32, #tpu.memory_space<vmem>>, vector<1x16xf32>,
      %get3A_56 = vector.shape_cast %get3A_55 : vector<1x16xf32> to vector<16xf32>
      %add3A_57 = arith.addf %get3A_52, %get3A_56 : vector<16xf32>
      %mul3A_58 = arith.constant 2.500000e-01 : f32
      %mul3A_59 = vector.broadcast %mul3A_58 : f32 to vector<16xf32>
      %mul3A_60 = arith.mulf %add3A_57, %mul3A_59 : vector<16xf32>
      %swap3A = arith.index_cast %scan3A_48 : i32 to index
      %swap3A_61 = arith.constant 0 : index
      %swap3A_62 = tpu.vector_load %arg9[%swap3A, %swap3A_61] {strides = array<i32>} : memref<128x64xf32, #tpu.memory_space<vmem>>, vector<1x16xf32>,
      %swap3A_63 = vector.shape_cast %swap3A_62 : vector<1x16xf32> to vector<16xf32>
      %swap3A_64 = vector.shape_cast %mul3A_60 : vector<16xf32> to vector<1x16xf32>
      tpu.vector_store %arg9[%swap3A, %swap3A_61], %swap3A_64 {strides = array<i32>} : memref<128x64xf32, #tpu.memory_space<vmem>>, vector<1x16xf32>,
      %get3A_65 = arith.index_cast %scan3A_48 : i32 to index
      %get3A_66 = arith.constant 16 : index
      %get3A_67 = tpu.vector_load %arg9[%get3A_65, %get3A_66] {strides = array<i32>} : memref<128x64xf32, #tpu.memory_space<vmem>>, vector<1x16xf32>,
      %get3A_68 = vector.shape_cast %get3A_67 : vector<1x16xf32> to vector<16xf32>
      %get3A_69 = arith.index_cast %scan3A_48 : i32 to index
      %get3A_70 = arith.constant 16 : index
      %get3A_71 = tpu.vector_load %arg10[%get3A_69, %get3A_70] {strides = array<i32>} : memref<128x64xf32, #tpu.memory_space<vmem>>, vector<1x16xf32>,
      %get3A_72 = vector.shape_cast %get3A_71 : vector<1x16xf32> to vector<16xf32>
      %add3A_73 = arith.addf %get3A_68, %get3A_72 : vector<16xf32>
      %mul3A_74 = arith.constant 2.500000e-01 : f32
      %mul3A_75 = vector.broadcast %mul3A_74 : f32 to vector<16xf32>
      %mul3A_76 = arith.mulf %add3A_73, %mul3A_75 : vector<16xf32>
      %swap3A_77 = arith.index_cast %scan3A_48 : i32 to index
      %swap3A_78 = arith.constant 16 : index
      %swap3A_79 = tpu.vector_load %arg9[%swap3A_77, %swap3A_78] {strides = array<i32>} : memref<128x64xf32, #tpu.memory_space<vmem>>, vector<1x16xf32>,
      %swap3A_80 = vector.shape_cast %swap3A_79 : vector<1x16xf32> to vector<16xf32>
      %swap3A_81 = vector.shape_cast %mul3A_76 : vector<16xf32> to vector<1x16xf32>
      tpu.vector_store %arg9[%swap3A_77, %swap3A_78], %swap3A_81 {strides = array<i32>} : memref<128x64xf32, #tpu.memory_space<vmem>>, vector<1x16xf32>,
      %get3A_82 = arith.index_cast %scan3A_48 : i32 to index
      %get3A_83 = arith.constant 32 : index
      %get3A_84 = tpu.vector_load %arg9[%get3A_82, %get3A_83] {strides = array<i32>} : memref<128x64xf32, #tpu.memory_space<vmem>>, vector<1x16xf32>,
      %get3A_85 = vector.shape_cast %get3A_84 : vector<1x16xf32> to vector<16xf32>
      %get3A_86 = arith.index_cast %scan3A_48 : i32 to index
      %get3A_87 = arith.constant 32 : index
      %get3A_88 = tpu.vector_load %arg10[%get3A_86, %get3A_87] {strides = array<i32>} : memref<128x64xf32, #tpu.memory_space<vmem>>, vector<1x16xf32>,
      %get3A_89 = vector.shape_cast %get3A_88 : vector<1x16xf32> to vector<16xf32>
      %add3A_90 = arith.addf %get3A_85, %get3A_89 : vector<16xf32>
      %mul3A_91 = arith.constant 2.500000e-01 : f32
      %mul3A_92 = vector.broadcast %mul3A_91 : f32 to vector<16xf32>
      %mul3A_93 = arith.mulf %add3A_90, %mul3A_92 : vector<16xf32>
      %swap3A_94 = arith.index_cast %scan3A_48 : i32 to index
      %swap3A_95 = arith.constant 32 : index
      %swap3A_96 = tpu.vector_load %arg9[%swap3A_94, %swap3A_95] {strides = array<i32>} : memref<128x64xf32, #tpu.memory_space<vmem>>, vector<1x16xf32>,
      %swap3A_97 = vector.shape_cast %swap3A_96 : vector<1x16xf32> to vector<16xf32>
      %swap3A_98 = vector.shape_cast %mul3A_93 : vector<16xf32> to vector<1x16xf32>
      tpu.vector_store %arg9[%swap3A_94, %swap3A_95], %swap3A_98 {strides = array<i32>} : memref<128x64xf32, #tpu.memory_space<vmem>>, vector<1x16xf32>,
      %get3A_99 = arith.index_cast %scan3A_48 : i32 to index
      %get3A_100 = arith.constant 48 : index
      %get3A_101 = tpu.vector_load %arg9[%get3A_99, %get3A_100] {strides = array<i32>} : memref<128x64xf32, #tpu.memory_space<vmem>>, vector<1x16xf32>,
      %get3A_102 = vector.shape_cast %get3A_101 : vector<1x16xf32> to vector<16xf32>
      %get3A_103 = arith.index_cast %scan3A_48 : i32 to index
      %get3A_104 = arith.constant 48 : index
      %get3A_105 = tpu.vector_load %arg10[%get3A_103, %get3A_104] {strides = array<i32>} : memref<128x64xf32, #tpu.memory_space<vmem>>, vector<1x16xf32>,
      %get3A_106 = vector.shape_cast %get3A_105 : vector<1x16xf32> to vector<16xf32>
      %add3A_107 = arith.addf %get3A_102, %get3A_106 : vector<16xf32>
      %mul3A_108 = arith.constant 2.500000e-01 : f32
      %mul3A_109 = vector.broadcast %mul3A_108 : f32 to vector<16xf32>
      %mul3A_110 = arith.mulf %add3A_107, %mul3A_109 : vector<16xf32>
      %swap3A_111 = arith.index_cast %scan3A_48 : i32 to index
      %swap3A_112 = arith.constant 48 : index
      %swap3A_113 = tpu.vector_load %arg9[%swap3A_111, %swap3A_112] {strides = array<i32>} : memref<128x64xf32, #tpu.memory_space<vmem>>, vector<1x16xf32>,
      %swap3A_114 = vector.shape_cast %swap3A_113 : vector<1x16xf32> to vector<16xf32>
      %swap3A_115 = vector.shape_cast %mul3A_110 : vector<16xf32> to vector<1x16xf32>
      tpu.vector_store %arg9[%swap3A_111, %swap3A_112], %swap3A_115 {strides = array<i32>} : memref<128x64xf32, #tpu.memory_space<vmem>>, vector<1x16xf32>,
      %scan3A_116 = arith.constant 0 : i32
      scf.yield %scan3A_116 : i32
    }
    %scan3A_45 = arith.constant 128 : i32
    %add3A_46 = arith.constant 128 : i32
    %add3A_47 = arith.addi %mul3A_2, %add3A_46 : i32
    "tpu.region"() ({
      %run_scoped3A = tpu.sem_alloc : memref<!tpu.dma_semaphore, #tpu.memory_space<semaphore_mem>>
      %dma_start3A = arith.constant 0 : i32
      %dma_start3A_48 = tpu.memref_slice %arg7[%add3A_47, %dma_start3A] : memref<8192x64xf32, #tpu.memory_space<hbm>> -> memref<128x64xf32, #tpu.memory_space<hbm>>
      %dma_start3A_49 = arith.constant 0 : i32
      %dma_start3A_50 = tpu.memref_slice %arg7[%add3A_47, %dma_start3A_49] : memref<8192x64xf32, #tpu.memory_space<hbm>> -> memref<128x64xf32, #tpu.memory_space<hbm>>
      tpu.enqueue_dma source(%arg9 : memref<128x64xf32, #tpu.memory_space<vmem>>) target(%dma_start3A_50 : memref<128x64xf32, #tpu.memory_space<hbm>>) target_semaphore(%run_scoped3A : memref<!tpu.dma_semaphore, #tpu.memory_space<semaphore_mem>>)
      %dma_wait3A = arith.constant 0 : i32
      %dma_wait3A_51 = tpu.memref_slice %arg7[%add3A_47, %dma_wait3A] : memref<8192x64xf32, #tpu.memory_space<hbm>> -> memref<128x64xf32, #tpu.memory_space<hbm>>
      %dma_wait3A_52 = arith.constant 0 : i32
      %dma_wait3A_53 = tpu.memref_slice %arg7[%add3A_47, %dma_wait3A_52] : memref<8192x64xf32, #tpu.memory_space<hbm>> -> memref<128x64xf32, #tpu.memory_space<hbm>>
      tpu.wait_dma2 semaphore(%run_scoped3A : memref<!tpu.dma_semaphore, #tpu.memory_space<semaphore_mem>>) src(%arg9 : memref<128x64xf32, #tpu.memory_space<vmem>>) dst(%dma_wait3A_53 : memref<128x64xf32, #tpu.memory_space<hbm>>)
      tpu.yield
    }) : () -> ()
    return
  }
}

module attributes {stable_mosaic.version = 14 : i64} {
  func.func @_head_body(%arg0: memref<4096x64xf32, #tpu.memory_space<vmem>>, %arg1: memref<4096x64xf32, #tpu.memory_space<vmem>>, %arg2: memref<4096x310xf32, #tpu.memory_space<vmem>>, %arg3: memref<4096x10xf32, #tpu.memory_space<vmem>>, %arg4: memref<310x64xf32, #tpu.memory_space<vmem>>, %arg5: memref<64xf32, #tpu.memory_space<vmem>>, %arg6: memref<64x32xf32, #tpu.memory_space<vmem>>, %arg7: memref<32xf32, #tpu.memory_space<vmem>>, %arg8: memref<32x16xf32, #tpu.memory_space<vmem>>, %arg9: memref<16xf32, #tpu.memory_space<vmem>>, %arg10: memref<1x16xf32, #tpu.memory_space<vmem>>, %arg11: memref<16xf32, #tpu.memory_space<vmem>>, %arg12: memref<64x64xf32, #tpu.memory_space<vmem>>, %arg13: memref<64x64xf32, #tpu.memory_space<vmem>>, %arg14: memref<16x64xf32, #tpu.memory_space<vmem>>, %arg15: memref<160x64xf32, #tpu.memory_space<vmem>>, %arg16: memref<64xf32, #tpu.memory_space<vmem>>, %arg17: memref<64x1xf32, #tpu.memory_space<vmem>>, %arg18: memref<1xf32, #tpu.memory_space<vmem>>, %arg19: memref<4096x1xf32, #tpu.memory_space<vmem>>) attributes {dimension_semantics = [], scalar_prefetch = 0 : i64, scratch_operands = 0 : i64, tpu.core_type = #tpu.core_type<tc>} {
    %get3A = arith.constant 0 : index
    %get3A_0 = arith.constant 0 : index
    %get3A_1 = vector.load %arg2[%get3A, %get3A_0] : memref<4096x310xf32, #tpu.memory_space<vmem>>, vector<4096x310xf32>
    %get3A_2 = arith.constant 0 : index
    %get3A_3 = arith.constant 0 : index
    %get3A_4 = vector.load %arg4[%get3A_2, %get3A_3] : memref<310x64xf32, #tpu.memory_space<vmem>>, vector<310x64xf32>
    %dot_general3A = arith.constant dense<0.000000e+00> : vector<4096x64xf32>
    %dot_general3A_5 = tpu.matmul %get3A_1, %get3A_4, %dot_general3A {dimension_numbers = #tpu.dot_dimension_numbers<[1], [0], [0], [1], [0, 0, 1, 1], [], []>, transpose_lhs_hint = false} : vector<4096x310xf32>, vector<310x64xf32>, vector<4096x64xf32> -> vector<4096x64xf32>
    %get3A_6 = arith.constant 0 : index
    %get3A_7 = vector.load %arg5[%get3A_6] : memref<64xf32, #tpu.memory_space<vmem>>, vector<64xf32>
    %broadcast_in_dim3A = vector.shape_cast %get3A_7 : vector<64xf32> to vector<1x64xf32>
    %add3A = vector.broadcast %broadcast_in_dim3A : vector<1x64xf32> to vector<4096x64xf32>
    %add3A_8 = arith.addf %dot_general3A_5, %add3A : vector<4096x64xf32>
    %max3A = arith.constant 0.000000e+00 : f32
    %max3A_9 = vector.broadcast %max3A : f32 to vector<4096x64xf32>
    %max3A_10 = arith.maximumf %add3A_8, %max3A_9 : vector<4096x64xf32>
    %get3A_11 = arith.constant 0 : index
    %get3A_12 = arith.constant 0 : index
    %get3A_13 = vector.load %arg6[%get3A_11, %get3A_12] : memref<64x32xf32, #tpu.memory_space<vmem>>, vector<64x32xf32>
    %dot_general3A_14 = arith.constant dense<0.000000e+00> : vector<4096x32xf32>
    %dot_general3A_15 = tpu.matmul %max3A_10, %get3A_13, %dot_general3A_14 {dimension_numbers = #tpu.dot_dimension_numbers<[1], [0], [0], [1], [0, 0, 1, 1], [], []>, transpose_lhs_hint = false} : vector<4096x64xf32>, vector<64x32xf32>, vector<4096x32xf32> -> vector<4096x32xf32>
    %get3A_16 = arith.constant 0 : index
    %get3A_17 = vector.load %arg7[%get3A_16] : memref<32xf32, #tpu.memory_space<vmem>>, vector<32xf32>
    %broadcast_in_dim3A_18 = vector.shape_cast %get3A_17 : vector<32xf32> to vector<1x32xf32>
    %add3A_19 = vector.broadcast %broadcast_in_dim3A_18 : vector<1x32xf32> to vector<4096x32xf32>
    %add3A_20 = arith.addf %dot_general3A_15, %add3A_19 : vector<4096x32xf32>
    %max3A_21 = arith.constant 0.000000e+00 : f32
    %max3A_22 = vector.broadcast %max3A_21 : f32 to vector<4096x32xf32>
    %max3A_23 = arith.maximumf %add3A_20, %max3A_22 : vector<4096x32xf32>
    %get3A_24 = arith.constant 0 : index
    %get3A_25 = arith.constant 0 : index
    %get3A_26 = vector.load %arg8[%get3A_24, %get3A_25] : memref<32x16xf32, #tpu.memory_space<vmem>>, vector<32x16xf32>
    %dot_general3A_27 = arith.constant dense<0.000000e+00> : vector<4096x16xf32>
    %dot_general3A_28 = tpu.matmul %max3A_23, %get3A_26, %dot_general3A_27 {dimension_numbers = #tpu.dot_dimension_numbers<[1], [0], [0], [1], [0, 0, 1, 1], [], []>, transpose_lhs_hint = false} : vector<4096x32xf32>, vector<32x16xf32>, vector<4096x16xf32> -> vector<4096x16xf32>
    %get3A_29 = arith.constant 0 : index
    %get3A_30 = vector.load %arg9[%get3A_29] : memref<16xf32, #tpu.memory_space<vmem>>, vector<16xf32>
    %broadcast_in_dim3A_31 = vector.shape_cast %get3A_30 : vector<16xf32> to vector<1x16xf32>
    %add3A_32 = vector.broadcast %broadcast_in_dim3A_31 : vector<1x16xf32> to vector<4096x16xf32>
    %add3A_33 = arith.addf %dot_general3A_28, %add3A_32 : vector<4096x16xf32>
    %get3A_34 = arith.constant 0 : index
    %get3A_35 = arith.constant 0 : index
    %get3A_36 = vector.load %arg3[%get3A_34, %get3A_35] : memref<4096x10xf32, #tpu.memory_space<vmem>>, vector<4096x10xf32>
    %broadcast_in_dim3A_37 = vector.shape_cast %get3A_36 : vector<4096x10xf32> to vector<4096x10x1xf32>
    %get3A_38 = arith.constant 0 : index
    %get3A_39 = arith.constant 0 : index
    %get3A_40 = vector.load %arg10[%get3A_38, %get3A_39] : memref<1x16xf32, #tpu.memory_space<vmem>>, vector<1x16xf32>
    %squeeze3A = vector.shape_cast %get3A_40 : vector<1x16xf32> to vector<16xf32>
    %broadcast_in_dim3A_41 = vector.shape_cast %squeeze3A : vector<16xf32> to vector<1x1x16xf32>
    %mul3A = vector.broadcast %broadcast_in_dim3A_37 : vector<4096x10x1xf32> to vector<4096x10x16xf32>
    %mul3A_42 = vector.broadcast %broadcast_in_dim3A_41 : vector<1x1x16xf32> to vector<4096x10x16xf32>
    %mul3A_43 = arith.mulf %mul3A, %mul3A_42 : vector<4096x10x16xf32>
    %get3A_44 = arith.constant 0 : index
    %get3A_45 = vector.load %arg11[%get3A_44] : memref<16xf32, #tpu.memory_space<vmem>>, vector<16xf32>
    %broadcast_in_dim3A_46 = vector.shape_cast %get3A_45 : vector<16xf32> to vector<1x1x16xf32>
    %add3A_47 = vector.broadcast %broadcast_in_dim3A_46 : vector<1x1x16xf32> to vector<4096x10x16xf32>
    %add3A_48 = arith.addf %mul3A_43, %add3A_47 : vector<4096x10x16xf32>
    %reshape3A = vector.shape_cast %add3A_48 : vector<4096x10x16xf32> to vector<4096x160xf32>
    %get3A_49 = arith.constant 0 : index
    %get3A_50 = arith.constant 0 : index
    %get3A_51 = vector.load %arg0[%get3A_49, %get3A_50] : memref<4096x64xf32, #tpu.memory_space<vmem>>, vector<4096x64xf32>
    %get3A_52 = arith.constant 0 : index
    %get3A_53 = arith.constant 0 : index
    %get3A_54 = vector.load %arg12[%get3A_52, %get3A_53] : memref<64x64xf32, #tpu.memory_space<vmem>>, vector<64x64xf32>
    %dot_general3A_55 = arith.constant dense<0.000000e+00> : vector<4096x64xf32>
    %dot_general3A_56 = tpu.matmul %get3A_51, %get3A_54, %dot_general3A_55 {dimension_numbers = #tpu.dot_dimension_numbers<[1], [0], [0], [1], [0, 0, 1, 1], [], []>, transpose_lhs_hint = false} : vector<4096x64xf32>, vector<64x64xf32>, vector<4096x64xf32> -> vector<4096x64xf32>
    %get3A_57 = arith.constant 0 : index
    %get3A_58 = arith.constant 0 : index
    %get3A_59 = vector.load %arg1[%get3A_57, %get3A_58] : memref<4096x64xf32, #tpu.memory_space<vmem>>, vector<4096x64xf32>
    %get3A_60 = arith.constant 0 : index
    %get3A_61 = arith.constant 0 : index
    %get3A_62 = vector.load %arg13[%get3A_60, %get3A_61] : memref<64x64xf32, #tpu.memory_space<vmem>>, vector<64x64xf32>
    %dot_general3A_63 = arith.constant dense<0.000000e+00> : vector<4096x64xf32>
    %dot_general3A_64 = tpu.matmul %get3A_59, %get3A_62, %dot_general3A_63 {dimension_numbers = #tpu.dot_dimension_numbers<[1], [0], [0], [1], [0, 0, 1, 1], [], []>, transpose_lhs_hint = false} : vector<4096x64xf32>, vector<64x64xf32>, vector<4096x64xf32> -> vector<4096x64xf32>
    %add3A_65 = arith.addf %dot_general3A_56, %dot_general3A_64 : vector<4096x64xf32>
    %get3A_66 = arith.constant 0 : index
    %get3A_67 = arith.constant 0 : index
    %get3A_68 = vector.load %arg14[%get3A_66, %get3A_67] : memref<16x64xf32, #tpu.memory_space<vmem>>, vector<16x64xf32>
    %dot_general3A_69 = arith.constant dense<0.000000e+00> : vector<4096x64xf32>
    %dot_general3A_70 = tpu.matmul %add3A_33, %get3A_68, %dot_general3A_69 {dimension_numbers = #tpu.dot_dimension_numbers<[1], [0], [0], [1], [0, 0, 1, 1], [], []>, transpose_lhs_hint = false} : vector<4096x16xf32>, vector<16x64xf32>, vector<4096x64xf32> -> vector<4096x64xf32>
    %add3A_71 = arith.addf %add3A_65, %dot_general3A_70 : vector<4096x64xf32>
    %get3A_72 = arith.constant 0 : index
    %get3A_73 = arith.constant 0 : index
    %get3A_74 = vector.load %arg15[%get3A_72, %get3A_73] : memref<160x64xf32, #tpu.memory_space<vmem>>, vector<160x64xf32>
    %dot_general3A_75 = arith.constant dense<0.000000e+00> : vector<4096x64xf32>
    %dot_general3A_76 = tpu.matmul %reshape3A, %get3A_74, %dot_general3A_75 {dimension_numbers = #tpu.dot_dimension_numbers<[1], [0], [0], [1], [0, 0, 1, 1], [], []>, transpose_lhs_hint = false} : vector<4096x160xf32>, vector<160x64xf32>, vector<4096x64xf32> -> vector<4096x64xf32>
    %add3A_77 = arith.addf %add3A_71, %dot_general3A_76 : vector<4096x64xf32>
    %get3A_78 = arith.constant 0 : index
    %get3A_79 = vector.load %arg16[%get3A_78] : memref<64xf32, #tpu.memory_space<vmem>>, vector<64xf32>
    %broadcast_in_dim3A_80 = vector.shape_cast %get3A_79 : vector<64xf32> to vector<1x64xf32>
    %add3A_81 = vector.broadcast %broadcast_in_dim3A_80 : vector<1x64xf32> to vector<4096x64xf32>
    %add3A_82 = arith.addf %add3A_77, %add3A_81 : vector<4096x64xf32>
    %max3A_83 = arith.constant 0.000000e+00 : f32
    %max3A_84 = vector.broadcast %max3A_83 : f32 to vector<4096x64xf32>
    %max3A_85 = arith.maximumf %add3A_82, %max3A_84 : vector<4096x64xf32>
    %get3A_86 = arith.constant 0 : index
    %get3A_87 = arith.constant 0 : index
    %get3A_88 = vector.load %arg17[%get3A_86, %get3A_87] : memref<64x1xf32, #tpu.memory_space<vmem>>, vector<64x1xf32>
    %squeeze3A_89 = vector.shape_cast %get3A_88 : vector<64x1xf32> to vector<64xf32>
    %broadcast_in_dim3A_90 = vector.shape_cast %squeeze3A_89 : vector<64xf32> to vector<1x64xf32>
    %mul3A_91 = vector.broadcast %broadcast_in_dim3A_90 : vector<1x64xf32> to vector<4096x64xf32>
    %mul3A_92 = arith.mulf %max3A_85, %mul3A_91 : vector<4096x64xf32>
    %reduce_sum3A = arith.constant dense<0.000000e+00> : vector<4096xf32>
    %reduce_sum3A_93 = vector.multi_reduction <add>, %mul3A_92, %reduce_sum3A [1] : vector<4096x64xf32> to vector<4096xf32>
    %broadcast_in_dim3A_94 = vector.shape_cast %reduce_sum3A_93 : vector<4096xf32> to vector<4096x1xf32>
    %get3A_95 = arith.constant 0 : index
    %get3A_96 = vector.load %arg18[%get3A_95] : memref<1xf32, #tpu.memory_space<vmem>>, vector<1xf32>
    %broadcast_in_dim3A_97 = vector.shape_cast %get3A_96 : vector<1xf32> to vector<1x1xf32>
    %add3A_98 = vector.broadcast %broadcast_in_dim3A_97 : vector<1x1xf32> to vector<4096x1xf32>
    %add3A_99 = arith.addf %broadcast_in_dim3A_94, %add3A_98 : vector<4096x1xf32>
    %swap3A = arith.constant 0 : index
    %swap3A_100 = arith.constant 0 : index
    %swap3A_101 = vector.load %arg19[%swap3A, %swap3A_100] : memref<4096x1xf32, #tpu.memory_space<vmem>>, vector<4096x1xf32>
    tpu.vector_store %arg19[%swap3A, %swap3A_100], %add3A_99 {strides = array<i32>} : memref<4096x1xf32, #tpu.memory_space<vmem>>, vector<4096x1xf32>,
    return
  }
}

</mosaic_0001>

<sc_bundles>
// kernel: gather_offload_async_start.1
scs
__scs_entry_jumppad:
0x0: {  	(pc) =	sbr.rel $0x88, $3  }
0x1: {  	(tag) =	ssettag $0x0;
	lr =	simm.s32 $0x1  }
0x2: {  	[smem:$0x3F8C] =	sst lr;
	_ =	strace $0xD0000000  }
0x3: {  	_ = 	snop  }
0x4: {  	_ = 	snop  }
0x5: {  	_ = 	snop  }
0x6: {  	_ = 	snop  }
0x7: {  	_ = 	snop  }
__scs_overlays_trampoline_lowered:
0x8: {  	[smem:$0x3F9B] =	sst s0  }
0x9: {  	[smem:$0x3F9C] =	sst s1  }
0xa: {  	[smem:$0x3F9D] =	sst s2  }
0xb: {  	[smem:$0x3F9E] =	sst s3  }
0xc: {  	[smem:$0x3F9F] =	sst s4  }
0xd: {  	[smem:$0x3FA0] =	sst s5  }
0xe: {  	[smem:$0x3FA1] =	sst s6  }
0xf: {  	[smem:$0x3FA2] =	sst s7  }
0x10: {  	[smem:$0x3FA3] =	sst s8  }
0x11: {  	[smem:$0x3FA4] =	sst s9;
	s0 =	simm.s32 @!p0 $0x0  }
0x12: {  	s1 =	sld [smem:$0x3F8A];
	s0 =	simm.s32 @p0 $0x1  }
0x13: {  	[smem:$0x3FA5] =	sst s0;
	s0 =	simm.s32 @!p1 $0x0  }
0x14: {  	s2 =	sld [smem:$0x3F89];
	s0 =	simm.s32 @p1 $0x1  }
0x15: {  	[smem:$0x3FA6] =	sst s0;
	s0 =	simm.s32 @!p2 $0x0  }
0x16: {  	s3 =	sld [smem:$0x3FDB];
	s0 =	simm.s32 @p2 $0x1  }
0x17: {  	s4 =	simm.s32 $0x1BF5;
	[smem:$0x3FA8] =	sst s0  }
0x18: {  	s0 =	sld [smem:$0x3F8B];
	_ =	swait.ge [sflag:s4], $0x0  }
0x19: {  	s7 =	sld [smem:$0x3F8C]  }
0x1a: {  	s8 =	sadd.s32 $0xFFFFE003, lr  }
0x1b: {  	s9 =	sadd.s32 $0xFFFFFEF7, lr;
	s5 =	simm.s32 $0xFFFFFFFF;
	p2 =	slt.u32 s8, $0xFFFFF086  }
0x1c: {  	p1 =	slt.u32 s9, $0xF7A;
	s5 =	simm.s32 @!p2 $0x0  }
0x1d: {  	s5 =	simm.s32 @p1 $0x1;
	p0 =	seq.s32 s7, s2  }
0x1e: {  	s7 =	smul.u32 @!p0 $0xF7A, s2;
	p2 =	seq.s32 @!p0 s5, $0x0  }
0x1f: {  	s9 =	smul.u32 $0xF7A, s1;
	s8 =	simm.s32 @!p0 $0x1BF5;
	p2 =	por !p2, p0  }
0x20: {  	[sflag:s8] =	ssyncset.s32 @!p0 $0xFFFFF086;
	s6 =	sadd.s32 @!p0 s3, s7;
	s7 =	simm.s32 @!p0 $0x108  }
0x21: {  	s3 =	sadd.s32 s3, s9;
	s6 =	sadd.s32 @!p0 $0x88, s6;
	s7 =	simm.s32 @p2 $0x1082  }
0x22: {  	[simem:s7], [sflag:s8] =	dma.local @!p0 [hbm:s6], $0xF7A  }
0x23: {  	s9 =	sor.u32 $0xD0000000, s2;
	s6 =	simm.s32 $0x108;
	_ =	swait.ge @!p0 [sflag:s8], $0x0  }
0x24: {  	s3 =	sadd.s32 $0x88, s3;
	s6 =	simm.s32 @!p1 $0x1082;
	[sflag:s4] =	ssyncset.s32 $0xFFFFF086  }
0x25: {  	[simem:s6], [sflag:s4] =	dma.local [hbm:s3], $0xF7A  }
0x26: {  	[smem:$0x3F8C] =	sst s1;
	(tag) =	ssettag s2;
	_ =	strace s9  }
0x27: {  	s1 =	sld [smem:$0x3F9C]  }
0x28: {  	s2 =	sld [smem:$0x3F9D]  }
0x29: {  	s4 =	sld [smem:$0x3F9F]  }
0x2a: {  	p0 =	seq.s32 s5, $0x0;
	s5 =	sld [smem:$0x3FA0]  }
0x2b: {  	s6 =	sld [smem:$0x3FA1]  }
0x2c: {  	s7 =	sld [smem:$0x3FA2]  }
0x2d: {  	s3 =	simm.s32 $0x108;
	s8 =	sld [smem:$0x3FA3]  }
0x2e: {  	s3 =	simm.s32 @!p0 $0x1082;
	s9 =	sld [smem:$0x3FA4]  }
0x2f: {  	lr =	sadd.s32 s0, s3;
	s0 =	sld [smem:$0x3F9B]  }
0x30: {  	s3 =	sld [smem:$0x3F9E]  }
0x31: {  	[smem:$0x3FA7] =	sst s10  }
0x32: {  	s10 =	sld [smem:$0x3FA5];
	_ =	sdelay $0x3  }
0x33: {  	p0 =	seq.s32 s10, $0x1;
	s10 =	sld [smem:$0x3FA7];
	_ =	sdelay $0x3  }
0x34: {  	[smem:$0x3FA7] =	sst s10  }
0x35: {  	s10 =	sld [smem:$0x3FA6];
	_ =	sdelay $0x3  }
0x36: {  	p1 =	seq.s32 s10, $0x1;
	s10 =	sld [smem:$0x3FA7];
	_ =	sdelay $0x3  }
0x37: {  	[smem:$0x3FA7] =	sst s10  }
0x38: {  	s10 =	sld [smem:$0x3FA8]  }
0x39: {  	_ = 	snop;
	(pc) =	sbr.ind lr, $3  }
0x3a: {  	_ = 	snop  }
0x3b: {  	_ = 	snop  }
0x3c: {  	p2 =	seq.s32 s10, $0x1;
	s10 =	sld [smem:$0x3FA7]  }
0x3d: {  	_ =	shalt  }
0x3e: {  	_ =	shalt  }
0x3f: {  	_ =	shalt  }
0x40: {  	_ =	shalt  }
0x41: {  	_ =	shalt  }
0x42: {  	_ =	shalt  }
0x43: {  	_ =	shalt  }
0x44: {  	_ =	shalt  }
0x45: {  	_ =	shalt  }
0x46: {  	_ =	shalt  }
0x47: {  	_ =	shalt  }
0x48: {  	_ =	shalt  }
0x49: {  	_ =	shalt  }
0x4a: {  	_ =	shalt  }
0x4b: {  	_ =	shalt  }
0x4c: {  	_ =	shalt  }
0x4d: {  	_ =	shalt  }
0x4e: {  	_ =	shalt  }
0x4f: {  	_ =	shalt  }
0x50: {  	_ =	shalt  }
0x51: {  	_ =	shalt  }
0x52: {  	_ =	shalt  }
0x53: {  	_ =	shalt  }
0x54: {  	_ =	shalt  }
0x55: {  	_ =	shalt  }
0x56: {  	_ =	shalt  }
0x57: {  	_ =	shalt  }
0x58: {  	_ =	shalt  }
0x59: {  	_ =	shalt  }
0x5a: {  	_ =	shalt  }
0x5b: {  	_ =	shalt  }
0x5c: {  	_ =	shalt  }
0x5d: {  	_ =	shalt  }
0x5e: {  	_ =	shalt  }
0x5f: {  	_ =	shalt  }
0x60: {  	_ =	shalt  }
0x61: {  	_ =	shalt  }
0x62: {  	_ =	shalt  }
0x63: {  	_ =	shalt  }
0x64: {  	_ =	shalt  }
0x65: {  	_ =	shalt  }
0x66: {  	_ =	shalt  }
0x67: {  	_ =	shalt  }
0x68: {  	_ =	shalt  }
0x69: {  	_ =	shalt  }
0x6a: {  	_ =	shalt  }
0x6b: {  	_ =	shalt  }
0x6c: {  	_ =	shalt  }
0x6d: {  	_ =	shalt  }
0x6e: {  	_ =	shalt  }
0x6f: {  	_ =	shalt  }
0x70: {  	_ =	shalt  }
0x71: {  	_ =	shalt  }
0x72: {  	_ =	shalt  }
0x73: {  	_ =	shalt  }
0x74: {  	_ =	shalt  }
0x75: {  	_ =	shalt  }
0x76: {  	_ =	shalt  }
0x77: {  	_ =	shalt  }
0x78: {  	_ =	shalt  }
0x79: {  	_ =	shalt  }
0x7a: {  	_ =	shalt  }
0x7b: {  	_ =	shalt  }
0x7c: {  	_ =	shalt  }
0x7d: {  	_ =	shalt  }
0x7e: {  	_ =	shalt  }
0x7f: {  	_ =	shalt  }
0x80: {  	_ =	shalt  }
0x81: {  	_ =	shalt  }
0x82: {  	_ =	shalt  }
0x83: {  	_ =	shalt  }
0x84: {  	_ =	shalt  }
0x85: {  	_ =	shalt  }
0x86: {  	_ =	shalt  }
0x87: {  	_ =	shalt  }
.Lfunc_end0:
.L_simem_size_0:
called_computation.4_lowered:
.L_overlay_start_0:
0x88: {  	s2 =	sld [smem:$0x3FD9]  }
0x89: {  	s3 =	sld [smem:$0x3FFE];
	_ =	sdelay $0x1  }
0x8a: {  	s1 =	srdreg.scid  }
0x8b: {  	s0 =	sand.u32 $0x1, s1  }
0x8c: {  	s16 =	sshll.u32 s0, $0xA;
	s2 =	sadd.s32 s3, s2  }
0x8d: {  	s2 =	sadd.s32 s2, s16  }
0x8e: {  	[smem:$0x3FB3] =	sst s2  }
0x8f: {  	_ = 	snop  }
0x90: {  	(tm) =	ssettm $0x1  }
0x91: {  	s17 =	sld [smem:$0x3FFB];
	_ =	sdelay $0x3  }
0x92: {  	_ =	strace s17  }
0x93: {  	s2 =	sld [smem:$0x3FFC];
	_ =	sdelay $0x3  }
0x94: {  	_ =	strace s2  }
0x95: {  	s2 =	sld [smem:$0x3FFD];
	_ =	sdelay $0x3  }
0x96: {  	_ =	strace s2  }
0x97: {  	_ =	strace $0x8FFFFFFF  }
0x98: {  	s18 =	sld [smem:$0x3FDB];
	_ =	sdelay $0x1  }
0x99: {  	s19 =	simm.s32 $_scs_section_size  }
0x9a: {  	s4 =	simm.s32 $_size__tile_overlayer_lowered;
	s5 =	simm.s32 $_tile_overlayer_lowered  }
0x9b: {  	s22 =	simm.s32 $0x1BFF;
	s21 =	sshll.u32 s5, $0x1;
	s2 =	sadd.s32 s19, s18  }
0x9c: {  	s6 =	simm.s32 $0x0;
	s20 =	sshll.u32 s4, $0x1;
	s4 =	sadd.s32 s21, s2  }
0x9d: {  	[timem:s6], [sflag:s22] =	dma.local [hbm:s4], s20  }
0x9e: {  	_ =	swait.ge [sflag:s22], s20  }
0x9f: {  	s3 =	ssub.s32 $0x0, s20;
	[sflag:s22] =	ssyncset.done $0x0  }
0xa0: {  	[sflag:s22] =	ssyncadd.s32 s3;
	_ =	sdelay $0x1  }
0xa1: {  	s23 =	simm.s32 $0x1B8B  }
0xa2: {  	_ =	swait.ge [sflag:s23], $0x1  }
0xa3: {  	[sflag:s23] =	ssyncset.done $0x0  }
0xa4: {  	s25 =	simm.s32 $0x1B8E;
	s24 =	sld [smem:$0x3FFE];
	[sflag:s23] =	ssyncadd.s32 $0xFFFFFFFF  }
0xa5: {  	s26 =	simm.s32 $execute0_lowered;
	[smem:$0x3FD2] =	sst s25  }
0xa6: {  	s4 =	sshll.u32 s26, $0x1;
	_ =	strace $0x8000004F;
	[dreg:$0x1] =	wrdreg $0xFFFFFFFF  }
0xa7: {  	s28 =	simm.s32 $_size_execute0_lowered;
	s2 =	sadd.s32 s2, s4;
	[dreg:$0x0] =	wrdreg $0x0  }
0xa8: {  	s4 =	sshll.u32 s28, $0x1;
	[dreg:$0x2] =	wrdreg s2  }
0xa9: {  	[dreg:$0x3] =	wrdreg s4  }
0xaa: {  	[dreg:$0x4] =	wrdreg $0xC0  }
0xab: {  	_ =	task [dreg:s6], $0x5FFFF  }
0xac: {  	[dreg:$0x1] =	wrdreg $0xFFFFFFFF  }
0xad: {  	[dreg:$0x0] =	wrdreg $0x60  }
0xae: {  	[dreg:$0x2] =	wrdreg s24  }
0xaf: {  	[dreg:$0x3] =	wrdreg $0x9  }
0xb0: {  	_ =	task.clear_ibuf [dreg:s6], $0x4FFFF;
	_ =	strace $0x9000004F  }
0xb1: {  	s29 =	simm.s32 $0x9;
	_ =	strace $0x80000051  }
0xb2: {  	_ =	swait.ge [sflag:s29], $0x1  }
0xb3: {  	[sflag:s29] =	ssyncadd.s32 $0xFFFFFFFF  }
0xb4: {  	_ =	strace $0x90000051  }
0xb5: {  	_ =	sfence  }
0xb6: {  	s30 =	sld [smem:$0x0];
	_ =	sdelay $0x2  }
0xb7: {  	s31 =	sshll.u32 s1, $0xD;
	s1 =	sshrl.u32 s1, $0x2  }
0xb8: {  	s3 =	sand.u32 $0x4000, s31;
	s1 =	sadd.s32 s1, s30  }
0xb9: {  	s0 =	sor.u32 s3, s0;
	s1 =	sshll.u32 s1, $0x11  }
0xba: {  	s0 =	sor.u32 s1, s0  }
0xbb: {  	s0 =	sadd.s32 $0x8F2B, s0  }
0xbc: {  	[sflag:s0] =	ssyncadd.remote.s32 $0x1  }
0xbd: {  	_ =	sfence.sel $0xFFFF  }
0xbe: {  	[dreg:$0x0] =	wrdreg $0xFFFFFFFF;
	(pc) =	sbr.abs _section_cstart, $3  }
0xbf: {  	[dreg:$0x1] =	wrdreg $0xFFFFFFFF  }
0xc0: {  	_ =	task.clear_ibuf [dreg:s6], $0x2FFFF;
	_ =	strace $0x9FFFFFFF  }
0xc1: {  	(tm) =	ssettm $0x7FFFFFFF  }
tec
execute0_lowered:
.L_overlay_start_1:
0x0: {  	(tag) =	ssettag $0x1  }
0x1: {  	s8 =	rddreg [dreg:$0x0]  }
0x2: {  	s0 =	rddreg [dreg:$0x1];
	s1 =	srdreg.scid;
	_ =	strace $0x80000050  }
0x3: {  	s4 =	simm.s32 $0x1;
	s6 =	simm.s32 $0x2;
	s10 =	simm.s32 $0x3  }
0x4: {  	p3 =	por $0x0, $0x0;
	s11 =	simm.s32 $0x80;
	s3 =	sshll.u32 s1, $0x4  }
.Ltmp0:
0x5: {  	s1 =	stileid.u32;
	s5 =	sand.u32 $0x10, s3;
	(pc) =	sbr.rel .LBB2_1-.Ltmp0, $4  }
0x6: {  	s2 =	sadd.s32 $0x9ED600, s8;
	[sflag:s4] =	ssyncpa.u1 $0x0;
	s5 =	sor.u32 s1, s5  }
0x7: {  	s7 =	sadd.s32 $0x694B800, s8;
	[sflag:s6] =	ssyncpa.u1 $0x0;
	s5 =	smul.u32 $0x30D40, s5  }
0x8: {  	s3 =	sadd.s32 $0x2400, s8;
	s8 =	sadd.s32 $0xC5A00, s8;
	[sflag:s10] =	ssyncpa.u1 $0x0  }
0x9: {  	v0 =	vlaneseq.u32;
	s10 =	simm.s32 $0x0;
	s9 =	sadd.s32 $0x30D40, s5;
	s12 =	smov.u32 s5  }
.LBB2_6:
0xa: {  	s15 =	sadd.s32 s17, s15  }
0xb: {  	v2 =	vld.msk [tilespmem:s15+$0x0 ss:$0x1], $0x1  }
0xc: {  	(v2sf) =	vpush v1, $0x1  }
0xd: {  	(v2sf) =	vpush v1, $0x0;
	_ =	sdelay $0x2  }
0xe: {  	(v2sf) =	vpush v2, $0x0;
	_ =	sdelay $0xa  }
0xf: {  	p1 =	seq.s32 s18, $0x63C;
	s15 =	simm.s32 $0x1;
	s18 =	spop (v2sf)  }
0x10: {  	s15 =	simm.s32 @!p1 $0x2;
	s18 =	simm.s32 @p0 $0xFFFFFFFF;
	s19 =	spop (v2sf)  }
0x11: {  	v1 =	vmov s15;
	s15 =	simm.s32 $0x1;
	p0 =	sne.s32 s19, s18  }
0x12: {  	vm0 =	vgt.u32 v1, v0;
	s15 =	simm.s32 @!p0 $0x0  }
0x13: {  	s15 =	sadd.s32 s15, s16;
	s26 =	spop (v2sf)  }
0x14: {  	s15 =	sshll.u32 s15, $0x9;
	s28 =	sshll.u32 s26, $0x4  }
0x15: {  	s15 =	sshra.s32 s15, $0x2;
	s16 =	sand.u32 $0x1FFFFFF0, s28  }
0x16: {  	s13 =	sadd.s32 s17, s13;
	s14 =	sadd.s32 s15, s14;
	s29 =	sadd.s32 s7, s16  }
0x17: {  	[hbm:s29] =	stream.strided.scatter [tilespmem:s14], [sflag:$0x3], $0x80, s11, s11, $0x38;
	[tilespmem:$0x19640] =	vst v63  }
0x18: {  	v1 =	vld.msk [tilespmem:s13+$0x0 ss:$0x1], vm0;
	_ =	sdelay $0x4  }
0x19: {  	(v2sf) =	vpush v1, $0x1  }
0x1a: {  	(v2sf) =	vpush v1, $0x0;
	_ =	sdelay $0xb  }
0x1b: {  	s13 =	sld [smem:$0x7FB];
	_ =	sdelay $0x1  }
0x1c: {  	s30 =	spop (v2sf)  }
0x1d: {  	p3 =	seq.s32 s13, $0x1;
	s31 =	spop (v2sf)  }
.LBB2_7:
0x1e: {  	p0 =	slt.u32 s10, $0x2;
	s10 =	sadd.s32 $0x1, s10  }
0x1f: {  	p2 =	sne.s32 s10, $0x1F6  }
.Ltmp1:
0x20: {  	_ = 	snop;
	(pc) =	sbr.rel @!p2 .LBB2_8-.Ltmp1, $4  }
0x21: {  	s13 =	simm.s32 @!p0 $0x3  }
0x22: {  	s14 =	sadd.s32 $0x190, s12;
	_ =	swait.ge @!p0 [sflag:s13], $0xC800  }
0x23: {  	s12 =	smov.u32 s5;
	p1 =	slt.s32 s14, s9;
	[sflag:s13] =	ssyncset.done @!p0 $0x0  }
0x24: {  	p3 =	por !p3, !p3;
	s12 =	smov.u32 @p1 s14;
	[sflag:s13] =	ssyncadd.s32 @!p0 $0xFFFF3800  }
.LBB2_1:
0x25: {  	p0 =	sgt.u32 s10, $0x1F3  }
0x26: {  	s13 =	sxor.u32 @!p0 $0xFFFFFFFF, s10  }
0x27: {  	s13 =	sand.u32 @!p0 $0x1, s13  }
0x28: {  	s14 =	sshrl.u32 @!p0 s12, $0x3;
	s13 =	smul.u32 @!p0 $0x190, s13  }
0x29: {  	s16 =	sand.u32 @!p0 $0x7, s12;
	s15 =	sadd.s32 @!p0 s3, s14  }
0x2a: {  	[tilespmem:s13], [sflag:$0x2] =	stream.linear.gather @!p0 [hbm4b:s15+s16], $0x190, $0x38;
	[tilespmem:$0x19640] =	vst v63  }
0x2b: {  	s31 =	sadd.s32 $0xFFFFFFFF, s10;
	s14 =	sadd.s32 @!p0 s8, s14;
	s13 =	sadd.s32 @!p0 $0x320, s13  }
0x2c: {  	[tilespmem:s13], [sflag:$0x2] =	stream.linear.gather @!p0 [hbm4b:s14+s16], $0x190, $0x38;
	[tilespmem:$0x19640] =	vst v63  }
0x2d: {  	p0 =	sgt.u32 s31, $0x1F3  }
.Ltmp2:
0x2e: {  	_ = 	snop;
	(pc) =	sbr.rel @p0 .LBB2_7-.Ltmp2, $1  }
0x2f: {  	_ =	sdelay $0x3  }
0x30: {  	p0 =	por $0x0, $0x0  }
0x31: {  	s13 =	simm.s32 $0x1;
	p0 =	por p0, p0  }
0x32: {  	s13 =	simm.s32 @!p0 $0x2  }
0x33: {  	v1 =	vmov s13  }
0x34: {  	s14 =	simm.s32 @!p3 $0x0;
	s13 =	simm.s32 $0x1;
	vm0 =	vgt.u32 v1, v0  }
0x35: {  	s14 =	simm.s32 @p3 $0x1;
	s13 =	simm.s32 @!p3 $0x0  }
0x36: {  	[smem:$0x7FB] =	sst s14;
	s13 =	smul.u32 $0x640, s13  }
0x37: {  	_ =	swait.ge [sflag:s6], $0x320  }
0x38: {  	[sflag:s6] =	ssyncset.done $0x0;
	s13 =	sshrl.u32 s13, $0x2  }
0x39: {  	[sflag:s6] =	ssyncadd.s32 $0xFFFFFCE0;
	s25 =	sadd.s32 $0x0, s13  }
0x3a: {  	p1 =	por $0x0, $0x0;
	v1 =	vld.msk [tilespmem:s25+$0x0 ss:$0x1], vm0  }
0x3b: {  	p1 =	por p1, p1;
	s14 =	simm.s32 $0x1  }
0x3c: {  	s14 =	simm.s32 @!p1 $0x2  }
0x3d: {  	v2 =	vmov s14  }
0x3e: {  	vm0 =	vgt.u32 v2, v0  }
0x3f: {  	(v2sf) =	vpush v1, $0x1  }
0x40: {  	(v2sf) =	vpush v1, $0x0  }
0x41: {  	p2 =	por $0x0, $0x0  }
0x42: {  	p2 =	por p2, p2;
	s14 =	simm.s32 $0x1  }
0x43: {  	s14 =	simm.s32 @!p2 $0x2;
	s26 =	sadd.s32 $0x1, s13  }
0x44: {  	v2 =	vmov s14;
	v3 =	vld.msk [tilespmem:s26+$0x0 ss:$0x1], vm0  }
0x45: {  	vm1 =	vgt.u32 v2, v0;
	_ =	sdelay $0x3  }
0x46: {  	(v2sf) =	vpush v3, $0x1  }
0x47: {  	s28 =	sadd.s32 $0x2, s13;
	(v2sf) =	vpush v3, $0x0  }
0x48: {  	v4 =	vld.msk [tilespmem:s28+$0x0 ss:$0x1], vm1  }
0x49: {  	p0 =	por p0, p0  }
0x4a: {  	p0 =	por p0, p0  }
0x4b: {  	s29 =	sand.u32 $0x1, s10;
	p0 =	por p0, p0;
	s14 =	spop (v2sf)  }
0x4c: {  	p5 =	por $0x0, $0x0;
	s14 =	simm.s32 @p0 $0xFFFFFFFF;
	s15 =	spop (v2sf)  }
0x4d: {  	s16 =	simm.s32 $0x1;
	s17 =	simm.s32 $0x0;
	(v2sf) =	vpush v4, $0x1;
	p0 =	seq.s32 s15, s14  }
0x4e: {  	p6 =	por $0x0, $0x0;
	s24 =	simm.s32 $0x1;
	p1 =	por p1, p1;
	vm0 =	vgt.s32 @!p0 v1, $0x0  }
0x4f: {  	p3 =	por p5, p5;
	p4 =	por p1, p1;
	p2 =	por p2, p2;
	(v2sf) =	vpush v4, $0x0;
	v1 =	vnsel @!p0 vm0, $0x0, v1  }
0x50: {  	p1 =	por p6, p6;
	s16 =	simm.s32 @!p3 $0x2;
	p2 =	por p2, p2;
	v1 =	vmin.u32 @!p0 v1, $0x30D3F  }
0x51: {  	p6 =	por p4, p4;
	p5 =	por p3, p3;
	p2 =	por p2, p2;
	(v2sf) =	vpush @!p0 v1, $0x0  }
0x52: {  	s19 =	sadd.s32 $0x3, s13;
	s30 =	sadd.s32 $0x4, s13;
	s14 =	smul.u32 $0x32000, s29;
	v1 =	vmov s16  }
0x53: {  	s15 =	sadd.s32 $0x320, s13;
	s18 =	simm.s32 @!p0 $0x1;
	s16 =	simm.s32 $0x1;
	vm0 =	vgt.u32 v1, v0  }
0x54: {  	p4 =	por p0, p0;
	s14 =	sshrl.u32 s14, $0x2;
	s16 =	simm.s32 @!p1 $0x2  }
0x55: {  	s18 =	smov.u32 @p0 s17;
	s17 =	simm.s32 $0x18;
	s20 =	spop (v2sf);
	v1 =	vmov s16  }
0x56: {  	s14 =	sor.u32 $0x640, s14;
	s20 =	simm.s32 @p6 $0xFFFFFFFF;
	s21 =	spop (v2sf);
	vm1 =	vgt.u32 v1, v0  }
0x57: {  	p6 =	por p5, p5;
	p1 =	por p1, p1;
	p3 =	seq.s32 s21, s20  }
0x58: {  	p5 =	por $0x0, $0x0;
	s16 =	sadd.s32 @!p0 $0x0, s14;
	s23 =	sadd.s32 @!p3 $0x1, s18  }
0x59: {  	s23 =	smov.u32 @p3 s18;
	v2 =	vld.msk [tilespmem:s19+$0x0 ss:$0x1], vm0;
	s19 =	sshll.u32 @!p3 s18, $0x9;
	s18 =	simm.s32 @!p1 $0x0  }
0x5a: {  	p5 =	por p5, p5;
	s21 =	simm.s32 $0x1C;
	s18 =	simm.s32 @p1 $0x1  }
0x5b: {  	s24 =	simm.s32 @!p5 $0x2;
	s19 =	sshra.s32 @!p3 s19, $0x2;
	[smem:$0x7FC] =	sst s18  }
0x5c: {  	p1 =	por $0x0, $0x0;
	s22 =	spop (v2sf);
	s18 =	simm.s32 @!p5 $0x0;
	v1 =	vld.msk [tilespmem:s30+$0x0 ss:$0x1], vm1  }
0x5d: {  	vm0 =	vgt.s32 @!p3 v3, $0x0;
	s22 =	simm.s32 @p2 $0xFFFFFFFF;
	s18 =	simm.s32 @p5 $0x1;
	p5 =	por p4, p4  }
0x5e: {  	v3 =	vnsel @!p3 vm0, $0x0, v3;
	s31 =	spop (v2sf);
	p2 =	por p6, p6;
	[smem:$0x7FD] =	sst s18;
	(v2sf) =	vpush v2, $0x1  }
0x5f: {  	v3 =	vmin.u32 @!p3 v3, $0x30D3F;
	s18 =	sadd.s32 @!p3 s19, s14;
	p4 =	seq.s32 s31, s22;
	s22 =	simm.s32 @!p5 $0x80;
	(v2sf) =	vpush v2, $0x0  }
0x60: {  	vm0 =	vgt.s32 @!p4 v4, $0x0;
	s19 =	sshll.u32 @!p4 s23, $0x9;
	s20 =	sadd.s32 @!p4 $0x1, s23;
	(v2sf) =	vpush @!p3 v3, $0x0;
	v3 =	vmov s24;
	s25 =	spop @!p0 (v2sf)  }
0x61: {  	v4 =	vnsel @!p4 vm0, $0x0, v4;
	s19 =	sshra.s32 @!p4 s19, $0x2;
	s20 =	smov.u32 @p4 s23;
	(v2sf) =	vpush v1, $0x1;
	vm0 =	vgt.u32 v3, v0;
	s25 =	sshll.u32 @!p5 s25, $0x4  }
0x62: {  	s24 =	sadd.s32 $0x5, s13;
	v3 =	vmin.u32 @!p4 v4, $0x30D3F;
	p0 =	por p3, p3;
	(v2sf) =	vpush v1, $0x0;
	s23 =	sadd.s32 @!p5 s2, s25  }
.LBB2_3:
0x63: {  	_ =	sdelay $0x1  }
0x64: {  	s26 =	sld [smem:$0x7FC]  }
0x65: {  	s25 =	simm.s32 @!p3 $0x0;
	s28 =	sld [smem:$0x7FD]  }
0x66: {  	v4 =	vld.msk [tilespmem:s24+$0x0 ss:$0x1], vm0;
	[tilespmem:s16], [sflag:$0x1] =	stream.strided.gather @!p5 [hbm:s23], $0x80, s22, s22, $0x38;
	[tilespmem:$0x19640] =	vst v63  }
0x67: {  	s31 =	smov.u32 s17;
	s17 =	smov.u32 s21;
	s25 =	simm.s32 @p3 $0x1  }
0x68: {  	(v2sf) =	vpush @!p4 v3, $0x0;
	p3 =	por p4, p4;
	p5 =	seq.s32 s26, $0x1;
	p4 =	seq.s32 s28, $0x1  }
0x69: {  	s16 =	smov.u32 s18;
	p6 =	por p5, p5;
	p5 =	por p4, p4  }
0x6a: {  	s21 =	sadd.s32 $0x4, s21;
	[smem:$0x7F9] =	sst s25;
	s18 =	simm.s32 @!p5 $0x0  }
0x6b: {  	s25 =	smov.u32 s20;
	p4 =	por p1, p1;
	s18 =	simm.s32 @p5 $0x1  }
0x6c: {  	s20 =	simm.s32 @!p4 $0x0;
	[smem:$0x7FC] =	sst s18;
	s18 =	simm.s32 $0x1  }
0x6d: {  	s20 =	simm.s32 @p4 $0x1;
	s18 =	simm.s32 @!p4 $0x2;
	p4 =	sne.s32 s21, $0x640  }
0x6e: {  	[smem:$0x7FD] =	sst s20;
	s20 =	simm.s32 @!p4 $0x0  }
0x6f: {  	s30 =	sld [smem:$0x7F9];
	s20 =	simm.s32 @p4 $0x1  }
0x70: {  	s23 =	sshra.s32 s31, $0x2;
	[smem:$0x7FA] =	sst s20  }
0x71: {  	v3 =	vmov s18;
	s18 =	sadd.s32 @!p3 s19, s14;
	s19 =	spop (v2sf);
	s31 =	sld [smem:$0x7FA]  }
0x72: {  	s19 =	simm.s32 @p2 $0xFFFFFFFF  }
0x73: {  	s29 =	spop (v2sf);
	p2 =	por p6, p6;
	p6 =	seq.s32 s30, $0x1  }
0x74: {  	s24 =	spop @!p6 (v2sf);
	p6 =	seq.s32 s31, $0x1  }
.Ltmp3:
0x75: {  	_ = 	snop;
	(pc) =	sbr.rel @p6 .LBB2_3-.Ltmp3, $4  }
0x76: {  	p1 =	seq.s32 s17, $0x63C;
	p5 =	por p0, p0;
	p4 =	seq.s32 s29, s19  }
0x77: {  	p0 =	por p3, p3;
	s22 =	simm.s32 @!p5 $0x80;
	vm1 =	vgt.s32 @!p4 v2, $0x0;
	s19 =	sshll.u32 @!p4 s25, $0x9  }
0x78: {  	vm0 =	vgt.u32 v3, v0;
	(v2sf) =	vpush v4, $0x1;
	s20 =	sadd.s32 @!p4 $0x1, s25;
	s26 =	sshll.u32 @!p5 s24, $0x4;
	s24 =	sadd.s32 s23, s13;
	v3 =	vnsel @!p4 vm1, $0x0, v2  }
0x79: {  	(v2sf) =	vpush v4, $0x0;
	s19 =	sshra.s32 @!p4 s19, $0x2;
	v2 =	vmovc v1;
	v1 =	vmov v4;
	s20 =	smov.u32 @p4 s25;
	s23 =	sadd.s32 @!p5 s2, s26;
	v3 =	vmin.u32 @!p4 v3, $0x30D3F  }
0x7a: {  	_ = 	snop  }
0x7b: {  	p6 =	por p1, p1;
	s21 =	simm.s32 $0x1  }
0x7c: {  	s21 =	simm.s32 @!p6 $0x2  }
0x7d: {  	v4 =	vmov s21  }
0x7e: {  	vm1 =	vgt.u32 v4, v0  }
0x7f: {  	v4 =	vld.msk [tilespmem:s24+$0x0 ss:$0x1], vm0;
	_ =	sdelay $0x2  }
0x80: {  	s17 =	sshra.s32 s17, $0x2;
	s21 =	spop (v2sf)  }
0x81: {  	s17 =	sadd.s32 s17, s13;
	(v2sf) =	vpush @!p4 v3, $0x0;
	s21 =	simm.s32 @p2 $0xFFFFFFFF;
	s31 =	spop (v2sf)  }
0x82: {  	p2 =	seq.s32 s31, s21;
	(v2sf) =	vpush v4, $0x1;
	v3 =	vld.msk [tilespmem:s17+$0x0 ss:$0x1], vm1  }
0x83: {  	vm0 =	vgt.s32 @!p2 v2, $0x0;
	(v2sf) =	vpush v4, $0x0  }
0x84: {  	v2 =	vnsel @!p2 vm0, $0x0, v2  }
0x85: {  	[tilespmem:s16], [sflag:$0x1] =	stream.strided.gather @!p5 [hbm:s23], $0x80, s22, s22, $0x38;
	v2 =	vmin.u32 @!p2 v2, $0x30D3F;
	[tilespmem:$0x19640] =	vst v63  }
0x86: {  	s22 =	sld [smem:$0x7FC];
	(v2sf) =	vpush @!p2 v2, $0x0  }
0x87: {  	(v2sf) =	vpush v3, $0x1  }
0x88: {  	p0 =	por p0, p0;
	(v2sf) =	vpush v3, $0x0  }
0x89: {  	s17 =	spop @!p3 (v2sf);
	p3 =	seq.s32 s22, $0x1;
	s22 =	sld [smem:$0x7FD]  }
0x8a: {  	p1 =	por p3, p3;
	s17 =	sshll.u32 @!p0 s17, $0x4  }
0x8b: {  	p1 =	por p1, p1;
	s17 =	sadd.s32 @!p0 s2, s17  }
0x8c: {  	p5 =	seq.s32 s22, $0x1;
	s22 =	simm.s32 @!p0 $0x80;
	s16 =	spop (v2sf)  }
0x8d: {  	[tilespmem:s18], [sflag:$0x1] =	stream.strided.gather @!p0 [hbm:s17], $0x80, s22, s22, $0x38;
	[tilespmem:$0x19640] =	vst v63  }
0x8e: {  	s23 =	spop (v2sf);
	s16 =	simm.s32 @p1 $0xFFFFFFFF  }
0x8f: {  	p3 =	por p5, p5;
	p1 =	seq.s32 s23, s16  }
0x90: {  	p3 =	por p3, p3;
	vm0 =	vgt.s32 @!p1 v1, $0x0;
	s16 =	spop @!p4 (v2sf)  }
0x91: {  	p0 =	por p3, p3;
	v1 =	vnsel @!p1 vm0, $0x0, v1;
	s17 =	spop (v2sf)  }
0x92: {  	v1 =	vmin.u32 @!p1 v1, $0x30D3F;
	s17 =	simm.s32 @p0 $0xFFFFFFFF;
	s24 =	spop (v2sf)  }
0x93: {  	(v2sf) =	vpush @!p1 v1, $0x0;
	p0 =	seq.s32 s24, s17  }
0x94: {  	p5 =	por p6, p6;
	vm0 =	vgt.s32 @!p0 v4, $0x0  }
0x95: {  	p3 =	por p5, p5;
	s17 =	spop @!p2 (v2sf);
	v1 =	vnsel @!p0 vm0, $0x0, v4  }
0x96: {  	p3 =	por p3, p3;
	v1 =	vmin.u32 @!p0 v1, $0x30D3F;
	s18 =	spop (v2sf)  }
0x97: {  	p6 =	por p4, p4;
	(v2sf) =	vpush @!p0 v1, $0x0;
	s18 =	simm.s32 @p3 $0xFFFFFFFF;
	s25 =	spop (v2sf)  }
0x98: {  	p5 =	por p6, p6;
	p3 =	seq.s32 s25, s18  }
0x99: {  	p6 =	por p2, p2;
	s16 =	sshll.u32 @!p5 s16, $0x4;
	vm0 =	vgt.s32 @!p3 v3, $0x0  }
0x9a: {  	s16 =	sadd.s32 @!p5 s2, s16;
	s18 =	sadd.s32 @!p4 s19, s14;
	s19 =	simm.s32 @!p5 $0x80;
	v1 =	vnsel @!p3 vm0, $0x0, v3  }
0x9b: {  	[tilespmem:s18], [sflag:$0x1] =	stream.strided.gather @!p5 [hbm:s16], $0x80, s19, s19, $0x38;
	v1 =	vmin.u32 @!p3 v1, $0x30D3F;
	[tilespmem:$0x19640] =	vst v63  }
0x9c: {  	p4 =	por p6, p6;
	s16 =	sshll.u32 @!p2 s20, $0x9;
	(v2sf) =	vpush @!p3 v1, $0x0  }
0x9d: {  	s18 =	sadd.s32 @!p2 $0x1, s20;
	s17 =	sshll.u32 @!p4 s17, $0x4;
	s19 =	simm.s32 @!p4 $0x80  }
0x9e: {  	p5 =	por p0, p0;
	p6 =	por p3, p3;
	s16 =	sshra.s32 @!p2 s16, $0x2  }
0x9f: {  	s18 =	smov.u32 @p2 s20;
	s17 =	sadd.s32 @!p4 s2, s17;
	s16 =	sadd.s32 @!p2 s16, s14  }
0xa0: {  	[tilespmem:s16], [sflag:$0x1] =	stream.strided.gather @!p4 [hbm:s17], $0x80, s19, s19, $0x38;
	[tilespmem:$0x19640] =	vst v63  }
0xa1: {  	s16 =	sshll.u32 @!p1 s18, $0x9;
	p4 =	por p1, p1;
	s17 =	sadd.s32 @!p1 $0x1, s18  }
0xa2: {  	s19 =	spop @!p1 (v2sf);
	p2 =	por p4, p4;
	s16 =	sshra.s32 @!p1 s16, $0x2  }
0xa3: {  	s17 =	smov.u32 @p1 s18;
	s18 =	sshll.u32 @!p2 s19, $0x4;
	s16 =	sadd.s32 @!p1 s16, s14  }
0xa4: {  	s19 =	simm.s32 @!p2 $0x80;
	p1 =	por p5, p5;
	s18 =	sadd.s32 @!p2 s2, s18  }
0xa5: {  	[tilespmem:s16], [sflag:$0x1] =	stream.strided.gather @!p2 [hbm:s18], $0x80, s19, s19, $0x38;
	[tilespmem:$0x19640] =	vst v63  }
0xa6: {  	s16 =	sshll.u32 @!p0 s17, $0x9;
	s18 =	sadd.s32 @!p0 $0x1, s17;
	s19 =	spop @!p0 (v2sf)  }
0xa7: {  	s16 =	sshra.s32 @!p0 s16, $0x2;
	s18 =	smov.u32 @p0 s17;
	s17 =	sshll.u32 @!p1 s19, $0x4  }
0xa8: {  	s16 =	sadd.s32 @!p0 s16, s14;
	s19 =	simm.s32 @!p1 $0x80;
	s17 =	sadd.s32 @!p1 s2, s17  }
0xa9: {  	[tilespmem:s16], [sflag:$0x1] =	stream.strided.gather @!p1 [hbm:s17], $0x80, s19, s19, $0x38;
	[tilespmem:$0x19640] =	vst v63  }
0xaa: {  	p0 =	por p6, p6;
	s16 =	sshll.u32 @!p3 s18, $0x9  }
0xab: {  	s17 =	sadd.s32 @!p3 $0x1, s18;
	s16 =	sshra.s32 @!p3 s16, $0x2;
	s19 =	spop @!p3 (v2sf)  }
0xac: {  	s17 =	smov.u32 @p3 s18;
	s16 =	sadd.s32 @!p3 s16, s14;
	s18 =	sshll.u32 @!p0 s19, $0x4  }
0xad: {  	s26 =	sshll.u32 s17, $0x7;
	s19 =	simm.s32 @!p0 $0x80;
	s18 =	sadd.s32 @!p0 s2, s18  }
0xae: {  	[tilespmem:s16], [sflag:$0x1] =	stream.strided.gather @!p0 [hbm:s18], $0x80, s19, s19, $0x38;
	[tilespmem:$0x19640] =	vst v63  }
0xaf: {  	s16 =	sand.u32 $0x3FFFFF80, s26  }
0xb0: {  	_ =	swait.ge [sflag:s4], s16  }
0xb1: {  	s16 =	ssub.s32 $0x0, s16;
	[sflag:s4] =	ssyncset.done $0x0  }
0xb2: {  	s28 =	sadd.s32 $0x0, s15;
	[sflag:s4] =	ssyncadd.s32 s16  }
0xb3: {  	v1 =	vld.msk [tilespmem:s28+$0x0 ss:$0x1], $0x1;
	_ =	sdelay $0x4  }
0xb4: {  	(v2sf) =	vpush v1, $0x0;
	_ =	sdelay $0xa  }
0xb5: {  	p0 =	por $0x0, $0x0;
	s16 =	simm.s32 $0x1  }
0xb6: {  	s16 =	simm.s32 @!p0 $0x2  }
0xb7: {  	v1 =	vmov s16  }
0xb8: {  	vm15 =	vgt.u32 v1, v0  }
0xb9: {  	s29 =	spop (v2sf)  }
0xba: {  	s16 =	sshll.u32 s29, $0x4  }
0xbb: {  	s16 =	sand.u32 $0x1FFFFFF0, s16  }
0xbc: {  	s30 =	sadd.s32 $0x0, s14;
	s31 =	sadd.s32 $0x0, s13;
	s16 =	sadd.s32 s7, s16  }
0xbd: {  	[hbm:s16] =	stream.strided.scatter [tilespmem:s30], [sflag:$0x3], $0x80, s11, s11, $0x38;
	[tilespmem:$0x19640] =	vst v63  }
0xbe: {  	s17 =	simm.s32 $0x1;
	s18 =	simm.s32 $0x4;
	v1 =	vld.msk [tilespmem:s31+$0x0 ss:$0x1], vm15  }
0xbf: {  	s19 =	simm.s32 $0x8;
	p0 =	por p0, p0;
	s16 =	simm.s32 $0x0  }
.LBB2_5:
0xc0: {  	p1 =	sne.s32 s19, $0x63C;
	s20 =	sadd.s32 s17, s15  }
0xc1: {  	v2 =	vld.msk [tilespmem:s20+$0x0 ss:$0x1], $0x1;
	_ =	sdelay $0x1  }
0xc2: {  	(v2sf) =	vpush v1, $0x1  }
0xc3: {  	(v2sf) =	vpush v1, $0x0;
	_ =	sdelay $0x2  }
0xc4: {  	(v2sf) =	vpush v2, $0x0;
	_ =	sdelay $0x9  }
0xc5: {  	p2 =	seq.s32 s18, $0x63C;
	s18 =	smov.u32 s19;
	s20 =	simm.s32 $0x1  }
0xc6: {  	s20 =	simm.s32 @!p2 $0x2;
	s21 =	spop (v2sf)  }
0xc7: {  	s21 =	simm.s32 @p0 $0xFFFFFFFF;
	s22 =	spop (v2sf);
	p0 =	por p2, p2  }
0xc8: {  	v1 =	vmov s20;
	s20 =	simm.s32 $0x1;
	p2 =	sne.s32 s22, s21  }
0xc9: {  	vm0 =	vgt.u32 v1, v0;
	s20 =	simm.s32 @!p2 $0x0  }
0xca: {  	s21 =	spop (v2sf);
	s16 =	sadd.s32 s20, s16  }
0xcb: {  	s20 =	sshll.u32 s21, $0x4;
	s21 =	sshll.u32 s16, $0x9  }
0xcc: {  	s17 =	sadd.s32 s17, s13;
	s20 =	sand.u32 $0x1FFFFFF0, s20;
	s21 =	sshra.s32 s21, $0x2  }
.Ltmp4:
0xcd: {  	s21 =	sadd.s32 s21, s14;
	s20 =	sadd.s32 s7, s20;
	(pc) =	sbr.rel @p1 .LBB2_5-.Ltmp4, $3  }
0xce: {  	[hbm:s20] =	stream.strided.scatter [tilespmem:s21], [sflag:$0x3], $0x80, s11, s11, $0x38;
	[tilespmem:$0x19640] =	vst v63  }
0xcf: {  	v1 =	vld.msk [tilespmem:s17+$0x0 ss:$0x1], vm0;
	_ =	sdelay $0x1  }
0xd0: {  	s19 =	sadd.s32 $0x4, s19;
	s17 =	sshra.s32 s18, $0x2  }
.Ltmp5:
0xd1: {  	_ = 	snop;
	(pc) =	sbr.rel .LBB2_6-.Ltmp5, $1  }
0xd2: {  	_ =	sdelay $0x3  }
.LBB2_8:
0xd3: {  	_ =	sfence.sel $0x180000  }
0xd4: {  	s2 =	simm.s32 $0x2;
	[bflag:$0x0] =	sbarrier.arrive $0xFFFF  }
0xd5: {  	s30 =	simm.s32 $0x3;
	[sflag:s2] =	ssyncpa.u1 $0x1  }
0xd6: {  	s31 =	simm.s32 $0x1;
	[sflag:s30] =	ssyncpa.u1 $0x1  }
0xd7: {  	[sflag:s31] =	ssyncpa.u1 $0x1  }
0xd8: {  	p0 =	sne.s32 s1, $0x0;
	_ =	strace $0x90000050  }
0xd9: {  	s0 =	sadd.s32 @!p0 $0x100000, s0;
	[bflag:$0x2] =	sbarrier.arrive $0xFFFF  }
0xda: {  	[sflag:s0] =	ssyncadd.tile.s32 @!p0 $0x1;
	_ =	shalt  }
.Lfunc_end2:
_tile_overlayer_lowered:
.L_overlay_start_2:
0xdb: {  	(tag) =	ssettag $0x2  }
0xdc: {  	s0 =	rddreg [dreg:$0x0];
	s2 =	stileid.u32  }
0xdd: {  	s1 =	rddreg [dreg:$0x1];
	p0 =	sne.s32 s2, $0x0  }
0xde: {  	s3 =	rddreg [dreg:$0x2];
	[bflag:$0x3] =	sbarrier.arrive $0xFFFF;
	s2 =	simm.s32 @!p0 $0x1C01  }
0xdf: {  	[timem:s3], [sflag:s2] =	dma.local @!p0 [hbm:s0], s1  }
0xe0: {  	s0 =	simm.s32 @!p0 $0x1  }
0xe1: {  	_ =	swait.ge @!p0 [sflag:s0], s1  }
0xe2: {  	s1 =	ssub.s32 @!p0 $0x0, s1;
	[sflag:s0] =	ssyncset.done @!p0 $0x0  }
0xe3: {  	[sflag:s0] =	ssyncadd.s32 @!p0 s1  }
0xe4: {  	[bflag:$0x3] =	sbarrier.arrive $0xFFFF  }
0xe5: {  	_ =	shalt  }

// kernel: gather_offload_async_start.2
scs
__scs_entry_jumppad:
0x0: {  	(pc) =	sbr.rel $0x88, $3  }
0x1: {  	(tag) =	ssettag $0x0;
	lr =	simm.s32 $0x1  }
0x2: {  	[smem:$0x3F8C] =	sst lr;
	_ =	strace $0xD0000000  }
0x3: {  	_ = 	snop  }
0x4: {  	_ = 	snop  }
0x5: {  	_ = 	snop  }
0x6: {  	_ = 	snop  }
0x7: {  	_ = 	snop  }
__scs_overlays_trampoline_lowered:
0x8: {  	[smem:$0x3F9B] =	sst s0  }
0x9: {  	[smem:$0x3F9C] =	sst s1  }
0xa: {  	[smem:$0x3F9D] =	sst s2  }
0xb: {  	[smem:$0x3F9E] =	sst s3  }
0xc: {  	[smem:$0x3F9F] =	sst s4  }
0xd: {  	[smem:$0x3FA0] =	sst s5  }
0xe: {  	[smem:$0x3FA1] =	sst s6  }
0xf: {  	[smem:$0x3FA2] =	sst s7  }
0x10: {  	[smem:$0x3FA3] =	sst s8  }
0x11: {  	[smem:$0x3FA4] =	sst s9;
	s0 =	simm.s32 @!p0 $0x0  }
0x12: {  	s1 =	sld [smem:$0x3F8A];
	s0 =	simm.s32 @p0 $0x1  }
0x13: {  	[smem:$0x3FA5] =	sst s0;
	s0 =	simm.s32 @!p1 $0x0  }
0x14: {  	s2 =	sld [smem:$0x3F89];
	s0 =	simm.s32 @p1 $0x1  }
0x15: {  	[smem:$0x3FA6] =	sst s0;
	s0 =	simm.s32 @!p2 $0x0  }
0x16: {  	s3 =	sld [smem:$0x3FDB];
	s0 =	simm.s32 @p2 $0x1  }
0x17: {  	s4 =	simm.s32 $0x1BF5;
	[smem:$0x3FA8] =	sst s0  }
0x18: {  	s0 =	sld [smem:$0x3F8B];
	_ =	swait.ge [sflag:s4], $0x0  }
0x19: {  	s7 =	sld [smem:$0x3F8C]  }
0x1a: {  	s8 =	sadd.s32 $0xFFFFE003, lr  }
0x1b: {  	s9 =	sadd.s32 $0xFFFFFEF7, lr;
	s5 =	simm.s32 $0xFFFFFFFF;
	p2 =	slt.u32 s8, $0xFFFFF086  }
0x1c: {  	p1 =	slt.u32 s9, $0xF7A;
	s5 =	simm.s32 @!p2 $0x0  }
0x1d: {  	s5 =	simm.s32 @p1 $0x1;
	p0 =	seq.s32 s7, s2  }
0x1e: {  	s7 =	smul.u32 @!p0 $0xF7A, s2;
	p2 =	seq.s32 @!p0 s5, $0x0  }
0x1f: {  	s9 =	smul.u32 $0xF7A, s1;
	s8 =	simm.s32 @!p0 $0x1BF5;
	p2 =	por !p2, p0  }
0x20: {  	[sflag:s8] =	ssyncset.s32 @!p0 $0xFFFFF086;
	s6 =	sadd.s32 @!p0 s3, s7;
	s7 =	simm.s32 @!p0 $0x108  }
0x21: {  	s3 =	sadd.s32 s3, s9;
	s6 =	sadd.s32 @!p0 $0x88, s6;
	s7 =	simm.s32 @p2 $0x1082  }
0x22: {  	[simem:s7], [sflag:s8] =	dma.local @!p0 [hbm:s6], $0xF7A  }
0x23: {  	s9 =	sor.u32 $0xD0000000, s2;
	s6 =	simm.s32 $0x108;
	_ =	swait.ge @!p0 [sflag:s8], $0x0  }
0x24: {  	s3 =	sadd.s32 $0x88, s3;
	s6 =	simm.s32 @!p1 $0x1082;
	[sflag:s4] =	ssyncset.s32 $0xFFFFF086  }
0x25: {  	[simem:s6], [sflag:s4] =	dma.local [hbm:s3], $0xF7A  }
0x26: {  	[smem:$0x3F8C] =	sst s1;
	(tag) =	ssettag s2;
	_ =	strace s9  }
0x27: {  	s1 =	sld [smem:$0x3F9C]  }
0x28: {  	s2 =	sld [smem:$0x3F9D]  }
0x29: {  	s4 =	sld [smem:$0x3F9F]  }
0x2a: {  	p0 =	seq.s32 s5, $0x0;
	s5 =	sld [smem:$0x3FA0]  }
0x2b: {  	s6 =	sld [smem:$0x3FA1]  }
0x2c: {  	s7 =	sld [smem:$0x3FA2]  }
0x2d: {  	s3 =	simm.s32 $0x108;
	s8 =	sld [smem:$0x3FA3]  }
0x2e: {  	s3 =	simm.s32 @!p0 $0x1082;
	s9 =	sld [smem:$0x3FA4]  }
0x2f: {  	lr =	sadd.s32 s0, s3;
	s0 =	sld [smem:$0x3F9B]  }
0x30: {  	s3 =	sld [smem:$0x3F9E]  }
0x31: {  	[smem:$0x3FA7] =	sst s10  }
0x32: {  	s10 =	sld [smem:$0x3FA5];
	_ =	sdelay $0x3  }
0x33: {  	p0 =	seq.s32 s10, $0x1;
	s10 =	sld [smem:$0x3FA7];
	_ =	sdelay $0x3  }
0x34: {  	[smem:$0x3FA7] =	sst s10  }
0x35: {  	s10 =	sld [smem:$0x3FA6];
	_ =	sdelay $0x3  }
0x36: {  	p1 =	seq.s32 s10, $0x1;
	s10 =	sld [smem:$0x3FA7];
	_ =	sdelay $0x3  }
0x37: {  	[smem:$0x3FA7] =	sst s10  }
0x38: {  	s10 =	sld [smem:$0x3FA8]  }
0x39: {  	_ = 	snop;
	(pc) =	sbr.ind lr, $3  }
0x3a: {  	_ = 	snop  }
0x3b: {  	_ = 	snop  }
0x3c: {  	p2 =	seq.s32 s10, $0x1;
	s10 =	sld [smem:$0x3FA7]  }
0x3d: {  	_ =	shalt  }
0x3e: {  	_ =	shalt  }
0x3f: {  	_ =	shalt  }
0x40: {  	_ =	shalt  }
0x41: {  	_ =	shalt  }
0x42: {  	_ =	shalt  }
0x43: {  	_ =	shalt  }
0x44: {  	_ =	shalt  }
0x45: {  	_ =	shalt  }
0x46: {  	_ =	shalt  }
0x47: {  	_ =	shalt  }
0x48: {  	_ =	shalt  }
0x49: {  	_ =	shalt  }
0x4a: {  	_ =	shalt  }
0x4b: {  	_ =	shalt  }
0x4c: {  	_ =	shalt  }
0x4d: {  	_ =	shalt  }
0x4e: {  	_ =	shalt  }
0x4f: {  	_ =	shalt  }
0x50: {  	_ =	shalt  }
0x51: {  	_ =	shalt  }
0x52: {  	_ =	shalt  }
0x53: {  	_ =	shalt  }
0x54: {  	_ =	shalt  }
0x55: {  	_ =	shalt  }
0x56: {  	_ =	shalt  }
0x57: {  	_ =	shalt  }
0x58: {  	_ =	shalt  }
0x59: {  	_ =	shalt  }
0x5a: {  	_ =	shalt  }
0x5b: {  	_ =	shalt  }
0x5c: {  	_ =	shalt  }
0x5d: {  	_ =	shalt  }
0x5e: {  	_ =	shalt  }
0x5f: {  	_ =	shalt  }
0x60: {  	_ =	shalt  }
0x61: {  	_ =	shalt  }
0x62: {  	_ =	shalt  }
0x63: {  	_ =	shalt  }
0x64: {  	_ =	shalt  }
0x65: {  	_ =	shalt  }
0x66: {  	_ =	shalt  }
0x67: {  	_ =	shalt  }
0x68: {  	_ =	shalt  }
0x69: {  	_ =	shalt  }
0x6a: {  	_ =	shalt  }
0x6b: {  	_ =	shalt  }
0x6c: {  	_ =	shalt  }
0x6d: {  	_ =	shalt  }
0x6e: {  	_ =	shalt  }
0x6f: {  	_ =	shalt  }
0x70: {  	_ =	shalt  }
0x71: {  	_ =	shalt  }
0x72: {  	_ =	shalt  }
0x73: {  	_ =	shalt  }
0x74: {  	_ =	shalt  }
0x75: {  	_ =	shalt  }
0x76: {  	_ =	shalt  }
0x77: {  	_ =	shalt  }
0x78: {  	_ =	shalt  }
0x79: {  	_ =	shalt  }
0x7a: {  	_ =	shalt  }
0x7b: {  	_ =	shalt  }
0x7c: {  	_ =	shalt  }
0x7d: {  	_ =	shalt  }
0x7e: {  	_ =	shalt  }
0x7f: {  	_ =	shalt  }
0x80: {  	_ =	shalt  }
0x81: {  	_ =	shalt  }
0x82: {  	_ =	shalt  }
0x83: {  	_ =	shalt  }
0x84: {  	_ =	shalt  }
0x85: {  	_ =	shalt  }
0x86: {  	_ =	shalt  }
0x87: {  	_ =	shalt  }
.Lfunc_end0:
.L_simem_size_0:
called_computation.5_lowered:
.L_overlay_start_0:
0x88: {  	s2 =	sld [smem:$0x3FD9]  }
0x89: {  	s3 =	sld [smem:$0x3FFE];
	_ =	sdelay $0x1  }
0x8a: {  	s1 =	srdreg.scid  }
0x8b: {  	s0 =	sand.u32 $0x1, s1  }
0x8c: {  	s16 =	sshll.u32 s0, $0xA;
	s2 =	sadd.s32 s3, s2  }
0x8d: {  	s2 =	sadd.s32 s2, s16  }
0x8e: {  	[smem:$0x3FB3] =	sst s2  }
0x8f: {  	_ = 	snop  }
0x90: {  	(tm) =	ssettm $0x1  }
0x91: {  	s17 =	sld [smem:$0x3FFB];
	_ =	sdelay $0x3  }
0x92: {  	_ =	strace s17  }
0x93: {  	s2 =	sld [smem:$0x3FFC];
	_ =	sdelay $0x3  }
0x94: {  	_ =	strace s2  }
0x95: {  	s2 =	sld [smem:$0x3FFD];
	_ =	sdelay $0x3  }
0x96: {  	_ =	strace s2  }
0x97: {  	_ =	strace $0x8FFFFFFF  }
0x98: {  	s18 =	sld [smem:$0x3FDB];
	_ =	sdelay $0x1  }
0x99: {  	s19 =	simm.s32 $_scs_section_size  }
0x9a: {  	s4 =	simm.s32 $_size__tile_overlayer_lowered;
	s5 =	simm.s32 $_tile_overlayer_lowered  }
0x9b: {  	s22 =	simm.s32 $0x1BFF;
	s21 =	sshll.u32 s5, $0x1;
	s2 =	sadd.s32 s19, s18  }
0x9c: {  	s6 =	simm.s32 $0x0;
	s20 =	sshll.u32 s4, $0x1;
	s4 =	sadd.s32 s21, s2  }
0x9d: {  	[timem:s6], [sflag:s22] =	dma.local [hbm:s4], s20  }
0x9e: {  	_ =	swait.ge [sflag:s22], s20  }
0x9f: {  	s3 =	ssub.s32 $0x0, s20;
	[sflag:s22] =	ssyncset.done $0x0  }
0xa0: {  	[sflag:s22] =	ssyncadd.s32 s3;
	_ =	sdelay $0x1  }
0xa1: {  	s23 =	simm.s32 $0x1B8B  }
0xa2: {  	_ =	swait.ge [sflag:s23], $0x1  }
0xa3: {  	[sflag:s23] =	ssyncset.done $0x0  }
0xa4: {  	s25 =	simm.s32 $0x1B8E;
	s24 =	sld [smem:$0x3FFE];
	[sflag:s23] =	ssyncadd.s32 $0xFFFFFFFF  }
0xa5: {  	s26 =	simm.s32 $execute0_lowered;
	[smem:$0x3FD2] =	sst s25  }
0xa6: {  	s4 =	sshll.u32 s26, $0x1;
	_ =	strace $0x80000058;
	[dreg:$0x1] =	wrdreg $0xFFFFFFFF  }
0xa7: {  	s28 =	simm.s32 $_size_execute0_lowered;
	s2 =	sadd.s32 s2, s4;
	[dreg:$0x0] =	wrdreg $0x0  }
0xa8: {  	s4 =	sshll.u32 s28, $0x1;
	[dreg:$0x2] =	wrdreg s2  }
0xa9: {  	[dreg:$0x3] =	wrdreg s4  }
0xaa: {  	[dreg:$0x4] =	wrdreg $0xC0  }
0xab: {  	_ =	task [dreg:s6], $0x5FFFF  }
0xac: {  	[dreg:$0x1] =	wrdreg $0xFFFFFFFF  }
0xad: {  	[dreg:$0x0] =	wrdreg $0x60  }
0xae: {  	[dreg:$0x2] =	wrdreg s24  }
0xaf: {  	[dreg:$0x3] =	wrdreg $0x9  }
0xb0: {  	_ =	task.clear_ibuf [dreg:s6], $0x4FFFF;
	_ =	strace $0x90000058  }
0xb1: {  	s29 =	simm.s32 $0x9;
	_ =	strace $0x8000005A  }
0xb2: {  	_ =	swait.ge [sflag:s29], $0x1  }
0xb3: {  	[sflag:s29] =	ssyncadd.s32 $0xFFFFFFFF  }
0xb4: {  	_ =	strace $0x9000005A  }
0xb5: {  	_ =	sfence  }
0xb6: {  	s30 =	sld [smem:$0x0];
	_ =	sdelay $0x2  }
0xb7: {  	s31 =	sshll.u32 s1, $0xD;
	s1 =	sshrl.u32 s1, $0x2  }
0xb8: {  	s3 =	sand.u32 $0x4000, s31;
	s1 =	sadd.s32 s1, s30  }
0xb9: {  	s0 =	sor.u32 s3, s0;
	s1 =	sshll.u32 s1, $0x11  }
0xba: {  	s0 =	sor.u32 s1, s0  }
0xbb: {  	s0 =	sadd.s32 $0x8F2B, s0  }
0xbc: {  	[sflag:s0] =	ssyncadd.remote.s32 $0x1  }
0xbd: {  	_ =	sfence.sel $0xFFFF  }
0xbe: {  	[dreg:$0x0] =	wrdreg $0xFFFFFFFF;
	(pc) =	sbr.abs _section_cstart, $3  }
0xbf: {  	[dreg:$0x1] =	wrdreg $0xFFFFFFFF  }
0xc0: {  	_ =	task.clear_ibuf [dreg:s6], $0x2FFFF;
	_ =	strace $0x9FFFFFFF  }
0xc1: {  	(tm) =	ssettm $0x7FFFFFFF  }
tec
execute0_lowered:
.L_overlay_start_1:
0x0: {  	(tag) =	ssettag $0x1  }
0x1: {  	s8 =	rddreg [dreg:$0x0]  }
0x2: {  	s0 =	rddreg [dreg:$0x1];
	s1 =	srdreg.scid;
	_ =	strace $0x80000059  }
0x3: {  	s4 =	simm.s32 $0x1;
	s6 =	simm.s32 $0x2;
	s10 =	simm.s32 $0x3  }
0x4: {  	p3 =	por $0x0, $0x0;
	s11 =	simm.s32 $0x80;
	s3 =	sshll.u32 s1, $0x4  }
.Ltmp0:
0x5: {  	s1 =	stileid.u32;
	s5 =	sand.u32 $0x10, s3;
	(pc) =	sbr.rel .LBB2_1-.Ltmp0, $4  }
0x6: {  	s2 =	sadd.s32 $0xCFAA00, s8;
	[sflag:s4] =	ssyncpa.u1 $0x0;
	s5 =	sor.u32 s1, s5  }
0x7: {  	s7 =	sadd.s32 $0x694B800, s8;
	[sflag:s6] =	ssyncpa.u1 $0x0;
	s5 =	smul.u32 $0x30D40, s5  }
0x8: {  	s3 =	sadd.s32 $0x2400, s8;
	s8 =	sadd.s32 $0xC5A00, s8;
	[sflag:s10] =	ssyncpa.u1 $0x0  }
0x9: {  	v0 =	vlaneseq.u32;
	s10 =	simm.s32 $0x0;
	s9 =	sadd.s32 $0x30D40, s5;
	s12 =	smov.u32 s5  }
.LBB2_6:
0xa: {  	s15 =	sadd.s32 s17, s15  }
0xb: {  	v2 =	vld.msk [tilespmem:s15+$0x0 ss:$0x1], $0x1  }
0xc: {  	(v2sf) =	vpush v1, $0x1  }
0xd: {  	(v2sf) =	vpush v1, $0x0;
	_ =	sdelay $0x2  }
0xe: {  	(v2sf) =	vpush v2, $0x0;
	_ =	sdelay $0xa  }
0xf: {  	p1 =	seq.s32 s18, $0x63C;
	s15 =	simm.s32 $0x1;
	s18 =	spop (v2sf)  }
0x10: {  	s15 =	simm.s32 @!p1 $0x2;
	s18 =	simm.s32 @p0 $0xFFFFFFFF;
	s19 =	spop (v2sf)  }
0x11: {  	v1 =	vmov s15;
	s15 =	simm.s32 $0x1;
	p0 =	sne.s32 s19, s18  }
0x12: {  	vm0 =	vgt.u32 v1, v0;
	s15 =	simm.s32 @!p0 $0x0  }
0x13: {  	s15 =	sadd.s32 s15, s16;
	s26 =	spop (v2sf)  }
0x14: {  	s15 =	sshll.u32 s15, $0x9;
	s28 =	sshll.u32 s26, $0x4  }
0x15: {  	s15 =	sshra.s32 s15, $0x2;
	s16 =	sand.u32 $0x1FFFFFF0, s28  }
0x16: {  	s13 =	sadd.s32 s17, s13;
	s14 =	sadd.s32 s15, s14;
	s29 =	sadd.s32 s7, s16  }
0x17: {  	[hbm:s29] =	stream.strided.scatter [tilespmem:s14], [sflag:$0x3], $0x80, s11, s11, $0x38;
	[tilespmem:$0x19640] =	vst v63  }
0x18: {  	v1 =	vld.msk [tilespmem:s13+$0x0 ss:$0x1], vm0;
	_ =	sdelay $0x4  }
0x19: {  	(v2sf) =	vpush v1, $0x1  }
0x1a: {  	(v2sf) =	vpush v1, $0x0;
	_ =	sdelay $0xb  }
0x1b: {  	s13 =	sld [smem:$0x7FB];
	_ =	sdelay $0x1  }
0x1c: {  	s30 =	spop (v2sf)  }
0x1d: {  	p3 =	seq.s32 s13, $0x1;
	s31 =	spop (v2sf)  }
.LBB2_7:
0x1e: {  	p0 =	slt.u32 s10, $0x2;
	s10 =	sadd.s32 $0x1, s10  }
0x1f: {  	p2 =	sne.s32 s10, $0x1F6  }
.Ltmp1:
0x20: {  	_ = 	snop;
	(pc) =	sbr.rel @!p2 .LBB2_8-.Ltmp1, $4  }
0x21: {  	s13 =	simm.s32 @!p0 $0x3  }
0x22: {  	s14 =	sadd.s32 $0x190, s12;
	_ =	swait.ge @!p0 [sflag:s13], $0xC800  }
0x23: {  	s12 =	smov.u32 s5;
	p1 =	slt.s32 s14, s9;
	[sflag:s13] =	ssyncset.done @!p0 $0x0  }
0x24: {  	p3 =	por !p3, !p3;
	s12 =	smov.u32 @p1 s14;
	[sflag:s13] =	ssyncadd.s32 @!p0 $0xFFFF3800  }
.LBB2_1:
0x25: {  	p0 =	sgt.u32 s10, $0x1F3  }
0x26: {  	s13 =	sxor.u32 @!p0 $0xFFFFFFFF, s10  }
0x27: {  	s13 =	sand.u32 @!p0 $0x1, s13  }
0x28: {  	s14 =	sshrl.u32 @!p0 s12, $0x3;
	s13 =	smul.u32 @!p0 $0x190, s13  }
0x29: {  	s16 =	sand.u32 @!p0 $0x7, s12;
	s15 =	sadd.s32 @!p0 s3, s14  }
0x2a: {  	[tilespmem:s13], [sflag:$0x2] =	stream.linear.gather @!p0 [hbm4b:s15+s16], $0x190, $0x38;
	[tilespmem:$0x19640] =	vst v63  }
0x2b: {  	s31 =	sadd.s32 $0xFFFFFFFF, s10;
	s14 =	sadd.s32 @!p0 s8, s14;
	s13 =	sadd.s32 @!p0 $0x320, s13  }
0x2c: {  	[tilespmem:s13], [sflag:$0x2] =	stream.linear.gather @!p0 [hbm4b:s14+s16], $0x190, $0x38;
	[tilespmem:$0x19640] =	vst v63  }
0x2d: {  	p0 =	sgt.u32 s31, $0x1F3  }
.Ltmp2:
0x2e: {  	_ = 	snop;
	(pc) =	sbr.rel @p0 .LBB2_7-.Ltmp2, $1  }
0x2f: {  	_ =	sdelay $0x3  }
0x30: {  	p0 =	por $0x0, $0x0  }
0x31: {  	s13 =	simm.s32 $0x1;
	p0 =	por p0, p0  }
0x32: {  	s13 =	simm.s32 @!p0 $0x2  }
0x33: {  	v1 =	vmov s13  }
0x34: {  	s14 =	simm.s32 @!p3 $0x0;
	s13 =	simm.s32 $0x1;
	vm0 =	vgt.u32 v1, v0  }
0x35: {  	s14 =	simm.s32 @p3 $0x1;
	s13 =	simm.s32 @!p3 $0x0  }
0x36: {  	[smem:$0x7FB] =	sst s14;
	s13 =	smul.u32 $0x640, s13  }
0x37: {  	_ =	swait.ge [sflag:s6], $0x320  }
0x38: {  	[sflag:s6] =	ssyncset.done $0x0;
	s13 =	sshrl.u32 s13, $0x2  }
0x39: {  	[sflag:s6] =	ssyncadd.s32 $0xFFFFFCE0;
	s25 =	sadd.s32 $0x0, s13  }
0x3a: {  	p1 =	por $0x0, $0x0;
	v1 =	vld.msk [tilespmem:s25+$0x0 ss:$0x1], vm0  }
0x3b: {  	p1 =	por p1, p1;
	s14 =	simm.s32 $0x1  }
0x3c: {  	s14 =	simm.s32 @!p1 $0x2  }
0x3d: {  	v2 =	vmov s14  }
0x3e: {  	vm0 =	vgt.u32 v2, v0  }
0x3f: {  	(v2sf) =	vpush v1, $0x1  }
0x40: {  	(v2sf) =	vpush v1, $0x0  }
0x41: {  	p2 =	por $0x0, $0x0  }
0x42: {  	p2 =	por p2, p2;
	s14 =	simm.s32 $0x1  }
0x43: {  	s14 =	simm.s32 @!p2 $0x2;
	s26 =	sadd.s32 $0x1, s13  }
0x44: {  	v2 =	vmov s14;
	v3 =	vld.msk [tilespmem:s26+$0x0 ss:$0x1], vm0  }
0x45: {  	vm1 =	vgt.u32 v2, v0;
	_ =	sdelay $0x3  }
0x46: {  	(v2sf) =	vpush v3, $0x1  }
0x47: {  	s28 =	sadd.s32 $0x2, s13;
	(v2sf) =	vpush v3, $0x0  }
0x48: {  	v4 =	vld.msk [tilespmem:s28+$0x0 ss:$0x1], vm1  }
0x49: {  	p0 =	por p0, p0  }
0x4a: {  	p0 =	por p0, p0  }
0x4b: {  	s29 =	sand.u32 $0x1, s10;
	p0 =	por p0, p0;
	s14 =	spop (v2sf)  }
0x4c: {  	p5 =	por $0x0, $0x0;
	s14 =	simm.s32 @p0 $0xFFFFFFFF;
	s15 =	spop (v2sf)  }
0x4d: {  	s16 =	simm.s32 $0x1;
	s17 =	simm.s32 $0x0;
	(v2sf) =	vpush v4, $0x1;
	p0 =	seq.s32 s15, s14  }
0x4e: {  	p6 =	por $0x0, $0x0;
	s24 =	simm.s32 $0x1;
	p1 =	por p1, p1;
	vm0 =	vgt.s32 @!p0 v1, $0x0  }
0x4f: {  	p3 =	por p5, p5;
	p4 =	por p1, p1;
	p2 =	por p2, p2;
	(v2sf) =	vpush v4, $0x0;
	v1 =	vnsel @!p0 vm0, $0x0, v1  }
0x50: {  	p1 =	por p6, p6;
	s16 =	simm.s32 @!p3 $0x2;
	p2 =	por p2, p2;
	v1 =	vmin.u32 @!p0 v1, $0x30D3F  }
0x51: {  	p6 =	por p4, p4;
	p5 =	por p3, p3;
	p2 =	por p2, p2;
	(v2sf) =	vpush @!p0 v1, $0x0  }
0x52: {  	s19 =	sadd.s32 $0x3, s13;
	s30 =	sadd.s32 $0x4, s13;
	s14 =	smul.u32 $0x32000, s29;
	v1 =	vmov s16  }
0x53: {  	s15 =	sadd.s32 $0x320, s13;
	s18 =	simm.s32 @!p0 $0x1;
	s16 =	simm.s32 $0x1;
	vm0 =	vgt.u32 v1, v0  }
0x54: {  	p4 =	por p0, p0;
	s14 =	sshrl.u32 s14, $0x2;
	s16 =	simm.s32 @!p1 $0x2  }
0x55: {  	s18 =	smov.u32 @p0 s17;
	s17 =	simm.s32 $0x18;
	s20 =	spop (v2sf);
	v1 =	vmov s16  }
0x56: {  	s14 =	sor.u32 $0x640, s14;
	s20 =	simm.s32 @p6 $0xFFFFFFFF;
	s21 =	spop (v2sf);
	vm1 =	vgt.u32 v1, v0  }
0x57: {  	p6 =	por p5, p5;
	p1 =	por p1, p1;
	p3 =	seq.s32 s21, s20  }
0x58: {  	p5 =	por $0x0, $0x0;
	s16 =	sadd.s32 @!p0 $0x0, s14;
	s23 =	sadd.s32 @!p3 $0x1, s18  }
0x59: {  	s23 =	smov.u32 @p3 s18;
	v2 =	vld.msk [tilespmem:s19+$0x0 ss:$0x1], vm0;
	s19 =	sshll.u32 @!p3 s18, $0x9;
	s18 =	simm.s32 @!p1 $0x0  }
0x5a: {  	p5 =	por p5, p5;
	s21 =	simm.s32 $0x1C;
	s18 =	simm.s32 @p1 $0x1  }
0x5b: {  	s24 =	simm.s32 @!p5 $0x2;
	s19 =	sshra.s32 @!p3 s19, $0x2;
	[smem:$0x7FC] =	sst s18  }
0x5c: {  	p1 =	por $0x0, $0x0;
	s22 =	spop (v2sf);
	s18 =	simm.s32 @!p5 $0x0;
	v1 =	vld.msk [tilespmem:s30+$0x0 ss:$0x1], vm1  }
0x5d: {  	vm0 =	vgt.s32 @!p3 v3, $0x0;
	s22 =	simm.s32 @p2 $0xFFFFFFFF;
	s18 =	simm.s32 @p5 $0x1;
	p5 =	por p4, p4  }
0x5e: {  	v3 =	vnsel @!p3 vm0, $0x0, v3;
	s31 =	spop (v2sf);
	p2 =	por p6, p6;
	[smem:$0x7FD] =	sst s18;
	(v2sf) =	vpush v2, $0x1  }
0x5f: {  	v3 =	vmin.u32 @!p3 v3, $0x30D3F;
	s18 =	sadd.s32 @!p3 s19, s14;
	p4 =	seq.s32 s31, s22;
	s22 =	simm.s32 @!p5 $0x80;
	(v2sf) =	vpush v2, $0x0  }
0x60: {  	vm0 =	vgt.s32 @!p4 v4, $0x0;
	s19 =	sshll.u32 @!p4 s23, $0x9;
	s20 =	sadd.s32 @!p4 $0x1, s23;
	(v2sf) =	vpush @!p3 v3, $0x0;
	v3 =	vmov s24;
	s25 =	spop @!p0 (v2sf)  }
0x61: {  	v4 =	vnsel @!p4 vm0, $0x0, v4;
	s19 =	sshra.s32 @!p4 s19, $0x2;
	s20 =	smov.u32 @p4 s23;
	(v2sf) =	vpush v1, $0x1;
	vm0 =	vgt.u32 v3, v0;
	s25 =	sshll.u32 @!p5 s25, $0x4  }
0x62: {  	s24 =	sadd.s32 $0x5, s13;
	v3 =	vmin.u32 @!p4 v4, $0x30D3F;
	p0 =	por p3, p3;
	(v2sf) =	vpush v1, $0x0;
	s23 =	sadd.s32 @!p5 s2, s25  }
.LBB2_3:
0x63: {  	_ =	sdelay $0x1  }
0x64: {  	s26 =	sld [smem:$0x7FC]  }
0x65: {  	s25 =	simm.s32 @!p3 $0x0;
	s28 =	sld [smem:$0x7FD]  }
0x66: {  	v4 =	vld.msk [tilespmem:s24+$0x0 ss:$0x1], vm0;
	[tilespmem:s16], [sflag:$0x1] =	stream.strided.gather @!p5 [hbm:s23], $0x80, s22, s22, $0x38;
	[tilespmem:$0x19640] =	vst v63  }
0x67: {  	s31 =	smov.u32 s17;
	s17 =	smov.u32 s21;
	s25 =	simm.s32 @p3 $0x1  }
0x68: {  	(v2sf) =	vpush @!p4 v3, $0x0;
	p3 =	por p4, p4;
	p5 =	seq.s32 s26, $0x1;
	p4 =	seq.s32 s28, $0x1  }
0x69: {  	s16 =	smov.u32 s18;
	p6 =	por p5, p5;
	p5 =	por p4, p4  }
0x6a: {  	s21 =	sadd.s32 $0x4, s21;
	[smem:$0x7F9] =	sst s25;
	s18 =	simm.s32 @!p5 $0x0  }
0x6b: {  	s25 =	smov.u32 s20;
	p4 =	por p1, p1;
	s18 =	simm.s32 @p5 $0x1  }
0x6c: {  	s20 =	simm.s32 @!p4 $0x0;
	[smem:$0x7FC] =	sst s18;
	s18 =	simm.s32 $0x1  }
0x6d: {  	s20 =	simm.s32 @p4 $0x1;
	s18 =	simm.s32 @!p4 $0x2;
	p4 =	sne.s32 s21, $0x640  }
0x6e: {  	[smem:$0x7FD] =	sst s20;
	s20 =	simm.s32 @!p4 $0x0  }
0x6f: {  	s30 =	sld [smem:$0x7F9];
	s20 =	simm.s32 @p4 $0x1  }
0x70: {  	s23 =	sshra.s32 s31, $0x2;
	[smem:$0x7FA] =	sst s20  }
0x71: {  	v3 =	vmov s18;
	s18 =	sadd.s32 @!p3 s19, s14;
	s19 =	spop (v2sf);
	s31 =	sld [smem:$0x7FA]  }
0x72: {  	s19 =	simm.s32 @p2 $0xFFFFFFFF  }
0x73: {  	s29 =	spop (v2sf);
	p2 =	por p6, p6;
	p6 =	seq.s32 s30, $0x1  }
0x74: {  	s24 =	spop @!p6 (v2sf);
	p6 =	seq.s32 s31, $0x1  }
.Ltmp3:
0x75: {  	_ = 	snop;
	(pc) =	sbr.rel @p6 .LBB2_3-.Ltmp3, $4  }
0x76: {  	p1 =	seq.s32 s17, $0x63C;
	p5 =	por p0, p0;
	p4 =	seq.s32 s29, s19  }
0x77: {  	p0 =	por p3, p3;
	s22 =	simm.s32 @!p5 $0x80;
	vm1 =	vgt.s32 @!p4 v2, $0x0;
	s19 =	sshll.u32 @!p4 s25, $0x9  }
0x78: {  	vm0 =	vgt.u32 v3, v0;
	(v2sf) =	vpush v4, $0x1;
	s20 =	sadd.s32 @!p4 $0x1, s25;
	s26 =	sshll.u32 @!p5 s24, $0x4;
	s24 =	sadd.s32 s23, s13;
	v3 =	vnsel @!p4 vm1, $0x0, v2  }
0x79: {  	(v2sf) =	vpush v4, $0x0;
	s19 =	sshra.s32 @!p4 s19, $0x2;
	v2 =	vmovc v1;
	v1 =	vmov v4;
	s20 =	smov.u32 @p4 s25;
	s23 =	sadd.s32 @!p5 s2, s26;
	v3 =	vmin.u32 @!p4 v3, $0x30D3F  }
0x7a: {  	_ = 	snop  }
0x7b: {  	p6 =	por p1, p1;
	s21 =	simm.s32 $0x1  }
0x7c: {  	s21 =	simm.s32 @!p6 $0x2  }
0x7d: {  	v4 =	vmov s21  }
0x7e: {  	vm1 =	vgt.u32 v4, v0  }
0x7f: {  	v4 =	vld.msk [tilespmem:s24+$0x0 ss:$0x1], vm0;
	_ =	sdelay $0x2  }
0x80: {  	s17 =	sshra.s32 s17, $0x2;
	s21 =	spop (v2sf)  }
0x81: {  	s17 =	sadd.s32 s17, s13;
	(v2sf) =	vpush @!p4 v3, $0x0;
	s21 =	simm.s32 @p2 $0xFFFFFFFF;
	s31 =	spop (v2sf)  }
0x82: {  	p2 =	seq.s32 s31, s21;
	(v2sf) =	vpush v4, $0x1;
	v3 =	vld.msk [tilespmem:s17+$0x0 ss:$0x1], vm1  }
0x83: {  	vm0 =	vgt.s32 @!p2 v2, $0x0;
	(v2sf) =	vpush v4, $0x0  }
0x84: {  	v2 =	vnsel @!p2 vm0, $0x0, v2  }
0x85: {  	[tilespmem:s16], [sflag:$0x1] =	stream.strided.gather @!p5 [hbm:s23], $0x80, s22, s22, $0x38;
	v2 =	vmin.u32 @!p2 v2, $0x30D3F;
	[tilespmem:$0x19640] =	vst v63  }
0x86: {  	s22 =	sld [smem:$0x7FC];
	(v2sf) =	vpush @!p2 v2, $0x0  }
0x87: {  	(v2sf) =	vpush v3, $0x1  }
0x88: {  	p0 =	por p0, p0;
	(v2sf) =	vpush v3, $0x0  }
0x89: {  	s17 =	spop @!p3 (v2sf);
	p3 =	seq.s32 s22, $0x1;
	s22 =	sld [smem:$0x7FD]  }
0x8a: {  	p1 =	por p3, p3;
	s17 =	sshll.u32 @!p0 s17, $0x4  }
0x8b: {  	p1 =	por p1, p1;
	s17 =	sadd.s32 @!p0 s2, s17  }
0x8c: {  	p5 =	seq.s32 s22, $0x1;
	s22 =	simm.s32 @!p0 $0x80;
	s16 =	spop (v2sf)  }
0x8d: {  	[tilespmem:s18], [sflag:$0x1] =	stream.strided.gather @!p0 [hbm:s17], $0x80, s22, s22, $0x38;
	[tilespmem:$0x19640] =	vst v63  }
0x8e: {  	s23 =	spop (v2sf);
	s16 =	simm.s32 @p1 $0xFFFFFFFF  }
0x8f: {  	p3 =	por p5, p5;
	p1 =	seq.s32 s23, s16  }
0x90: {  	p3 =	por p3, p3;
	vm0 =	vgt.s32 @!p1 v1, $0x0;
	s16 =	spop @!p4 (v2sf)  }
0x91: {  	p0 =	por p3, p3;
	v1 =	vnsel @!p1 vm0, $0x0, v1;
	s17 =	spop (v2sf)  }
0x92: {  	v1 =	vmin.u32 @!p1 v1, $0x30D3F;
	s17 =	simm.s32 @p0 $0xFFFFFFFF;
	s24 =	spop (v2sf)  }
0x93: {  	(v2sf) =	vpush @!p1 v1, $0x0;
	p0 =	seq.s32 s24, s17  }
0x94: {  	p5 =	por p6, p6;
	vm0 =	vgt.s32 @!p0 v4, $0x0  }
0x95: {  	p3 =	por p5, p5;
	s17 =	spop @!p2 (v2sf);
	v1 =	vnsel @!p0 vm0, $0x0, v4  }
0x96: {  	p3 =	por p3, p3;
	v1 =	vmin.u32 @!p0 v1, $0x30D3F;
	s18 =	spop (v2sf)  }
0x97: {  	p6 =	por p4, p4;
	(v2sf) =	vpush @!p0 v1, $0x0;
	s18 =	simm.s32 @p3 $0xFFFFFFFF;
	s25 =	spop (v2sf)  }
0x98: {  	p5 =	por p6, p6;
	p3 =	seq.s32 s25, s18  }
0x99: {  	p6 =	por p2, p2;
	s16 =	sshll.u32 @!p5 s16, $0x4;
	vm0 =	vgt.s32 @!p3 v3, $0x0  }
0x9a: {  	s16 =	sadd.s32 @!p5 s2, s16;
	s18 =	sadd.s32 @!p4 s19, s14;
	s19 =	simm.s32 @!p5 $0x80;
	v1 =	vnsel @!p3 vm0, $0x0, v3  }
0x9b: {  	[tilespmem:s18], [sflag:$0x1] =	stream.strided.gather @!p5 [hbm:s16], $0x80, s19, s19, $0x38;
	v1 =	vmin.u32 @!p3 v1, $0x30D3F;
	[tilespmem:$0x19640] =	vst v63  }
0x9c: {  	p4 =	por p6, p6;
	s16 =	sshll.u32 @!p2 s20, $0x9;
	(v2sf) =	vpush @!p3 v1, $0x0  }
0x9d: {  	s18 =	sadd.s32 @!p2 $0x1, s20;
	s17 =	sshll.u32 @!p4 s17, $0x4;
	s19 =	simm.s32 @!p4 $0x80  }
0x9e: {  	p5 =	por p0, p0;
	p6 =	por p3, p3;
	s16 =	sshra.s32 @!p2 s16, $0x2  }
0x9f: {  	s18 =	smov.u32 @p2 s20;
	s17 =	sadd.s32 @!p4 s2, s17;
	s16 =	sadd.s32 @!p2 s16, s14  }
0xa0: {  	[tilespmem:s16], [sflag:$0x1] =	stream.strided.gather @!p4 [hbm:s17], $0x80, s19, s19, $0x38;
	[tilespmem:$0x19640] =	vst v63  }
0xa1: {  	s16 =	sshll.u32 @!p1 s18, $0x9;
	p4 =	por p1, p1;
	s17 =	sadd.s32 @!p1 $0x1, s18  }
0xa2: {  	s19 =	spop @!p1 (v2sf);
	p2 =	por p4, p4;
	s16 =	sshra.s32 @!p1 s16, $0x2  }
0xa3: {  	s17 =	smov.u32 @p1 s18;
	s18 =	sshll.u32 @!p2 s19, $0x4;
	s16 =	sadd.s32 @!p1 s16, s14  }
0xa4: {  	s19 =	simm.s32 @!p2 $0x80;
	p1 =	por p5, p5;
	s18 =	sadd.s32 @!p2 s2, s18  }
0xa5: {  	[tilespmem:s16], [sflag:$0x1] =	stream.strided.gather @!p2 [hbm:s18], $0x80, s19, s19, $0x38;
	[tilespmem:$0x19640] =	vst v63  }
0xa6: {  	s16 =	sshll.u32 @!p0 s17, $0x9;
	s18 =	sadd.s32 @!p0 $0x1, s17;
	s19 =	spop @!p0 (v2sf)  }
0xa7: {  	s16 =	sshra.s32 @!p0 s16, $0x2;
	s18 =	smov.u32 @p0 s17;
	s17 =	sshll.u32 @!p1 s19, $0x4  }
0xa8: {  	s16 =	sadd.s32 @!p0 s16, s14;
	s19 =	simm.s32 @!p1 $0x80;
	s17 =	sadd.s32 @!p1 s2, s17  }
0xa9: {  	[tilespmem:s16], [sflag:$0x1] =	stream.strided.gather @!p1 [hbm:s17], $0x80, s19, s19, $0x38;
	[tilespmem:$0x19640] =	vst v63  }
0xaa: {  	p0 =	por p6, p6;
	s16 =	sshll.u32 @!p3 s18, $0x9  }
0xab: {  	s17 =	sadd.s32 @!p3 $0x1, s18;
	s16 =	sshra.s32 @!p3 s16, $0x2;
	s19 =	spop @!p3 (v2sf)  }
0xac: {  	s17 =	smov.u32 @p3 s18;
	s16 =	sadd.s32 @!p3 s16, s14;
	s18 =	sshll.u32 @!p0 s19, $0x4  }
0xad: {  	s26 =	sshll.u32 s17, $0x7;
	s19 =	simm.s32 @!p0 $0x80;
	s18 =	sadd.s32 @!p0 s2, s18  }
0xae: {  	[tilespmem:s16], [sflag:$0x1] =	stream.strided.gather @!p0 [hbm:s18], $0x80, s19, s19, $0x38;
	[tilespmem:$0x19640] =	vst v63  }
0xaf: {  	s16 =	sand.u32 $0x3FFFFF80, s26  }
0xb0: {  	_ =	swait.ge [sflag:s4], s16  }
0xb1: {  	s16 =	ssub.s32 $0x0, s16;
	[sflag:s4] =	ssyncset.done $0x0  }
0xb2: {  	s28 =	sadd.s32 $0x0, s15;
	[sflag:s4] =	ssyncadd.s32 s16  }
0xb3: {  	v1 =	vld.msk [tilespmem:s28+$0x0 ss:$0x1], $0x1;
	_ =	sdelay $0x4  }
0xb4: {  	(v2sf) =	vpush v1, $0x0;
	_ =	sdelay $0xa  }
0xb5: {  	p0 =	por $0x0, $0x0;
	s16 =	simm.s32 $0x1  }
0xb6: {  	s16 =	simm.s32 @!p0 $0x2  }
0xb7: {  	v1 =	vmov s16  }
0xb8: {  	vm15 =	vgt.u32 v1, v0  }
0xb9: {  	s29 =	spop (v2sf)  }
0xba: {  	s16 =	sshll.u32 s29, $0x4  }
0xbb: {  	s16 =	sand.u32 $0x1FFFFFF0, s16  }
0xbc: {  	s30 =	sadd.s32 $0x0, s14;
	s31 =	sadd.s32 $0x0, s13;
	s16 =	sadd.s32 s7, s16  }
0xbd: {  	[hbm:s16] =	stream.strided.scatter [tilespmem:s30], [sflag:$0x3], $0x80, s11, s11, $0x38;
	[tilespmem:$0x19640] =	vst v63  }
0xbe: {  	s17 =	simm.s32 $0x1;
	s18 =	simm.s32 $0x4;
	v1 =	vld.msk [tilespmem:s31+$0x0 ss:$0x1], vm15  }
0xbf: {  	s19 =	simm.s32 $0x8;
	p0 =	por p0, p0;
	s16 =	simm.s32 $0x0  }
.LBB2_5:
0xc0: {  	p1 =	sne.s32 s19, $0x63C;
	s20 =	sadd.s32 s17, s15  }
0xc1: {  	v2 =	vld.msk [tilespmem:s20+$0x0 ss:$0x1], $0x1;
	_ =	sdelay $0x1  }
0xc2: {  	(v2sf) =	vpush v1, $0x1  }
0xc3: {  	(v2sf) =	vpush v1, $0x0;
	_ =	sdelay $0x2  }
0xc4: {  	(v2sf) =	vpush v2, $0x0;
	_ =	sdelay $0x9  }
0xc5: {  	p2 =	seq.s32 s18, $0x63C;
	s18 =	smov.u32 s19;
	s20 =	simm.s32 $0x1  }
0xc6: {  	s20 =	simm.s32 @!p2 $0x2;
	s21 =	spop (v2sf)  }
0xc7: {  	s21 =	simm.s32 @p0 $0xFFFFFFFF;
	s22 =	spop (v2sf);
	p0 =	por p2, p2  }
0xc8: {  	v1 =	vmov s20;
	s20 =	simm.s32 $0x1;
	p2 =	sne.s32 s22, s21  }
0xc9: {  	vm0 =	vgt.u32 v1, v0;
	s20 =	simm.s32 @!p2 $0x0  }
0xca: {  	s21 =	spop (v2sf);
	s16 =	sadd.s32 s20, s16  }
0xcb: {  	s20 =	sshll.u32 s21, $0x4;
	s21 =	sshll.u32 s16, $0x9  }
0xcc: {  	s17 =	sadd.s32 s17, s13;
	s20 =	sand.u32 $0x1FFFFFF0, s20;
	s21 =	sshra.s32 s21, $0x2  }
.Ltmp4:
0xcd: {  	s21 =	sadd.s32 s21, s14;
	s20 =	sadd.s32 s7, s20;
	(pc) =	sbr.rel @p1 .LBB2_5-.Ltmp4, $3  }
0xce: {  	[hbm:s20] =	stream.strided.scatter [tilespmem:s21], [sflag:$0x3], $0x80, s11, s11, $0x38;
	[tilespmem:$0x19640] =	vst v63  }
0xcf: {  	v1 =	vld.msk [tilespmem:s17+$0x0 ss:$0x1], vm0;
	_ =	sdelay $0x1  }
0xd0: {  	s19 =	sadd.s32 $0x4, s19;
	s17 =	sshra.s32 s18, $0x2  }
.Ltmp5:
0xd1: {  	_ = 	snop;
	(pc) =	sbr.rel .LBB2_6-.Ltmp5, $1  }
0xd2: {  	_ =	sdelay $0x3  }
.LBB2_8:
0xd3: {  	_ =	sfence.sel $0x180000  }
0xd4: {  	s2 =	simm.s32 $0x2;
	[bflag:$0x0] =	sbarrier.arrive $0xFFFF  }
0xd5: {  	s30 =	simm.s32 $0x3;
	[sflag:s2] =	ssyncpa.u1 $0x1  }
0xd6: {  	s31 =	simm.s32 $0x1;
	[sflag:s30] =	ssyncpa.u1 $0x1  }
0xd7: {  	[sflag:s31] =	ssyncpa.u1 $0x1  }
0xd8: {  	p0 =	sne.s32 s1, $0x0;
	_ =	strace $0x90000059  }
0xd9: {  	s0 =	sadd.s32 @!p0 $0x100000, s0;
	[bflag:$0x2] =	sbarrier.arrive $0xFFFF  }
0xda: {  	[sflag:s0] =	ssyncadd.tile.s32 @!p0 $0x1;
	_ =	shalt  }
.Lfunc_end2:
_tile_overlayer_lowered:
.L_overlay_start_2:
0xdb: {  	(tag) =	ssettag $0x2  }
0xdc: {  	s0 =	rddreg [dreg:$0x0];
	s2 =	stileid.u32  }
0xdd: {  	s1 =	rddreg [dreg:$0x1];
	p0 =	sne.s32 s2, $0x0  }
0xde: {  	s3 =	rddreg [dreg:$0x2];
	[bflag:$0x3] =	sbarrier.arrive $0xFFFF;
	s2 =	simm.s32 @!p0 $0x1C01  }
0xdf: {  	[timem:s3], [sflag:s2] =	dma.local @!p0 [hbm:s0], s1  }
0xe0: {  	s0 =	simm.s32 @!p0 $0x1  }
0xe1: {  	_ =	swait.ge @!p0 [sflag:s0], s1  }
0xe2: {  	s1 =	ssub.s32 @!p0 $0x0, s1;
	[sflag:s0] =	ssyncset.done @!p0 $0x0  }
0xe3: {  	[sflag:s0] =	ssyncadd.s32 @!p0 s1  }
0xe4: {  	[bflag:$0x3] =	sbarrier.arrive $0xFFFF  }
0xe5: {  	_ =	shalt  }

// kernel: gather_offload_async_start
scs
__scs_entry_jumppad:
0x0: {  	(pc) =	sbr.rel $0x88, $3  }
0x1: {  	(tag) =	ssettag $0x0;
	lr =	simm.s32 $0x1  }
0x2: {  	[smem:$0x3F8C] =	sst lr;
	_ =	strace $0xD0000000  }
0x3: {  	_ = 	snop  }
0x4: {  	_ = 	snop  }
0x5: {  	_ = 	snop  }
0x6: {  	_ = 	snop  }
0x7: {  	_ = 	snop  }
__scs_overlays_trampoline_lowered:
0x8: {  	[smem:$0x3F9B] =	sst s0  }
0x9: {  	[smem:$0x3F9C] =	sst s1  }
0xa: {  	[smem:$0x3F9D] =	sst s2  }
0xb: {  	[smem:$0x3F9E] =	sst s3  }
0xc: {  	[smem:$0x3F9F] =	sst s4  }
0xd: {  	[smem:$0x3FA0] =	sst s5  }
0xe: {  	[smem:$0x3FA1] =	sst s6  }
0xf: {  	[smem:$0x3FA2] =	sst s7  }
0x10: {  	[smem:$0x3FA3] =	sst s8  }
0x11: {  	[smem:$0x3FA4] =	sst s9;
	s0 =	simm.s32 @!p0 $0x0  }
0x12: {  	s1 =	sld [smem:$0x3F8A];
	s0 =	simm.s32 @p0 $0x1  }
0x13: {  	[smem:$0x3FA5] =	sst s0;
	s0 =	simm.s32 @!p1 $0x0  }
0x14: {  	s2 =	sld [smem:$0x3F89];
	s0 =	simm.s32 @p1 $0x1  }
0x15: {  	[smem:$0x3FA6] =	sst s0;
	s0 =	simm.s32 @!p2 $0x0  }
0x16: {  	s3 =	sld [smem:$0x3FDB];
	s0 =	simm.s32 @p2 $0x1  }
0x17: {  	s4 =	simm.s32 $0x1BF5;
	[smem:$0x3FA8] =	sst s0  }
0x18: {  	s0 =	sld [smem:$0x3F8B];
	_ =	swait.ge [sflag:s4], $0x0  }
0x19: {  	s7 =	sld [smem:$0x3F8C]  }
0x1a: {  	s8 =	sadd.s32 $0xFFFFE003, lr  }
0x1b: {  	s9 =	sadd.s32 $0xFFFFFEF7, lr;
	s5 =	simm.s32 $0xFFFFFFFF;
	p2 =	slt.u32 s8, $0xFFFFF086  }
0x1c: {  	p1 =	slt.u32 s9, $0xF7A;
	s5 =	simm.s32 @!p2 $0x0  }
0x1d: {  	s5 =	simm.s32 @p1 $0x1;
	p0 =	seq.s32 s7, s2  }
0x1e: {  	s7 =	smul.u32 @!p0 $0xF7A, s2;
	p2 =	seq.s32 @!p0 s5, $0x0  }
0x1f: {  	s9 =	smul.u32 $0xF7A, s1;
	s8 =	simm.s32 @!p0 $0x1BF5;
	p2 =	por !p2, p0  }
0x20: {  	[sflag:s8] =	ssyncset.s32 @!p0 $0xFFFFF086;
	s6 =	sadd.s32 @!p0 s3, s7;
	s7 =	simm.s32 @!p0 $0x108  }
0x21: {  	s3 =	sadd.s32 s3, s9;
	s6 =	sadd.s32 @!p0 $0x88, s6;
	s7 =	simm.s32 @p2 $0x1082  }
0x22: {  	[simem:s7], [sflag:s8] =	dma.local @!p0 [hbm:s6], $0xF7A  }
0x23: {  	s9 =	sor.u32 $0xD0000000, s2;
	s6 =	simm.s32 $0x108;
	_ =	swait.ge @!p0 [sflag:s8], $0x0  }
0x24: {  	s3 =	sadd.s32 $0x88, s3;
	s6 =	simm.s32 @!p1 $0x1082;
	[sflag:s4] =	ssyncset.s32 $0xFFFFF086  }
0x25: {  	[simem:s6], [sflag:s4] =	dma.local [hbm:s3], $0xF7A  }
0x26: {  	[smem:$0x3F8C] =	sst s1;
	(tag) =	ssettag s2;
	_ =	strace s9  }
0x27: {  	s1 =	sld [smem:$0x3F9C]  }
0x28: {  	s2 =	sld [smem:$0x3F9D]  }
0x29: {  	s4 =	sld [smem:$0x3F9F]  }
0x2a: {  	p0 =	seq.s32 s5, $0x0;
	s5 =	sld [smem:$0x3FA0]  }
0x2b: {  	s6 =	sld [smem:$0x3FA1]  }
0x2c: {  	s7 =	sld [smem:$0x3FA2]  }
0x2d: {  	s3 =	simm.s32 $0x108;
	s8 =	sld [smem:$0x3FA3]  }
0x2e: {  	s3 =	simm.s32 @!p0 $0x1082;
	s9 =	sld [smem:$0x3FA4]  }
0x2f: {  	lr =	sadd.s32 s0, s3;
	s0 =	sld [smem:$0x3F9B]  }
0x30: {  	s3 =	sld [smem:$0x3F9E]  }
0x31: {  	[smem:$0x3FA7] =	sst s10  }
0x32: {  	s10 =	sld [smem:$0x3FA5];
	_ =	sdelay $0x3  }
0x33: {  	p0 =	seq.s32 s10, $0x1;
	s10 =	sld [smem:$0x3FA7];
	_ =	sdelay $0x3  }
0x34: {  	[smem:$0x3FA7] =	sst s10  }
0x35: {  	s10 =	sld [smem:$0x3FA6];
	_ =	sdelay $0x3  }
0x36: {  	p1 =	seq.s32 s10, $0x1;
	s10 =	sld [smem:$0x3FA7];
	_ =	sdelay $0x3  }
0x37: {  	[smem:$0x3FA7] =	sst s10  }
0x38: {  	s10 =	sld [smem:$0x3FA8]  }
0x39: {  	_ = 	snop;
	(pc) =	sbr.ind lr, $3  }
0x3a: {  	_ = 	snop  }
0x3b: {  	_ = 	snop  }
0x3c: {  	p2 =	seq.s32 s10, $0x1;
	s10 =	sld [smem:$0x3FA7]  }
0x3d: {  	_ =	shalt  }
0x3e: {  	_ =	shalt  }
0x3f: {  	_ =	shalt  }
0x40: {  	_ =	shalt  }
0x41: {  	_ =	shalt  }
0x42: {  	_ =	shalt  }
0x43: {  	_ =	shalt  }
0x44: {  	_ =	shalt  }
0x45: {  	_ =	shalt  }
0x46: {  	_ =	shalt  }
0x47: {  	_ =	shalt  }
0x48: {  	_ =	shalt  }
0x49: {  	_ =	shalt  }
0x4a: {  	_ =	shalt  }
0x4b: {  	_ =	shalt  }
0x4c: {  	_ =	shalt  }
0x4d: {  	_ =	shalt  }
0x4e: {  	_ =	shalt  }
0x4f: {  	_ =	shalt  }
0x50: {  	_ =	shalt  }
0x51: {  	_ =	shalt  }
0x52: {  	_ =	shalt  }
0x53: {  	_ =	shalt  }
0x54: {  	_ =	shalt  }
0x55: {  	_ =	shalt  }
0x56: {  	_ =	shalt  }
0x57: {  	_ =	shalt  }
0x58: {  	_ =	shalt  }
0x59: {  	_ =	shalt  }
0x5a: {  	_ =	shalt  }
0x5b: {  	_ =	shalt  }
0x5c: {  	_ =	shalt  }
0x5d: {  	_ =	shalt  }
0x5e: {  	_ =	shalt  }
0x5f: {  	_ =	shalt  }
0x60: {  	_ =	shalt  }
0x61: {  	_ =	shalt  }
0x62: {  	_ =	shalt  }
0x63: {  	_ =	shalt  }
0x64: {  	_ =	shalt  }
0x65: {  	_ =	shalt  }
0x66: {  	_ =	shalt  }
0x67: {  	_ =	shalt  }
0x68: {  	_ =	shalt  }
0x69: {  	_ =	shalt  }
0x6a: {  	_ =	shalt  }
0x6b: {  	_ =	shalt  }
0x6c: {  	_ =	shalt  }
0x6d: {  	_ =	shalt  }
0x6e: {  	_ =	shalt  }
0x6f: {  	_ =	shalt  }
0x70: {  	_ =	shalt  }
0x71: {  	_ =	shalt  }
0x72: {  	_ =	shalt  }
0x73: {  	_ =	shalt  }
0x74: {  	_ =	shalt  }
0x75: {  	_ =	shalt  }
0x76: {  	_ =	shalt  }
0x77: {  	_ =	shalt  }
0x78: {  	_ =	shalt  }
0x79: {  	_ =	shalt  }
0x7a: {  	_ =	shalt  }
0x7b: {  	_ =	shalt  }
0x7c: {  	_ =	shalt  }
0x7d: {  	_ =	shalt  }
0x7e: {  	_ =	shalt  }
0x7f: {  	_ =	shalt  }
0x80: {  	_ =	shalt  }
0x81: {  	_ =	shalt  }
0x82: {  	_ =	shalt  }
0x83: {  	_ =	shalt  }
0x84: {  	_ =	shalt  }
0x85: {  	_ =	shalt  }
0x86: {  	_ =	shalt  }
0x87: {  	_ =	shalt  }
.Lfunc_end0:
.L_simem_size_0:
called_computation.3_lowered:
.L_overlay_start_0:
0x88: {  	s2 =	sld [smem:$0x3FD9]  }
0x89: {  	s3 =	sld [smem:$0x3FFE];
	_ =	sdelay $0x1  }
0x8a: {  	s1 =	srdreg.scid  }
0x8b: {  	s0 =	sand.u32 $0x1, s1  }
0x8c: {  	s16 =	sshll.u32 s0, $0xA;
	s2 =	sadd.s32 s3, s2  }
0x8d: {  	s2 =	sadd.s32 s2, s16  }
0x8e: {  	[smem:$0x3FB3] =	sst s2  }
0x8f: {  	_ = 	snop  }
0x90: {  	(tm) =	ssettm $0x1  }
0x91: {  	s17 =	sld [smem:$0x3FFB];
	_ =	sdelay $0x3  }
0x92: {  	_ =	strace s17  }
0x93: {  	s2 =	sld [smem:$0x3FFC];
	_ =	sdelay $0x3  }
0x94: {  	_ =	strace s2  }
0x95: {  	s2 =	sld [smem:$0x3FFD];
	_ =	sdelay $0x3  }
0x96: {  	_ =	strace s2  }
0x97: {  	_ =	strace $0x8FFFFFFF  }
0x98: {  	s18 =	sld [smem:$0x3FDB];
	_ =	sdelay $0x1  }
0x99: {  	s19 =	simm.s32 $_scs_section_size  }
0x9a: {  	s4 =	simm.s32 $_size__tile_overlayer_lowered;
	s5 =	simm.s32 $_tile_overlayer_lowered  }
0x9b: {  	s22 =	simm.s32 $0x1BFF;
	s21 =	sshll.u32 s5, $0x1;
	s2 =	sadd.s32 s19, s18  }
0x9c: {  	s6 =	simm.s32 $0x0;
	s20 =	sshll.u32 s4, $0x1;
	s4 =	sadd.s32 s21, s2  }
0x9d: {  	[timem:s6], [sflag:s22] =	dma.local [hbm:s4], s20  }
0x9e: {  	_ =	swait.ge [sflag:s22], s20  }
0x9f: {  	s3 =	ssub.s32 $0x0, s20;
	[sflag:s22] =	ssyncset.done $0x0  }
0xa0: {  	[sflag:s22] =	ssyncadd.s32 s3;
	_ =	sdelay $0x1  }
0xa1: {  	s23 =	simm.s32 $0x1B8B  }
0xa2: {  	_ =	swait.ge [sflag:s23], $0x1  }
0xa3: {  	[sflag:s23] =	ssyncset.done $0x0  }
0xa4: {  	s25 =	simm.s32 $0x1B8E;
	s24 =	sld [smem:$0x3FFE];
	[sflag:s23] =	ssyncadd.s32 $0xFFFFFFFF  }
0xa5: {  	s26 =	simm.s32 $execute0_lowered;
	[smem:$0x3FD2] =	sst s25  }
0xa6: {  	s4 =	sshll.u32 s26, $0x1;
	_ =	strace $0x80000046;
	[dreg:$0x1] =	wrdreg $0xFFFFFFFF  }
0xa7: {  	s28 =	simm.s32 $_size_execute0_lowered;
	s2 =	sadd.s32 s2, s4;
	[dreg:$0x0] =	wrdreg $0x0  }
0xa8: {  	s4 =	sshll.u32 s28, $0x1;
	[dreg:$0x2] =	wrdreg s2  }
0xa9: {  	[dreg:$0x3] =	wrdreg s4  }
0xaa: {  	[dreg:$0x4] =	wrdreg $0xC0  }
0xab: {  	_ =	task [dreg:s6], $0x5FFFF  }
0xac: {  	[dreg:$0x1] =	wrdreg $0xFFFFFFFF  }
0xad: {  	[dreg:$0x0] =	wrdreg $0x60  }
0xae: {  	[dreg:$0x2] =	wrdreg s24  }
0xaf: {  	[dreg:$0x3] =	wrdreg $0x9  }
0xb0: {  	_ =	task.clear_ibuf [dreg:s6], $0x4FFFF;
	_ =	strace $0x90000046  }
0xb1: {  	s29 =	simm.s32 $0x9;
	_ =	strace $0x80000048  }
0xb2: {  	_ =	swait.ge [sflag:s29], $0x1  }
0xb3: {  	[sflag:s29] =	ssyncadd.s32 $0xFFFFFFFF  }
0xb4: {  	_ =	strace $0x90000048  }
0xb5: {  	_ =	sfence  }
0xb6: {  	s30 =	sld [smem:$0x0];
	_ =	sdelay $0x2  }
0xb7: {  	s31 =	sshll.u32 s1, $0xD;
	s1 =	sshrl.u32 s1, $0x2  }
0xb8: {  	s3 =	sand.u32 $0x4000, s31;
	s1 =	sadd.s32 s1, s30  }
0xb9: {  	s0 =	sor.u32 s3, s0;
	s1 =	sshll.u32 s1, $0x11  }
0xba: {  	s0 =	sor.u32 s1, s0  }
0xbb: {  	s0 =	sadd.s32 $0x8F2B, s0  }
0xbc: {  	[sflag:s0] =	ssyncadd.remote.s32 $0x1  }
0xbd: {  	_ =	sfence.sel $0xFFFF  }
0xbe: {  	[dreg:$0x0] =	wrdreg $0xFFFFFFFF;
	(pc) =	sbr.abs _section_cstart, $3  }
0xbf: {  	[dreg:$0x1] =	wrdreg $0xFFFFFFFF  }
0xc0: {  	_ =	task.clear_ibuf [dreg:s6], $0x2FFFF;
	_ =	strace $0x9FFFFFFF  }
0xc1: {  	(tm) =	ssettm $0x7FFFFFFF  }
tec
execute0_lowered:
.L_overlay_start_1:
0x0: {  	(tag) =	ssettag $0x1  }
0x1: {  	s8 =	rddreg [dreg:$0x0]  }
0x2: {  	s0 =	rddreg [dreg:$0x1];
	s1 =	srdreg.scid;
	_ =	strace $0x80000047  }
0x3: {  	s4 =	simm.s32 $0x1;
	s6 =	simm.s32 $0x2;
	s10 =	simm.s32 $0x3  }
0x4: {  	p3 =	por $0x0, $0x0;
	s11 =	simm.s32 $0x80;
	s3 =	sshll.u32 s1, $0x4  }
.Ltmp0:
0x5: {  	s1 =	stileid.u32;
	s5 =	sand.u32 $0x10, s3;
	(pc) =	sbr.rel .LBB2_1-.Ltmp0, $4  }
0x6: {  	s2 =	sadd.s32 $0x3D2E00, s8;
	[sflag:s4] =	ssyncpa.u1 $0x0;
	s5 =	sor.u32 s1, s5  }
0x7: {  	s7 =	sadd.s32 $0x6E0200, s8;
	[sflag:s6] =	ssyncpa.u1 $0x0;
	s5 =	smul.u32 $0x30D40, s5  }
0x8: {  	s3 =	sadd.s32 $0xC5A00, s8;
	s8 =	sadd.s32 $0x2400, s8;
	[sflag:s10] =	ssyncpa.u1 $0x0  }
0x9: {  	v0 =	vlaneseq.u32;
	s10 =	simm.s32 $0x0;
	s9 =	sadd.s32 $0x30D40, s5;
	s12 =	smov.u32 s5  }
.LBB2_6:
0xa: {  	s15 =	sadd.s32 s17, s15  }
0xb: {  	v2 =	vld.msk [tilespmem:s15+$0x0 ss:$0x1], $0x1  }
0xc: {  	(v2sf) =	vpush v1, $0x1  }
0xd: {  	(v2sf) =	vpush v1, $0x0;
	_ =	sdelay $0x2  }
0xe: {  	(v2sf) =	vpush v2, $0x0;
	_ =	sdelay $0xa  }
0xf: {  	p1 =	seq.s32 s18, $0x63C;
	s15 =	simm.s32 $0x1;
	s18 =	spop (v2sf)  }
0x10: {  	s15 =	simm.s32 @!p1 $0x2;
	s18 =	simm.s32 @p0 $0xFFFFFFFF;
	s19 =	spop (v2sf)  }
0x11: {  	v1 =	vmov s15;
	s15 =	simm.s32 $0x1;
	p0 =	sne.s32 s19, s18  }
0x12: {  	vm0 =	vgt.u32 v1, v0;
	s15 =	simm.s32 @!p0 $0x0  }
0x13: {  	s15 =	sadd.s32 s15, s16;
	s26 =	spop (v2sf)  }
0x14: {  	s15 =	sshll.u32 s15, $0x9;
	s28 =	sshll.u32 s26, $0x4  }
0x15: {  	s15 =	sshra.s32 s15, $0x2;
	s16 =	sand.u32 $0x1FFFFFF0, s28  }
0x16: {  	s13 =	sadd.s32 s17, s13;
	s14 =	sadd.s32 s15, s14;
	s29 =	sadd.s32 s7, s16  }
0x17: {  	[hbm:s29] =	stream.strided.scatter [tilespmem:s14], [sflag:$0x3], $0x80, s11, s11, $0x38;
	[tilespmem:$0x19640] =	vst v63  }
0x18: {  	v1 =	vld.msk [tilespmem:s13+$0x0 ss:$0x1], vm0;
	_ =	sdelay $0x4  }
0x19: {  	(v2sf) =	vpush v1, $0x1  }
0x1a: {  	(v2sf) =	vpush v1, $0x0;
	_ =	sdelay $0xb  }
0x1b: {  	s13 =	sld [smem:$0x7FB];
	_ =	sdelay $0x1  }
0x1c: {  	s30 =	spop (v2sf)  }
0x1d: {  	p3 =	seq.s32 s13, $0x1;
	s31 =	spop (v2sf)  }
.LBB2_7:
0x1e: {  	p0 =	slt.u32 s10, $0x2;
	s10 =	sadd.s32 $0x1, s10  }
0x1f: {  	p2 =	sne.s32 s10, $0x1F6  }
.Ltmp1:
0x20: {  	_ = 	snop;
	(pc) =	sbr.rel @!p2 .LBB2_8-.Ltmp1, $4  }
0x21: {  	s13 =	simm.s32 @!p0 $0x3  }
0x22: {  	s14 =	sadd.s32 $0x190, s12;
	_ =	swait.ge @!p0 [sflag:s13], $0xC800  }
0x23: {  	s12 =	smov.u32 s5;
	p1 =	slt.s32 s14, s9;
	[sflag:s13] =	ssyncset.done @!p0 $0x0  }
0x24: {  	p3 =	por !p3, !p3;
	s12 =	smov.u32 @p1 s14;
	[sflag:s13] =	ssyncadd.s32 @!p0 $0xFFFF3800  }
.LBB2_1:
0x25: {  	p0 =	sgt.u32 s10, $0x1F3  }
0x26: {  	s13 =	sxor.u32 @!p0 $0xFFFFFFFF, s10  }
0x27: {  	s13 =	sand.u32 @!p0 $0x1, s13  }
0x28: {  	s14 =	sshrl.u32 @!p0 s12, $0x3;
	s13 =	smul.u32 @!p0 $0x190, s13  }
0x29: {  	s16 =	sand.u32 @!p0 $0x7, s12;
	s15 =	sadd.s32 @!p0 s3, s14  }
0x2a: {  	[tilespmem:s13], [sflag:$0x2] =	stream.linear.gather @!p0 [hbm4b:s15+s16], $0x190, $0x38;
	[tilespmem:$0x19640] =	vst v63  }
0x2b: {  	s31 =	sadd.s32 $0xFFFFFFFF, s10;
	s14 =	sadd.s32 @!p0 s8, s14;
	s13 =	sadd.s32 @!p0 $0x320, s13  }
0x2c: {  	[tilespmem:s13], [sflag:$0x2] =	stream.linear.gather @!p0 [hbm4b:s14+s16], $0x190, $0x38;
	[tilespmem:$0x19640] =	vst v63  }
0x2d: {  	p0 =	sgt.u32 s31, $0x1F3  }
.Ltmp2:
0x2e: {  	_ = 	snop;
	(pc) =	sbr.rel @p0 .LBB2_7-.Ltmp2, $1  }
0x2f: {  	_ =	sdelay $0x3  }
0x30: {  	p0 =	por $0x0, $0x0  }
0x31: {  	s13 =	simm.s32 $0x1;
	p0 =	por p0, p0  }
0x32: {  	s13 =	simm.s32 @!p0 $0x2  }
0x33: {  	v1 =	vmov s13  }
0x34: {  	s14 =	simm.s32 @!p3 $0x0;
	s13 =	simm.s32 $0x1;
	vm0 =	vgt.u32 v1, v0  }
0x35: {  	s14 =	simm.s32 @p3 $0x1;
	s13 =	simm.s32 @!p3 $0x0  }
0x36: {  	[smem:$0x7FB] =	sst s14;
	s13 =	smul.u32 $0x640, s13  }
0x37: {  	_ =	swait.ge [sflag:s6], $0x320  }
0x38: {  	[sflag:s6] =	ssyncset.done $0x0;
	s13 =	sshrl.u32 s13, $0x2  }
0x39: {  	[sflag:s6] =	ssyncadd.s32 $0xFFFFFCE0;
	s25 =	sadd.s32 $0x0, s13  }
0x3a: {  	p1 =	por $0x0, $0x0;
	v1 =	vld.msk [tilespmem:s25+$0x0 ss:$0x1], vm0  }
0x3b: {  	p1 =	por p1, p1;
	s14 =	simm.s32 $0x1  }
0x3c: {  	s14 =	simm.s32 @!p1 $0x2  }
0x3d: {  	v2 =	vmov s14  }
0x3e: {  	vm0 =	vgt.u32 v2, v0  }
0x3f: {  	(v2sf) =	vpush v1, $0x1  }
0x40: {  	(v2sf) =	vpush v1, $0x0  }
0x41: {  	p2 =	por $0x0, $0x0  }
0x42: {  	p2 =	por p2, p2;
	s14 =	simm.s32 $0x1  }
0x43: {  	s14 =	simm.s32 @!p2 $0x2;
	s26 =	sadd.s32 $0x1, s13  }
0x44: {  	v2 =	vmov s14;
	v3 =	vld.msk [tilespmem:s26+$0x0 ss:$0x1], vm0  }
0x45: {  	vm1 =	vgt.u32 v2, v0;
	_ =	sdelay $0x3  }
0x46: {  	(v2sf) =	vpush v3, $0x1  }
0x47: {  	s28 =	sadd.s32 $0x2, s13;
	(v2sf) =	vpush v3, $0x0  }
0x48: {  	v4 =	vld.msk [tilespmem:s28+$0x0 ss:$0x1], vm1  }
0x49: {  	p0 =	por p0, p0  }
0x4a: {  	p0 =	por p0, p0  }
0x4b: {  	s29 =	sand.u32 $0x1, s10;
	p0 =	por p0, p0;
	s14 =	spop (v2sf)  }
0x4c: {  	p5 =	por $0x0, $0x0;
	s14 =	simm.s32 @p0 $0xFFFFFFFF;
	s15 =	spop (v2sf)  }
0x4d: {  	s16 =	simm.s32 $0x1;
	s17 =	simm.s32 $0x0;
	(v2sf) =	vpush v4, $0x1;
	p0 =	seq.s32 s15, s14  }
0x4e: {  	p6 =	por $0x0, $0x0;
	s24 =	simm.s32 $0x1;
	p1 =	por p1, p1;
	vm0 =	vgt.s32 @!p0 v1, $0x0  }
0x4f: {  	p3 =	por p5, p5;
	p4 =	por p1, p1;
	p2 =	por p2, p2;
	(v2sf) =	vpush v4, $0x0;
	v1 =	vnsel @!p0 vm0, $0x0, v1  }
0x50: {  	p1 =	por p6, p6;
	s16 =	simm.s32 @!p3 $0x2;
	p2 =	por p2, p2;
	v1 =	vmin.u32 @!p0 v1, $0x30D3F  }
0x51: {  	p6 =	por p4, p4;
	p5 =	por p3, p3;
	p2 =	por p2, p2;
	(v2sf) =	vpush @!p0 v1, $0x0  }
0x52: {  	s19 =	sadd.s32 $0x3, s13;
	s30 =	sadd.s32 $0x4, s13;
	s14 =	smul.u32 $0x32000, s29;
	v1 =	vmov s16  }
0x53: {  	s15 =	sadd.s32 $0x320, s13;
	s18 =	simm.s32 @!p0 $0x1;
	s16 =	simm.s32 $0x1;
	vm0 =	vgt.u32 v1, v0  }
0x54: {  	p4 =	por p0, p0;
	s14 =	sshrl.u32 s14, $0x2;
	s16 =	simm.s32 @!p1 $0x2  }
0x55: {  	s18 =	smov.u32 @p0 s17;
	s17 =	simm.s32 $0x18;
	s20 =	spop (v2sf);
	v1 =	vmov s16  }
0x56: {  	s14 =	sor.u32 $0x640, s14;
	s20 =	simm.s32 @p6 $0xFFFFFFFF;
	s21 =	spop (v2sf);
	vm1 =	vgt.u32 v1, v0  }
0x57: {  	p6 =	por p5, p5;
	p1 =	por p1, p1;
	p3 =	seq.s32 s21, s20  }
0x58: {  	p5 =	por $0x0, $0x0;
	s16 =	sadd.s32 @!p0 $0x0, s14;
	s23 =	sadd.s32 @!p3 $0x1, s18  }
0x59: {  	s23 =	smov.u32 @p3 s18;
	v2 =	vld.msk [tilespmem:s19+$0x0 ss:$0x1], vm0;
	s19 =	sshll.u32 @!p3 s18, $0x9;
	s18 =	simm.s32 @!p1 $0x0  }
0x5a: {  	p5 =	por p5, p5;
	s21 =	simm.s32 $0x1C;
	s18 =	simm.s32 @p1 $0x1  }
0x5b: {  	s24 =	simm.s32 @!p5 $0x2;
	s19 =	sshra.s32 @!p3 s19, $0x2;
	[smem:$0x7FC] =	sst s18  }
0x5c: {  	p1 =	por $0x0, $0x0;
	s22 =	spop (v2sf);
	s18 =	simm.s32 @!p5 $0x0;
	v1 =	vld.msk [tilespmem:s30+$0x0 ss:$0x1], vm1  }
0x5d: {  	vm0 =	vgt.s32 @!p3 v3, $0x0;
	s22 =	simm.s32 @p2 $0xFFFFFFFF;
	s18 =	simm.s32 @p5 $0x1;
	p5 =	por p4, p4  }
0x5e: {  	v3 =	vnsel @!p3 vm0, $0x0, v3;
	s31 =	spop (v2sf);
	p2 =	por p6, p6;
	[smem:$0x7FD] =	sst s18;
	(v2sf) =	vpush v2, $0x1  }
0x5f: {  	v3 =	vmin.u32 @!p3 v3, $0x30D3F;
	s18 =	sadd.s32 @!p3 s19, s14;
	p4 =	seq.s32 s31, s22;
	s22 =	simm.s32 @!p5 $0x80;
	(v2sf) =	vpush v2, $0x0  }
0x60: {  	vm0 =	vgt.s32 @!p4 v4, $0x0;
	s19 =	sshll.u32 @!p4 s23, $0x9;
	s20 =	sadd.s32 @!p4 $0x1, s23;
	(v2sf) =	vpush @!p3 v3, $0x0;
	v3 =	vmov s24;
	s25 =	spop @!p0 (v2sf)  }
0x61: {  	v4 =	vnsel @!p4 vm0, $0x0, v4;
	s19 =	sshra.s32 @!p4 s19, $0x2;
	s20 =	smov.u32 @p4 s23;
	(v2sf) =	vpush v1, $0x1;
	vm0 =	vgt.u32 v3, v0;
	s25 =	sshll.u32 @!p5 s25, $0x4  }
0x62: {  	s24 =	sadd.s32 $0x5, s13;
	v3 =	vmin.u32 @!p4 v4, $0x30D3F;
	p0 =	por p3, p3;
	(v2sf) =	vpush v1, $0x0;
	s23 =	sadd.s32 @!p5 s2, s25  }
.LBB2_3:
0x63: {  	_ =	sdelay $0x1  }
0x64: {  	s26 =	sld [smem:$0x7FC]  }
0x65: {  	s25 =	simm.s32 @!p3 $0x0;
	s28 =	sld [smem:$0x7FD]  }
0x66: {  	v4 =	vld.msk [tilespmem:s24+$0x0 ss:$0x1], vm0;
	[tilespmem:s16], [sflag:$0x1] =	stream.strided.gather @!p5 [hbm:s23], $0x80, s22, s22, $0x38;
	[tilespmem:$0x19640] =	vst v63  }
0x67: {  	s31 =	smov.u32 s17;
	s17 =	smov.u32 s21;
	s25 =	simm.s32 @p3 $0x1  }
0x68: {  	(v2sf) =	vpush @!p4 v3, $0x0;
	p3 =	por p4, p4;
	p5 =	seq.s32 s26, $0x1;
	p4 =	seq.s32 s28, $0x1  }
0x69: {  	s16 =	smov.u32 s18;
	p6 =	por p5, p5;
	p5 =	por p4, p4  }
0x6a: {  	s21 =	sadd.s32 $0x4, s21;
	[smem:$0x7F9] =	sst s25;
	s18 =	simm.s32 @!p5 $0x0  }
0x6b: {  	s25 =	smov.u32 s20;
	p4 =	por p1, p1;
	s18 =	simm.s32 @p5 $0x1  }
0x6c: {  	s20 =	simm.s32 @!p4 $0x0;
	[smem:$0x7FC] =	sst s18;
	s18 =	simm.s32 $0x1  }
0x6d: {  	s20 =	simm.s32 @p4 $0x1;
	s18 =	simm.s32 @!p4 $0x2;
	p4 =	sne.s32 s21, $0x640  }
0x6e: {  	[smem:$0x7FD] =	sst s20;
	s20 =	simm.s32 @!p4 $0x0  }
0x6f: {  	s30 =	sld [smem:$0x7F9];
	s20 =	simm.s32 @p4 $0x1  }
0x70: {  	s23 =	sshra.s32 s31, $0x2;
	[smem:$0x7FA] =	sst s20  }
0x71: {  	v3 =	vmov s18;
	s18 =	sadd.s32 @!p3 s19, s14;
	s19 =	spop (v2sf);
	s31 =	sld [smem:$0x7FA]  }
0x72: {  	s19 =	simm.s32 @p2 $0xFFFFFFFF  }
0x73: {  	s29 =	spop (v2sf);
	p2 =	por p6, p6;
	p6 =	seq.s32 s30, $0x1  }
0x74: {  	s24 =	spop @!p6 (v2sf);
	p6 =	seq.s32 s31, $0x1  }
.Ltmp3:
0x75: {  	_ = 	snop;
	(pc) =	sbr.rel @p6 .LBB2_3-.Ltmp3, $4  }
0x76: {  	p1 =	seq.s32 s17, $0x63C;
	p5 =	por p0, p0;
	p4 =	seq.s32 s29, s19  }
0x77: {  	p0 =	por p3, p3;
	s22 =	simm.s32 @!p5 $0x80;
	vm1 =	vgt.s32 @!p4 v2, $0x0;
	s19 =	sshll.u32 @!p4 s25, $0x9  }
0x78: {  	vm0 =	vgt.u32 v3, v0;
	(v2sf) =	vpush v4, $0x1;
	s20 =	sadd.s32 @!p4 $0x1, s25;
	s26 =	sshll.u32 @!p5 s24, $0x4;
	s24 =	sadd.s32 s23, s13;
	v3 =	vnsel @!p4 vm1, $0x0, v2  }
0x79: {  	(v2sf) =	vpush v4, $0x0;
	s19 =	sshra.s32 @!p4 s19, $0x2;
	v2 =	vmovc v1;
	v1 =	vmov v4;
	s20 =	smov.u32 @p4 s25;
	s23 =	sadd.s32 @!p5 s2, s26;
	v3 =	vmin.u32 @!p4 v3, $0x30D3F  }
0x7a: {  	_ = 	snop  }
0x7b: {  	p6 =	por p1, p1;
	s21 =	simm.s32 $0x1  }
0x7c: {  	s21 =	simm.s32 @!p6 $0x2  }
0x7d: {  	v4 =	vmov s21  }
0x7e: {  	vm1 =	vgt.u32 v4, v0  }
0x7f: {  	v4 =	vld.msk [tilespmem:s24+$0x0 ss:$0x1], vm0;
	_ =	sdelay $0x2  }
0x80: {  	s17 =	sshra.s32 s17, $0x2;
	s21 =	spop (v2sf)  }
0x81: {  	s17 =	sadd.s32 s17, s13;
	(v2sf) =	vpush @!p4 v3, $0x0;
	s21 =	simm.s32 @p2 $0xFFFFFFFF;
	s31 =	spop (v2sf)  }
0x82: {  	p2 =	seq.s32 s31, s21;
	(v2sf) =	vpush v4, $0x1;
	v3 =	vld.msk [tilespmem:s17+$0x0 ss:$0x1], vm1  }
0x83: {  	vm0 =	vgt.s32 @!p2 v2, $0x0;
	(v2sf) =	vpush v4, $0x0  }
0x84: {  	v2 =	vnsel @!p2 vm0, $0x0, v2  }
0x85: {  	[tilespmem:s16], [sflag:$0x1] =	stream.strided.gather @!p5 [hbm:s23], $0x80, s22, s22, $0x38;
	v2 =	vmin.u32 @!p2 v2, $0x30D3F;
	[tilespmem:$0x19640] =	vst v63  }
0x86: {  	s22 =	sld [smem:$0x7FC];
	(v2sf) =	vpush @!p2 v2, $0x0  }
0x87: {  	(v2sf) =	vpush v3, $0x1  }
0x88: {  	p0 =	por p0, p0;
	(v2sf) =	vpush v3, $0x0  }
0x89: {  	s17 =	spop @!p3 (v2sf);
	p3 =	seq.s32 s22, $0x1;
	s22 =	sld [smem:$0x7FD]  }
0x8a: {  	p1 =	por p3, p3;
	s17 =	sshll.u32 @!p0 s17, $0x4  }
0x8b: {  	p1 =	por p1, p1;
	s17 =	sadd.s32 @!p0 s2, s17  }
0x8c: {  	p5 =	seq.s32 s22, $0x1;
	s22 =	simm.s32 @!p0 $0x80;
	s16 =	spop (v2sf)  }
0x8d: {  	[tilespmem:s18], [sflag:$0x1] =	stream.strided.gather @!p0 [hbm:s17], $0x80, s22, s22, $0x38;
	[tilespmem:$0x19640] =	vst v63  }
0x8e: {  	s23 =	spop (v2sf);
	s16 =	simm.s32 @p1 $0xFFFFFFFF  }
0x8f: {  	p3 =	por p5, p5;
	p1 =	seq.s32 s23, s16  }
0x90: {  	p3 =	por p3, p3;
	vm0 =	vgt.s32 @!p1 v1, $0x0;
	s16 =	spop @!p4 (v2sf)  }
0x91: {  	p0 =	por p3, p3;
	v1 =	vnsel @!p1 vm0, $0x0, v1;
	s17 =	spop (v2sf)  }
0x92: {  	v1 =	vmin.u32 @!p1 v1, $0x30D3F;
	s17 =	simm.s32 @p0 $0xFFFFFFFF;
	s24 =	spop (v2sf)  }
0x93: {  	(v2sf) =	vpush @!p1 v1, $0x0;
	p0 =	seq.s32 s24, s17  }
0x94: {  	p5 =	por p6, p6;
	vm0 =	vgt.s32 @!p0 v4, $0x0  }
0x95: {  	p3 =	por p5, p5;
	s17 =	spop @!p2 (v2sf);
	v1 =	vnsel @!p0 vm0, $0x0, v4  }
0x96: {  	p3 =	por p3, p3;
	v1 =	vmin.u32 @!p0 v1, $0x30D3F;
	s18 =	spop (v2sf)  }
0x97: {  	p6 =	por p4, p4;
	(v2sf) =	vpush @!p0 v1, $0x0;
	s18 =	simm.s32 @p3 $0xFFFFFFFF;
	s25 =	spop (v2sf)  }
0x98: {  	p5 =	por p6, p6;
	p3 =	seq.s32 s25, s18  }
0x99: {  	p6 =	por p2, p2;
	s16 =	sshll.u32 @!p5 s16, $0x4;
	vm0 =	vgt.s32 @!p3 v3, $0x0  }
0x9a: {  	s16 =	sadd.s32 @!p5 s2, s16;
	s18 =	sadd.s32 @!p4 s19, s14;
	s19 =	simm.s32 @!p5 $0x80;
	v1 =	vnsel @!p3 vm0, $0x0, v3  }
0x9b: {  	[tilespmem:s18], [sflag:$0x1] =	stream.strided.gather @!p5 [hbm:s16], $0x80, s19, s19, $0x38;
	v1 =	vmin.u32 @!p3 v1, $0x30D3F;
	[tilespmem:$0x19640] =	vst v63  }
0x9c: {  	p4 =	por p6, p6;
	s16 =	sshll.u32 @!p2 s20, $0x9;
	(v2sf) =	vpush @!p3 v1, $0x0  }
0x9d: {  	s18 =	sadd.s32 @!p2 $0x1, s20;
	s17 =	sshll.u32 @!p4 s17, $0x4;
	s19 =	simm.s32 @!p4 $0x80  }
0x9e: {  	p5 =	por p0, p0;
	p6 =	por p3, p3;
	s16 =	sshra.s32 @!p2 s16, $0x2  }
0x9f: {  	s18 =	smov.u32 @p2 s20;
	s17 =	sadd.s32 @!p4 s2, s17;
	s16 =	sadd.s32 @!p2 s16, s14  }
0xa0: {  	[tilespmem:s16], [sflag:$0x1] =	stream.strided.gather @!p4 [hbm:s17], $0x80, s19, s19, $0x38;
	[tilespmem:$0x19640] =	vst v63  }
0xa1: {  	s16 =	sshll.u32 @!p1 s18, $0x9;
	p4 =	por p1, p1;
	s17 =	sadd.s32 @!p1 $0x1, s18  }
0xa2: {  	s19 =	spop @!p1 (v2sf);
	p2 =	por p4, p4;
	s16 =	sshra.s32 @!p1 s16, $0x2  }
0xa3: {  	s17 =	smov.u32 @p1 s18;
	s18 =	sshll.u32 @!p2 s19, $0x4;
	s16 =	sadd.s32 @!p1 s16, s14  }
0xa4: {  	s19 =	simm.s32 @!p2 $0x80;
	p1 =	por p5, p5;
	s18 =	sadd.s32 @!p2 s2, s18  }
0xa5: {  	[tilespmem:s16], [sflag:$0x1] =	stream.strided.gather @!p2 [hbm:s18], $0x80, s19, s19, $0x38;
	[tilespmem:$0x19640] =	vst v63  }
0xa6: {  	s16 =	sshll.u32 @!p0 s17, $0x9;
	s18 =	sadd.s32 @!p0 $0x1, s17;
	s19 =	spop @!p0 (v2sf)  }
0xa7: {  	s16 =	sshra.s32 @!p0 s16, $0x2;
	s18 =	smov.u32 @p0 s17;
	s17 =	sshll.u32 @!p1 s19, $0x4  }
0xa8: {  	s16 =	sadd.s32 @!p0 s16, s14;
	s19 =	simm.s32 @!p1 $0x80;
	s17 =	sadd.s32 @!p1 s2, s17  }
0xa9: {  	[tilespmem:s16], [sflag:$0x1] =	stream.strided.gather @!p1 [hbm:s17], $0x80, s19, s19, $0x38;
	[tilespmem:$0x19640] =	vst v63  }
0xaa: {  	p0 =	por p6, p6;
	s16 =	sshll.u32 @!p3 s18, $0x9  }
0xab: {  	s17 =	sadd.s32 @!p3 $0x1, s18;
	s16 =	sshra.s32 @!p3 s16, $0x2;
	s19 =	spop @!p3 (v2sf)  }
0xac: {  	s17 =	smov.u32 @p3 s18;
	s16 =	sadd.s32 @!p3 s16, s14;
	s18 =	sshll.u32 @!p0 s19, $0x4  }
0xad: {  	s26 =	sshll.u32 s17, $0x7;
	s19 =	simm.s32 @!p0 $0x80;
	s18 =	sadd.s32 @!p0 s2, s18  }
0xae: {  	[tilespmem:s16], [sflag:$0x1] =	stream.strided.gather @!p0 [hbm:s18], $0x80, s19, s19, $0x38;
	[tilespmem:$0x19640] =	vst v63  }
0xaf: {  	s16 =	sand.u32 $0x3FFFFF80, s26  }
0xb0: {  	_ =	swait.ge [sflag:s4], s16  }
0xb1: {  	s16 =	ssub.s32 $0x0, s16;
	[sflag:s4] =	ssyncset.done $0x0  }
0xb2: {  	s28 =	sadd.s32 $0x0, s15;
	[sflag:s4] =	ssyncadd.s32 s16  }
0xb3: {  	v1 =	vld.msk [tilespmem:s28+$0x0 ss:$0x1], $0x1;
	_ =	sdelay $0x4  }
0xb4: {  	(v2sf) =	vpush v1, $0x0;
	_ =	sdelay $0xa  }
0xb5: {  	p0 =	por $0x0, $0x0;
	s16 =	simm.s32 $0x1  }
0xb6: {  	s16 =	simm.s32 @!p0 $0x2  }
0xb7: {  	v1 =	vmov s16  }
0xb8: {  	vm15 =	vgt.u32 v1, v0  }
0xb9: {  	s29 =	spop (v2sf)  }
0xba: {  	s16 =	sshll.u32 s29, $0x4  }
0xbb: {  	s16 =	sand.u32 $0x1FFFFFF0, s16  }
0xbc: {  	s30 =	sadd.s32 $0x0, s14;
	s31 =	sadd.s32 $0x0, s13;
	s16 =	sadd.s32 s7, s16  }
0xbd: {  	[hbm:s16] =	stream.strided.scatter [tilespmem:s30], [sflag:$0x3], $0x80, s11, s11, $0x38;
	[tilespmem:$0x19640] =	vst v63  }
0xbe: {  	s17 =	simm.s32 $0x1;
	s18 =	simm.s32 $0x4;
	v1 =	vld.msk [tilespmem:s31+$0x0 ss:$0x1], vm15  }
0xbf: {  	s19 =	simm.s32 $0x8;
	p0 =	por p0, p0;
	s16 =	simm.s32 $0x0  }
.LBB2_5:
0xc0: {  	p1 =	sne.s32 s19, $0x63C;
	s20 =	sadd.s32 s17, s15  }
0xc1: {  	v2 =	vld.msk [tilespmem:s20+$0x0 ss:$0x1], $0x1;
	_ =	sdelay $0x1  }
0xc2: {  	(v2sf) =	vpush v1, $0x1  }
0xc3: {  	(v2sf) =	vpush v1, $0x0;
	_ =	sdelay $0x2  }
0xc4: {  	(v2sf) =	vpush v2, $0x0;
	_ =	sdelay $0x9  }
0xc5: {  	p2 =	seq.s32 s18, $0x63C;
	s18 =	smov.u32 s19;
	s20 =	simm.s32 $0x1  }
0xc6: {  	s20 =	simm.s32 @!p2 $0x2;
	s21 =	spop (v2sf)  }
0xc7: {  	s21 =	simm.s32 @p0 $0xFFFFFFFF;
	s22 =	spop (v2sf);
	p0 =	por p2, p2  }
0xc8: {  	v1 =	vmov s20;
	s20 =	simm.s32 $0x1;
	p2 =	sne.s32 s22, s21  }
0xc9: {  	vm0 =	vgt.u32 v1, v0;
	s20 =	simm.s32 @!p2 $0x0  }
0xca: {  	s21 =	spop (v2sf);
	s16 =	sadd.s32 s20, s16  }
0xcb: {  	s20 =	sshll.u32 s21, $0x4;
	s21 =	sshll.u32 s16, $0x9  }
0xcc: {  	s17 =	sadd.s32 s17, s13;
	s20 =	sand.u32 $0x1FFFFFF0, s20;
	s21 =	sshra.s32 s21, $0x2  }
.Ltmp4:
0xcd: {  	s21 =	sadd.s32 s21, s14;
	s20 =	sadd.s32 s7, s20;
	(pc) =	sbr.rel @p1 .LBB2_5-.Ltmp4, $3  }
0xce: {  	[hbm:s20] =	stream.strided.scatter [tilespmem:s21], [sflag:$0x3], $0x80, s11, s11, $0x38;
	[tilespmem:$0x19640] =	vst v63  }
0xcf: {  	v1 =	vld.msk [tilespmem:s17+$0x0 ss:$0x1], vm0;
	_ =	sdelay $0x1  }
0xd0: {  	s19 =	sadd.s32 $0x4, s19;
	s17 =	sshra.s32 s18, $0x2  }
.Ltmp5:
0xd1: {  	_ = 	snop;
	(pc) =	sbr.rel .LBB2_6-.Ltmp5, $1  }
0xd2: {  	_ =	sdelay $0x3  }
.LBB2_8:
0xd3: {  	_ =	sfence.sel $0x180000  }
0xd4: {  	s2 =	simm.s32 $0x2;
	[bflag:$0x0] =	sbarrier.arrive $0xFFFF  }
0xd5: {  	s30 =	simm.s32 $0x3;
	[sflag:s2] =	ssyncpa.u1 $0x1  }
0xd6: {  	s31 =	simm.s32 $0x1;
	[sflag:s30] =	ssyncpa.u1 $0x1  }
0xd7: {  	[sflag:s31] =	ssyncpa.u1 $0x1  }
0xd8: {  	p0 =	sne.s32 s1, $0x0;
	_ =	strace $0x90000047  }
0xd9: {  	s0 =	sadd.s32 @!p0 $0x100000, s0;
	[bflag:$0x2] =	sbarrier.arrive $0xFFFF  }
0xda: {  	[sflag:s0] =	ssyncadd.tile.s32 @!p0 $0x1;
	_ =	shalt  }
.Lfunc_end2:
_tile_overlayer_lowered:
.L_overlay_start_2:
0xdb: {  	(tag) =	ssettag $0x2  }
0xdc: {  	s0 =	rddreg [dreg:$0x0];
	s2 =	stileid.u32  }
0xdd: {  	s1 =	rddreg [dreg:$0x1];
	p0 =	sne.s32 s2, $0x0  }
0xde: {  	s3 =	rddreg [dreg:$0x2];
	[bflag:$0x3] =	sbarrier.arrive $0xFFFF;
	s2 =	simm.s32 @!p0 $0x1C01  }
0xdf: {  	[timem:s3], [sflag:s2] =	dma.local @!p0 [hbm:s0], s1  }
0xe0: {  	s0 =	simm.s32 @!p0 $0x1  }
0xe1: {  	_ =	swait.ge @!p0 [sflag:s0], s1  }
0xe2: {  	s1 =	ssub.s32 @!p0 $0x0, s1;
	[sflag:s0] =	ssyncset.done @!p0 $0x0  }
0xe3: {  	[sflag:s0] =	ssyncadd.s32 @!p0 s1  }
0xe4: {  	[bflag:$0x3] =	sbarrier.arrive $0xFFFF  }
0xe5: {  	_ =	shalt  }

// kernel: kernel.4.cloned.1.call-start
scs
__scs_entry_jumppad:
0x0: {  	(pc) =	sbr.rel $0x88, $3  }
0x1: {  	(tag) =	ssettag $0x0;
	lr =	simm.s32 $0x1  }
0x2: {  	[smem:$0x3F8C] =	sst lr;
	_ =	strace $0xD0000000  }
0x3: {  	_ = 	snop  }
0x4: {  	_ = 	snop  }
0x5: {  	_ = 	snop  }
0x6: {  	_ = 	snop  }
0x7: {  	_ = 	snop  }
__scs_overlays_trampoline_lowered:
0x8: {  	[smem:$0x3F9B] =	sst s0  }
0x9: {  	[smem:$0x3F9C] =	sst s1  }
0xa: {  	[smem:$0x3F9D] =	sst s2  }
0xb: {  	[smem:$0x3F9E] =	sst s3  }
0xc: {  	[smem:$0x3F9F] =	sst s4  }
0xd: {  	[smem:$0x3FA0] =	sst s5  }
0xe: {  	[smem:$0x3FA1] =	sst s6  }
0xf: {  	[smem:$0x3FA2] =	sst s7  }
0x10: {  	[smem:$0x3FA3] =	sst s8  }
0x11: {  	[smem:$0x3FA4] =	sst s9;
	s0 =	simm.s32 @!p0 $0x0  }
0x12: {  	s1 =	sld [smem:$0x3F8A];
	s0 =	simm.s32 @p0 $0x1  }
0x13: {  	[smem:$0x3FA5] =	sst s0;
	s0 =	simm.s32 @!p1 $0x0  }
0x14: {  	s2 =	sld [smem:$0x3F89];
	s0 =	simm.s32 @p1 $0x1  }
0x15: {  	[smem:$0x3FA6] =	sst s0;
	s0 =	simm.s32 @!p2 $0x0  }
0x16: {  	s3 =	sld [smem:$0x3FDB];
	s0 =	simm.s32 @p2 $0x1  }
0x17: {  	s4 =	simm.s32 $0x1BF5;
	[smem:$0x3FA8] =	sst s0  }
0x18: {  	s0 =	sld [smem:$0x3F8B];
	_ =	swait.ge [sflag:s4], $0x0  }
0x19: {  	s7 =	sld [smem:$0x3F8C]  }
0x1a: {  	s8 =	sadd.s32 $0xFFFFE003, lr  }
0x1b: {  	s9 =	sadd.s32 $0xFFFFFEF7, lr;
	s5 =	simm.s32 $0xFFFFFFFF;
	p2 =	slt.u32 s8, $0xFFFFF086  }
0x1c: {  	p1 =	slt.u32 s9, $0xF7A;
	s5 =	simm.s32 @!p2 $0x0  }
0x1d: {  	s5 =	simm.s32 @p1 $0x1;
	p0 =	seq.s32 s7, s2  }
0x1e: {  	s7 =	smul.u32 @!p0 $0xF7A, s2;
	p2 =	seq.s32 @!p0 s5, $0x0  }
0x1f: {  	s9 =	smul.u32 $0xF7A, s1;
	s8 =	simm.s32 @!p0 $0x1BF5;
	p2 =	por !p2, p0  }
0x20: {  	[sflag:s8] =	ssyncset.s32 @!p0 $0xFFFFF086;
	s6 =	sadd.s32 @!p0 s3, s7;
	s7 =	simm.s32 @!p0 $0x108  }
0x21: {  	s3 =	sadd.s32 s3, s9;
	s6 =	sadd.s32 @!p0 $0x88, s6;
	s7 =	simm.s32 @p2 $0x1082  }
0x22: {  	[simem:s7], [sflag:s8] =	dma.local @!p0 [hbm:s6], $0xF7A  }
0x23: {  	s9 =	sor.u32 $0xD0000000, s2;
	s6 =	simm.s32 $0x108;
	_ =	swait.ge @!p0 [sflag:s8], $0x0  }
0x24: {  	s3 =	sadd.s32 $0x88, s3;
	s6 =	simm.s32 @!p1 $0x1082;
	[sflag:s4] =	ssyncset.s32 $0xFFFFF086  }
0x25: {  	[simem:s6], [sflag:s4] =	dma.local [hbm:s3], $0xF7A  }
0x26: {  	[smem:$0x3F8C] =	sst s1;
	(tag) =	ssettag s2;
	_ =	strace s9  }
0x27: {  	s1 =	sld [smem:$0x3F9C]  }
0x28: {  	s2 =	sld [smem:$0x3F9D]  }
0x29: {  	s4 =	sld [smem:$0x3F9F]  }
0x2a: {  	p0 =	seq.s32 s5, $0x0;
	s5 =	sld [smem:$0x3FA0]  }
0x2b: {  	s6 =	sld [smem:$0x3FA1]  }
0x2c: {  	s7 =	sld [smem:$0x3FA2]  }
0x2d: {  	s3 =	simm.s32 $0x108;
	s8 =	sld [smem:$0x3FA3]  }
0x2e: {  	s3 =	simm.s32 @!p0 $0x1082;
	s9 =	sld [smem:$0x3FA4]  }
0x2f: {  	lr =	sadd.s32 s0, s3;
	s0 =	sld [smem:$0x3F9B]  }
0x30: {  	s3 =	sld [smem:$0x3F9E]  }
0x31: {  	[smem:$0x3FA7] =	sst s10  }
0x32: {  	s10 =	sld [smem:$0x3FA5];
	_ =	sdelay $0x3  }
0x33: {  	p0 =	seq.s32 s10, $0x1;
	s10 =	sld [smem:$0x3FA7];
	_ =	sdelay $0x3  }
0x34: {  	[smem:$0x3FA7] =	sst s10  }
0x35: {  	s10 =	sld [smem:$0x3FA6];
	_ =	sdelay $0x3  }
0x36: {  	p1 =	seq.s32 s10, $0x1;
	s10 =	sld [smem:$0x3FA7];
	_ =	sdelay $0x3  }
0x37: {  	[smem:$0x3FA7] =	sst s10  }
0x38: {  	s10 =	sld [smem:$0x3FA8]  }
0x39: {  	_ = 	snop;
	(pc) =	sbr.ind lr, $3  }
0x3a: {  	_ = 	snop  }
0x3b: {  	_ = 	snop  }
0x3c: {  	p2 =	seq.s32 s10, $0x1;
	s10 =	sld [smem:$0x3FA7]  }
0x3d: {  	_ =	shalt  }
0x3e: {  	_ =	shalt  }
0x3f: {  	_ =	shalt  }
0x40: {  	_ =	shalt  }
0x41: {  	_ =	shalt  }
0x42: {  	_ =	shalt  }
0x43: {  	_ =	shalt  }
0x44: {  	_ =	shalt  }
0x45: {  	_ =	shalt  }
0x46: {  	_ =	shalt  }
0x47: {  	_ =	shalt  }
0x48: {  	_ =	shalt  }
0x49: {  	_ =	shalt  }
0x4a: {  	_ =	shalt  }
0x4b: {  	_ =	shalt  }
0x4c: {  	_ =	shalt  }
0x4d: {  	_ =	shalt  }
0x4e: {  	_ =	shalt  }
0x4f: {  	_ =	shalt  }
0x50: {  	_ =	shalt  }
0x51: {  	_ =	shalt  }
0x52: {  	_ =	shalt  }
0x53: {  	_ =	shalt  }
0x54: {  	_ =	shalt  }
0x55: {  	_ =	shalt  }
0x56: {  	_ =	shalt  }
0x57: {  	_ =	shalt  }
0x58: {  	_ =	shalt  }
0x59: {  	_ =	shalt  }
0x5a: {  	_ =	shalt  }
0x5b: {  	_ =	shalt  }
0x5c: {  	_ =	shalt  }
0x5d: {  	_ =	shalt  }
0x5e: {  	_ =	shalt  }
0x5f: {  	_ =	shalt  }
0x60: {  	_ =	shalt  }
0x61: {  	_ =	shalt  }
0x62: {  	_ =	shalt  }
0x63: {  	_ =	shalt  }
0x64: {  	_ =	shalt  }
0x65: {  	_ =	shalt  }
0x66: {  	_ =	shalt  }
0x67: {  	_ =	shalt  }
0x68: {  	_ =	shalt  }
0x69: {  	_ =	shalt  }
0x6a: {  	_ =	shalt  }
0x6b: {  	_ =	shalt  }
0x6c: {  	_ =	shalt  }
0x6d: {  	_ =	shalt  }
0x6e: {  	_ =	shalt  }
0x6f: {  	_ =	shalt  }
0x70: {  	_ =	shalt  }
0x71: {  	_ =	shalt  }
0x72: {  	_ =	shalt  }
0x73: {  	_ =	shalt  }
0x74: {  	_ =	shalt  }
0x75: {  	_ =	shalt  }
0x76: {  	_ =	shalt  }
0x77: {  	_ =	shalt  }
0x78: {  	_ =	shalt  }
0x79: {  	_ =	shalt  }
0x7a: {  	_ =	shalt  }
0x7b: {  	_ =	shalt  }
0x7c: {  	_ =	shalt  }
0x7d: {  	_ =	shalt  }
0x7e: {  	_ =	shalt  }
0x7f: {  	_ =	shalt  }
0x80: {  	_ =	shalt  }
0x81: {  	_ =	shalt  }
0x82: {  	_ =	shalt  }
0x83: {  	_ =	shalt  }
0x84: {  	_ =	shalt  }
0x85: {  	_ =	shalt  }
0x86: {  	_ =	shalt  }
0x87: {  	_ =	shalt  }
.Lfunc_end0:
.L_simem_size_0:
called_computation.6_lowered:
.L_overlay_start_0:
0x88: {  	s2 =	sld [smem:$0x3FD9]  }
0x89: {  	s3 =	sld [smem:$0x3FFE];
	_ =	sdelay $0x1  }
0x8a: {  	s1 =	srdreg.scid  }
0x8b: {  	s0 =	sand.u32 $0x1, s1  }
0x8c: {  	s14 =	sshll.u32 s0, $0xA;
	s2 =	sadd.s32 s3, s2  }
0x8d: {  	s2 =	sadd.s32 s2, s14  }
0x8e: {  	[smem:$0x3FB3] =	sst s2  }
0x8f: {  	_ = 	snop  }
0x90: {  	s2 =	sld [smem:$0x3FD0];
	_ =	sdelay $0x2  }
0x91: {  	s15 =	simm.s32 $0xB;
	s4 =	simm.s32 $0x10  }
0x92: {  	[smem:s4], [sflag:s15] =	dma.local [hbm:s2], $0x1  }
0x93: {  	_ =	swait.eq [sflag:s15], $0x1  }
0x94: {  	[sflag:s15] =	ssyncset.done $0x0  }
0x95: {  	[sflag:s15] =	ssyncadd.s32 $0xFFFFFFFF  }
0x96: {  	s16 =	sld [smem:$0x12];
	(tm) =	ssettm $0x1  }
0x97: {  	s17 =	sld [smem:$0x3FFB];
	_ =	sdelay $0x3  }
0x98: {  	_ =	strace s17  }
0x99: {  	s3 =	sld [smem:$0x3FFC];
	_ =	sdelay $0x3  }
0x9a: {  	_ =	strace s3  }
0x9b: {  	s3 =	sld [smem:$0x3FFD];
	_ =	sdelay $0x3  }
0x9c: {  	_ =	strace s3  }
0x9d: {  	_ =	strace $0x8FFFFFFF  }
0x9e: {  	s18 =	sld [smem:$0x3FDB];
	_ =	sdelay $0x1  }
0x9f: {  	s19 =	simm.s32 $_scs_section_size  }
0xa0: {  	s5 =	simm.s32 $_size__tile_overlayer_lowered;
	s6 =	simm.s32 $_tile_overlayer_lowered  }
0xa1: {  	s22 =	simm.s32 $0x1BFF;
	s21 =	sshll.u32 s6, $0x1;
	s3 =	sadd.s32 s19, s18  }
0xa2: {  	s7 =	simm.s32 $0x0;
	s20 =	sshll.u32 s5, $0x1;
	s5 =	sadd.s32 s21, s3  }
0xa3: {  	[timem:s7], [sflag:s22] =	dma.local [hbm:s5], s20  }
0xa4: {  	_ =	swait.ge [sflag:s22], s20  }
0xa5: {  	s4 =	ssub.s32 $0x0, s20;
	[sflag:s22] =	ssyncset.done $0x0  }
0xa6: {  	[sflag:s22] =	ssyncadd.s32 s4;
	_ =	sdelay $0x1  }
0xa7: {  	s23 =	simm.s32 $0x1B8B  }
0xa8: {  	_ =	swait.ge [sflag:s23], $0x1  }
0xa9: {  	[sflag:s23] =	ssyncset.done $0x0  }
0xaa: {  	s25 =	simm.s32 $0x1B8E;
	s24 =	sld [smem:$0x3FFE];
	[sflag:s23] =	ssyncadd.s32 $0xFFFFFFFF  }
0xab: {  	s26 =	simm.s32 $execute0_lowered;
	[smem:$0x3FD2] =	sst s25  }
0xac: {  	s5 =	sshll.u32 s26, $0x1;
	_ =	strace $0x8000005E;
	[dreg:$0x1] =	wrdreg $0xFFFFFFFF  }
0xad: {  	s28 =	simm.s32 $_size_execute0_lowered;
	s3 =	sadd.s32 s3, s5;
	[dreg:$0x0] =	wrdreg $0x0  }
0xae: {  	s5 =	sshll.u32 s28, $0x1;
	[dreg:$0x2] =	wrdreg s3  }
0xaf: {  	[dreg:$0x3] =	wrdreg s5  }
0xb0: {  	[dreg:$0x4] =	wrdreg $0xC0  }
0xb1: {  	_ =	task [dreg:s7], $0x5FFFF  }
0xb2: {  	[dreg:$0x1] =	wrdreg $0xFFFFFFFF  }
0xb3: {  	[dreg:$0x0] =	wrdreg $0x60  }
0xb4: {  	[dreg:$0x2] =	wrdreg s16  }
0xb5: {  	[dreg:$0x3] =	wrdreg s24  }
0xb6: {  	[dreg:$0x4] =	wrdreg $0x9  }
0xb7: {  	_ =	task.clear_ibuf [dreg:s7], $0x5FFFF;
	_ =	strace $0x9000005E  }
0xb8: {  	s29 =	simm.s32 $0x9;
	_ =	strace $0x80000060  }
0xb9: {  	_ =	swait.ge [sflag:s29], $0x1  }
0xba: {  	[sflag:s29] =	ssyncadd.s32 $0xFFFFFFFF  }
0xbb: {  	_ =	strace $0x90000060  }
0xbc: {  	_ =	sfence  }
0xbd: {  	s30 =	sld [smem:$0x0];
	_ =	sdelay $0x2  }
0xbe: {  	s31 =	sshll.u32 s1, $0xD;
	s1 =	sshrl.u32 s1, $0x2  }
0xbf: {  	s3 =	sand.u32 $0x4000, s31;
	s1 =	sadd.s32 s1, s30  }
0xc0: {  	s0 =	sor.u32 s3, s0;
	s1 =	sshll.u32 s1, $0x11  }
0xc1: {  	s0 =	sor.u32 s1, s0  }
0xc2: {  	s0 =	sadd.s32 $0x8F2B, s0  }
0xc3: {  	[sflag:s0] =	ssyncadd.remote.s32 $0x1  }
0xc4: {  	_ =	sfence.sel $0xFFFF  }
0xc5: {  	[dreg:$0x0] =	wrdreg $0xFFFFFFFF;
	(pc) =	sbr.abs _section_cstart, $3  }
0xc6: {  	[dreg:$0x1] =	wrdreg $0xFFFFFFFF  }
0xc7: {  	_ =	task.clear_ibuf [dreg:s7], $0x2FFFF;
	_ =	strace $0x9FFFFFFF  }
0xc8: {  	(tm) =	ssettm $0x7FFFFFFF  }
0xc9: {  	_ =	shalt  }
tec
execute0_lowered:
.L_overlay_start_1:
0x0: {  	(tag) =	ssettag $0x1  }
0x1: {  	s7 =	rddreg [dreg:$0x0]  }
0x2: {  	s8 =	rddreg [dreg:$0x1]  }
0x3: {  	s0 =	rddreg [dreg:$0x2];
	s1 =	simm.s32 $0x0  }
0x4: {  	s4 =	srdreg.scid;
	s2 =	stileid.u32;
	s13 =	simm.s32 $0x100  }
0x5: {  	s14 =	simm.s32 $0x2100;
	s15 =	simm.s32 $0x0;
	[smem:$0x7FF] =	sst s1  }
0x6: {  	s3 =	sadd.s32 $0x2400, s8;
	s6 =	sand.u32 $0x1, s4;
	s4 =	sadd.s32 $0x24C600, s8  }
0x7: {  	s9 =	sshll.u32 s2, $0x9;
	s5 =	sadd.s32 $0x3D3000, s8;
	s10 =	sshll.u32 s6, $0x8  }
0x8: {  	_ =	strace $0x8000005F;
	s30 =	ssub.s32 $0x2, s6;
	s9 =	sor.u32 s10, s9  }
0x9: {  	s6 =	sadd.s32 $0x9ED600, s8;
	s12 =	sshrl.u32 s30, $0x1;
	s11 =	sshll.u32 s9, $0x3  }
0xa: {  	s10 =	ssub.s32 s30, s12;
	s31 =	sshrl.u32 s9, $0x3;
	s12 =	simm.s32 $0x80  }
0xb: {  	s11 =	sadd.s32 s11, s8;
	s7 =	sadd.s32 s7, s31;
	s10 =	smax.u32 s10, $0x1  }
0xc: {  	s8 =	sadd.s32 $0x188E00, s11;
	s9 =	sadd.s32 $0x189200, s11;
	s11 =	simm.s32 $0x1  }
.LBB2_1:
0xd: {  	[tilespmem:s1], [sflag:$0x1] =	stream.linear.gather [hbm4b:s7+s1], $0x100, $0x38;
	[tilespmem:$0x4100] =	vst v63  }
0xe: {  	_ =	swait.ge [sflag:s11], $0x100  }
0xf: {  	[sflag:s11] =	ssyncset.done $0x0  }
0x10: {  	[sflag:s11] =	ssyncadd.s32 $0xFFFFFF00  }
0x11: {  	[tilespmem:s13], [sflag:$0x1] =	stream.indirect.gather [hbm4b:s3+s12], $0x40, s1, s12, $0xb8;
	[tilespmem:$0x4100] =	vst v63  }
0x12: {  	_ =	swait.ge [sflag:s11], $0x2000  }
0x13: {  	[sflag:s11] =	ssyncset.done $0x0  }
0x14: {  	[sflag:s11] =	ssyncadd.s32 $0xFFFFE000  }
0x15: {  	[tilespmem:s14], [sflag:$0x1] =	stream.indirect.gather [hbm4b:s4+s12], $0x40, s1, s12, $0xb8;
	[tilespmem:$0x4100] =	vst v63  }
0x16: {  	_ =	swait.ge [sflag:s11], $0x2000  }
0x17: {  	[sflag:s11] =	ssyncset.done $0x0  }
0x18: {  	s16 =	simm.s32 $0x0;
	[sflag:s11] =	ssyncadd.s32 $0xFFFFE000  }
0x19: {  	v5 =	vld [tilespmem:s16+$0x2100]  }
0x1a: {  	v6 =	vld [tilespmem:s16+$0x2110]  }
0x1b: {  	v1 =	vld [tilespmem:s16+$0x2120]  }
0x1c: {  	v0 =	vld [tilespmem:s16+$0x2130]  }
0x1d: {  	v2 =	vld [tilespmem:s16+$0x100]  }
0x1e: {  	v4 =	vld [tilespmem:s16+$0x110]  }
0x1f: {  	s17 =	simm.s32 $0x100;
	v3 =	vld [tilespmem:s16+$0x120]  }
.LBB2_2:
0x20: {  	s18 =	sshra.s32 s17, $0x2;
	p0 =	sne.s32 s17, $0x7F00;
	v7 =	vld [tilespmem:s16+$0x130];
	v8 =	vmov v1  }
0x21: {  	v9 =	vld [tilespmem:s18+$0x2100];
	v10 =	vmov v0  }
0x22: {  	v11 =	vld [tilespmem:s18+$0x2110];
	v2 =	vadd.f32 v5, v2  }
.Ltmp0:
0x23: {  	v1 =	vld [tilespmem:s18+$0x2120];
	v4 =	vadd.f32 v6, v4;
	(pc) =	sbr.rel @p0 .LBB2_2-.Ltmp0, $4  }
0x24: {  	v0 =	vld [tilespmem:s18+$0x2130];
	[tilespmem:s16+$0x100] =	vst v2;
	v3 =	vadd.f32 v8, v3  }
0x25: {  	v2 =	vld [tilespmem:s18+$0x100];
	[tilespmem:s16+$0x110] =	vst v4;
	v7 =	vadd.f32 v10, v7  }
0x26: {  	v4 =	vld [tilespmem:s18+$0x110];
	[tilespmem:s16+$0x120] =	vst v3;
	v5 =	vmov v9  }
0x27: {  	s17 =	sadd.s32 $0x100, s17;
	v3 =	vld [tilespmem:s18+$0x120];
	[tilespmem:s16+$0x130] =	vst v7;
	v6 =	vmov v11;
	s16 =	smov.u32 s18  }
0x28: {  	v7 =	vld [tilespmem:s16+$0x130];
	_ =	sdelay $0x1  }
0x29: {  	v2 =	vadd.f32 v5, v2  }
0x2a: {  	v4 =	vadd.f32 v6, v4  }
0x2b: {  	[tilespmem:s16+$0x100] =	vst v2;
	v1 =	vadd.f32 v1, v3  }
0x2c: {  	[tilespmem:s16+$0x110] =	vst v4;
	v0 =	vadd.f32 v0, v7  }
0x2d: {  	[tilespmem:s16+$0x120] =	vst v1  }
0x2e: {  	s31 =	simm.s32 $0x0;
	[tilespmem:s16+$0x130] =	vst v0  }
0x2f: {  	[tilespmem:s14], [sflag:$0x1] =	stream.indirect.gather [hbm4b:s5+s12], $0x40, s31, s12, $0xb8;
	[tilespmem:$0x4100] =	vst v63  }
0x30: {  	_ =	swait.ge [sflag:s11], $0x2000  }
0x31: {  	[sflag:s11] =	ssyncset.done $0x0  }
0x32: {  	s16 =	simm.s32 $0x0;
	[sflag:s11] =	ssyncadd.s32 $0xFFFFE000  }
0x33: {  	v5 =	vld [tilespmem:s16+$0x2100]  }
0x34: {  	v6 =	vld [tilespmem:s16+$0x2110]  }
0x35: {  	v1 =	vld [tilespmem:s16+$0x2120]  }
0x36: {  	v0 =	vld [tilespmem:s16+$0x2130]  }
0x37: {  	v2 =	vld [tilespmem:s16+$0x100]  }
0x38: {  	v4 =	vld [tilespmem:s16+$0x110]  }
0x39: {  	s17 =	simm.s32 $0x100;
	v3 =	vld [tilespmem:s16+$0x120]  }
.LBB2_4:
0x3a: {  	s18 =	sshra.s32 s17, $0x2;
	p0 =	sne.s32 s17, $0x7F00;
	v7 =	vld [tilespmem:s16+$0x130];
	v8 =	vmov v1  }
0x3b: {  	v9 =	vld [tilespmem:s18+$0x2100];
	v10 =	vmov v0  }
0x3c: {  	v11 =	vld [tilespmem:s18+$0x2110];
	v2 =	vadd.f32 v5, v2  }
.Ltmp1:
0x3d: {  	v1 =	vld [tilespmem:s18+$0x2120];
	v4 =	vadd.f32 v6, v4;
	(pc) =	sbr.rel @p0 .LBB2_4-.Ltmp1, $4  }
0x3e: {  	v0 =	vld [tilespmem:s18+$0x2130];
	[tilespmem:s16+$0x100] =	vst v2;
	v3 =	vadd.f32 v8, v3  }
0x3f: {  	v2 =	vld [tilespmem:s18+$0x100];
	[tilespmem:s16+$0x110] =	vst v4;
	v7 =	vadd.f32 v10, v7  }
0x40: {  	v4 =	vld [tilespmem:s18+$0x110];
	[tilespmem:s16+$0x120] =	vst v3;
	v5 =	vmov v9  }
0x41: {  	s17 =	sadd.s32 $0x100, s17;
	v3 =	vld [tilespmem:s18+$0x120];
	[tilespmem:s16+$0x130] =	vst v7;
	v6 =	vmov v11;
	s16 =	smov.u32 s18  }
0x42: {  	v7 =	vld [tilespmem:s16+$0x130];
	_ =	sdelay $0x1  }
0x43: {  	v2 =	vadd.f32 v5, v2  }
0x44: {  	v4 =	vadd.f32 v6, v4  }
0x45: {  	[tilespmem:s16+$0x100] =	vst v2;
	v1 =	vadd.f32 v1, v3  }
0x46: {  	[tilespmem:s16+$0x110] =	vst v4;
	v0 =	vadd.f32 v0, v7  }
0x47: {  	[tilespmem:s16+$0x120] =	vst v1  }
0x48: {  	s31 =	simm.s32 $0x0;
	[tilespmem:s16+$0x130] =	vst v0  }
0x49: {  	[tilespmem:s14], [sflag:$0x1] =	stream.indirect.gather [hbm4b:s6+s12], $0x40, s31, s12, $0xb8;
	[tilespmem:$0x4100] =	vst v63  }
0x4a: {  	_ =	swait.ge [sflag:s11], $0x2000  }
0x4b: {  	[sflag:s11] =	ssyncset.done $0x0  }
0x4c: {  	s16 =	simm.s32 $0x0;
	[sflag:s11] =	ssyncadd.s32 $0xFFFFE000  }
0x4d: {  	v2 =	vld [tilespmem:s16+$0x2100]  }
0x4e: {  	v3 =	vld [tilespmem:s16+$0x2110]  }
0x4f: {  	v1 =	vld [tilespmem:s16+$0x2120]  }
0x50: {  	v0 =	vld [tilespmem:s16+$0x2130]  }
0x51: {  	v5 =	vld [tilespmem:s16+$0x100]  }
0x52: {  	v6 =	vld [tilespmem:s16+$0x110]  }
0x53: {  	s17 =	simm.s32 $0x100;
	v4 =	vld [tilespmem:s16+$0x120]  }
.LBB2_6:
0x54: {  	p0 =	sne.s32 s17, $0x7F00;
	v7 =	vld [tilespmem:s16+$0x130];
	_ =	sdelay $0x1  }
0x55: {  	s18 =	sshra.s32 s17, $0x2;
	v5 =	vadd.f32 v2, v5  }
0x56: {  	v2 =	vld [tilespmem:s18+$0x2100];
	v6 =	vadd.f32 v3, v6  }
0x57: {  	v3 =	vld [tilespmem:s18+$0x2110];
	v5 =	vmul.f32 $2.500000000e-01, v5;
	v4 =	vadd.f32 v1, v4  }
.Ltmp2:
0x58: {  	v1 =	vld [tilespmem:s18+$0x2120];
	v6 =	vmul.f32 $2.500000000e-01, v6;
	v7 =	vadd.f32 v0, v7;
	(pc) =	sbr.rel @p0 .LBB2_6-.Ltmp2, $4  }
0x59: {  	v0 =	vld [tilespmem:s18+$0x2130];
	[tilespmem:s16+$0x100] =	vst v5;
	v4 =	vmul.f32 $2.500000000e-01, v4  }
0x5a: {  	v5 =	vld [tilespmem:s18+$0x100];
	[tilespmem:s16+$0x110] =	vst v6;
	v7 =	vmul.f32 $2.500000000e-01, v7  }
0x5b: {  	v6 =	vld [tilespmem:s18+$0x110];
	[tilespmem:s16+$0x120] =	vst v4  }
0x5c: {  	s17 =	sadd.s32 $0x100, s17;
	v4 =	vld [tilespmem:s18+$0x120];
	[tilespmem:s16+$0x130] =	vst v7;
	s16 =	smov.u32 s18  }
0x5d: {  	v7 =	vld [tilespmem:s16+$0x130];
	_ =	sdelay $0x1  }
0x5e: {  	v2 =	vadd.f32 v2, v5  }
0x5f: {  	v3 =	vadd.f32 v3, v6  }
0x60: {  	v2 =	vmul.f32 $2.500000000e-01, v2;
	v1 =	vadd.f32 v1, v4  }
0x61: {  	v3 =	vmul.f32 $2.500000000e-01, v3;
	v0 =	vadd.f32 v0, v7  }
0x62: {  	[tilespmem:s16+$0x100] =	vst v2;
	v1 =	vmul.f32 $2.500000000e-01, v1  }
0x63: {  	[tilespmem:s16+$0x110] =	vst v3;
	v0 =	vmul.f32 $2.500000000e-01, v0  }
0x64: {  	[tilespmem:s16+$0x120] =	vst v1  }
0x65: {  	s31 =	simm.s32 $0x0;
	[tilespmem:s16+$0x130] =	vst v0  }
0x66: {  	[hbm4b:s8+s31] =	stream.linear.scatter [tilespmem:s13], [sflag:$0x1], $0x2000, $0x38;
	[tilespmem:$0x4100] =	vst v63  }
0x67: {  	_ =	swait.ge [sflag:s11], $0x2000  }
0x68: {  	[sflag:s11] =	ssyncset.done $0x0  }
0x69: {  	[sflag:s11] =	ssyncadd.s32 $0xFFFFE000  }
0x6a: {  	[tilespmem:s13], [sflag:$0x1] =	stream.indirect.gather [hbm4b:s3+s12], $0x40, s12, s12, $0xb8;
	[tilespmem:$0x4100] =	vst v63  }
0x6b: {  	_ =	swait.ge [sflag:s11], $0x2000  }
0x6c: {  	[sflag:s11] =	ssyncset.done $0x0  }
0x6d: {  	[sflag:s11] =	ssyncadd.s32 $0xFFFFE000  }
0x6e: {  	[tilespmem:s14], [sflag:$0x1] =	stream.indirect.gather [hbm4b:s4+s12], $0x40, s12, s12, $0xb8;
	[tilespmem:$0x4100] =	vst v63  }
0x6f: {  	_ =	swait.ge [sflag:s11], $0x2000  }
0x70: {  	[sflag:s11] =	ssyncset.done $0x0  }
0x71: {  	s16 =	simm.s32 $0x0;
	[sflag:s11] =	ssyncadd.s32 $0xFFFFE000  }
0x72: {  	v5 =	vld [tilespmem:s16+$0x2100]  }
0x73: {  	v6 =	vld [tilespmem:s16+$0x2110]  }
0x74: {  	v1 =	vld [tilespmem:s16+$0x2120]  }
0x75: {  	v0 =	vld [tilespmem:s16+$0x2130]  }
0x76: {  	v2 =	vld [tilespmem:s16+$0x100]  }
0x77: {  	v4 =	vld [tilespmem:s16+$0x110]  }
0x78: {  	s17 =	simm.s32 $0x100;
	v3 =	vld [tilespmem:s16+$0x120]  }
.LBB2_8:
0x79: {  	s18 =	sshra.s32 s17, $0x2;
	p0 =	sne.s32 s17, $0x7F00;
	v7 =	vld [tilespmem:s16+$0x130];
	v8 =	vmov v1  }
0x7a: {  	v9 =	vld [tilespmem:s18+$0x2100];
	v10 =	vmov v0  }
0x7b: {  	v11 =	vld [tilespmem:s18+$0x2110];
	v2 =	vadd.f32 v5, v2  }
.Ltmp3:
0x7c: {  	v1 =	vld [tilespmem:s18+$0x2120];
	v4 =	vadd.f32 v6, v4;
	(pc) =	sbr.rel @p0 .LBB2_8-.Ltmp3, $4  }
0x7d: {  	v0 =	vld [tilespmem:s18+$0x2130];
	[tilespmem:s16+$0x100] =	vst v2;
	v3 =	vadd.f32 v8, v3  }
0x7e: {  	v2 =	vld [tilespmem:s18+$0x100];
	[tilespmem:s16+$0x110] =	vst v4;
	v7 =	vadd.f32 v10, v7  }
0x7f: {  	v4 =	vld [tilespmem:s18+$0x110];
	[tilespmem:s16+$0x120] =	vst v3;
	v5 =	vmov v9  }
0x80: {  	s17 =	sadd.s32 $0x100, s17;
	v3 =	vld [tilespmem:s18+$0x120];
	[tilespmem:s16+$0x130] =	vst v7;
	v6 =	vmov v11;
	s16 =	smov.u32 s18  }
0x81: {  	v7 =	vld [tilespmem:s16+$0x130];
	_ =	sdelay $0x1  }
0x82: {  	v2 =	vadd.f32 v5, v2  }
0x83: {  	v4 =	vadd.f32 v6, v4  }
0x84: {  	[tilespmem:s16+$0x100] =	vst v2;
	v1 =	vadd.f32 v1, v3  }
0x85: {  	[tilespmem:s16+$0x110] =	vst v4;
	v0 =	vadd.f32 v0, v7  }
0x86: {  	[tilespmem:s16+$0x120] =	vst v1  }
0x87: {  	[tilespmem:s16+$0x130] =	vst v0  }
0x88: {  	[tilespmem:s14], [sflag:$0x1] =	stream.indirect.gather [hbm4b:s5+s12], $0x40, s12, s12, $0xb8;
	[tilespmem:$0x4100] =	vst v63  }
0x89: {  	_ =	swait.ge [sflag:s11], $0x2000  }
0x8a: {  	[sflag:s11] =	ssyncset.done $0x0  }
0x8b: {  	s16 =	simm.s32 $0x0;
	[sflag:s11] =	ssyncadd.s32 $0xFFFFE000  }
0x8c: {  	v5 =	vld [tilespmem:s16+$0x2100]  }
0x8d: {  	v6 =	vld [tilespmem:s16+$0x2110]  }
0x8e: {  	v1 =	vld [tilespmem:s16+$0x2120]  }
0x8f: {  	v0 =	vld [tilespmem:s16+$0x2130]  }
0x90: {  	v2 =	vld [tilespmem:s16+$0x100]  }
0x91: {  	v4 =	vld [tilespmem:s16+$0x110]  }
0x92: {  	s17 =	simm.s32 $0x100;
	v3 =	vld [tilespmem:s16+$0x120]  }
.LBB2_10:
0x93: {  	s18 =	sshra.s32 s17, $0x2;
	p0 =	sne.s32 s17, $0x7F00;
	v7 =	vld [tilespmem:s16+$0x130];
	v8 =	vmov v1  }
0x94: {  	v9 =	vld [tilespmem:s18+$0x2100];
	v10 =	vmov v0  }
0x95: {  	v11 =	vld [tilespmem:s18+$0x2110];
	v2 =	vadd.f32 v5, v2  }
.Ltmp4:
0x96: {  	v1 =	vld [tilespmem:s18+$0x2120];
	v4 =	vadd.f32 v6, v4;
	(pc) =	sbr.rel @p0 .LBB2_10-.Ltmp4, $4  }
0x97: {  	v0 =	vld [tilespmem:s18+$0x2130];
	[tilespmem:s16+$0x100] =	vst v2;
	v3 =	vadd.f32 v8, v3  }
0x98: {  	v2 =	vld [tilespmem:s18+$0x100];
	[tilespmem:s16+$0x110] =	vst v4;
	v7 =	vadd.f32 v10, v7  }
0x99: {  	v4 =	vld [tilespmem:s18+$0x110];
	[tilespmem:s16+$0x120] =	vst v3;
	v5 =	vmov v9  }
0x9a: {  	s17 =	sadd.s32 $0x100, s17;
	v3 =	vld [tilespmem:s18+$0x120];
	[tilespmem:s16+$0x130] =	vst v7;
	v6 =	vmov v11;
	s16 =	smov.u32 s18  }
0x9b: {  	v7 =	vld [tilespmem:s16+$0x130];
	_ =	sdelay $0x1  }
0x9c: {  	v2 =	vadd.f32 v5, v2  }
0x9d: {  	v4 =	vadd.f32 v6, v4  }
0x9e: {  	[tilespmem:s16+$0x100] =	vst v2;
	v1 =	vadd.f32 v1, v3  }
0x9f: {  	[tilespmem:s16+$0x110] =	vst v4;
	v0 =	vadd.f32 v0, v7  }
0xa0: {  	[tilespmem:s16+$0x120] =	vst v1  }
0xa1: {  	[tilespmem:s16+$0x130] =	vst v0  }
0xa2: {  	[tilespmem:s14], [sflag:$0x1] =	stream.indirect.gather [hbm4b:s6+s12], $0x40, s12, s12, $0xb8;
	[tilespmem:$0x4100] =	vst v63  }
0xa3: {  	_ =	swait.ge [sflag:s11], $0x2000  }
0xa4: {  	[sflag:s11] =	ssyncset.done $0x0  }
0xa5: {  	s16 =	simm.s32 $0x0;
	[sflag:s11] =	ssyncadd.s32 $0xFFFFE000  }
0xa6: {  	v2 =	vld [tilespmem:s16+$0x2100]  }
0xa7: {  	v3 =	vld [tilespmem:s16+$0x2110]  }
0xa8: {  	v1 =	vld [tilespmem:s16+$0x2120]  }
0xa9: {  	v0 =	vld [tilespmem:s16+$0x2130]  }
0xaa: {  	v5 =	vld [tilespmem:s16+$0x100]  }
0xab: {  	v6 =	vld [tilespmem:s16+$0x110]  }
0xac: {  	s17 =	simm.s32 $0x100;
	v4 =	vld [tilespmem:s16+$0x120]  }
.LBB2_12:
0xad: {  	p0 =	sne.s32 s17, $0x7F00;
	v7 =	vld [tilespmem:s16+$0x130];
	_ =	sdelay $0x1  }
0xae: {  	s18 =	sshra.s32 s17, $0x2;
	v5 =	vadd.f32 v2, v5  }
0xaf: {  	v2 =	vld [tilespmem:s18+$0x2100];
	v6 =	vadd.f32 v3, v6  }
0xb0: {  	v3 =	vld [tilespmem:s18+$0x2110];
	v5 =	vmul.f32 $2.500000000e-01, v5;
	v4 =	vadd.f32 v1, v4  }
.Ltmp5:
0xb1: {  	v1 =	vld [tilespmem:s18+$0x2120];
	v6 =	vmul.f32 $2.500000000e-01, v6;
	v7 =	vadd.f32 v0, v7;
	(pc) =	sbr.rel @p0 .LBB2_12-.Ltmp5, $4  }
0xb2: {  	v0 =	vld [tilespmem:s18+$0x2130];
	[tilespmem:s16+$0x100] =	vst v5;
	v4 =	vmul.f32 $2.500000000e-01, v4  }
0xb3: {  	v5 =	vld [tilespmem:s18+$0x100];
	[tilespmem:s16+$0x110] =	vst v6;
	v7 =	vmul.f32 $2.500000000e-01, v7  }
0xb4: {  	v6 =	vld [tilespmem:s18+$0x110];
	[tilespmem:s16+$0x120] =	vst v4  }
0xb5: {  	s17 =	sadd.s32 $0x100, s17;
	v4 =	vld [tilespmem:s18+$0x120];
	[tilespmem:s16+$0x130] =	vst v7;
	s16 =	smov.u32 s18  }
0xb6: {  	v7 =	vld [tilespmem:s16+$0x130];
	_ =	sdelay $0x1  }
0xb7: {  	v2 =	vadd.f32 v2, v5  }
0xb8: {  	v3 =	vadd.f32 v3, v6  }
0xb9: {  	v2 =	vmul.f32 $2.500000000e-01, v2;
	v1 =	vadd.f32 v1, v4  }
0xba: {  	v3 =	vmul.f32 $2.500000000e-01, v3;
	v0 =	vadd.f32 v0, v7  }
0xbb: {  	[tilespmem:s16+$0x100] =	vst v2;
	v1 =	vmul.f32 $2.500000000e-01, v1  }
0xbc: {  	s15 =	sadd.s32 $0x1, s15;
	[tilespmem:s16+$0x110] =	vst v3;
	v0 =	vmul.f32 $2.500000000e-01, v0  }
0xbd: {  	p0 =	sne.s32 s15, s10;
	[tilespmem:s16+$0x120] =	vst v1  }
.Ltmp6:
0xbe: {  	[tilespmem:s16+$0x130] =	vst v0;
	(pc) =	sbr.rel @p0 .LBB2_1-.Ltmp6, $4  }
0xbf: {  	[hbm4b:s9+s1] =	stream.linear.scatter [tilespmem:s13], [sflag:$0x1], $0x2000, $0x38;
	[tilespmem:$0x4100] =	vst v63  }
0xc0: {  	_ =	swait.ge [sflag:s11], $0x2000  }
0xc1: {  	[sflag:s11] =	ssyncset.done $0x0  }
0xc2: {  	[sflag:s11] =	ssyncadd.s32 $0xFFFFE000  }
0xc3: {  	_ =	sfence.sel $0x180000  }
0xc4: {  	[bflag:$0x0] =	sbarrier.arrive $0xFFFF  }
0xc5: {  	p0 =	sne.s32 s2, $0x0;
	_ =	strace $0x9000005F  }
0xc6: {  	s0 =	sadd.s32 @!p0 $0x100000, s0;
	[bflag:$0x2] =	sbarrier.arrive $0xFFFF  }
0xc7: {  	[sflag:s0] =	ssyncadd.tile.s32 @!p0 $0x1;
	_ =	shalt  }
.Lfunc_end2:
_tile_overlayer_lowered:
.L_overlay_start_2:
0xc8: {  	(tag) =	ssettag $0x2  }
0xc9: {  	s0 =	rddreg [dreg:$0x0];
	s2 =	stileid.u32  }
0xca: {  	s1 =	rddreg [dreg:$0x1];
	p0 =	sne.s32 s2, $0x0  }
0xcb: {  	s3 =	rddreg [dreg:$0x2];
	[bflag:$0x3] =	sbarrier.arrive $0xFFFF;
	s2 =	simm.s32 @!p0 $0x1C01  }
0xcc: {  	[timem:s3], [sflag:s2] =	dma.local @!p0 [hbm:s0], s1  }
0xcd: {  	s0 =	simm.s32 @!p0 $0x1  }
0xce: {  	_ =	swait.ge @!p0 [sflag:s0], s1  }
0xcf: {  	s1 =	ssub.s32 @!p0 $0x0, s1;
	[sflag:s0] =	ssyncset.done @!p0 $0x0  }
0xd0: {  	[sflag:s0] =	ssyncadd.s32 @!p0 s1  }
0xd1: {  	[bflag:$0x3] =	sbarrier.arrive $0xFFFF  }
0xd2: {  	_ =	shalt  }

// kernel: scatter_offload_async_start.1
scs
__scs_entry_jumppad:
0x0: {  	(pc) =	sbr.rel $0x88, $3  }
0x1: {  	(tag) =	ssettag $0x0;
	lr =	simm.s32 $0x1  }
0x2: {  	[smem:$0x3F8C] =	sst lr;
	_ =	strace $0xD0000000  }
0x3: {  	_ = 	snop  }
0x4: {  	_ = 	snop  }
0x5: {  	_ = 	snop  }
0x6: {  	_ = 	snop  }
0x7: {  	_ = 	snop  }
__scs_overlays_trampoline_lowered:
0x8: {  	[smem:$0x3F9B] =	sst s0  }
0x9: {  	[smem:$0x3F9C] =	sst s1  }
0xa: {  	[smem:$0x3F9D] =	sst s2  }
0xb: {  	[smem:$0x3F9E] =	sst s3  }
0xc: {  	[smem:$0x3F9F] =	sst s4  }
0xd: {  	[smem:$0x3FA0] =	sst s5  }
0xe: {  	[smem:$0x3FA1] =	sst s6  }
0xf: {  	[smem:$0x3FA2] =	sst s7  }
0x10: {  	[smem:$0x3FA3] =	sst s8  }
0x11: {  	[smem:$0x3FA4] =	sst s9;
	s0 =	simm.s32 @!p0 $0x0  }
0x12: {  	s1 =	sld [smem:$0x3F8A];
	s0 =	simm.s32 @p0 $0x1  }
0x13: {  	[smem:$0x3FA5] =	sst s0;
	s0 =	simm.s32 @!p1 $0x0  }
0x14: {  	s2 =	sld [smem:$0x3F89];
	s0 =	simm.s32 @p1 $0x1  }
0x15: {  	[smem:$0x3FA6] =	sst s0;
	s0 =	simm.s32 @!p2 $0x0  }
0x16: {  	s3 =	sld [smem:$0x3FDB];
	s0 =	simm.s32 @p2 $0x1  }
0x17: {  	s4 =	simm.s32 $0x1BF5;
	[smem:$0x3FA8] =	sst s0  }
0x18: {  	s0 =	sld [smem:$0x3F8B];
	_ =	swait.ge [sflag:s4], $0x0  }
0x19: {  	s7 =	sld [smem:$0x3F8C]  }
0x1a: {  	s8 =	sadd.s32 $0xFFFFE003, lr  }
0x1b: {  	s9 =	sadd.s32 $0xFFFFFEF7, lr;
	s5 =	simm.s32 $0xFFFFFFFF;
	p2 =	slt.u32 s8, $0xFFFFF086  }
0x1c: {  	p1 =	slt.u32 s9, $0xF7A;
	s5 =	simm.s32 @!p2 $0x0  }
0x1d: {  	s5 =	simm.s32 @p1 $0x1;
	p0 =	seq.s32 s7, s2  }
0x1e: {  	s7 =	smul.u32 @!p0 $0xF7A, s2;
	p2 =	seq.s32 @!p0 s5, $0x0  }
0x1f: {  	s9 =	smul.u32 $0xF7A, s1;
	s8 =	simm.s32 @!p0 $0x1BF5;
	p2 =	por !p2, p0  }
0x20: {  	[sflag:s8] =	ssyncset.s32 @!p0 $0xFFFFF086;
	s6 =	sadd.s32 @!p0 s3, s7;
	s7 =	simm.s32 @!p0 $0x108  }
0x21: {  	s3 =	sadd.s32 s3, s9;
	s6 =	sadd.s32 @!p0 $0x88, s6;
	s7 =	simm.s32 @p2 $0x1082  }
0x22: {  	[simem:s7], [sflag:s8] =	dma.local @!p0 [hbm:s6], $0xF7A  }
0x23: {  	s9 =	sor.u32 $0xD0000000, s2;
	s6 =	simm.s32 $0x108;
	_ =	swait.ge @!p0 [sflag:s8], $0x0  }
0x24: {  	s3 =	sadd.s32 $0x88, s3;
	s6 =	simm.s32 @!p1 $0x1082;
	[sflag:s4] =	ssyncset.s32 $0xFFFFF086  }
0x25: {  	[simem:s6], [sflag:s4] =	dma.local [hbm:s3], $0xF7A  }
0x26: {  	[smem:$0x3F8C] =	sst s1;
	(tag) =	ssettag s2;
	_ =	strace s9  }
0x27: {  	s1 =	sld [smem:$0x3F9C]  }
0x28: {  	s2 =	sld [smem:$0x3F9D]  }
0x29: {  	s4 =	sld [smem:$0x3F9F]  }
0x2a: {  	p0 =	seq.s32 s5, $0x0;
	s5 =	sld [smem:$0x3FA0]  }
0x2b: {  	s6 =	sld [smem:$0x3FA1]  }
0x2c: {  	s7 =	sld [smem:$0x3FA2]  }
0x2d: {  	s3 =	simm.s32 $0x108;
	s8 =	sld [smem:$0x3FA3]  }
0x2e: {  	s3 =	simm.s32 @!p0 $0x1082;
	s9 =	sld [smem:$0x3FA4]  }
0x2f: {  	lr =	sadd.s32 s0, s3;
	s0 =	sld [smem:$0x3F9B]  }
0x30: {  	s3 =	sld [smem:$0x3F9E]  }
0x31: {  	[smem:$0x3FA7] =	sst s10  }
0x32: {  	s10 =	sld [smem:$0x3FA5];
	_ =	sdelay $0x3  }
0x33: {  	p0 =	seq.s32 s10, $0x1;
	s10 =	sld [smem:$0x3FA7];
	_ =	sdelay $0x3  }
0x34: {  	[smem:$0x3FA7] =	sst s10  }
0x35: {  	s10 =	sld [smem:$0x3FA6];
	_ =	sdelay $0x3  }
0x36: {  	p1 =	seq.s32 s10, $0x1;
	s10 =	sld [smem:$0x3FA7];
	_ =	sdelay $0x3  }
0x37: {  	[smem:$0x3FA7] =	sst s10  }
0x38: {  	s10 =	sld [smem:$0x3FA8]  }
0x39: {  	_ = 	snop;
	(pc) =	sbr.ind lr, $3  }
0x3a: {  	_ = 	snop  }
0x3b: {  	_ = 	snop  }
0x3c: {  	p2 =	seq.s32 s10, $0x1;
	s10 =	sld [smem:$0x3FA7]  }
0x3d: {  	_ =	shalt  }
0x3e: {  	_ =	shalt  }
0x3f: {  	_ =	shalt  }
0x40: {  	_ =	shalt  }
0x41: {  	_ =	shalt  }
0x42: {  	_ =	shalt  }
0x43: {  	_ =	shalt  }
0x44: {  	_ =	shalt  }
0x45: {  	_ =	shalt  }
0x46: {  	_ =	shalt  }
0x47: {  	_ =	shalt  }
0x48: {  	_ =	shalt  }
0x49: {  	_ =	shalt  }
0x4a: {  	_ =	shalt  }
0x4b: {  	_ =	shalt  }
0x4c: {  	_ =	shalt  }
0x4d: {  	_ =	shalt  }
0x4e: {  	_ =	shalt  }
0x4f: {  	_ =	shalt  }
0x50: {  	_ =	shalt  }
0x51: {  	_ =	shalt  }
0x52: {  	_ =	shalt  }
0x53: {  	_ =	shalt  }
0x54: {  	_ =	shalt  }
0x55: {  	_ =	shalt  }
0x56: {  	_ =	shalt  }
0x57: {  	_ =	shalt  }
0x58: {  	_ =	shalt  }
0x59: {  	_ =	shalt  }
0x5a: {  	_ =	shalt  }
0x5b: {  	_ =	shalt  }
0x5c: {  	_ =	shalt  }
0x5d: {  	_ =	shalt  }
0x5e: {  	_ =	shalt  }
0x5f: {  	_ =	shalt  }
0x60: {  	_ =	shalt  }
0x61: {  	_ =	shalt  }
0x62: {  	_ =	shalt  }
0x63: {  	_ =	shalt  }
0x64: {  	_ =	shalt  }
0x65: {  	_ =	shalt  }
0x66: {  	_ =	shalt  }
0x67: {  	_ =	shalt  }
0x68: {  	_ =	shalt  }
0x69: {  	_ =	shalt  }
0x6a: {  	_ =	shalt  }
0x6b: {  	_ =	shalt  }
0x6c: {  	_ =	shalt  }
0x6d: {  	_ =	shalt  }
0x6e: {  	_ =	shalt  }
0x6f: {  	_ =	shalt  }
0x70: {  	_ =	shalt  }
0x71: {  	_ =	shalt  }
0x72: {  	_ =	shalt  }
0x73: {  	_ =	shalt  }
0x74: {  	_ =	shalt  }
0x75: {  	_ =	shalt  }
0x76: {  	_ =	shalt  }
0x77: {  	_ =	shalt  }
0x78: {  	_ =	shalt  }
0x79: {  	_ =	shalt  }
0x7a: {  	_ =	shalt  }
0x7b: {  	_ =	shalt  }
0x7c: {  	_ =	shalt  }
0x7d: {  	_ =	shalt  }
0x7e: {  	_ =	shalt  }
0x7f: {  	_ =	shalt  }
0x80: {  	_ =	shalt  }
0x81: {  	_ =	shalt  }
0x82: {  	_ =	shalt  }
0x83: {  	_ =	shalt  }
0x84: {  	_ =	shalt  }
0x85: {  	_ =	shalt  }
0x86: {  	_ =	shalt  }
0x87: {  	_ =	shalt  }
.Lfunc_end0:
.L_simem_size_0:
called_computation.1_lowered:
.L_overlay_start_0:
0x88: {  	s2 =	sld [smem:$0x3FD9]  }
0x89: {  	s3 =	sld [smem:$0x3FFE];
	_ =	sdelay $0x1  }
0x8a: {  	s1 =	srdreg.scid  }
0x8b: {  	s0 =	sand.u32 $0x1, s1  }
0x8c: {  	s15 =	sshll.u32 s0, $0xA;
	s2 =	sadd.s32 s3, s2  }
0x8d: {  	s2 =	sadd.s32 s2, s15  }
0x8e: {  	[smem:$0x3FB3] =	sst s2  }
0x8f: {  	_ = 	snop  }
0x90: {  	(tm) =	ssettm $0x1  }
0x91: {  	s16 =	sld [smem:$0x3FFB];
	_ =	sdelay $0x3  }
0x92: {  	_ =	strace s16  }
0x93: {  	s2 =	sld [smem:$0x3FFC];
	_ =	sdelay $0x3  }
0x94: {  	_ =	strace s2  }
0x95: {  	s2 =	sld [smem:$0x3FFD];
	_ =	sdelay $0x3  }
0x96: {  	_ =	strace s2  }
0x97: {  	_ =	strace $0x8FFFFFFF  }
0x98: {  	s17 =	sld [smem:$0x3FDB];
	_ =	sdelay $0x1  }
0x99: {  	s18 =	simm.s32 $_scs_section_size  }
0x9a: {  	s4 =	simm.s32 $_size__tile_overlayer_lowered;
	s5 =	simm.s32 $_tile_overlayer_lowered  }
0x9b: {  	s6 =	simm.s32 $0x1BFF;
	s19 =	sshll.u32 s5, $0x1;
	s3 =	sadd.s32 s18, s17  }
0x9c: {  	s20 =	simm.s32 $0x0;
	s4 =	sshll.u32 s4, $0x1;
	s5 =	sadd.s32 s19, s3  }
0x9d: {  	[timem:s20], [sflag:s6] =	dma.local [hbm:s5], s4  }
0x9e: {  	_ =	swait.ge [sflag:s6], s4  }
0x9f: {  	s4 =	ssub.s32 $0x0, s4;
	[sflag:s6] =	ssyncset.done $0x0  }
0xa0: {  	[sflag:s6] =	ssyncadd.s32 s4;
	_ =	sdelay $0x1  }
0xa1: {  	s21 =	simm.s32 $0x1B8B  }
0xa2: {  	_ =	swait.ge [sflag:s21], $0x1  }
0xa3: {  	[sflag:s21] =	ssyncset.done $0x0  }
0xa4: {  	s22 =	sld [smem:$0x3FFE];
	[sflag:s21] =	ssyncadd.s32 $0xFFFFFFFF  }
0xa5: {  	s24 =	simm.s32 $0x1B8E;
	s23 =	sld [smem:$0x0]  }
0xa6: {  	s25 =	simm.s32 $execute0_lowered;
	[smem:$0x3FD2] =	sst s24  }
0xa7: {  	s6 =	sshll.u32 s25, $0x1;
	_ =	strace $0x80000052;
	[dreg:$0x1] =	wrdreg $0xFFFFFFFF  }
0xa8: {  	s7 =	simm.s32 $_size_execute0_lowered;
	s6 =	sadd.s32 s3, s6;
	[dreg:$0x0] =	wrdreg $0x0  }
0xa9: {  	s7 =	sshll.u32 s7, $0x1;
	[dreg:$0x2] =	wrdreg s6  }
0xaa: {  	[dreg:$0x3] =	wrdreg s7  }
0xab: {  	[dreg:$0x4] =	wrdreg $0xC0  }
0xac: {  	s26 =	simm.s32 $execute1_lowered;
	_ =	task [dreg:s20], $0x5FFFF  }
0xad: {  	s6 =	sshll.u32 s26, $0x1;
	[dreg:$0x1] =	wrdreg $0xFFFFFFFF  }
0xae: {  	s3 =	sadd.s32 s3, s6;
	[dreg:$0x0] =	wrdreg $0x60  }
0xaf: {  	[dreg:$0x2] =	wrdreg s3  }
0xb0: {  	[dreg:$0x3] =	wrdreg s22  }
0xb1: {  	[dreg:$0x4] =	wrdreg $0x9  }
0xb2: {  	_ =	task.clear_ibuf [dreg:s20], $0x5FFFF;
	_ =	strace $0x90000052  }
0xb3: {  	s28 =	simm.s32 $0x9;
	_ =	strace $0x80000054  }
0xb4: {  	_ =	swait.ge [sflag:s28], $0x1  }
0xb5: {  	[sflag:s28] =	ssyncadd.s32 $0xFFFFFFFF  }
0xb6: {  	_ =	strace $0x90000054  }
0xb7: {  	s3 =	sld [smem:$0x0]  }
0xb8: {  	s6 =	sand.u32 $0xFFFFFFFE, s1  }
0xb9: {  	p0 =	sne.s32 s1, s6  }
0xba: {  	s6 =	sshll.u32 @p0 s6, $0xE  }
0xbb: {  	s6 =	sadd.s32 @p0 $0x11BF3, s6;
	s7 =	sshll.u32 @p0 s3, $0x11  }
0xbc: {  	s6 =	sor.u32 @p0 s7, s6  }
0xbd: {  	[sflag:s6] =	ssyncadd.remote.s32 @p0 $0x1;
	_ =	sdelay $0x1  }
0xbe: {  	s6 =	simm.s32 @p0 $0x1BF3  }
0xbf: {  	_ =	swait.eq @p0 [sflag:s6], $0x1  }
0xc0: {  	[sflag:s6] =	ssyncadd.s32 @p0 $0xFFFFFFFF  }
0xc1: {  	s7 =	sshll.u32 @!p0 s1, $0xE  }
0xc2: {  	s7 =	sor.u32 @!p0 $0x4000, s7;
	s6 =	simm.s32 @!p0 $0x1BF3  }
0xc3: {  	s3 =	sshll.u32 @!p0 s3, $0x11;
	s7 =	sadd.s32 @!p0 $0x11BF3, s7;
	_ =	swait.eq @!p0 [sflag:s6], $0x1  }
0xc4: {  	s3 =	sor.u32 @!p0 s3, s7;
	[sflag:s6] =	ssyncadd.s32 @!p0 $0xFFFFFFFF  }
0xc5: {  	[sflag:s3] =	ssyncadd.remote.s32 @!p0 $0x1  }
0xc6: {  	_ =	strace $0x80000055;
	[dreg:$0x1] =	wrdreg $0xFFFFFFFF  }
0xc7: {  	[dreg:$0x0] =	wrdreg $0x2030  }
0xc8: {  	[dreg:$0x2] =	wrdreg s22  }
0xc9: {  	[dreg:$0x3] =	wrdreg s1  }
0xca: {  	[dreg:$0x4] =	wrdreg s23  }
0xcb: {  	[dreg:$0x5] =	wrdreg $0xA  }
0xcc: {  	_ =	task.clear_ibuf [dreg:s20], $0x6FFFF;
	_ =	strace $0x90000055  }
0xcd: {  	s29 =	simm.s32 $0xA;
	_ =	strace $0x80000057  }
0xce: {  	_ =	swait.ge [sflag:s29], $0x1  }
0xcf: {  	[sflag:s29] =	ssyncadd.s32 $0xFFFFFFFF  }
0xd0: {  	_ =	strace $0x90000057  }
0xd1: {  	_ =	sfence  }
0xd2: {  	s30 =	sld [smem:$0x0];
	_ =	sdelay $0x2  }
0xd3: {  	s31 =	sshll.u32 s1, $0xD;
	s1 =	sshrl.u32 s1, $0x2  }
0xd4: {  	s4 =	sand.u32 $0x4000, s31;
	s1 =	sadd.s32 s1, s30  }
0xd5: {  	s0 =	sor.u32 s4, s0;
	s1 =	sshll.u32 s1, $0x11  }
0xd6: {  	s0 =	sor.u32 s1, s0  }
0xd7: {  	s0 =	sadd.s32 $0x8F2B, s0  }
0xd8: {  	[sflag:s0] =	ssyncadd.remote.s32 $0x1  }
0xd9: {  	_ =	sfence.sel $0xFFFF  }
0xda: {  	[dreg:$0x0] =	wrdreg $0xFFFFFFFF;
	(pc) =	sbr.abs _section_cstart, $3  }
0xdb: {  	[dreg:$0x1] =	wrdreg $0xFFFFFFFF  }
0xdc: {  	_ =	task.clear_ibuf [dreg:s20], $0x2FFFF;
	_ =	strace $0x9FFFFFFF  }
0xdd: {  	(tm) =	ssettm $0x7FFFFFFF  }
tec
execute0_lowered:
.L_overlay_start_1:
0x0: {  	(tag) =	ssettag $0x1  }
0x1: {  	s2 =	rddreg [dreg:$0x0]  }
0x2: {  	s5 =	rddreg [dreg:$0x1]  }
0x3: {  	s0 =	rddreg [dreg:$0x2];
	s3 =	stileid.u32;
	[bflag:$0x3] =	sbarrier.arrive $0xFFFF  }
0x4: {  	s1 =	simm.s32 $_size_execute1_lowered;
	s29 =	srdreg.scid;
	s31 =	simm.s32 $0x2  }
0x5: {  	s13 =	simm.s32 $0x0;
	s8 =	simm.s32 $0x40;
	p0 =	sne.s32 s3, $0x0  }
0x6: {  	s1 =	sshll.u32 s1, $0x1;
	s4 =	simm.s32 @!p0 $0x1C3F;
	s6 =	simm.s32 @!p0 $0x4060  }
0x7: {  	[timem:s6], [sflag:s4] =	dma.local @!p0 [hbm:s2], s1  }
0x8: {  	s9 =	simm.s32 $0x80;
	s11 =	simm.s32 $0x0;
	s2 =	sshll.u32 s29, $0x8  }
.Ltmp0:
0x9: {  	s3 =	sshll.u32 s3, $0x9;
	s30 =	sand.u32 $0x100, s2;
	(pc) =	sbr.rel .LBB2_1-.Ltmp0, $4  }
0xa: {  	s12 =	simm.s32 $0x0;
	_ =	strace $0x80000053;
	s3 =	sor.u32 s3, s30  }
0xb: {  	s4 =	simm.s32 $0x1;
	s2 =	sadd.s32 $0x6E0200, s5;
	s7 =	ssub.s32 $0x30D00, s3  }
0xc: {  	s5 =	sadd.s32 $0xCFAA00, s5;
	[sflag:s4] =	ssyncpa.u1 $0x0;
	s6 =	sshrl.u32 s7, $0xD  }
0xd: {  	[sflag:s31] =	ssyncpa.u1 $0x0;
	s10 =	smov.u32 s3;
	s7 =	sadd.s32 $0x2, s6  }
.LBB2_5:
0xe: {  	_ =	sdelay $0x3  }
0xf: {  	[tilespmem:v3+s18+$0x0 ss:$0x1] =	vst.idx.msk $0xffff, v1  }
0x10: {  	[tilespmem:v3+s17+$0x0 ss:$0x1] =	vst.idx.msk $0xffff, v2  }
0x11: {  	[tilespmem:v3+s16+$0x0 ss:$0x1] =	vst.idx.msk $0xffff, v4  }
0x12: {  	[tilespmem:v3+s19+$0x0 ss:$0x1] =	vst.idx.msk $0xffff, v5  }
.LBB2_6:
0x13: {  	s16 =	sand.u32 $0x1FFFFFF, s11  }
0x14: {  	s17 =	smulhi.u32 $0x14F8B59, s16;
	_ =	sdelay $0x1  }
0x15: {  	s17 =	sshrl.u32 s17, $0xA  }
0x16: {  	s17 =	smul.u32 $0x30D40, s17;
	_ =	sdelay $0x1  }
0x17: {  	s16 =	ssub.s32 s16, s17  }
0x18: {  	s16 =	sshll.u32 s16, $0x4  }
0x19: {  	s16 =	sadd.s32 s5, s16  }
0x1a: {  	[hbm4b:s16+s8] =	stream.strided.scatter [tilespmem:s15], [sflag:$0x2], s14, s9, s8, $0x38;
	[tilespmem:$0x10000] =	vst v63  }
.LBB2_7:
0x1b: {  	p1 =	slt.u32 s12, $0x2  }
0x1c: {  	p2 =	sgt.s32 @!p1 s13, $0x30C40  }
0x1d: {  	s14 =	smov.u32 s13;
	s15 =	sshra.s32 @!p1 s13, $0x1F;
	p2 =	por !p2, p1  }
0x1e: {  	s13 =	sand.u32 @!p1 s15, s13;
	s14 =	simm.s32 @p2 $0x30C40  }
0x1f: {  	s13 =	ssub.s32 @!p1 s14, s13  }
0x20: {  	s13 =	sadd.s32 @!p1 $0xFFFCF3C0, s13  }
0x21: {  	s14 =	sshll.u32 @!p1 s13, $0x8  }
0x22: {  	p2 =	sgt.s32 @!p1 s13, $0xFF;
	s13 =	ssub.s32 @!p1 $0x10000, s14  }
0x23: {  	s15 =	sadd.s32 $0x2000, s10;
	p2 =	por !p2, p1;
	s13 =	sshrl.u32 @!p1 s13, $0x2  }
0x24: {  	s13 =	simm.s32 @!p2 $0x0;
	p2 =	sgt.s32 s15, $0x30D3F  }
0x25: {  	s15 =	smov.u32 @p2 s3;
	p2 =	sne.s32 s12, s7  }
.Ltmp1:
0x26: {  	_ = 	snop;
	(pc) =	sbr.rel @!p2 .LBB2_8-.Ltmp1, $4  }
0x27: {  	s14 =	simm.s32 @!p1 $0x2  }
0x28: {  	_ =	swait.ge @!p1 [sflag:s14], s13;
	s16 =	ssub.s32 @!p1 $0x0, s13  }
0x29: {  	s13 =	smov.u32 s11;
	s12 =	sadd.s32 $0x1, s12;
	[sflag:s14] =	ssyncset.done @!p1 $0x0  }
0x2a: {  	s11 =	smov.u32 s10;
	s10 =	smov.u32 s15;
	[sflag:s14] =	ssyncadd.s32 @!p1 s16  }
.LBB2_1:
0x2b: {  	p1 =	sgt.u32 s12, s6  }
0x2c: {  	s15 =	smov.u32 s10;
	p2 =	sgt.s32 @!p1 s10, $0x30C40  }
0x2d: {  	s14 =	sand.u32 @!p1 $0x1FFFFFF, s10;
	s16 =	sshra.s32 @!p1 s10, $0x1F;
	p2 =	por !p2, p1  }
0x2e: {  	s17 =	smulhi.u32 @!p1 $0x14F8B59, s14;
	s16 =	sand.u32 @!p1 s16, s10;
	s15 =	simm.s32 @p2 $0x30C40  }
0x2f: {  	s15 =	ssub.s32 @!p1 s15, s16  }
0x30: {  	s16 =	sshrl.u32 @!p1 s17, $0xA;
	s15 =	sadd.s32 @!p1 $0xFFFCF3C0, s15  }
0x31: {  	s17 =	sxor.u32 @!p1 $0xFFFFFFFF, s12;
	s16 =	smul.u32 @!p1 $0x30D40, s16;
	s18 =	sshll.u32 @!p1 s15, $0x8  }
0x32: {  	s17 =	sshll.u32 @!p1 s17, $0xE;
	p2 =	sgt.s32 @!p1 s15, $0xFF;
	s15 =	ssub.s32 @!p1 $0x10000, s18  }
0x33: {  	s14 =	ssub.s32 @!p1 s14, s16;
	p2 =	por !p2, p1;
	s16 =	sand.u32 @!p1 $0x4000, s17  }
0x34: {  	s17 =	simm.s32 @!p1 $0x40;
	s15 =	sshrl.u32 @!p1 s15, $0x2;
	s14 =	sshll.u32 @!p1 s14, $0x4  }
0x35: {  	s18 =	simm.s32 @!p1 $0x80;
	s15 =	simm.s32 @!p2 $0x0;
	s14 =	sadd.s32 @!p1 s2, s14  }
0x36: {  	[tilespmem:s16], [sflag:$0x1] =	stream.strided.gather @!p1 [hbm4b:s14+s17], s15, s18, s17, $0x38;
	[tilespmem:$0x10000] =	vst v63  }
0x37: {  	p1 =	seq.s32 s12, $0x0  }
0x38: {  	p2 =	sge.u32 @!p1 s12, s7  }
0x39: {  	p1 =	por p1, p2  }
.Ltmp2:
0x3a: {  	_ = 	snop;
	(pc) =	sbr.rel @p1 .LBB2_7-.Ltmp2, $1  }
0x3b: {  	_ =	sdelay $0x3  }
0x3c: {  	p1 =	sgt.s32 s11, $0x30C40;
	s14 =	smov.u32 s11;
	s15 =	sshra.s32 s11, $0x1F  }
0x3d: {  	s14 =	simm.s32 @!p1 $0x30C40;
	s15 =	sand.u32 s15, s11  }
0x3e: {  	s14 =	ssub.s32 s14, s15  }
0x3f: {  	s14 =	sadd.s32 $0xFFFCF3C0, s14  }
0x40: {  	s31 =	sshll.u32 s14, $0x8  }
0x41: {  	s15 =	ssub.s32 $0x10000, s31  }
0x42: {  	p1 =	sgt.s32 s14, $0xFF;
	s14 =	sshrl.u32 s15, $0x2;
	s15 =	sadd.s32 $0x100, s11  }
0x43: {  	s14 =	simm.s32 @p1 $0x0;
	p1 =	slt.s32 s15, $0x30D40  }
0x44: {  	s15 =	simm.s32 @!p1 $0x30D40  }
0x45: {  	s20 =	ssub.s32 s15, s11  }
0x46: {  	p1 =	slt.s32 s20, $0x1  }
.Ltmp3:
0x47: {  	_ = 	snop;
	(pc) =	sbr.rel @p1 .LBB2_6-.Ltmp3, $4  }
0x48: {  	_ = 	snop  }
0x49: {  	s16 =	sshll.u32 s12, $0xE;
	_ =	swait.ge [sflag:s4], s14  }
0x4a: {  	s16 =	sand.u32 $0x4000, s16;
	s17 =	ssub.s32 $0x0, s14;
	[sflag:s4] =	ssyncset.done $0x0  }
0x4b: {  	s15 =	sor.u32 $0x8000, s16;
	[sflag:s4] =	ssyncadd.s32 s17  }
0x4c: {  	v0 =	vmov s16;
	_ =	sdelay $0x2  }
0x4d: {  	s31 =	simm.s32 $0x0;
	p1 =	sne.s32 s20, $0x1  }
.Ltmp4:
0x4e: {  	s18 =	sand.u32 $0x3FC0, s31;
	(pc) =	sbr.rel @!p1 .LBB2_5-.Ltmp4, $4  }
0x4f: {  	s17 =	sor.u32 $0x30, s18;
	v1 =	vld.idx.msk [tilespmem:v0+s18+$0x0 ss:$0x1], $0xffff  }
0x50: {  	v3 =	vmov s15;
	s16 =	sor.u32 $0x10, s18;
	v2 =	vld.idx.msk [tilespmem:v0+s17+$0x0 ss:$0x1], $0xffff  }
0x51: {  	s19 =	sor.u32 $0x20, s18;
	v4 =	vld.idx.msk [tilespmem:v0+s16+$0x0 ss:$0x1], $0xffff  }
0x52: {  	s20 =	sadd.s32 $0xFFFFFFFF, s20;
	s21 =	simm.s32 $0x40;
	v5 =	vld.idx.msk [tilespmem:v0+s19+$0x0 ss:$0x1], $0xffff  }
.LBB2_4:
0x53: {  	s22 =	sand.u32 $0x3FC0, s21  }
0x54: {  	p1 =	sne.s32 s20, $0x1;
	s20 =	sadd.s32 $0xFFFFFFFF, s20;
	s23 =	sor.u32 $0x10, s22  }
.Ltmp5:
0x55: {  	s24 =	sor.u32 $0x20, s22;
	s25 =	sor.u32 $0x30, s22;
	[tilespmem:v3+s18+$0x0 ss:$0x1] =	vst.idx.msk $0xffff, v1;
	v1 =	vld.idx.msk [tilespmem:v0+s22+$0x0 ss:$0x1], $0xffff;
	(pc) =	sbr.rel @p1 .LBB2_4-.Ltmp5, $4  }
0x56: {  	s18 =	smov.u32 s22;
	[tilespmem:v3+s17+$0x0 ss:$0x1] =	vst.idx.msk $0xffff, v2;
	v2 =	vld.idx.msk [tilespmem:v0+s25+$0x0 ss:$0x1], $0xffff;
	s17 =	smov.u32 s25  }
0x57: {  	[tilespmem:v3+s16+$0x0 ss:$0x1] =	vst.idx.msk $0xffff, v4;
	v4 =	vld.idx.msk [tilespmem:v0+s23+$0x0 ss:$0x1], $0xffff;
	s16 =	smov.u32 s23  }
0x58: {  	[tilespmem:v3+s19+$0x0 ss:$0x1] =	vst.idx.msk $0xffff, v5;
	v5 =	vld.idx.msk [tilespmem:v0+s24+$0x0 ss:$0x1], $0xffff;
	s19 =	smov.u32 s24  }
0x59: {  	s21 =	sadd.s32 $0x40, s21  }
.Ltmp6:
0x5a: {  	_ = 	snop;
	(pc) =	sbr.rel .LBB2_5-.Ltmp6, $1  }
0x5b: {  	_ =	sdelay $0x3  }
.LBB2_8:
0x5c: {  	_ =	sfence.sel $0x180000  }
0x5d: {  	s2 =	simm.s32 $0x1;
	[bflag:$0x0] =	sbarrier.arrive $0xFFFF  }
0x5e: {  	s31 =	simm.s32 $0x2;
	[sflag:s2] =	ssyncpa.u1 $0x1  }
0x5f: {  	[sflag:s31] =	ssyncpa.u1 $0x1  }
0x60: {  	_ =	strace $0x90000053  }
0x61: {  	s0 =	sadd.s32 @!p0 $0x100000, s0;
	[bflag:$0x2] =	sbarrier.arrive $0xFFFF  }
0x62: {  	[sflag:s0] =	ssyncadd.tile.s32 @!p0 $0x1;
	s0 =	simm.s32 @!p0 $0x3F  }
0x63: {  	_ =	swait.ge @!p0 [sflag:s0], s1  }
0x64: {  	s1 =	ssub.s32 @!p0 $0x0, s1;
	[sflag:s0] =	ssyncset.done @!p0 $0x0  }
0x65: {  	[sflag:s0] =	ssyncadd.s32 @!p0 s1  }
0x66: {  	[bflag:$0x3] =	sbarrier.arrive $0xFFFF  }
0x67: {  	_ =	shalt  }
.Lfunc_end2:
execute1_lowered:
.L_overlay_start_2:
0x68: {  	(tag) =	ssettag $0x2  }
0x69: {  	s2 =	rddreg [dreg:$0x0]  }
0x6a: {  	s4 =	rddreg [dreg:$0x1];
	_ =	strace $0x80000056;
	s0 =	simm.s32 $0x1  }
0x6b: {  	s3 =	simm.s32 $0x88;
	v0 =	vimm.s32 $0x0;
	[sflag:s0] =	ssyncpa.u1 $0x0  }
0x6c: {  	s1 =	sadd.s32 $0xCFAA00, s2;
	[tilespmem:s3+$0x30] =	vst v0  }
0x6d: {  	s0 =	sadd.s32 $0x6888200, s2;
	s6 =	sadd.s32 $0xCAF3800, s2;
	[tilespmem:s3+$0x20] =	vst v0  }
0x6e: {  	s2 =	sadd.s32 $0x189000, s2;
	s5 =	sand.u32 $0x1, s4;
	s4 =	simm.s32 $0x40;
	[tilespmem:s3+$0x10] =	vst v0  }
.LBB3_1:
0x6f: {  	s4 =	sadd.s32 $0x40, s4  }
0x70: {  	[tilespmem:s3+$0x0] =	vst v0;
	s3 =	sadd.s32 $0x40, s3;
	p0 =	slt.u32 s4, $0x5040  }
.Ltmp7:
0x71: {  	(pc) =	sbr.rel @p0 .LBB3_1-.Ltmp7, $4  }
0x72: {  	_ = 	snop  }
0x73: {  	[tilespmem:s3+$0x30] =	vst v0  }
0x74: {  	[tilespmem:s3+$0x20] =	vst v0  }
0x75: {  	[tilespmem:s3+$0x10] =	vst v0  }
0x76: {  	s28 =	simm.s32 $0x2;
	s4 =	stileid.u32;
	s29 =	simm.s32 $0x9  }
0x77: {  	s7 =	simm.s32 $0xA;
	[dreg:$0x4] =	wrdreg s5;
	s30 =	smul.u32 $0x61A80, s5  }
0x78: {  	s31 =	simm.s32 $0xB;
	s16 =	simm.s32 $0x0;
	p0 =	por $0x1, $0x1  }
0x79: {  	s17 =	simm.s32 $0xFB00;
	s18 =	simm.s32 $0xFFFF;
	p1 =	por $0x0, $0x0  }
0x7a: {  	s19 =	simm.s32 $0x1;
	s13 =	simm.s32 $0xC;
	s24 =	simm.s32 $0x0  }
0x7b: {  	s22 =	simm.s32 $0x0;
	s9 =	smul.u32 $0x30D40, s4;
	s12 =	sshll.u32 s4, $0x7  }
.Ltmp8:
0x7c: {  	s0 =	sadd.s32 s30, s0;
	[dreg:$0x9] =	wrdreg s12;
	(pc) =	sbr.rel .LBB3_3-.Ltmp8, $4  }
0x7d: {  	[tilespmem:s3+$0x0] =	vst v0;
	v0 =	vimm.s32 $0xFFFFFFFF;
	s21 =	simm.s32 $0x0;
	[sflag:s28] =	ssyncpa.u1 $0x0;
	[dreg:$0x8] =	wrdreg s0  }
0x7e: {  	[tilespmem:$0xA108] =	vst v0;
	[sflag:s29] =	ssyncpa.u1 $0x0;
	s11 =	sadd.s32 s30, s2;
	[dreg:$0x5] =	wrdreg s9  }
0x7f: {  	[sflag:s7] =	ssyncpa.u1 $0x0;
	s10 =	sadd.s32 $0x30D40, s9;
	[dreg:$0x7] =	wrdreg s11  }
0x80: {  	v0 =	vlaneseq.u32;
	s23 =	smov.u32 s9;
	[sflag:s31] =	ssyncpa.u1 $0x0;
	[dreg:$0x6] =	wrdreg s10  }
.LBB3_22:
0x81: {  	s2 =	sshrl.u32 s4, $0x2  }
.LBB3_24:
0x82: {  	_ =	swait.ge [sflag:s13], s2  }
0x83: {  	s31 =	ssub.s32 $0x0, s2;
	v1 =	vmov s28;
	vm0 =	veq.s32 v0, $0x0;
	[sflag:s13] =	ssyncset.done $0x0  }
0x84: {  	vm15 =	veq.s32 v0, $0x2;
	v1 =	vsel vm0, s0, v1;
	[sflag:s13] =	ssyncadd.s32 s31  }
0x85: {  	v1 =	vsel vm15, s24, v1;
	[sflag:s13] =	ssyncpa.u1 $0x1  }
0x86: {  	[tilespmem:$0xA108] =	vst v1  }
.LBB3_25:
0x87: {  	s0 =	sadd.s32 $0x140, s23  }
0x88: {  	s2 =	smov.u32 s9;
	s21 =	sadd.s32 $0x1, s21;
	p2 =	slt.s32 s0, s10  }
0x89: {  	s2 =	smov.u32 @p2 s0;
	p2 =	sne.s32 s21, $0x273  }
.Ltmp9:
0x8a: {  	_ = 	snop;
	(pc) =	sbr.rel @!p2 .LBB3_26-.Ltmp9, $4  }
0x8b: {  	_ = 	snop  }
0x8c: {  	s24 =	smov.u32 s22  }
0x8d: {  	p0 =	por !p0, !p0;
	s22 =	smov.u32 s23;
	s17 =	sadd.s32 $0x500, s17  }
0x8e: {  	s18 =	sadd.s32 $0x1, s18;
	p1 =	por !p1, !p1;
	s23 =	smov.u32 s2  }
.LBB3_3:
0x8f: {  	p2 =	sgt.u32 s21, $0x270  }
0x90: {  	s0 =	smul.u32 @!p2 $0xAAAB, s21;
	_ =	sdelay $0x1  }
0x91: {  	s2 =	smov.u32 s23;
	p3 =	sgt.s32 @!p2 s23, $0x30D2C0;
	s0 =	sshrl.u32 @!p2 s0, $0x11  }
0x92: {  	s3 =	sshra.s32 @!p2 s23, $0x1F;
	p3 =	por !p3, p2;
	s0 =	smul.u32 @!p2 $0x3, s0  }
0x93: {  	s3 =	sand.u32 @!p2 s3, s23;
	s2 =	simm.s32 @p3 $0x30D2C0  }
0x94: {  	s2 =	ssub.s32 @!p2 s2, s3;
	s0 =	ssub.s32 @!p2 s21, s0  }
0x95: {  	s2 =	sadd.s32 @!p2 $0xFFCF2D40, s2;
	s0 =	smul.u32 @!p2 $0x500, s0  }
0x96: {  	s4 =	sand.u32 @!p2 $0x7, s23;
	s3 =	sshll.u32 @!p2 s2, $0x2;
	p3 =	sgt.s32 @!p2 s2, $0x13F  }
0x97: {  	s2 =	ssub.s32 @!p2 $0x500, s3;
	p3 =	por !p3, p2;
	s0 =	sand.u32 @!p2 $0xFF00, s0  }
0x98: {  	s3 =	sshrl.u32 @!p2 s23, $0x3;
	s2 =	sshrl.u32 @!p2 s2, $0x2;
	s0 =	sshrl.u32 @!p2 s0, $0x2  }
0x99: {  	s3 =	sadd.s32 @!p2 s3, s11;
	s2 =	simm.s32 @!p3 $0x0;
	s0 =	sadd.s32 @!p2 $0xA948, s0  }
0x9a: {  	[tilespmem:s0], [sflag:$0xA] =	stream.linear.gather @!p2 [hbm4b:s3+s4], s2, $0x38;
	[tilespmem:$0x1EF88] =	vst v63  }
0x9b: {  	s0 =	sadd.s32 $0xFFFFFFFF, s21  }
0x9c: {  	p2 =	sgt.u32 s0, $0x270  }
.Ltmp10:
0x9d: {  	_ = 	snop;
	(pc) =	sbr.rel @p2 .LBB3_7-.Ltmp10, $1  }
0x9e: {  	_ =	sdelay $0x3  }
0x9f: {  	s2 =	sand.u32 $0xFFFF, s18  }
0xa0: {  	p2 =	sgt.s32 s22, $0x30D2C0;
	s3 =	smov.u32 s22;
	s4 =	sshra.s32 s22, $0x1F  }
0xa1: {  	s2 =	smul.u32 $0xAAAB, s2;
	s3 =	simm.s32 @!p2 $0x30D2C0;
	s4 =	sand.u32 s4, s22  }
0xa2: {  	s0 =	sand.u32 $0x1, s0;
	s3 =	ssub.s32 s3, s4  }
0xa3: {  	s5 =	simm.s32 $0xA;
	s2 =	sshrl.u32 s2, $0x11;
	s3 =	sadd.s32 $0xFFCF2D40, s3  }
0xa4: {  	s8 =	sshrl.u32 s22, $0x3;
	s2 =	smul.u32 $0xF00, s2;
	s31 =	sshll.u32 s3, $0x2  }
0xa5: {  	s10 =	sand.u32 $0x7, s22;
	s0 =	smul.u32 $0x500, s0;
	s4 =	ssub.s32 $0x500, s31  }
0xa6: {  	p2 =	sgt.s32 s3, $0x13F;
	s2 =	ssub.s32 s17, s2;
	s3 =	sshrl.u32 s4, $0x2  }
0xa7: {  	s0 =	sshrl.u32 s0, $0x2;
	s2 =	sand.u32 $0xFFFC, s2;
	s3 =	simm.s32 @p2 $0x0  }
0xa8: {  	s0 =	sadd.s32 $0xAD08, s0;
	s2 =	sshrl.u32 s2, $0x2;
	_ =	swait.ge [sflag:s5], s3  }
0xa9: {  	s7 =	ssub.s32 $0x0, s3;
	[sflag:s5] =	ssyncset.done $0x0;
	s9 =	rddreg [dreg:$0x8]  }
0xaa: {  	s29 =	sadd.s32 $0xA948, s2;
	[sflag:s5] =	ssyncadd.s32 s7;
	s2 =	sadd.s32 s8, s9  }
0xab: {  	[tilespmem:s0], [sflag:$0xB] =	stream.linear.gather [hbm4b:s2+s10], s3, $0x38;
	[tilespmem:$0x1EF88] =	vst v63  }
0xac: {  	v1 =	vld.msk [tilespmem:s29+$0x0], $0xffff;
	_ =	sdelay $0x4  }
0xad: {  	v1 =	vshll.u32 v1, $0x4  }
0xae: {  	(v2sf) =	vpush v1, $0x0;
	_ =	sdelay $0x1  }
0xaf: {  	(v2sf) =	vpush v1, $0x1  }
0xb0: {  	(v2sf) =	vpush v1, $0x2;
	_ =	sdelay $0x1  }
0xb1: {  	(v2sf) =	vpush v1, $0x3  }
0xb2: {  	(v2sf) =	vpush v1, $0x4;
	_ =	sdelay $0x1  }
0xb3: {  	(v2sf) =	vpush v1, $0x5  }
0xb4: {  	s0 =	simm.s32 $0x1  }
0xb5: {  	s0 =	simm.s32 @!p0 $0x0  }
0xb6: {  	s0 =	smul.u32 $0x28000, s0  }
0xb7: {  	(v2sf) =	vpush v1, $0x6  }
0xb8: {  	s0 =	sshrl.u32 s0, $0x2  }
0xb9: {  	s25 =	sadd.s32 $0xB708, s0  }
0xba: {  	s13 =	sadd.s32 $0xFFFFF880, s25;
	s26 =	sadd.s32 $0xFFFFF900, s25;
	s11 =	spop (v2sf)  }
0xbb: {  	s30 =	sadd.s32 $0xFFFFF980, s25;
	s7 =	sadd.s32 $0xFFFFFA00, s25;
	(v2sf) =	vpush v1, $0x7;
	s12 =	sand.u32 $0x1FFFFFF0, s11  }
0xbc: {  	s8 =	sadd.s32 $0xFFFFFA80, s25;
	s14 =	spop (v2sf);
	s0 =	sadd.s32 s6, s12  }
0xbd: {  	(v2sf) =	vpush v1, $0x8;
	s15 =	sand.u32 $0x1FFFFFF0, s14;
	s20 =	spop (v2sf);
	s12 =	sadd.s32 $0xFFFFFB00, s25  }
0xbe: {  	(v2sf) =	vpush v1, $0x9;
	[tilespmem:s13], [sflag:$0x9] =	stream.linear.gather [hbm4b:s0+s16], $0x40, $0x38;
	[tilespmem:$0x1EF88] =	vst v63  }
0xbf: {  	s0 =	sadd.s32 s6, s15;
	s2 =	sand.u32 $0x1FFFFFF0, s20;
	s31 =	spop (v2sf)  }
0xc0: {  	(v2sf) =	vpush v1, $0xA;
	s13 =	sadd.s32 $0xFFFFFB80, s25;
	s4 =	sand.u32 $0x1FFFFFF0, s31;
	s5 =	spop (v2sf)  }
0xc1: {  	[tilespmem:s26], [sflag:$0x9] =	stream.linear.gather [hbm4b:s0+s16], $0x40, $0x38;
	[tilespmem:$0x1EF88] =	vst v63  }
0xc2: {  	s2 =	sadd.s32 s6, s2;
	(v2sf) =	vpush v1, $0xB;
	s0 =	sadd.s32 s6, s4;
	s9 =	spop (v2sf)  }
0xc3: {  	[tilespmem:s30], [sflag:$0x9] =	stream.linear.gather [hbm4b:s2+s16], $0x40, $0x38;
	[tilespmem:$0x1EF88] =	vst v63  }
0xc4: {  	(v2sf) =	vpush v1, $0xC;
	s26 =	sadd.s32 $0xFFFFFC00, s25;
	s10 =	sand.u32 $0x1FFFFFF0, s9;
	s2 =	sand.u32 $0x1FFFFFF0, s5  }
0xc5: {  	[tilespmem:s7], [sflag:$0x9] =	stream.linear.gather [hbm4b:s0+s16], $0x40, $0x38;
	[tilespmem:$0x1EF88] =	vst v63  }
0xc6: {  	s11 =	spop (v2sf);
	(v2sf) =	vpush v1, $0xD;
	s30 =	sadd.s32 $0xFFFFFC80, s25;
	s2 =	sadd.s32 s6, s2  }
0xc7: {  	[tilespmem:s8], [sflag:$0x9] =	stream.linear.gather [hbm4b:s2+s16], $0x40, $0x38;
	[tilespmem:$0x1EF88] =	vst v63  }
0xc8: {  	s0 =	sadd.s32 s6, s10;
	s7 =	sadd.s32 $0xFFFFFD00, s25;
	s2 =	sand.u32 $0x1FFFFFF0, s11  }
0xc9: {  	[tilespmem:s12], [sflag:$0x9] =	stream.linear.gather [hbm4b:s0+s16], $0x40, $0x38;
	[tilespmem:$0x1EF88] =	vst v63  }
0xca: {  	s8 =	sadd.s32 $0xFFFFFD80, s25;
	s2 =	sadd.s32 s6, s2;
	s14 =	spop (v2sf);
	(v2sf) =	vpush v1, $0xE  }
0xcb: {  	[tilespmem:s13], [sflag:$0x9] =	stream.linear.gather [hbm4b:s2+s16], $0x40, $0x38;
	[tilespmem:$0x1EF88] =	vst v63  }
0xcc: {  	s12 =	sadd.s32 $0xFFFFFE00, s25;
	s15 =	sand.u32 $0x1FFFFFF0, s14;
	s20 =	spop (v2sf);
	(v2sf) =	vpush v1, $0xF  }
0xcd: {  	s0 =	sadd.s32 s6, s15;
	s2 =	sand.u32 $0x1FFFFFF0, s20;
	s31 =	spop (v2sf)  }
0xce: {  	[tilespmem:s26], [sflag:$0x9] =	stream.linear.gather [hbm4b:s0+s16], $0x40, $0x38;
	[tilespmem:$0x1EF88] =	vst v63  }
0xcf: {  	s2 =	sadd.s32 s6, s2;
	s4 =	sand.u32 $0x1FFFFFF0, s31;
	s5 =	spop (v2sf)  }
0xd0: {  	[tilespmem:s30], [sflag:$0x9] =	stream.linear.gather [hbm4b:s2+s16], $0x40, $0x38;
	[tilespmem:$0x1EF88] =	vst v63  }
0xd1: {  	s0 =	sadd.s32 s6, s4;
	s9 =	spop (v2sf);
	s2 =	sand.u32 $0x1FFFFFF0, s5  }
0xd2: {  	[tilespmem:s7], [sflag:$0x9] =	stream.linear.gather [hbm4b:s0+s16], $0x40, $0x38;
	[tilespmem:$0x1EF88] =	vst v63  }
0xd3: {  	s10 =	sand.u32 $0x1FFFFFF0, s9;
	s11 =	spop (v2sf);
	s2 =	sadd.s32 s6, s2  }
0xd4: {  	[tilespmem:s8], [sflag:$0x9] =	stream.linear.gather [hbm4b:s2+s16], $0x40, $0x38;
	[tilespmem:$0x1EF88] =	vst v63  }
0xd5: {  	s14 =	spop (v2sf);
	s0 =	sadd.s32 s6, s10;
	s2 =	sand.u32 $0x1FFFFFF0, s11  }
0xd6: {  	[tilespmem:s12], [sflag:$0x9] =	stream.linear.gather [hbm4b:s0+s16], $0x40, $0x38;
	[tilespmem:$0x1EF88] =	vst v63  }
0xd7: {  	s13 =	sadd.s32 $0xFFFFFE80, s25;
	s15 =	sand.u32 $0x1FFFFFF0, s14;
	s2 =	sadd.s32 s6, s2  }
0xd8: {  	[tilespmem:s13], [sflag:$0x9] =	stream.linear.gather [hbm4b:s2+s16], $0x40, $0x38;
	[tilespmem:$0x1EF88] =	vst v63  }
0xd9: {  	s26 =	sadd.s32 $0xFFFFFF00, s25;
	s0 =	sadd.s32 s6, s15;
	s20 =	spop (v2sf)  }
0xda: {  	[tilespmem:s26], [sflag:$0x9] =	stream.linear.gather [hbm4b:s0+s16], $0x40, $0x38;
	[tilespmem:$0x1EF88] =	vst v63  }
0xdb: {  	s29 =	sadd.s32 $0x10, s29;
	s2 =	sand.u32 $0x1FFFFFF0, s20;
	s30 =	spop (v2sf)  }
0xdc: {  	s31 =	sadd.s32 $0xFFFFFF80, s25;
	s2 =	sadd.s32 s6, s2;
	s0 =	sand.u32 $0x1FFFFFF0, s30  }
0xdd: {  	[tilespmem:s31], [sflag:$0x9] =	stream.linear.gather [hbm4b:s2+s16], $0x40, $0x38;
	[tilespmem:$0x1EF88] =	vst v63  }
0xde: {  	s28 =	sadd.s32 $0x800, s25;
	s26 =	simm.s32 $0x0;
	s0 =	sadd.s32 s6, s0  }
.LBB3_5:
0xdf: {  	[tilespmem:s25], [sflag:$0x9] =	stream.linear.gather [hbm4b:s0+s16], $0x40, $0x38;
	[tilespmem:$0x1EF88] =	vst v63  }
0xe0: {  	s26 =	sadd.s32 $0x10, s26;
	s25 =	smov.u32 s28  }
0xe1: {  	p2 =	slt.u32 s26, $0x130;
	v1 =	vld.msk [tilespmem:s29+$0x0], $0xffff;
	_ =	sdelay $0x4  }
0xe2: {  	v1 =	vshll.u32 v1, $0x4  }
0xe3: {  	(v2sf) =	vpush v1, $0x0  }
0xe4: {  	(v2sf) =	vpush v1, $0x1  }
0xe5: {  	(v2sf) =	vpush v1, $0x2;
	_ =	sdelay $0x1  }
0xe6: {  	(v2sf) =	vpush v1, $0x3;
	_ =	sdelay $0x1  }
0xe7: {  	(v2sf) =	vpush v1, $0x4;
	_ =	sdelay $0x1  }
0xe8: {  	(v2sf) =	vpush v1, $0x5;
	_ =	sdelay $0x1  }
0xe9: {  	(v2sf) =	vpush v1, $0x6  }
0xea: {  	s31 =	sadd.s32 $0xFFFFFE80, s28;
	s30 =	sadd.s32 $0xFFFFFF00, s28  }
0xeb: {  	s5 =	sadd.s32 $0xFFFFFD00, s28;
	s4 =	sadd.s32 $0xFFFFFD80, s28;
	s0 =	sadd.s32 $0xFFFFFE00, s28;
	(v2sf) =	vpush v1, $0x7  }
0xec: {  	s14 =	sadd.s32 $0xFFFFFB80, s28;
	s2 =	sadd.s32 $0xFFFFFC00, s28;
	s3 =	sadd.s32 $0xFFFFFC80, s28  }
0xed: {  	s7 =	sadd.s32 $0xFFFFFA00, s28;
	s9 =	sadd.s32 $0xFFFFFA80, s28;
	s10 =	sadd.s32 $0xFFFFFB00, s28;
	(v2sf) =	vpush v1, $0x8  }
0xee: {  	s11 =	sadd.s32 $0xFFFFF900, s28;
	s13 =	sadd.s32 $0xFFFFF980, s28;
	s8 =	spop (v2sf)  }
0xef: {  	s20 =	sadd.s32 $0xFFFFF880, s28;
	s8 =	sand.u32 $0x1FFFFFF0, s8;
	s12 =	spop (v2sf);
	(v2sf) =	vpush v1, $0x9  }
0xf0: {  	s8 =	sadd.s32 s6, s8;
	s12 =	sand.u32 $0x1FFFFFF0, s12;
	s15 =	spop (v2sf)  }
0xf1: {  	[tilespmem:s20], [sflag:$0x9] =	stream.linear.gather [hbm4b:s8+s16], $0x40, $0x38;
	(v2sf) =	vpush v1, $0xA;
	[tilespmem:$0x1EF88] =	vst v63  }
0xf2: {  	s8 =	sadd.s32 s6, s12;
	s12 =	sand.u32 $0x1FFFFFF0, s15;
	s15 =	spop (v2sf)  }
0xf3: {  	[tilespmem:s11], [sflag:$0x9] =	stream.linear.gather [hbm4b:s8+s16], $0x40, $0x38;
	(v2sf) =	vpush v1, $0xB;
	[tilespmem:$0x1EF88] =	vst v63  }
0xf4: {  	s8 =	sadd.s32 s6, s12;
	s11 =	sand.u32 $0x1FFFFFF0, s15;
	s12 =	spop (v2sf)  }
0xf5: {  	[tilespmem:s13], [sflag:$0x9] =	stream.linear.gather [hbm4b:s8+s16], $0x40, $0x38;
	(v2sf) =	vpush v1, $0xC;
	[tilespmem:$0x1EF88] =	vst v63  }
0xf6: {  	s8 =	sadd.s32 s6, s11;
	s11 =	sand.u32 $0x1FFFFFF0, s12;
	s12 =	spop (v2sf)  }
0xf7: {  	[tilespmem:s7], [sflag:$0x9] =	stream.linear.gather [hbm4b:s8+s16], $0x40, $0x38;
	(v2sf) =	vpush v1, $0xD;
	[tilespmem:$0x1EF88] =	vst v63  }
0xf8: {  	s7 =	sadd.s32 s6, s11;
	s8 =	sand.u32 $0x1FFFFFF0, s12;
	s11 =	spop (v2sf)  }
0xf9: {  	[tilespmem:s9], [sflag:$0x9] =	stream.linear.gather [hbm4b:s7+s16], $0x40, $0x38;
	(v2sf) =	vpush v1, $0xE;
	[tilespmem:$0x1EF88] =	vst v63  }
0xfa: {  	s7 =	sadd.s32 s6, s8;
	s8 =	sand.u32 $0x1FFFFFF0, s11;
	s9 =	spop (v2sf)  }
0xfb: {  	[tilespmem:s10], [sflag:$0x9] =	stream.linear.gather [hbm4b:s7+s16], $0x40, $0x38;
	(v2sf) =	vpush v1, $0xF;
	[tilespmem:$0x1EF88] =	vst v63  }
0xfc: {  	s7 =	sadd.s32 s6, s8;
	s8 =	sand.u32 $0x1FFFFFF0, s9;
	s9 =	spop (v2sf)  }
0xfd: {  	[tilespmem:s14], [sflag:$0x9] =	stream.linear.gather [hbm4b:s7+s16], $0x40, $0x38;
	[tilespmem:$0x1EF88] =	vst v63  }
0xfe: {  	s7 =	sadd.s32 s6, s8;
	s8 =	sand.u32 $0x1FFFFFF0, s9;
	s9 =	spop (v2sf)  }
0xff: {  	[tilespmem:s2], [sflag:$0x9] =	stream.linear.gather [hbm4b:s7+s16], $0x40, $0x38;
	[tilespmem:$0x1EF88] =	vst v63  }
0x100: {  	s2 =	sadd.s32 s6, s8;
	s7 =	sand.u32 $0x1FFFFFF0, s9;
	s8 =	spop (v2sf)  }
0x101: {  	[tilespmem:s3], [sflag:$0x9] =	stream.linear.gather [hbm4b:s2+s16], $0x40, $0x38;
	[tilespmem:$0x1EF88] =	vst v63  }
0x102: {  	s2 =	sadd.s32 s6, s7;
	s3 =	sand.u32 $0x1FFFFFF0, s8;
	s7 =	spop (v2sf)  }
0x103: {  	[tilespmem:s5], [sflag:$0x9] =	stream.linear.gather [hbm4b:s2+s16], $0x40, $0x38;
	[tilespmem:$0x1EF88] =	vst v63  }
0x104: {  	s2 =	sadd.s32 s6, s3;
	s3 =	sand.u32 $0x1FFFFFF0, s7;
	s5 =	spop (v2sf)  }
0x105: {  	[tilespmem:s4], [sflag:$0x9] =	stream.linear.gather [hbm4b:s2+s16], $0x40, $0x38;
	[tilespmem:$0x1EF88] =	vst v63  }
0x106: {  	s2 =	sadd.s32 s6, s3;
	s3 =	sand.u32 $0x1FFFFFF0, s5;
	s4 =	spop (v2sf)  }
0x107: {  	[tilespmem:s0], [sflag:$0x9] =	stream.linear.gather [hbm4b:s2+s16], $0x40, $0x38;
	[tilespmem:$0x1EF88] =	vst v63  }
0x108: {  	s0 =	sadd.s32 s6, s3;
	s2 =	sand.u32 $0x1FFFFFF0, s4;
	s3 =	spop (v2sf)  }
0x109: {  	[tilespmem:s31], [sflag:$0x9] =	stream.linear.gather [hbm4b:s0+s16], $0x40, $0x38;
	[tilespmem:$0x1EF88] =	vst v63  }
0x10a: {  	s0 =	sadd.s32 s6, s2  }
.Ltmp11:
0x10b: {  	s2 =	sand.u32 $0x1FFFFFF0, s3;
	s3 =	spop (v2sf);
	(pc) =	sbr.rel @p2 .LBB3_5-.Ltmp11, $4  }
0x10c: {  	[tilespmem:s30], [sflag:$0x9] =	stream.linear.gather [hbm4b:s0+s16], $0x40, $0x38;
	[tilespmem:$0x1EF88] =	vst v63  }
0x10d: {  	s0 =	sadd.s32 s6, s2;
	s2 =	sadd.s32 $0xFFFFFF80, s28;
	s3 =	sand.u32 $0x1FFFFFF0, s3  }
0x10e: {  	[tilespmem:s2], [sflag:$0x9] =	stream.linear.gather [hbm4b:s0+s16], $0x40, $0x38;
	[tilespmem:$0x1EF88] =	vst v63  }
0x10f: {  	s29 =	sadd.s32 $0x10, s29;
	s28 =	sadd.s32 $0x800, s28;
	s0 =	sadd.s32 s6, s3  }
0x110: {  	[tilespmem:s25], [sflag:$0x9] =	stream.linear.gather [hbm4b:s0+s16], $0x40, $0x38;
	[tilespmem:$0x1EF88] =	vst v63  }
0x111: {  	s9 =	rddreg [dreg:$0x5]  }
0x112: {  	s10 =	rddreg [dreg:$0x6]  }
0x113: {  	s11 =	rddreg [dreg:$0x7]  }
0x114: {  	s12 =	rddreg [dreg:$0x9];
	s13 =	simm.s32 $0xC  }
.LBB3_7:
0x115: {  	p2 =	slt.u32 s21, $0x2  }
.Ltmp12:
0x116: {  	_ = 	snop;
	(pc) =	sbr.rel @p2 .LBB3_25-.Ltmp12, $1  }
0x117: {  	_ =	sdelay $0x3  }
0x118: {  	p2 =	sgt.s32 s24, $0x30D2C0;
	s0 =	smov.u32 s24;
	s2 =	sshra.s32 s24, $0x1F  }
0x119: {  	s0 =	simm.s32 @!p2 $0x30D2C0;
	s2 =	sand.u32 s2, s24  }
0x11a: {  	s0 =	ssub.s32 s0, s2  }
0x11b: {  	s0 =	sadd.s32 $0xFFCF2D40, s0  }
0x11c: {  	s3 =	simm.s32 $0x9;
	s30 =	sshll.u32 s0, $0x2  }
0x11d: {  	_ =	swait.ge [sflag:s3], $0x5000;
	s2 =	ssub.s32 $0x500, s30  }
0x11e: {  	[sflag:s3] =	ssyncset.done $0x0;
	p2 =	sgt.s32 s0, $0x13F;
	s0 =	sshrl.u32 s2, $0x2  }
0x11f: {  	s31 =	simm.s32 $0xB;
	[sflag:s3] =	ssyncadd.s32 $0xFFFFB000;
	s0 =	simm.s32 @p2 $0x0  }
0x120: {  	_ =	swait.ge [sflag:s31], s0  }
0x121: {  	s0 =	ssub.s32 $0x0, s0;
	[sflag:s31] =	ssyncset.done $0x0  }
0x122: {  	[sflag:s31] =	ssyncadd.s32 s0  }
0x123: {  	v1 =	vld [tilespmem:$0xA108];
	_ =	sdelay $0x4  }
0x124: {  	(v2sf) =	vpush v1, $0x0  }
0x125: {  	(v2sf) =	vpush v1, $0x1  }
0x126: {  	(v2sf) =	vpush v1, $0x2;
	_ =	sdelay $0x3  }
0x127: {  	s2 =	sadd.s32 $0x140, s24  }
0x128: {  	s3 =	ssub.s32 $0x61A800, s24;
	p2 =	slt.s32 s10, s2  }
0x129: {  	s2 =	smov.u32 @p2 s10;
	p2 =	sgt.s32 s3, $0x0  }
0x12a: {  	s25 =	ssub.s32 s2, s24;
	s3 =	simm.s32 @!p2 $0x0  }
0x12b: {  	p2 =	slt.s32 s3, s25  }
0x12c: {  	s25 =	smov.u32 @p2 s3  }
0x12d: {  	s0 =	simm.s32 $0x1;
	p2 =	slt.s32 s25, $0x1  }
.Ltmp13:
0x12e: {  	s0 =	simm.s32 @!p1 $0x0;
	(pc) =	sbr.rel @p2 .LBB3_12-.Ltmp13, $4  }
0x12f: {  	s4 =	smul.u32 $0x500, s0  }
0x130: {  	s2 =	spop (v2sf)  }
0x131: {  	s4 =	sshrl.u32 s4, $0x2;
	s3 =	spop (v2sf)  }
0x132: {  	s26 =	sadd.s32 $0xAD08, s4;
	s24 =	spop (v2sf)  }
0x133: {  	s4 =	smin.u32 s25, $0x10  }
0x134: {  	v1 =	vmov s4  }
0x135: {  	p3 =	sgt.s32 s25, $0x10;
	vm1 =	vgt.u32 v1, v0  }
.Ltmp14:
0x136: {  	_ = 	snop;
	(pc) =	sbr.rel @!p3 .LBB3_11-.Ltmp14, $2  }
0x137: {  	_ =	sdelay $0x2  }
0x138: {  	s5 =	simm.s32 $0x10;
	s14 =	sadd.s32 $0xFFFFFFF0, s25;
	s4 =	smov.u32 s26;
	vm0 =	vmmov vm1  }
.LBB3_10:
0x139: {  	s7 =	smin.u32 s14, $0x10;
	s5 =	sadd.s32 $0x10, s5;
	v1 =	vld.msk [tilespmem:s4+$0x0 ss:$0x1], vm1  }
0x13a: {  	v2 =	vmov s7;
	p3 =	slt.s32 s5, s25  }
0x13b: {  	vm1 =	vgt.u32 v2, v0  }
.Ltmp15:
0x13c: {  	(pc) =	sbr.rel @p3 .LBB3_10-.Ltmp15, $3  }
0x13d: {  	_ =	sdelay $0x1  }
0x13e: {  	v1 =	vshll.u32 v1, $0x4  }
0x13f: {  	s14 =	sadd.s32 $0xFFFFFFF0, s14;
	[tilespmem:s4+$0x0] =	vst.msk vm0, v1;
	s4 =	sadd.s32 $0x10, s4;
	vm0 =	vmmov vm1  }
.LBB3_11:
0x140: {  	_ =	sdelay $0x4  }
0x141: {  	v1 =	vld.msk [tilespmem:s4+$0x0 ss:$0x1], vm1;
	_ =	sdelay $0x4  }
0x142: {  	v1 =	vshll.u32 v1, $0x4  }
0x143: {  	[tilespmem:s4+$0x0] =	vst.msk vm0, v1  }
.LBB3_12:
0x144: {  	s4 =	sand.u32 $0x1, s21  }
0x145: {  	s4 =	smul.u32 $0x140, s4  }
0x146: {  	p3 =	sne.s32 s3, $0xFFFFFFFF  }
0x147: {  	v1 =	vld.msk @!p3 [tilespmem:s4+$0xAD08], $0x1;
	_ =	sdelay $0x4  }
0x148: {  	(v2sf) =	vpush @!p3 v1, $0x0;
	_ =	sdelay $0xc  }
.Ltmp16:
0x149: {  	_ = 	snop;
	(pc) =	sbr.rel @p2 .LBB3_23-.Ltmp16, $4  }
0x14a: {  	_ = 	snop  }
0x14b: {  	s31 =	spop @!p3 (v2sf)  }
0x14c: {  	s24 =	simm.s32 @!p3 $0x0;
	s28 =	smov.u32 s31  }
0x14d: {  	[sflag:s13] =	ssyncpa.u1 $0x0;
	s31 =	smov.u32 @p3 s2;
	s28 =	smov.u32 @p3 s3  }
0x14e: {  	v1 =	vld.msk [tilespmem:s26+$0x0], $0x1;
	_ =	sdelay $0x4  }
0x14f: {  	(v2sf) =	vpush v1, $0x0;
	_ =	sdelay $0xe  }
0x150: {  	s0 =	smul.u32 $0x28000, s0;
	s3 =	spop (v2sf)  }
0x151: {  	p2 =	seq.s32 s31, s3  }
0x152: {  	s2 =	smov.u32 s31;
	s0 =	sshrl.u32 s0, $0x2;
	p3 =	sgt.s32 @!p2 s31, $0x0  }
0x153: {  	s29 =	sadd.s32 $0xAFA8, s0;
	s0 =	sadd.s32 $0xFFFFFFFF, s25;
	p3 =	por !p3, p2  }
0x154: {  	s2 =	simm.s32 @p3 $0x0;
	p3 =	sne.s32 s0, $0x0  }
.Ltmp17:
0x155: {  	_ = 	snop;
	(pc) =	sbr.rel @!p3 .LBB3_15-.Ltmp17, $4  }
0x156: {  	_ = 	snop  }
0x157: {  	s30 =	simm.s32 $0x0;
	s4 =	simm.s32 @!p2 $0x1;
	s2 =	smin.u32 @!p2 s2, $0x30D3F8  }
0x158: {  	s5 =	simm.s32 @!p2 $0x50C8;
	s4 =	smov.u32 @p2 s30;
	s7 =	sand.u32 @!p2 $0x3FFFF8, s2  }
0x159: {  	s14 =	sand.u32 @!p2 $0x7, s2;
	s2 =	sadd.s32 $0x1, s26;
	s7 =	sadd.s32 @!p2 s1, s7  }
.LBB3_14:
0x15a: {  	s8 =	smov.u32 s4  }
0x15b: {  	[tilespmem:s5], [sflag:$0x2] =	stream.linear.gather @!p2 [hbm4b:s7+s14], $0x40, $0x38;
	[tilespmem:$0x1EF88] =	vst v63  }
0x15c: {  	s0 =	sadd.s32 $0xFFFFFFFF, s0;
	s7 =	smov.u32 s3;
	v1 =	vld.msk [tilespmem:s2+$0x0], $0x1  }
0x15d: {  	p3 =	sne.s32 s0, $0x0;
	_ =	sdelay $0x3  }
0x15e: {  	(v2sf) =	vpush v1, $0x0;
	_ =	sdelay $0xe  }
0x15f: {  	s3 =	spop (v2sf)  }
0x160: {  	p2 =	seq.s32 s7, s3  }
0x161: {  	p4 =	sgt.s32 @!p2 s7, $0x0;
	s5 =	sshll.u32 @!p2 s4, $0x8;
	s4 =	sadd.s32 @!p2 $0x1, s4  }
.Ltmp18:
0x162: {  	p4 =	por !p4, p2;
	s5 =	sshra.s32 @!p2 s5, $0x2;
	(pc) =	sbr.rel @p3 .LBB3_14-.Ltmp18, $4  }
0x163: {  	s4 =	smov.u32 @p2 s8;
	s7 =	simm.s32 @p4 $0x0;
	s5 =	sadd.s32 @!p2 $0x50C8, s5  }
0x164: {  	s7 =	smin.u32 @!p2 s7, $0x30D3F8  }
0x165: {  	s8 =	sand.u32 @!p2 $0x3FFFF8, s7;
	s14 =	sand.u32 @!p2 $0x7, s7  }
0x166: {  	s2 =	sadd.s32 $0x1, s2;
	s7 =	sadd.s32 @!p2 s1, s8  }
.LBB3_15:
0x167: {  	[tilespmem:s5], [sflag:$0x2] =	stream.linear.gather @!p2 [hbm4b:s7+s14], $0x40, $0x38;
	[tilespmem:$0x1EF88] =	vst v63  }
.Ltmp19:
0x168: {  	s0 =	sshll.u32 s4, $0x6;
	(pc) =	sbr.rel .LBB3_16-.Ltmp19, $4  }
0x169: {  	s2 =	simm.s32 $0x2;
	s0 =	sand.u32 $0x3FFFFFC0, s0  }
0x16a: {  	_ =	swait.ge [sflag:s2], s0  }
0x16b: {  	s0 =	ssub.s32 $0x0, s0;
	[sflag:s2] =	ssyncset.done $0x0  }
0x16c: {  	s4 =	simm.s32 $0x0;
	[sflag:s2] =	ssyncadd.s32 s0  }
.LBB3_17:
0x16d: {  	v1 =	vld [tilespmem:s29+$0xFFFFFFE0];
	_ =	sdelay $0x4  }
0x16e: {  	[tilespmem:s2+$0x88] =	vst.add.f32.msk $0xffff, v1  }
0x16f: {  	v1 =	vld [tilespmem:s29+$0xFFFFFFF0];
	_ =	sdelay $0x4  }
0x170: {  	[tilespmem:s2+$0x98] =	vst.add.f32.msk $0xffff, v1  }
0x171: {  	v1 =	vld [tilespmem:s29+$0x0];
	_ =	sdelay $0x4  }
0x172: {  	[tilespmem:s2+$0xA8] =	vst.add.f32.msk $0xffff, v1  }
0x173: {  	v1 =	vld [tilespmem:s29+$0x10];
	_ =	sdelay $0x4  }
0x174: {  	[tilespmem:s2+$0xB8] =	vst.add.f32.msk $0xffff, v1  }
.LBB3_21:
0x175: {  	s25 =	sadd.s32 $0xFFFFFFFF, s25  }
0x176: {  	p2 =	sne.s32 s25, $0x0  }
.Ltmp20:
0x177: {  	_ = 	snop;
	(pc) =	sbr.rel @!p2 .LBB3_22-.Ltmp20, $2  }
0x178: {  	_ =	sdelay $0x2  }
0x179: {  	s29 =	sadd.s32 $0x80, s29;
	s26 =	sadd.s32 $0x1, s26;
	s31 =	smov.u32 s0  }
.LBB3_16:
0x17a: {  	v1 =	vld.msk [tilespmem:s26+$0x0], $0x1;
	_ =	sdelay $0x4  }
0x17b: {  	(v2sf) =	vpush v1, $0x0;
	_ =	sdelay $0xe  }
0x17c: {  	s0 =	spop (v2sf)  }
0x17d: {  	p2 =	sne.s32 s31, s0  }
.Ltmp21:
0x17e: {  	_ = 	snop;
	(pc) =	sbr.rel @!p2 .LBB3_17-.Ltmp21, $3  }
0x17f: {  	_ =	sdelay $0x1  }
0x180: {  	s2 =	sshll.u32 s24, $0x8  }
0x181: {  	s2 =	sshra.s32 s2, $0x2  }
0x182: {  	p2 =	seq.s32 s31, s28  }
.Ltmp22:
0x183: {  	_ = 	snop;
	(pc) =	sbr.rel @!p2 .LBB3_19-.Ltmp22, $1  }
0x184: {  	_ =	sdelay $0x3  }
.Ltmp23:
0x185: {  	s2 =	sadd.s32 $0x88, s2;
	(pc) =	sbr.rel .LBB3_20-.Ltmp23, $4  }
0x186: {  	[spmem:s12] =	stream.linear.scatter [tilespmem:s2], [sflag:$0x1], $0x40, $0x38;
	[tilespmem:$0x1EF88] =	vst v63  }
0x187: {  	_ =	swait.ge [sflag:s19], $0x40  }
0x188: {  	[sflag:s19] =	ssyncset.done $0x0  }
0x189: {  	[sflag:s19] =	ssyncadd.s32 $0xFFFFFFC0  }
.LBB3_19:
0x18a: {  	s3 =	sshll.u32 s30, $0x8  }
0x18b: {  	s3 =	sshra.s32 s3, $0x2  }
0x18c: {  	v1 =	vld [tilespmem:s3+$0x50C8];
	_ =	sdelay $0x4  }
0x18d: {  	[tilespmem:s2+$0x88] =	vst.add.f32.msk $0xffff, v1  }
0x18e: {  	v1 =	vld [tilespmem:s3+$0x50D8];
	_ =	sdelay $0x4  }
0x18f: {  	[tilespmem:s2+$0x98] =	vst.add.f32.msk $0xffff, v1  }
0x190: {  	v1 =	vld [tilespmem:s3+$0x50E8];
	_ =	sdelay $0x4  }
0x191: {  	[tilespmem:s2+$0xA8] =	vst.add.f32.msk $0xffff, v1  }
0x192: {  	v1 =	vld [tilespmem:s3+$0x50F8];
	_ =	sdelay $0x2  }
0x193: {  	p2 =	sgt.u32 s31, $0x30D3F8  }
0x194: {  	s3 =	sand.u32 @!p2 $0x3FFFF8, s31  }
0x195: {  	s5 =	sadd.s32 $0x88, s2;
	[tilespmem:s2+$0xB8] =	vst.add.f32.msk $0xffff, v1;
	s2 =	sadd.s32 @!p2 s1, s3;
	s3 =	sand.u32 @!p2 $0x7, s31  }
0x196: {  	[hbm4b:s2+s3] =	stream.linear.scatter @!p2 [tilespmem:s5], [sflag:$0xC], $0x40, $0x38;
	[tilespmem:$0x1EF88] =	vst v63  }
0x197: {  	s2 =	simm.s32 $0x0  }
0x198: {  	s2 =	simm.s32 @!p2 $0x100  }
0x199: {  	s4 =	sadd.s32 s2, s4  }
.LBB3_20:
0x19a: {  	s2 =	sadd.s32 $0x1, s24  }
0x19b: {  	s3 =	smulhi.u32 $0xCCCCCCCD, s2;
	_ =	sdelay $0x1  }
0x19c: {  	v1 =	vld [tilespmem:s29+$0xFFFFFFE0];
	s3 =	sshrl.u32 s3, $0x8  }
0x19d: {  	s3 =	smul.u32 $0x140, s3;
	_ =	sdelay $0x1  }
0x19e: {  	s24 =	ssub.s32 s2, s3  }
0x19f: {  	s2 =	sshll.u32 s24, $0x6  }
0x1a0: {  	[tilespmem:s2+$0x88] =	vst v1  }
0x1a1: {  	v1 =	vld [tilespmem:s29+$0xFFFFFFF0];
	_ =	sdelay $0x4  }
0x1a2: {  	[tilespmem:s2+$0x98] =	vst v1  }
0x1a3: {  	v1 =	vld [tilespmem:s29+$0x0];
	_ =	sdelay $0x4  }
0x1a4: {  	[tilespmem:s2+$0xA8] =	vst v1  }
0x1a5: {  	v1 =	vld [tilespmem:s29+$0x10]  }
.Ltmp24:
0x1a6: {  	_ = 	snop;
	(pc) =	sbr.rel .LBB3_21-.Ltmp24, $2  }
0x1a7: {  	_ =	sdelay $0x2  }
0x1a8: {  	s30 =	sadd.s32 $0x1, s30;
	[tilespmem:s2+$0xB8] =	vst v1  }
.LBB3_23:
.Ltmp25:
0x1a9: {  	(pc) =	sbr.rel .LBB3_24-.Ltmp25, $4  }
0x1aa: {  	_ = 	snop  }
0x1ab: {  	s0 =	simm.s32 $0x2  }
0x1ac: {  	_ =	swait.ge [sflag:s0], $0x0  }
0x1ad: {  	s2 =	simm.s32 $0x0;
	[sflag:s0] =	ssyncset.done $0x0;
	s0 =	smov.u32 s31  }
.LBB3_26:
0x1ae: {  	_ =	sfence.sel $0x180000  }
0x1af: {  	s0 =	simm.s32 $0x9;
	[bflag:$0x0] =	sbarrier.arrive $0xFFFF  }
0x1b0: {  	s24 =	simm.s32 $0xA;
	[sflag:s0] =	ssyncpa.u1 $0x1  }
0x1b1: {  	s25 =	simm.s32 $0xB;
	[sflag:s24] =	ssyncpa.u1 $0x1  }
0x1b2: {  	s26 =	simm.s32 $0x2;
	[sflag:s25] =	ssyncpa.u1 $0x1  }
0x1b3: {  	[sflag:s26] =	ssyncpa.u1 $0x1  }
0x1b4: {  	v0 =	vld [tilespmem:$0xA108];
	_ =	sdelay $0x4  }
0x1b5: {  	(v2sf) =	vpush v0, $0x0  }
0x1b6: {  	(v2sf) =	vpush v0, $0x1;
	_ =	sdelay $0x1  }
0x1b7: {  	(v2sf) =	vpush v0, $0x2;
	_ =	sdelay $0xb  }
0x1b8: {  	s0 =	spop (v2sf)  }
0x1b9: {  	s2 =	spop (v2sf)  }
0x1ba: {  	s3 =	smov.u32 s0;
	p0 =	sne.s32 s0, s2  }
0x1bb: {  	s4 =	spop (v2sf);
	s3 =	simm.s32 @!p0 $0xFFFFFFFF  }
0x1bc: {  	v2 =	vimm.s32 $0x1;
	v3 =	vlaneseq.u32;
	p0 =	seq.s32 s4, $0xFFFFFFFF;
	v1 =	vmov s3  }
0x1bd: {  	s14 =	stileid.u32;
	v0 =	vperm.xlane v0, v2;
	p1 =	sne.s32 @!p0 s0, s2;
	v1 =	vperm.xlane v1, v3  }
0x1be: {  	vm0 =	vcmask $0x3F04;
	s6 =	simm.s32 $0xA108;
	s0 =	simm.s32 @!p0 $0x1;
	p1 =	por !p1, p0  }
0x1bf: {  	s3 =	sshll.u32 s14, $0x1;
	s2 =	sshll.u32 @!p0 s4, $0x8;
	s0 =	simm.s32 @p1 $0x0;
	v0 =	vsel vm0, v1, v0  }
0x1c0: {  	s5 =	sor.u32 $0x800, s3;
	s2 =	sshra.s32 @!p0 s2, $0x2;
	s0 =	sor.u32 @!p0 s0, s3;
	[tilespmem:$0xA108] =	vst v0  }
0x1c1: {  	[spmem:s5] =	stream.linear.scatter [tilespmem:s6], [sflag:$0x1], $0x2, $0x38;
	[tilespmem:$0x1EF88] =	vst v63  }
0x1c2: {  	s2 =	sadd.s32 @!p0 $0x88, s2;
	s0 =	sshll.u32 @!p0 s0, $0x6  }
0x1c3: {  	[spmem:s0] =	stream.linear.scatter @!p0 [tilespmem:s2], [sflag:$0x1], $0x40, $0x38;
	[tilespmem:$0x1EF88] =	vst v63  }
0x1c4: {  	s0 =	simm.s32 @!p0 $0x42  }
0x1c5: {  	s28 =	simm.s32 $0x1;
	s0 =	simm.s32 @p0 $0x2  }
0x1c6: {  	_ =	swait.ge [sflag:s28], s0  }
0x1c7: {  	s0 =	ssub.s32 $0x0, s0;
	[sflag:s28] =	ssyncset.done $0x0  }
0x1c8: {  	p0 =	sne.s32 s14, $0x0;
	[sflag:s28] =	ssyncadd.s32 s0  }
.Ltmp26:
0x1c9: {  	_ =	sfence.stream.spmem;
	(pc) =	sbr.rel @p0 .LBB3_43-.Ltmp26, $4  }
0x1ca: {  	s29 =	simm.s32 $0x3;
	[bflag:$0x0] =	sbarrier.arrive $0xFFFF  }
0x1cb: {  	s30 =	simm.s32 $0x4;
	[sflag:s29] =	ssyncpa.u1 $0x1  }
0x1cc: {  	s31 =	simm.s32 $0x3C;
	[sflag:s30] =	ssyncpa.u1 $0x1  }
0x1cd: {  	s13 =	rddreg [dreg:$0x4];
	[sflag:s31] =	ssyncpa.u1 $0x1  }
0x1ce: {  	_ =	sfence.stream.spmem;
	s0 =	simm.s32 $0x5  }
0x1cf: {  	s2 =	simm.s32 $0x800;
	s3 =	simm.s32 $0xA118;
	[sflag:s0] =	ssyncpa.u1 $0x0  }
0x1d0: {  	[tilespmem:s3], [sflag:$0x5] =	stream.linear.gather [spmem:s2], $0x20, $0x38;
	[tilespmem:$0x1EF88] =	vst v63  }
0x1d1: {  	s26 =	simm.s32 $0x0;
	s28 =	simm.s32 $0xA138  }
0x1d2: {  	[tilespmem:s28], [sflag:$0x5] =	stream.linear.gather [spmem:s26], $0x800, $0x38;
	[tilespmem:$0x1EF88] =	vst v63  }
0x1d3: {  	_ =	swait.ge [sflag:s0], $0x820  }
0x1d4: {  	[sflag:s0] =	ssyncset.done $0x0  }
0x1d5: {  	s29 =	simm.s32 $0x0;
	[sflag:s0] =	ssyncadd.s32 $0xFFFFF7E0  }
0x1d6: {  	v0 =	vld.msk [tilespmem:s29+$0xA118], $0x1;
	_ =	sdelay $0x1  }
0x1d7: {  	s30 =	simm.s32 $0x1  }
0x1d8: {  	v1 =	vld.msk [tilespmem:s30+$0xA118], $0x1;
	_ =	sdelay $0x1  }
0x1d9: {  	(v2sf) =	vpush v0, $0x0;
	_ =	sdelay $0x2  }
0x1da: {  	(v2sf) =	vpush v1, $0x0;
	_ =	sdelay $0x2  }
0x1db: {  	s31 =	simm.s32 $0x2  }
0x1dc: {  	v0 =	vld.msk [tilespmem:s31+$0xA118], $0x1;
	_ =	sdelay $0x2  }
0x1dd: {  	s2 =	simm.s32 $0xFFFFFFFF;
	s3 =	simm.s32 $0xFFFFFFFF;
	s0 =	simm.s32 $0xC  }
.LBB3_28:
0x1de: {  	s4 =	smov.u32 s3;
	s5 =	smov.u32 s2  }
0x1df: {  	s2 =	sshra.s32 s0, $0x2;
	p1 =	sne.s32 s0, $0x7C;
	s0 =	sadd.s32 $0x4, s0;
	(v2sf) =	vpush v0, $0x0  }
0x1e0: {  	v0 =	vld.msk [tilespmem:s2+$0xA118], $0x1  }
.Ltmp27:
0x1e1: {  	(pc) =	sbr.rel @p1 .LBB3_28-.Ltmp27, $4  }
0x1e2: {  	s3 =	spop (v2sf)  }
0x1e3: {  	p2 =	sne.s32 s5, $0xFFFFFFFF;
	s2 =	smov.u32 s3  }
0x1e4: {  	p3 =	seq.s32 s3, $0xFFFFFFFF;
	s2 =	smov.u32 @p2 s5  }
0x1e5: {  	s3 =	smov.u32 @p3 s4;
	s2 =	smov.u32 @p3 s5  }
0x1e6: {  	(v2sf) =	vpush v0, $0x0;
	_ =	sdelay $0x8  }
0x1e7: {  	s0 =	spop (v2sf)  }
0x1e8: {  	p1 =	sne.s32 s2, $0xFFFFFFFF;
	s4 =	smov.u32 s0  }
0x1e9: {  	s9 =	simm.s32 $0x6;
	p2 =	seq.s32 s0, $0xFFFFFFFF;
	s4 =	smov.u32 @p1 s2  }
0x1ea: {  	s6 =	simm.s32 $0x0;
	s4 =	smov.u32 @p2 s2;
	s2 =	spop (v2sf)  }
0x1eb: {  	s0 =	smov.u32 @p2 s3;
	p1 =	sne.s32 s4, $0xFFFFFFFF;
	s5 =	smov.u32 s2  }
.Ltmp28:
0x1ec: {  	p2 =	seq.s32 s2, $0xFFFFFFFF;
	s5 =	smov.u32 @p1 s4;
	(pc) =	sbr.rel .LBB3_30-.Ltmp28, $4  }
0x1ed: {  	s10 =	simm.s32 $0xA0C8;
	s5 =	smov.u32 @p2 s4;
	s7 =	spop (v2sf)  }
0x1ee: {  	s11 =	simm.s32 $0x0;
	p1 =	sne.s32 s5, $0xFFFFFFFF;
	s8 =	smov.u32 s7  }
0x1ef: {  	s2 =	smov.u32 @p2 s0;
	p2 =	seq.s32 s7, $0xFFFFFFFF;
	s8 =	smov.u32 @p1 s5  }
0x1f0: {  	[sflag:s9] =	ssyncpa.u1 $0x0;
	s7 =	smov.u32 @p2 s2;
	s8 =	smov.u32 @p2 s5  }
.LBB3_36:
0x1f1: {  	p1 =	sgt.u32 s0, $0x30D3F8  }
0x1f2: {  	p2 =	seq.s32 @!p1 s0, s8  }
0x1f3: {  	p1 =	por p1, p2  }
0x1f4: {  	p2 =	sne.s32 @!p1 s0, s7  }
0x1f5: {  	p1 =	por p1, !p2  }
0x1f6: {  	s0 =	sshll.u32 @p1 s11, $0x8  }
0x1f7: {  	s2 =	sand.u32 @!p1 $0x3FFFF8, s0  }
0x1f8: {  	s0 =	sand.u32 @!p1 $0x7, s0;
	s2 =	sadd.s32 @!p1 s1, s2  }
0x1f9: {  	[tilespmem:s10], [sflag:$0x6] =	stream.linear.gather @!p1 [hbm4b:s2+s0], $0x40, $0x38;
	[tilespmem:$0x1EF88] =	vst v63  }
0x1fa: {  	_ =	swait.ge @!p1 [sflag:s9], $0x40  }
0x1fb: {  	[sflag:s9] =	ssyncset.done @!p1 $0x0  }
0x1fc: {  	[sflag:s9] =	ssyncadd.s32 @!p1 $0xFFFFFFC0  }
0x1fd: {  	v1 =	vld @!p1 [tilespmem:$0xA0C8];
	_ =	sdelay $0x2  }
0x1fe: {  	s0 =	sshll.u32 @!p1 s11, $0x8  }
0x1ff: {  	s2 =	sshrl.u32 @!p1 s0, $0x2  }
0x200: {  	[tilespmem:s2+$0xA138] =	vst.add.f32.msk @!p1 $0xffff, v1  }
0x201: {  	v1 =	vld @!p1 [tilespmem:$0xA0D8];
	_ =	sdelay $0x4  }
0x202: {  	[tilespmem:s2+$0xA148] =	vst.add.f32.msk @!p1 $0xffff, v1  }
0x203: {  	v1 =	vld @!p1 [tilespmem:$0xA0E8];
	_ =	sdelay $0x4  }
0x204: {  	[tilespmem:s2+$0xA158] =	vst.add.f32.msk @!p1 $0xffff, v1  }
0x205: {  	v1 =	vld @!p1 [tilespmem:$0xA0F8];
	_ =	sdelay $0x4  }
0x206: {  	[tilespmem:s2+$0xA168] =	vst.add.f32.msk @!p1 $0xffff, v1  }
0x207: {  	s0 =	sshrl.u32 s0, $0x2;
	[tilespmem:s6+$0xA118] =	vst.msk $0x1, v0  }
0x208: {  	v0 =	vld [tilespmem:s0+$0xA138];
	_ =	sdelay $0x2  }
0x209: {  	s31 =	sshll.u32 s6, $0x8  }
0x20a: {  	s2 =	sshra.s32 s31, $0x2  }
0x20b: {  	[tilespmem:s2+$0xA138] =	vst v0  }
0x20c: {  	v0 =	vld [tilespmem:s0+$0xA148];
	_ =	sdelay $0x4  }
0x20d: {  	[tilespmem:s2+$0xA148] =	vst v0  }
0x20e: {  	v0 =	vld [tilespmem:s0+$0xA158];
	_ =	sdelay $0x4  }
0x20f: {  	[tilespmem:s2+$0xA158] =	vst v0  }
0x210: {  	v0 =	vld [tilespmem:s0+$0xA168];
	_ =	sdelay $0x4  }
0x211: {  	s6 =	sadd.s32 $0x1, s6;
	[tilespmem:s2+$0xA168] =	vst v0  }
.LBB3_37:
0x212: {  	s11 =	sadd.s32 $0x1, s11  }
0x213: {  	p1 =	sne.s32 s11, $0x20  }
.Ltmp29:
0x214: {  	_ = 	snop;
	(pc) =	sbr.rel @!p1 .LBB3_38-.Ltmp29, $1  }
0x215: {  	_ =	sdelay $0x3  }
.LBB3_30:
0x216: {  	v0 =	vld.msk [tilespmem:s11+$0xA118], $0x1;
	_ =	sdelay $0x4  }
0x217: {  	(v2sf) =	vpush v0, $0x0;
	_ =	sdelay $0xe  }
0x218: {  	s0 =	spop (v2sf)  }
0x219: {  	p1 =	seq.s32 s0, $0xFFFFFFFF  }
.Ltmp30:
0x21a: {  	_ = 	snop;
	(pc) =	sbr.rel @p1 .LBB3_37-.Ltmp30, $1  }
0x21b: {  	_ =	sdelay $0x3  }
0x21c: {  	p1 =	slt.s32 s6, $0x1  }
.Ltmp31:
0x21d: {  	_ = 	snop;
	(pc) =	sbr.rel @p1 .LBB3_36-.Ltmp31, $1  }
0x21e: {  	_ =	sdelay $0x3  }
0x21f: {  	s2 =	simm.s32 $0xA118;
	p1 =	por $0x0, $0x0  }
0x220: {  	v1 =	vld.msk @!p1 [tilespmem:s2+$0x0], $0x1;
	_ =	sdelay $0x4  }
0x221: {  	(v2sf) =	vpush @!p1 v1, $0x0;
	_ =	sdelay $0xd  }
0x222: {  	p3 =	sne.s32 s6, $0x1  }
.Ltmp32:
0x223: {  	s3 =	spop @!p1 (v2sf);
	(pc) =	sbr.rel @!p3 .LBB3_34-.Ltmp32, $4  }
0x224: {  	p2 =	seq.s32 @!p1 s0, s3  }
0x225: {  	s3 =	simm.s32 $0x0;
	p2 =	por !p2, p1  }
0x226: {  	s5 =	simm.s32 $0xFFFFFFFF;
	s3 =	simm.s32 @p2 $0xFFFFFFFF  }
0x227: {  	s4 =	simm.s32 $0x1;
	s3 =	smov.u32 @p1 s5  }
.LBB3_33:
0x228: {  	s5 =	smov.u32 s3;
	p1 =	sne.s32 s3, $0xFFFFFFFF  }
0x229: {  	s2 =	sadd.s32 $0x1, s2;
	s3 =	smov.u32 s4;
	s4 =	sadd.s32 $0x1, s4  }
0x22a: {  	p2 =	sne.s32 s6, s4;
	v1 =	vld.msk @!p1 [tilespmem:s2+$0x0], $0x1;
	_ =	sdelay $0x4  }
0x22b: {  	(v2sf) =	vpush @!p1 v1, $0x0;
	_ =	sdelay $0xe  }
.Ltmp33:
0x22c: {  	s12 =	spop @!p1 (v2sf);
	(pc) =	sbr.rel @p2 .LBB3_33-.Ltmp33, $4  }
0x22d: {  	p3 =	seq.s32 @!p1 s0, s12  }
0x22e: {  	p3 =	por !p3, p1  }
0x22f: {  	s3 =	simm.s32 @p3 $0xFFFFFFFF  }
0x230: {  	s3 =	smov.u32 @p1 s5  }
.LBB3_34:
0x231: {  	p1 =	seq.s32 s3, $0xFFFFFFFF  }
.Ltmp34:
0x232: {  	_ = 	snop;
	(pc) =	sbr.rel @p1 .LBB3_36-.Ltmp34, $1  }
0x233: {  	_ =	sdelay $0x3  }
0x234: {  	s0 =	sshll.u32 s11, $0x6  }
0x235: {  	s0 =	sand.u32 $0x3FFFFFC0, s0  }
0x236: {  	v0 =	vld [tilespmem:s0+$0xA138];
	_ =	sdelay $0x2  }
0x237: {  	s2 =	sshll.u32 s3, $0x8  }
0x238: {  	s2 =	sshra.s32 s2, $0x2  }
0x239: {  	[tilespmem:s2+$0xA138] =	vst.add.f32.msk $0xffff, v0  }
0x23a: {  	v0 =	vld [tilespmem:s0+$0xA148];
	_ =	sdelay $0x4  }
0x23b: {  	[tilespmem:s2+$0xA148] =	vst.add.f32.msk $0xffff, v0  }
0x23c: {  	v0 =	vld [tilespmem:s0+$0xA158];
	_ =	sdelay $0x4  }
0x23d: {  	[tilespmem:s2+$0xA158] =	vst.add.f32.msk $0xffff, v0  }
0x23e: {  	v0 =	vld [tilespmem:s0+$0xA168]  }
.Ltmp35:
0x23f: {  	_ = 	snop;
	(pc) =	sbr.rel .LBB3_37-.Ltmp35, $2  }
0x240: {  	_ =	sdelay $0x2  }
0x241: {  	[tilespmem:s2+$0xA168] =	vst.add.f32.msk $0xffff, v0  }
.LBB3_38:
0x242: {  	s0 =	simm.s32 $0x6;
	p1 =	seq.s32 s6, $0x0  }
0x243: {  	[sflag:s0] =	ssyncpa.u1 $0x1;
	v0 =	vimm.s32 @p1 $0xFFFFFFFF  }
0x244: {  	s0 =	sadd.s32 $0xFFFFFFFF, s6;
	[tilespmem:$0xA938] =	vst @p1 v0  }
0x245: {  	v0 =	vld.msk @!p1 [tilespmem:s0+$0xA118], $0x1;
	_ =	sdelay $0x1  }
0x246: {  	v1 =	vld.msk @!p1 [tilespmem:$0xA118], $0x1;
	_ =	sdelay $0x2  }
0x247: {  	p2 =	seq.s32 @!p1 s0, $0x0;
	v0 =	vbroadcast @!p1 v0, $0x0  }
0x248: {  	vm0 =	vmmov @!p1 $0x1;
	p2 =	por !p2, p1  }
0x249: {  	v1 =	vnsel @!p1 vm0, $0xFFFFFFFF, v1;
	vm0 =	vcmask @!p1 $0x308;
	v0 =	vpsel !p2, $0xFFFFFFFF, v0  }
0x24a: {  	p2 =	sne.s32 @!p1 s8, s7;
	v0 =	vsel @!p1 vm0, v1, v0  }
0x24b: {  	s2 =	simm.s32 @!p1 $0xA138;
	s3 =	simm.s32 @!p1 $0x0;
	p3 =	por !p2, p1;
	[tilespmem:$0xA938] =	vst @!p1 v0  }
0x24c: {  	[spmem:s3] =	stream.linear.scatter @!p1 [tilespmem:s2], [sflag:$0x1], $0x40, $0x38;
	[tilespmem:$0x1EF88] =	vst v63  }
0x24d: {  	s2 =	sshll.u32 @!p3 s0, $0x8  }
0x24e: {  	s2 =	sshra.s32 @!p3 s2, $0x2  }
0x24f: {  	s3 =	simm.s32 @!p3 $0x40;
	s2 =	sadd.s32 @!p3 $0xA138, s2  }
0x250: {  	[spmem:s3] =	stream.linear.scatter @!p3 [tilespmem:s2], [sflag:$0x1], $0x40, $0x38;
	[tilespmem:$0x1EF88] =	vst v63  }
0x251: {  	s2 =	simm.s32 @!p3 $0x1  }
0x252: {  	_ =	swait.ge @!p3 [sflag:s2], $0x80  }
0x253: {  	p1 =	por p2, p1;
	[sflag:s2] =	ssyncset.done @!p3 $0x0  }
0x254: {  	[sflag:s2] =	ssyncadd.s32 @!p3 $0xFFFFFF80;
	s2 =	simm.s32 @!p1 $0x1  }
0x255: {  	_ =	swait.ge @!p1 [sflag:s2], $0x40  }
0x256: {  	s29 =	simm.s32 $0xA938;
	[sflag:s2] =	ssyncset.done @!p1 $0x0  }
0x257: {  	s30 =	simm.s32 $0x800;
	s31 =	simm.s32 $0x1;
	[sflag:s2] =	ssyncadd.s32 @!p1 $0xFFFFFFC0  }
0x258: {  	[spmem:s30] =	stream.linear.scatter [tilespmem:s29], [sflag:$0x1], $0x10, $0x38;
	[tilespmem:$0x1EF88] =	vst v63  }
0x259: {  	_ =	swait.ge [sflag:s31], $0x10  }
0x25a: {  	[sflag:s31] =	ssyncset.done $0x0  }
0x25b: {  	p1 =	seq.s32 s13, $0x0;
	s9 =	rddreg [dreg:$0x1];
	[sflag:s31] =	ssyncadd.s32 $0xFFFFFFF0  }
0x25c: {  	s3 =	sshll.u32 @p1 s9, $0xE;
	s8 =	rddreg [dreg:$0x2]  }
0x25d: {  	s2 =	sadd.s32 @p1 $0x15C3C, s3;
	s3 =	sshll.u32 @p1 s8, $0x11  }
0x25e: {  	_ =	sfence.stream.spmem;
	s2 =	sor.u32 @p1 s3, s2  }
0x25f: {  	[sflag:s2] =	ssyncadd.remote.s32 @p1 $0x1;
	s2 =	simm.s32 @p1 $0x4  }
0x260: {  	s4 =	simm.s32 @!p1 $0x3C;
	s3 =	sand.u32 $0xFFFFFFFE, s9;
	_ =	swait.ge @p1 [sflag:s2], $0x12  }
0x261: {  	s5 =	simm.s32 @!p1 $0x0;
	s3 =	sadd.s32 @!p1 $0x4, s3;
	[sflag:s2] =	ssyncset.done @p1 $0x0  }
0x262: {  	s7 =	simm.s32 @!p1 $0x80;
	[sflag:s2] =	ssyncadd.s32 @p1 $0xFFFFFFEE;
	s2 =	sshll.u32 @!p1 s3, $0x1A  }
0x263: {  	s3 =	sshll.u32 @!p1 s3, $0xD;
	s2 =	sor.u32 @!p1 s2, s8;
	_ =	swait.eq @!p1 [sflag:s4], $0x1  }
0x264: {  	s3 =	sor.u32 @!p1 $0x1C04, s3;
	s4 =	simm.s32 @!p1 $0x1C03;
	s2 =	sor.u32 @!p1 $0x80004000, s2  }
0x265: {  	[spmem:s7], [sflag:s3] =	dma.general @!p1 [spmem:s5], [sflag:s4], length:$0x10, [dreg:$0x0], stride_count:$0x0, ici_dest:s2, dma_misc:DstOpCode:WRITE  }
0x266: {  	p2 =	slt.s32 s0, $0x2;
	s5 =	simm.s32 @!p1 $0x100;
	s7 =	simm.s32 @!p1 $0x102  }
0x267: {  	[spmem:s7], [sflag:s3] =	dma.general @!p1 [spmem:s5], [sflag:s4], length:$0x2, [dreg:$0x0], stride_count:$0x0, ici_dest:s2, dma_misc:DstOpCode:WRITE  }
.Ltmp36:
0x268: {  	s2 =	simm.s32 @!p1 $0x3;
	(pc) =	sbr.rel @p2 .LBB3_42-.Ltmp36, $4  }
0x269: {  	s3 =	sshll.u32 @!p1 s9, $0xE;
	_ =	swait.ge @!p1 [sflag:s2], $0x12  }
0x26a: {  	s4 =	sshll.u32 @!p1 s8, $0x11;
	s3 =	sadd.s32 @!p1 $0x11C3C, s3;
	[sflag:s2] =	ssyncset.done @!p1 $0x0  }
0x26b: {  	[sflag:s2] =	ssyncadd.s32 @!p1 $0xFFFFFFEE;
	s2 =	sor.u32 @!p1 s4, s3  }
0x26c: {  	s0 =	simm.s32 $0x0;
	[sflag:s2] =	ssyncadd.remote.s32 @!p1 $0xFFFFFFFF  }
0x26d: {  	s0 =	simm.s32 $0xA119  }
0x26e: {  	v0 =	vld.msk [tilespmem:s0+$0x0], $0x1;
	_ =	sdelay $0x4  }
0x26f: {  	(v2sf) =	vpush v0, $0x0;
	_ =	sdelay $0xc  }
0x270: {  	s2 =	sadd.s32 $0xFFFFFFFE, s6  }
0x271: {  	s2 =	sadd.s32 $0xFFFFFFFF, s2  }
0x272: {  	p2 =	sne.s32 s2, $0x0;
	s3 =	spop (v2sf)  }
.Ltmp37:
0x273: {  	p1 =	sgt.u32 s3, $0x30D3F8;
	(pc) =	sbr.rel @!p2 .LBB3_41-.Ltmp37, $4  }
0x274: {  	s5 =	simm.s32 $0x0;
	s4 =	sand.u32 @!p1 $0x3FFFF8, s3  }
0x275: {  	s0 =	simm.s32 $0xA178;
	s3 =	sand.u32 @!p1 $0x7, s3;
	s4 =	sadd.s32 @!p1 s1, s4  }
0x276: {  	[hbm4b:s4+s3] =	stream.linear.scatter @!p1 [tilespmem:s0], [sflag:$0x5], $0x40, $0x38;
	[tilespmem:$0x1EF88] =	vst v63  }
0x277: {  	s5 =	simm.s32 @!p1 $0x100;
	s3 =	simm.s32 $0x0;
	s4 =	simm.s32 $0xA11A  }
.LBB3_40:
0x278: {  	v0 =	vld.msk [tilespmem:s4+$0x0], $0x1;
	s2 =	sadd.s32 $0xFFFFFFFF, s2;
	s3 =	sadd.s32 s3, s5  }
0x279: {  	p1 =	sne.s32 s2, $0x0;
	_ =	sdelay $0x3  }
0x27a: {  	(v2sf) =	vpush v0, $0x0;
	_ =	sdelay $0xe  }
.Ltmp38:
0x27b: {  	s6 =	spop (v2sf);
	(pc) =	sbr.rel @p1 .LBB3_40-.Ltmp38, $4  }
0x27c: {  	s5 =	simm.s32 $0x0;
	p2 =	sgt.u32 s6, $0x30D3F8  }
0x27d: {  	s0 =	sadd.s32 $0x40, s0;
	s5 =	simm.s32 @!p2 $0x100;
	s7 =	sand.u32 @!p2 $0x3FFFF8, s6  }
0x27e: {  	s4 =	sadd.s32 $0x1, s4;
	s6 =	sand.u32 @!p2 $0x7, s6;
	s7 =	sadd.s32 @!p2 s1, s7  }
0x27f: {  	[hbm4b:s7+s6] =	stream.linear.scatter @!p2 [tilespmem:s0], [sflag:$0x5], $0x40, $0x38;
	[tilespmem:$0x1EF88] =	vst v63  }
.LBB3_41:
0x280: {  	s0 =	sadd.s32 s3, s5  }
0x281: {  	s0 =	sshrl.u32 s0, $0x2  }
.LBB3_42:
0x282: {  	s2 =	simm.s32 $0x5  }
0x283: {  	_ =	swait.ge [sflag:s2], s0  }
0x284: {  	s31 =	ssub.s32 $0x0, s0;
	[sflag:s2] =	ssyncset.done $0x0  }
0x285: {  	[sflag:s2] =	ssyncadd.s32 s31  }
0x286: {  	[sflag:s2] =	ssyncpa.u1 $0x1  }
.LBB3_43:
0x287: {  	s0 =	sor.u32 s13, s14  }
0x288: {  	p1 =	sne.s32 s0, $0x0  }
.Ltmp39:
0x289: {  	_ = 	snop;
	(pc) =	sbr.rel @p1 .LBB3_58-.Ltmp39, $3  }
0x28a: {  	_ =	sdelay $0x1  }
0x28b: {  	[bflag:$0x0] =	sbarrier.arrive $0xFFFF  }
0x28c: {  	_ =	sfence  }
0x28d: {  	s0 =	simm.s32 $0x7  }
0x28e: {  	s2 =	simm.s32 $0x800;
	s3 =	simm.s32 $0xA118;
	[sflag:s0] =	ssyncpa.u1 $0x0  }
0x28f: {  	[tilespmem:s3], [sflag:$0x7] =	stream.linear.gather [spmem:s2], $0x20, $0x38;
	[tilespmem:$0x1EF88] =	vst v63  }
0x290: {  	s30 =	simm.s32 $0xA138;
	s2 =	simm.s32 $0x0  }
0x291: {  	[tilespmem:s30], [sflag:$0x7] =	stream.linear.gather [spmem:s2], $0x800, $0x38;
	[tilespmem:$0x1EF88] =	vst v63  }
.Ltmp40:
0x292: {  	_ = 	snop;
	(pc) =	sbr.rel .LBB3_45-.Ltmp40, $4  }
0x293: {  	_ =	swait.ge [sflag:s0], $0x820  }
0x294: {  	[sflag:s0] =	ssyncset.done $0x0  }
0x295: {  	s31 =	simm.s32 $0x8;
	[sflag:s0] =	ssyncadd.s32 $0xFFFFF7E0  }
0x296: {  	s3 =	simm.s32 $0x0;
	[sflag:s31] =	ssyncpa.u1 $0x0  }
.LBB3_51:
0x297: {  	p1 =	slt.u32 s0, $0x30D3F9  }
0x298: {  	s4 =	sand.u32 @p1 $0x3FFFF8, s0  }
0x299: {  	s0 =	sand.u32 @p1 $0x7, s0;
	s5 =	simm.s32 @p1 $0xA0C8;
	s4 =	sadd.s32 @p1 s1, s4  }
0x29a: {  	[tilespmem:s5], [sflag:$0x8] =	stream.linear.gather @p1 [hbm4b:s4+s0], $0x40, $0x38;
	[tilespmem:$0x1EF88] =	vst v63  }
0x29b: {  	s0 =	simm.s32 @p1 $0x8  }
0x29c: {  	_ =	swait.ge @p1 [sflag:s0], $0x40  }
0x29d: {  	[sflag:s0] =	ssyncset.done @p1 $0x0  }
0x29e: {  	[sflag:s0] =	ssyncadd.s32 @p1 $0xFFFFFFC0  }
0x29f: {  	v1 =	vld @p1 [tilespmem:$0xA0C8];
	_ =	sdelay $0x2  }
0x2a0: {  	s0 =	sshll.u32 @p1 s3, $0x8  }
0x2a1: {  	s4 =	sshrl.u32 @p1 s0, $0x2  }
0x2a2: {  	[tilespmem:s4+$0xA138] =	vst.add.f32.msk @p1 $0xffff, v1  }
0x2a3: {  	v1 =	vld @p1 [tilespmem:$0xA0D8];
	_ =	sdelay $0x4  }
0x2a4: {  	[tilespmem:s4+$0xA148] =	vst.add.f32.msk @p1 $0xffff, v1  }
0x2a5: {  	v1 =	vld @p1 [tilespmem:$0xA0E8];
	_ =	sdelay $0x4  }
0x2a6: {  	[tilespmem:s4+$0xA158] =	vst.add.f32.msk @p1 $0xffff, v1  }
0x2a7: {  	v1 =	vld @p1 [tilespmem:$0xA0F8];
	_ =	sdelay $0x3  }
0x2a8: {  	s5 =	sshll.u32 @!p1 s3, $0x8  }
0x2a9: {  	s5 =	smov.u32 @p1 s0;
	[tilespmem:s4+$0xA168] =	vst.add.f32.msk @p1 $0xffff, v1  }
0x2aa: {  	s0 =	sshrl.u32 s5, $0x2;
	[tilespmem:s2+$0xA118] =	vst.msk $0x1, v0  }
0x2ab: {  	v0 =	vld [tilespmem:s0+$0xA138];
	_ =	sdelay $0x2  }
0x2ac: {  	s31 =	sshll.u32 s2, $0x8  }
0x2ad: {  	s4 =	sshra.s32 s31, $0x2  }
0x2ae: {  	[tilespmem:s4+$0xA138] =	vst v0  }
0x2af: {  	v0 =	vld [tilespmem:s0+$0xA148];
	_ =	sdelay $0x4  }
0x2b0: {  	[tilespmem:s4+$0xA148] =	vst v0  }
0x2b1: {  	v0 =	vld [tilespmem:s0+$0xA158];
	_ =	sdelay $0x4  }
0x2b2: {  	[tilespmem:s4+$0xA158] =	vst v0  }
0x2b3: {  	v0 =	vld [tilespmem:s0+$0xA168];
	_ =	sdelay $0x4  }
0x2b4: {  	s2 =	sadd.s32 $0x1, s2;
	[tilespmem:s4+$0xA168] =	vst v0  }
.LBB3_52:
0x2b5: {  	s3 =	sadd.s32 $0x1, s3  }
0x2b6: {  	p1 =	sne.s32 s3, $0x20  }
.Ltmp41:
0x2b7: {  	_ = 	snop;
	(pc) =	sbr.rel @!p1 .LBB3_53-.Ltmp41, $1  }
0x2b8: {  	_ =	sdelay $0x3  }
.LBB3_45:
0x2b9: {  	v0 =	vld.msk [tilespmem:s3+$0xA118], $0x1;
	_ =	sdelay $0x4  }
0x2ba: {  	(v2sf) =	vpush v0, $0x0;
	_ =	sdelay $0xe  }
0x2bb: {  	s0 =	spop (v2sf)  }
0x2bc: {  	p1 =	seq.s32 s0, $0xFFFFFFFF  }
.Ltmp42:
0x2bd: {  	_ = 	snop;
	(pc) =	sbr.rel @p1 .LBB3_52-.Ltmp42, $1  }
0x2be: {  	_ =	sdelay $0x3  }
0x2bf: {  	p1 =	slt.s32 s2, $0x1  }
.Ltmp43:
0x2c0: {  	_ = 	snop;
	(pc) =	sbr.rel @p1 .LBB3_51-.Ltmp43, $1  }
0x2c1: {  	_ =	sdelay $0x3  }
0x2c2: {  	s4 =	simm.s32 $0xA118;
	p1 =	por $0x0, $0x0  }
0x2c3: {  	v1 =	vld.msk @!p1 [tilespmem:s4+$0x0], $0x1;
	_ =	sdelay $0x4  }
0x2c4: {  	(v2sf) =	vpush @!p1 v1, $0x0;
	_ =	sdelay $0xd  }
0x2c5: {  	p3 =	sne.s32 s2, $0x1  }
.Ltmp44:
0x2c6: {  	s5 =	spop @!p1 (v2sf);
	(pc) =	sbr.rel @!p3 .LBB3_49-.Ltmp44, $4  }
0x2c7: {  	p2 =	seq.s32 @!p1 s0, s5  }
0x2c8: {  	s5 =	simm.s32 $0x0;
	p2 =	por !p2, p1  }
0x2c9: {  	s7 =	simm.s32 $0xFFFFFFFF;
	s5 =	simm.s32 @p2 $0xFFFFFFFF  }
0x2ca: {  	s6 =	simm.s32 $0x1;
	s5 =	smov.u32 @p1 s7  }
.LBB3_48:
0x2cb: {  	s7 =	smov.u32 s5;
	p1 =	sne.s32 s5, $0xFFFFFFFF  }
0x2cc: {  	s4 =	sadd.s32 $0x1, s4;
	s5 =	smov.u32 s6;
	s6 =	sadd.s32 $0x1, s6  }
0x2cd: {  	p2 =	sne.s32 s2, s6;
	v1 =	vld.msk @!p1 [tilespmem:s4+$0x0], $0x1;
	_ =	sdelay $0x4  }
0x2ce: {  	(v2sf) =	vpush @!p1 v1, $0x0;
	_ =	sdelay $0xe  }
.Ltmp45:
0x2cf: {  	s8 =	spop @!p1 (v2sf);
	(pc) =	sbr.rel @p2 .LBB3_48-.Ltmp45, $4  }
0x2d0: {  	p3 =	seq.s32 @!p1 s0, s8  }
0x2d1: {  	p3 =	por !p3, p1  }
0x2d2: {  	s5 =	simm.s32 @p3 $0xFFFFFFFF  }
0x2d3: {  	s5 =	smov.u32 @p1 s7  }
.LBB3_49:
0x2d4: {  	p1 =	seq.s32 s5, $0xFFFFFFFF  }
.Ltmp46:
0x2d5: {  	_ = 	snop;
	(pc) =	sbr.rel @p1 .LBB3_51-.Ltmp46, $1  }
0x2d6: {  	_ =	sdelay $0x3  }
0x2d7: {  	s0 =	sshll.u32 s3, $0x6  }
0x2d8: {  	s0 =	sand.u32 $0x3FFFFFC0, s0  }
0x2d9: {  	v0 =	vld [tilespmem:s0+$0xA138];
	_ =	sdelay $0x2  }
0x2da: {  	s4 =	sshll.u32 s5, $0x8  }
0x2db: {  	s4 =	sshra.s32 s4, $0x2  }
0x2dc: {  	[tilespmem:s4+$0xA138] =	vst.add.f32.msk $0xffff, v0  }
0x2dd: {  	v0 =	vld [tilespmem:s0+$0xA148];
	_ =	sdelay $0x4  }
0x2de: {  	[tilespmem:s4+$0xA148] =	vst.add.f32.msk $0xffff, v0  }
0x2df: {  	v0 =	vld [tilespmem:s0+$0xA158];
	_ =	sdelay $0x4  }
0x2e0: {  	[tilespmem:s4+$0xA158] =	vst.add.f32.msk $0xffff, v0  }
0x2e1: {  	v0 =	vld [tilespmem:s0+$0xA168]  }
.Ltmp47:
0x2e2: {  	_ = 	snop;
	(pc) =	sbr.rel .LBB3_52-.Ltmp47, $2  }
0x2e3: {  	_ =	sdelay $0x2  }
0x2e4: {  	[tilespmem:s4+$0xA168] =	vst.add.f32.msk $0xffff, v0  }
.LBB3_53:
0x2e5: {  	p1 =	slt.s32 s2, $0x1  }
.Ltmp48:
0x2e6: {  	_ = 	snop;
	(pc) =	sbr.rel @p1 .LBB3_57-.Ltmp48, $3  }
0x2e7: {  	_ =	sdelay $0x1  }
0x2e8: {  	s0 =	simm.s32 $0x8  }
0x2e9: {  	[sflag:s0] =	ssyncpa.u1 $0x1;
	s0 =	simm.s32 $0x0  }
0x2ea: {  	s3 =	simm.s32 $0xA118  }
0x2eb: {  	v0 =	vld.msk [tilespmem:s3+$0x0], $0x1;
	_ =	sdelay $0x4  }
0x2ec: {  	(v2sf) =	vpush v0, $0x0;
	_ =	sdelay $0xe  }
0x2ed: {  	s2 =	sadd.s32 $0xFFFFFFFF, s2;
	s4 =	spop (v2sf)  }
0x2ee: {  	p2 =	sne.s32 s2, $0x0;
	p1 =	sgt.u32 s4, $0x30D3F8  }
.Ltmp49:
0x2ef: {  	s5 =	sand.u32 @!p1 $0x3FFFF8, s4;
	(pc) =	sbr.rel @!p2 .LBB3_56-.Ltmp49, $4  }
0x2f0: {  	s3 =	simm.s32 $0xA138;
	s4 =	sand.u32 @!p1 $0x7, s4;
	s5 =	sadd.s32 @!p1 s1, s5  }
0x2f1: {  	[hbm4b:s5+s4] =	stream.linear.scatter @!p1 [tilespmem:s3], [sflag:$0x7], $0x40, $0x38;
	[tilespmem:$0x1EF88] =	vst v63  }
0x2f2: {  	s5 =	simm.s32 $0x0  }
0x2f3: {  	s4 =	simm.s32 $0xA119;
	s5 =	simm.s32 @!p1 $0x100  }
.LBB3_55:
0x2f4: {  	v0 =	vld.msk [tilespmem:s4+$0x0], $0x1;
	s2 =	sadd.s32 $0xFFFFFFFF, s2;
	s0 =	sadd.s32 s0, s5  }
0x2f5: {  	p1 =	sne.s32 s2, $0x0;
	_ =	sdelay $0x3  }
0x2f6: {  	(v2sf) =	vpush v0, $0x0;
	_ =	sdelay $0xe  }
.Ltmp50:
0x2f7: {  	s6 =	spop (v2sf);
	(pc) =	sbr.rel @p1 .LBB3_55-.Ltmp50, $4  }
0x2f8: {  	s5 =	simm.s32 $0x0;
	p2 =	sgt.u32 s6, $0x30D3F8  }
0x2f9: {  	s3 =	sadd.s32 $0x40, s3;
	s5 =	simm.s32 @!p2 $0x100;
	s7 =	sand.u32 @!p2 $0x3FFFF8, s6  }
0x2fa: {  	s4 =	sadd.s32 $0x1, s4;
	s6 =	sand.u32 @!p2 $0x7, s6;
	s7 =	sadd.s32 @!p2 s1, s7  }
0x2fb: {  	[hbm4b:s7+s6] =	stream.linear.scatter @!p2 [tilespmem:s3], [sflag:$0x7], $0x40, $0x38;
	[tilespmem:$0x1EF88] =	vst v63  }
.LBB3_56:
0x2fc: {  	s0 =	sadd.s32 s0, s5  }
0x2fd: {  	s0 =	sshrl.u32 s0, $0x2  }
.LBB3_57:
0x2fe: {  	s1 =	simm.s32 $0x7  }
0x2ff: {  	_ =	swait.ge [sflag:s1], s0  }
0x300: {  	s31 =	ssub.s32 $0x0, s0;
	[sflag:s1] =	ssyncset.done $0x0  }
0x301: {  	[sflag:s1] =	ssyncadd.s32 s31  }
0x302: {  	[sflag:s1] =	ssyncpa.u1 $0x1  }
.LBB3_58:
0x303: {  	_ =	sfence;
	s0 =	simm.s32 $0x1  }
0x304: {  	[sflag:s0] =	ssyncpa.u1 $0x1  }
0x305: {  	_ =	strace $0x90000056  }
0x306: {  	[bflag:$0x2] =	sbarrier.arrive $0xFFFF  }
0x307: {  	s0 =	rddreg [dreg:$0x3]  }
0x308: {  	s0 =	sadd.s32 @!p0 $0x100000, s0  }
0x309: {  	[sflag:s0] =	ssyncadd.tile.s32 @!p0 $0x1;
	_ =	shalt  }
.Lfunc_end3:
_tile_overlayer_lowered:
.L_overlay_start_3:
0x30a: {  	(tag) =	ssettag $0x3  }
0x30b: {  	s0 =	rddreg [dreg:$0x0];
	s2 =	stileid.u32  }
0x30c: {  	s1 =	rddreg [dreg:$0x1];
	p0 =	sne.s32 s2, $0x0  }
0x30d: {  	s3 =	rddreg [dreg:$0x2];
	[bflag:$0x3] =	sbarrier.arrive $0xFFFF;
	s2 =	simm.s32 @!p0 $0x1C01  }
0x30e: {  	[timem:s3], [sflag:s2] =	dma.local @!p0 [hbm:s0], s1  }
0x30f: {  	s0 =	simm.s32 @!p0 $0x1  }
0x310: {  	_ =	swait.ge @!p0 [sflag:s0], s1  }
0x311: {  	s1 =	ssub.s32 @!p0 $0x0, s1;
	[sflag:s0] =	ssyncset.done @!p0 $0x0  }
0x312: {  	[sflag:s0] =	ssyncadd.s32 @!p0 s1  }
0x313: {  	[bflag:$0x3] =	sbarrier.arrive $0xFFFF  }
0x314: {  	_ =	shalt  }

// kernel: scatter_offload_async_start.2
scs
__scs_entry_jumppad:
0x0: {  	(pc) =	sbr.rel $0x88, $3  }
0x1: {  	(tag) =	ssettag $0x0;
	lr =	simm.s32 $0x1  }
0x2: {  	[smem:$0x3F8C] =	sst lr;
	_ =	strace $0xD0000000  }
0x3: {  	_ = 	snop  }
0x4: {  	_ = 	snop  }
0x5: {  	_ = 	snop  }
0x6: {  	_ = 	snop  }
0x7: {  	_ = 	snop  }
__scs_overlays_trampoline_lowered:
0x8: {  	[smem:$0x3F9B] =	sst s0  }
0x9: {  	[smem:$0x3F9C] =	sst s1  }
0xa: {  	[smem:$0x3F9D] =	sst s2  }
0xb: {  	[smem:$0x3F9E] =	sst s3  }
0xc: {  	[smem:$0x3F9F] =	sst s4  }
0xd: {  	[smem:$0x3FA0] =	sst s5  }
0xe: {  	[smem:$0x3FA1] =	sst s6  }
0xf: {  	[smem:$0x3FA2] =	sst s7  }
0x10: {  	[smem:$0x3FA3] =	sst s8  }
0x11: {  	[smem:$0x3FA4] =	sst s9;
	s0 =	simm.s32 @!p0 $0x0  }
0x12: {  	s1 =	sld [smem:$0x3F8A];
	s0 =	simm.s32 @p0 $0x1  }
0x13: {  	[smem:$0x3FA5] =	sst s0;
	s0 =	simm.s32 @!p1 $0x0  }
0x14: {  	s2 =	sld [smem:$0x3F89];
	s0 =	simm.s32 @p1 $0x1  }
0x15: {  	[smem:$0x3FA6] =	sst s0;
	s0 =	simm.s32 @!p2 $0x0  }
0x16: {  	s3 =	sld [smem:$0x3FDB];
	s0 =	simm.s32 @p2 $0x1  }
0x17: {  	s4 =	simm.s32 $0x1BF5;
	[smem:$0x3FA8] =	sst s0  }
0x18: {  	s0 =	sld [smem:$0x3F8B];
	_ =	swait.ge [sflag:s4], $0x0  }
0x19: {  	s7 =	sld [smem:$0x3F8C]  }
0x1a: {  	s8 =	sadd.s32 $0xFFFFE003, lr  }
0x1b: {  	s9 =	sadd.s32 $0xFFFFFEF7, lr;
	s5 =	simm.s32 $0xFFFFFFFF;
	p2 =	slt.u32 s8, $0xFFFFF086  }
0x1c: {  	p1 =	slt.u32 s9, $0xF7A;
	s5 =	simm.s32 @!p2 $0x0  }
0x1d: {  	s5 =	simm.s32 @p1 $0x1;
	p0 =	seq.s32 s7, s2  }
0x1e: {  	s7 =	smul.u32 @!p0 $0xF7A, s2;
	p2 =	seq.s32 @!p0 s5, $0x0  }
0x1f: {  	s9 =	smul.u32 $0xF7A, s1;
	s8 =	simm.s32 @!p0 $0x1BF5;
	p2 =	por !p2, p0  }
0x20: {  	[sflag:s8] =	ssyncset.s32 @!p0 $0xFFFFF086;
	s6 =	sadd.s32 @!p0 s3, s7;
	s7 =	simm.s32 @!p0 $0x108  }
0x21: {  	s3 =	sadd.s32 s3, s9;
	s6 =	sadd.s32 @!p0 $0x88, s6;
	s7 =	simm.s32 @p2 $0x1082  }
0x22: {  	[simem:s7], [sflag:s8] =	dma.local @!p0 [hbm:s6], $0xF7A  }
0x23: {  	s9 =	sor.u32 $0xD0000000, s2;
	s6 =	simm.s32 $0x108;
	_ =	swait.ge @!p0 [sflag:s8], $0x0  }
0x24: {  	s3 =	sadd.s32 $0x88, s3;
	s6 =	simm.s32 @!p1 $0x1082;
	[sflag:s4] =	ssyncset.s32 $0xFFFFF086  }
0x25: {  	[simem:s6], [sflag:s4] =	dma.local [hbm:s3], $0xF7A  }
0x26: {  	[smem:$0x3F8C] =	sst s1;
	(tag) =	ssettag s2;
	_ =	strace s9  }
0x27: {  	s1 =	sld [smem:$0x3F9C]  }
0x28: {  	s2 =	sld [smem:$0x3F9D]  }
0x29: {  	s4 =	sld [smem:$0x3F9F]  }
0x2a: {  	p0 =	seq.s32 s5, $0x0;
	s5 =	sld [smem:$0x3FA0]  }
0x2b: {  	s6 =	sld [smem:$0x3FA1]  }
0x2c: {  	s7 =	sld [smem:$0x3FA2]  }
0x2d: {  	s3 =	simm.s32 $0x108;
	s8 =	sld [smem:$0x3FA3]  }
0x2e: {  	s3 =	simm.s32 @!p0 $0x1082;
	s9 =	sld [smem:$0x3FA4]  }
0x2f: {  	lr =	sadd.s32 s0, s3;
	s0 =	sld [smem:$0x3F9B]  }
0x30: {  	s3 =	sld [smem:$0x3F9E]  }
0x31: {  	[smem:$0x3FA7] =	sst s10  }
0x32: {  	s10 =	sld [smem:$0x3FA5];
	_ =	sdelay $0x3  }
0x33: {  	p0 =	seq.s32 s10, $0x1;
	s10 =	sld [smem:$0x3FA7];
	_ =	sdelay $0x3  }
0x34: {  	[smem:$0x3FA7] =	sst s10  }
0x35: {  	s10 =	sld [smem:$0x3FA6];
	_ =	sdelay $0x3  }
0x36: {  	p1 =	seq.s32 s10, $0x1;
	s10 =	sld [smem:$0x3FA7];
	_ =	sdelay $0x3  }
0x37: {  	[smem:$0x3FA7] =	sst s10  }
0x38: {  	s10 =	sld [smem:$0x3FA8]  }
0x39: {  	_ = 	snop;
	(pc) =	sbr.ind lr, $3  }
0x3a: {  	_ = 	snop  }
0x3b: {  	_ = 	snop  }
0x3c: {  	p2 =	seq.s32 s10, $0x1;
	s10 =	sld [smem:$0x3FA7]  }
0x3d: {  	_ =	shalt  }
0x3e: {  	_ =	shalt  }
0x3f: {  	_ =	shalt  }
0x40: {  	_ =	shalt  }
0x41: {  	_ =	shalt  }
0x42: {  	_ =	shalt  }
0x43: {  	_ =	shalt  }
0x44: {  	_ =	shalt  }
0x45: {  	_ =	shalt  }
0x46: {  	_ =	shalt  }
0x47: {  	_ =	shalt  }
0x48: {  	_ =	shalt  }
0x49: {  	_ =	shalt  }
0x4a: {  	_ =	shalt  }
0x4b: {  	_ =	shalt  }
0x4c: {  	_ =	shalt  }
0x4d: {  	_ =	shalt  }
0x4e: {  	_ =	shalt  }
0x4f: {  	_ =	shalt  }
0x50: {  	_ =	shalt  }
0x51: {  	_ =	shalt  }
0x52: {  	_ =	shalt  }
0x53: {  	_ =	shalt  }
0x54: {  	_ =	shalt  }
0x55: {  	_ =	shalt  }
0x56: {  	_ =	shalt  }
0x57: {  	_ =	shalt  }
0x58: {  	_ =	shalt  }
0x59: {  	_ =	shalt  }
0x5a: {  	_ =	shalt  }
0x5b: {  	_ =	shalt  }
0x5c: {  	_ =	shalt  }
0x5d: {  	_ =	shalt  }
0x5e: {  	_ =	shalt  }
0x5f: {  	_ =	shalt  }
0x60: {  	_ =	shalt  }
0x61: {  	_ =	shalt  }
0x62: {  	_ =	shalt  }
0x63: {  	_ =	shalt  }
0x64: {  	_ =	shalt  }
0x65: {  	_ =	shalt  }
0x66: {  	_ =	shalt  }
0x67: {  	_ =	shalt  }
0x68: {  	_ =	shalt  }
0x69: {  	_ =	shalt  }
0x6a: {  	_ =	shalt  }
0x6b: {  	_ =	shalt  }
0x6c: {  	_ =	shalt  }
0x6d: {  	_ =	shalt  }
0x6e: {  	_ =	shalt  }
0x6f: {  	_ =	shalt  }
0x70: {  	_ =	shalt  }
0x71: {  	_ =	shalt  }
0x72: {  	_ =	shalt  }
0x73: {  	_ =	shalt  }
0x74: {  	_ =	shalt  }
0x75: {  	_ =	shalt  }
0x76: {  	_ =	shalt  }
0x77: {  	_ =	shalt  }
0x78: {  	_ =	shalt  }
0x79: {  	_ =	shalt  }
0x7a: {  	_ =	shalt  }
0x7b: {  	_ =	shalt  }
0x7c: {  	_ =	shalt  }
0x7d: {  	_ =	shalt  }
0x7e: {  	_ =	shalt  }
0x7f: {  	_ =	shalt  }
0x80: {  	_ =	shalt  }
0x81: {  	_ =	shalt  }
0x82: {  	_ =	shalt  }
0x83: {  	_ =	shalt  }
0x84: {  	_ =	shalt  }
0x85: {  	_ =	shalt  }
0x86: {  	_ =	shalt  }
0x87: {  	_ =	shalt  }
.Lfunc_end0:
.L_simem_size_0:
called_computation.2_lowered:
.L_overlay_start_0:
0x88: {  	s2 =	sld [smem:$0x3FD9]  }
0x89: {  	s3 =	sld [smem:$0x3FFE];
	_ =	sdelay $0x1  }
0x8a: {  	s1 =	srdreg.scid  }
0x8b: {  	s0 =	sand.u32 $0x1, s1  }
0x8c: {  	s15 =	sshll.u32 s0, $0xA;
	s2 =	sadd.s32 s3, s2  }
0x8d: {  	s2 =	sadd.s32 s2, s15  }
0x8e: {  	[smem:$0x3FB3] =	sst s2  }
0x8f: {  	_ = 	snop  }
0x90: {  	(tm) =	ssettm $0x1  }
0x91: {  	s16 =	sld [smem:$0x3FFB];
	_ =	sdelay $0x3  }
0x92: {  	_ =	strace s16  }
0x93: {  	s2 =	sld [smem:$0x3FFC];
	_ =	sdelay $0x3  }
0x94: {  	_ =	strace s2  }
0x95: {  	s2 =	sld [smem:$0x3FFD];
	_ =	sdelay $0x3  }
0x96: {  	_ =	strace s2  }
0x97: {  	_ =	strace $0x8FFFFFFF  }
0x98: {  	s17 =	sld [smem:$0x3FDB];
	_ =	sdelay $0x1  }
0x99: {  	s18 =	simm.s32 $_scs_section_size  }
0x9a: {  	s4 =	simm.s32 $_size__tile_overlayer_lowered;
	s5 =	simm.s32 $_tile_overlayer_lowered  }
0x9b: {  	s21 =	simm.s32 $0x1BFF;
	s20 =	sshll.u32 s5, $0x1;
	s2 =	sadd.s32 s18, s17  }
0x9c: {  	s6 =	simm.s32 $0x0;
	s19 =	sshll.u32 s4, $0x1;
	s4 =	sadd.s32 s20, s2  }
0x9d: {  	[timem:s6], [sflag:s21] =	dma.local [hbm:s4], s19  }
0x9e: {  	_ =	swait.ge [sflag:s21], s19  }
0x9f: {  	s3 =	ssub.s32 $0x0, s19;
	[sflag:s21] =	ssyncset.done $0x0  }
0xa0: {  	[sflag:s21] =	ssyncadd.s32 s3;
	_ =	sdelay $0x1  }
0xa1: {  	s22 =	simm.s32 $0x1B8B  }
0xa2: {  	_ =	swait.ge [sflag:s22], $0x1  }
0xa3: {  	[sflag:s22] =	ssyncset.done $0x0  }
0xa4: {  	s23 =	sld [smem:$0x3FFE];
	[sflag:s22] =	ssyncadd.s32 $0xFFFFFFFF  }
0xa5: {  	s25 =	simm.s32 $0x1B8E;
	s24 =	sld [smem:$0x0]  }
0xa6: {  	s26 =	simm.s32 $execute0_lowered;
	[smem:$0x3FD2] =	sst s25  }
0xa7: {  	s5 =	sshll.u32 s26, $0x1;
	_ =	strace $0x8000005B;
	[dreg:$0x1] =	wrdreg $0xFFFFFFFF  }
0xa8: {  	s28 =	simm.s32 $_size_execute0_lowered;
	s2 =	sadd.s32 s2, s5;
	[dreg:$0x0] =	wrdreg $0x0  }
0xa9: {  	s5 =	sshll.u32 s28, $0x1;
	[dreg:$0x2] =	wrdreg s2  }
0xaa: {  	[dreg:$0x3] =	wrdreg s5  }
0xab: {  	[dreg:$0x4] =	wrdreg $0xC0  }
0xac: {  	_ =	task [dreg:s6], $0x5FFFF  }
0xad: {  	[dreg:$0x1] =	wrdreg $0xFFFFFFFF  }
0xae: {  	[dreg:$0x0] =	wrdreg $0x60  }
0xaf: {  	[dreg:$0x2] =	wrdreg s23  }
0xb0: {  	[dreg:$0x3] =	wrdreg s1  }
0xb1: {  	[dreg:$0x4] =	wrdreg s24  }
0xb2: {  	[dreg:$0x5] =	wrdreg $0x9  }
0xb3: {  	_ =	task.clear_ibuf [dreg:s6], $0x6FFFF;
	_ =	strace $0x9000005B  }
0xb4: {  	s29 =	simm.s32 $0x9;
	_ =	strace $0x8000005D  }
0xb5: {  	_ =	swait.ge [sflag:s29], $0x1  }
0xb6: {  	[sflag:s29] =	ssyncadd.s32 $0xFFFFFFFF  }
0xb7: {  	_ =	strace $0x9000005D  }
0xb8: {  	_ =	sfence  }
0xb9: {  	s30 =	sld [smem:$0x0];
	_ =	sdelay $0x2  }
0xba: {  	s31 =	sshll.u32 s1, $0xD;
	s1 =	sshrl.u32 s1, $0x2  }
0xbb: {  	s3 =	sand.u32 $0x4000, s31;
	s1 =	sadd.s32 s1, s30  }
0xbc: {  	s0 =	sor.u32 s3, s0;
	s1 =	sshll.u32 s1, $0x11  }
0xbd: {  	s0 =	sor.u32 s1, s0  }
0xbe: {  	s0 =	sadd.s32 $0x8F2B, s0  }
0xbf: {  	[sflag:s0] =	ssyncadd.remote.s32 $0x1  }
0xc0: {  	_ =	sfence.sel $0xFFFF  }
0xc1: {  	[dreg:$0x0] =	wrdreg $0xFFFFFFFF;
	(pc) =	sbr.abs _section_cstart, $3  }
0xc2: {  	[dreg:$0x1] =	wrdreg $0xFFFFFFFF  }
0xc3: {  	_ =	task.clear_ibuf [dreg:s6], $0x2FFFF;
	_ =	strace $0x9FFFFFFF  }
0xc4: {  	(tm) =	ssettm $0x7FFFFFFF  }
0xc5: {  	_ =	shalt  }
tec
execute0_lowered:
.L_overlay_start_1:
0x0: {  	(tag) =	ssettag $0x1  }
0x1: {  	s2 =	rddreg [dreg:$0x0]  }
0x2: {  	s4 =	rddreg [dreg:$0x1];
	_ =	strace $0x8000005C;
	s0 =	simm.s32 $0x1  }
0x3: {  	s3 =	simm.s32 $0x88;
	v0 =	vimm.s32 $0x0;
	[sflag:s0] =	ssyncpa.u1 $0x0  }
0x4: {  	s1 =	sadd.s32 $0x6E0200, s2;
	[tilespmem:s3+$0x30] =	vst v0  }
0x5: {  	s0 =	sadd.s32 $0x6888200, s2;
	s6 =	sadd.s32 $0xCAF3800, s2;
	[tilespmem:s3+$0x20] =	vst v0  }
0x6: {  	s2 =	sadd.s32 $0x189000, s2;
	s5 =	sand.u32 $0x1, s4;
	s4 =	simm.s32 $0x40;
	[tilespmem:s3+$0x10] =	vst v0  }
.LBB2_1:
0x7: {  	s4 =	sadd.s32 $0x40, s4  }
0x8: {  	[tilespmem:s3+$0x0] =	vst v0;
	s3 =	sadd.s32 $0x40, s3;
	p0 =	slt.u32 s4, $0x5040  }
.Ltmp0:
0x9: {  	(pc) =	sbr.rel @p0 .LBB2_1-.Ltmp0, $4  }
0xa: {  	_ = 	snop  }
0xb: {  	[tilespmem:s3+$0x30] =	vst v0  }
0xc: {  	[tilespmem:s3+$0x20] =	vst v0  }
0xd: {  	[tilespmem:s3+$0x10] =	vst v0  }
0xe: {  	s28 =	simm.s32 $0x2;
	s4 =	stileid.u32;
	s29 =	simm.s32 $0x9  }
0xf: {  	s7 =	simm.s32 $0xA;
	[dreg:$0x4] =	wrdreg s5;
	s30 =	smul.u32 $0x61A80, s5  }
0x10: {  	s31 =	simm.s32 $0xB;
	s16 =	simm.s32 $0x0;
	p0 =	por $0x1, $0x1  }
0x11: {  	s17 =	simm.s32 $0xFB00;
	s18 =	simm.s32 $0xFFFF;
	p1 =	por $0x0, $0x0  }
0x12: {  	s19 =	simm.s32 $0x1;
	s13 =	simm.s32 $0xC;
	s24 =	simm.s32 $0x0  }
0x13: {  	s22 =	simm.s32 $0x0;
	s9 =	smul.u32 $0x30D40, s4;
	s12 =	sshll.u32 s4, $0x7  }
.Ltmp1:
0x14: {  	s0 =	sadd.s32 s30, s0;
	[dreg:$0x9] =	wrdreg s12;
	(pc) =	sbr.rel .LBB2_3-.Ltmp1, $4  }
0x15: {  	[tilespmem:s3+$0x0] =	vst v0;
	v0 =	vimm.s32 $0xFFFFFFFF;
	s21 =	simm.s32 $0x0;
	[sflag:s28] =	ssyncpa.u1 $0x0;
	[dreg:$0x8] =	wrdreg s0  }
0x16: {  	[tilespmem:$0xA108] =	vst v0;
	[sflag:s29] =	ssyncpa.u1 $0x0;
	s11 =	sadd.s32 s30, s2;
	[dreg:$0x5] =	wrdreg s9  }
0x17: {  	[sflag:s7] =	ssyncpa.u1 $0x0;
	s10 =	sadd.s32 $0x30D40, s9;
	[dreg:$0x7] =	wrdreg s11  }
0x18: {  	v0 =	vlaneseq.u32;
	s23 =	smov.u32 s9;
	[sflag:s31] =	ssyncpa.u1 $0x0;
	[dreg:$0x6] =	wrdreg s10  }
.LBB2_22:
0x19: {  	s2 =	sshrl.u32 s4, $0x2  }
.LBB2_24:
0x1a: {  	_ =	swait.ge [sflag:s13], s2  }
0x1b: {  	s31 =	ssub.s32 $0x0, s2;
	v1 =	vmov s28;
	vm0 =	veq.s32 v0, $0x0;
	[sflag:s13] =	ssyncset.done $0x0  }
0x1c: {  	vm15 =	veq.s32 v0, $0x2;
	v1 =	vsel vm0, s0, v1;
	[sflag:s13] =	ssyncadd.s32 s31  }
0x1d: {  	v1 =	vsel vm15, s24, v1;
	[sflag:s13] =	ssyncpa.u1 $0x1  }
0x1e: {  	[tilespmem:$0xA108] =	vst v1  }
.LBB2_25:
0x1f: {  	s0 =	sadd.s32 $0x140, s23  }
0x20: {  	s2 =	smov.u32 s9;
	s21 =	sadd.s32 $0x1, s21;
	p2 =	slt.s32 s0, s10  }
0x21: {  	s2 =	smov.u32 @p2 s0;
	p2 =	sne.s32 s21, $0x273  }
.Ltmp2:
0x22: {  	_ = 	snop;
	(pc) =	sbr.rel @!p2 .LBB2_26-.Ltmp2, $4  }
0x23: {  	_ = 	snop  }
0x24: {  	s24 =	smov.u32 s22  }
0x25: {  	p0 =	por !p0, !p0;
	s22 =	smov.u32 s23;
	s17 =	sadd.s32 $0x500, s17  }
0x26: {  	s18 =	sadd.s32 $0x1, s18;
	p1 =	por !p1, !p1;
	s23 =	smov.u32 s2  }
.LBB2_3:
0x27: {  	p2 =	sgt.u32 s21, $0x270  }
0x28: {  	s0 =	smul.u32 @!p2 $0xAAAB, s21;
	_ =	sdelay $0x1  }
0x29: {  	s2 =	smov.u32 s23;
	p3 =	sgt.s32 @!p2 s23, $0x30D2C0;
	s0 =	sshrl.u32 @!p2 s0, $0x11  }
0x2a: {  	s3 =	sshra.s32 @!p2 s23, $0x1F;
	p3 =	por !p3, p2;
	s0 =	smul.u32 @!p2 $0x3, s0  }
0x2b: {  	s3 =	sand.u32 @!p2 s3, s23;
	s2 =	simm.s32 @p3 $0x30D2C0  }
0x2c: {  	s2 =	ssub.s32 @!p2 s2, s3;
	s0 =	ssub.s32 @!p2 s21, s0  }
0x2d: {  	s2 =	sadd.s32 @!p2 $0xFFCF2D40, s2;
	s0 =	smul.u32 @!p2 $0x500, s0  }
0x2e: {  	s4 =	sand.u32 @!p2 $0x7, s23;
	s3 =	sshll.u32 @!p2 s2, $0x2;
	p3 =	sgt.s32 @!p2 s2, $0x13F  }
0x2f: {  	s2 =	ssub.s32 @!p2 $0x500, s3;
	p3 =	por !p3, p2;
	s0 =	sand.u32 @!p2 $0xFF00, s0  }
0x30: {  	s3 =	sshrl.u32 @!p2 s23, $0x3;
	s2 =	sshrl.u32 @!p2 s2, $0x2;
	s0 =	sshrl.u32 @!p2 s0, $0x2  }
0x31: {  	s3 =	sadd.s32 @!p2 s3, s11;
	s2 =	simm.s32 @!p3 $0x0;
	s0 =	sadd.s32 @!p2 $0xA948, s0  }
0x32: {  	[tilespmem:s0], [sflag:$0xA] =	stream.linear.gather @!p2 [hbm4b:s3+s4], s2, $0x38;
	[tilespmem:$0x1EF88] =	vst v63  }
0x33: {  	s0 =	sadd.s32 $0xFFFFFFFF, s21  }
0x34: {  	p2 =	sgt.u32 s0, $0x270  }
.Ltmp3:
0x35: {  	_ = 	snop;
	(pc) =	sbr.rel @p2 .LBB2_7-.Ltmp3, $1  }
0x36: {  	_ =	sdelay $0x3  }
0x37: {  	s2 =	sand.u32 $0xFFFF, s18  }
0x38: {  	p2 =	sgt.s32 s22, $0x30D2C0;
	s3 =	smov.u32 s22;
	s4 =	sshra.s32 s22, $0x1F  }
0x39: {  	s2 =	smul.u32 $0xAAAB, s2;
	s3 =	simm.s32 @!p2 $0x30D2C0;
	s4 =	sand.u32 s4, s22  }
0x3a: {  	s0 =	sand.u32 $0x1, s0;
	s3 =	ssub.s32 s3, s4  }
0x3b: {  	s5 =	simm.s32 $0xA;
	s2 =	sshrl.u32 s2, $0x11;
	s3 =	sadd.s32 $0xFFCF2D40, s3  }
0x3c: {  	s8 =	sshrl.u32 s22, $0x3;
	s2 =	smul.u32 $0xF00, s2;
	s31 =	sshll.u32 s3, $0x2  }
0x3d: {  	s10 =	sand.u32 $0x7, s22;
	s0 =	smul.u32 $0x500, s0;
	s4 =	ssub.s32 $0x500, s31  }
0x3e: {  	p2 =	sgt.s32 s3, $0x13F;
	s2 =	ssub.s32 s17, s2;
	s3 =	sshrl.u32 s4, $0x2  }
0x3f: {  	s0 =	sshrl.u32 s0, $0x2;
	s2 =	sand.u32 $0xFFFC, s2;
	s3 =	simm.s32 @p2 $0x0  }
0x40: {  	s0 =	sadd.s32 $0xAD08, s0;
	s2 =	sshrl.u32 s2, $0x2;
	_ =	swait.ge [sflag:s5], s3  }
0x41: {  	s7 =	ssub.s32 $0x0, s3;
	[sflag:s5] =	ssyncset.done $0x0;
	s9 =	rddreg [dreg:$0x8]  }
0x42: {  	s29 =	sadd.s32 $0xA948, s2;
	[sflag:s5] =	ssyncadd.s32 s7;
	s2 =	sadd.s32 s8, s9  }
0x43: {  	[tilespmem:s0], [sflag:$0xB] =	stream.linear.gather [hbm4b:s2+s10], s3, $0x38;
	[tilespmem:$0x1EF88] =	vst v63  }
0x44: {  	v1 =	vld.msk [tilespmem:s29+$0x0], $0xffff;
	_ =	sdelay $0x4  }
0x45: {  	v1 =	vshll.u32 v1, $0x4  }
0x46: {  	(v2sf) =	vpush v1, $0x0;
	_ =	sdelay $0x1  }
0x47: {  	(v2sf) =	vpush v1, $0x1  }
0x48: {  	(v2sf) =	vpush v1, $0x2;
	_ =	sdelay $0x1  }
0x49: {  	(v2sf) =	vpush v1, $0x3  }
0x4a: {  	(v2sf) =	vpush v1, $0x4;
	_ =	sdelay $0x1  }
0x4b: {  	(v2sf) =	vpush v1, $0x5  }
0x4c: {  	s0 =	simm.s32 $0x1  }
0x4d: {  	s0 =	simm.s32 @!p0 $0x0  }
0x4e: {  	s0 =	smul.u32 $0x28000, s0  }
0x4f: {  	(v2sf) =	vpush v1, $0x6  }
0x50: {  	s0 =	sshrl.u32 s0, $0x2  }
0x51: {  	s25 =	sadd.s32 $0xB708, s0  }
0x52: {  	s13 =	sadd.s32 $0xFFFFF880, s25;
	s26 =	sadd.s32 $0xFFFFF900, s25;
	s11 =	spop (v2sf)  }
0x53: {  	s30 =	sadd.s32 $0xFFFFF980, s25;
	s7 =	sadd.s32 $0xFFFFFA00, s25;
	(v2sf) =	vpush v1, $0x7;
	s12 =	sand.u32 $0x1FFFFFF0, s11  }
0x54: {  	s8 =	sadd.s32 $0xFFFFFA80, s25;
	s14 =	spop (v2sf);
	s0 =	sadd.s32 s6, s12  }
0x55: {  	(v2sf) =	vpush v1, $0x8;
	s15 =	sand.u32 $0x1FFFFFF0, s14;
	s20 =	spop (v2sf);
	s12 =	sadd.s32 $0xFFFFFB00, s25  }
0x56: {  	(v2sf) =	vpush v1, $0x9;
	[tilespmem:s13], [sflag:$0x9] =	stream.linear.gather [hbm4b:s0+s16], $0x40, $0x38;
	[tilespmem:$0x1EF88] =	vst v63  }
0x57: {  	s0 =	sadd.s32 s6, s15;
	s2 =	sand.u32 $0x1FFFFFF0, s20;
	s31 =	spop (v2sf)  }
0x58: {  	(v2sf) =	vpush v1, $0xA;
	s13 =	sadd.s32 $0xFFFFFB80, s25;
	s4 =	sand.u32 $0x1FFFFFF0, s31;
	s5 =	spop (v2sf)  }
0x59: {  	[tilespmem:s26], [sflag:$0x9] =	stream.linear.gather [hbm4b:s0+s16], $0x40, $0x38;
	[tilespmem:$0x1EF88] =	vst v63  }
0x5a: {  	s2 =	sadd.s32 s6, s2;
	(v2sf) =	vpush v1, $0xB;
	s0 =	sadd.s32 s6, s4;
	s9 =	spop (v2sf)  }
0x5b: {  	[tilespmem:s30], [sflag:$0x9] =	stream.linear.gather [hbm4b:s2+s16], $0x40, $0x38;
	[tilespmem:$0x1EF88] =	vst v63  }
0x5c: {  	(v2sf) =	vpush v1, $0xC;
	s26 =	sadd.s32 $0xFFFFFC00, s25;
	s10 =	sand.u32 $0x1FFFFFF0, s9;
	s2 =	sand.u32 $0x1FFFFFF0, s5  }
0x5d: {  	[tilespmem:s7], [sflag:$0x9] =	stream.linear.gather [hbm4b:s0+s16], $0x40, $0x38;
	[tilespmem:$0x1EF88] =	vst v63  }
0x5e: {  	s11 =	spop (v2sf);
	(v2sf) =	vpush v1, $0xD;
	s30 =	sadd.s32 $0xFFFFFC80, s25;
	s2 =	sadd.s32 s6, s2  }
0x5f: {  	[tilespmem:s8], [sflag:$0x9] =	stream.linear.gather [hbm4b:s2+s16], $0x40, $0x38;
	[tilespmem:$0x1EF88] =	vst v63  }
0x60: {  	s0 =	sadd.s32 s6, s10;
	s7 =	sadd.s32 $0xFFFFFD00, s25;
	s2 =	sand.u32 $0x1FFFFFF0, s11  }
0x61: {  	[tilespmem:s12], [sflag:$0x9] =	stream.linear.gather [hbm4b:s0+s16], $0x40, $0x38;
	[tilespmem:$0x1EF88] =	vst v63  }
0x62: {  	s8 =	sadd.s32 $0xFFFFFD80, s25;
	s2 =	sadd.s32 s6, s2;
	s14 =	spop (v2sf);
	(v2sf) =	vpush v1, $0xE  }
0x63: {  	[tilespmem:s13], [sflag:$0x9] =	stream.linear.gather [hbm4b:s2+s16], $0x40, $0x38;
	[tilespmem:$0x1EF88] =	vst v63  }
0x64: {  	s12 =	sadd.s32 $0xFFFFFE00, s25;
	s15 =	sand.u32 $0x1FFFFFF0, s14;
	s20 =	spop (v2sf);
	(v2sf) =	vpush v1, $0xF  }
0x65: {  	s0 =	sadd.s32 s6, s15;
	s2 =	sand.u32 $0x1FFFFFF0, s20;
	s31 =	spop (v2sf)  }
0x66: {  	[tilespmem:s26], [sflag:$0x9] =	stream.linear.gather [hbm4b:s0+s16], $0x40, $0x38;
	[tilespmem:$0x1EF88] =	vst v63  }
0x67: {  	s2 =	sadd.s32 s6, s2;
	s4 =	sand.u32 $0x1FFFFFF0, s31;
	s5 =	spop (v2sf)  }
0x68: {  	[tilespmem:s30], [sflag:$0x9] =	stream.linear.gather [hbm4b:s2+s16], $0x40, $0x38;
	[tilespmem:$0x1EF88] =	vst v63  }
0x69: {  	s0 =	sadd.s32 s6, s4;
	s9 =	spop (v2sf);
	s2 =	sand.u32 $0x1FFFFFF0, s5  }
0x6a: {  	[tilespmem:s7], [sflag:$0x9] =	stream.linear.gather [hbm4b:s0+s16], $0x40, $0x38;
	[tilespmem:$0x1EF88] =	vst v63  }
0x6b: {  	s10 =	sand.u32 $0x1FFFFFF0, s9;
	s11 =	spop (v2sf);
	s2 =	sadd.s32 s6, s2  }
0x6c: {  	[tilespmem:s8], [sflag:$0x9] =	stream.linear.gather [hbm4b:s2+s16], $0x40, $0x38;
	[tilespmem:$0x1EF88] =	vst v63  }
0x6d: {  	s14 =	spop (v2sf);
	s0 =	sadd.s32 s6, s10;
	s2 =	sand.u32 $0x1FFFFFF0, s11  }
0x6e: {  	[tilespmem:s12], [sflag:$0x9] =	stream.linear.gather [hbm4b:s0+s16], $0x40, $0x38;
	[tilespmem:$0x1EF88] =	vst v63  }
0x6f: {  	s13 =	sadd.s32 $0xFFFFFE80, s25;
	s15 =	sand.u32 $0x1FFFFFF0, s14;
	s2 =	sadd.s32 s6, s2  }
0x70: {  	[tilespmem:s13], [sflag:$0x9] =	stream.linear.gather [hbm4b:s2+s16], $0x40, $0x38;
	[tilespmem:$0x1EF88] =	vst v63  }
0x71: {  	s26 =	sadd.s32 $0xFFFFFF00, s25;
	s0 =	sadd.s32 s6, s15;
	s20 =	spop (v2sf)  }
0x72: {  	[tilespmem:s26], [sflag:$0x9] =	stream.linear.gather [hbm4b:s0+s16], $0x40, $0x38;
	[tilespmem:$0x1EF88] =	vst v63  }
0x73: {  	s29 =	sadd.s32 $0x10, s29;
	s2 =	sand.u32 $0x1FFFFFF0, s20;
	s30 =	spop (v2sf)  }
0x74: {  	s31 =	sadd.s32 $0xFFFFFF80, s25;
	s2 =	sadd.s32 s6, s2;
	s0 =	sand.u32 $0x1FFFFFF0, s30  }
0x75: {  	[tilespmem:s31], [sflag:$0x9] =	stream.linear.gather [hbm4b:s2+s16], $0x40, $0x38;
	[tilespmem:$0x1EF88] =	vst v63  }
0x76: {  	s28 =	sadd.s32 $0x800, s25;
	s26 =	simm.s32 $0x0;
	s0 =	sadd.s32 s6, s0  }
.LBB2_5:
0x77: {  	[tilespmem:s25], [sflag:$0x9] =	stream.linear.gather [hbm4b:s0+s16], $0x40, $0x38;
	[tilespmem:$0x1EF88] =	vst v63  }
0x78: {  	s26 =	sadd.s32 $0x10, s26;
	s25 =	smov.u32 s28  }
0x79: {  	p2 =	slt.u32 s26, $0x130;
	v1 =	vld.msk [tilespmem:s29+$0x0], $0xffff;
	_ =	sdelay $0x4  }
0x7a: {  	v1 =	vshll.u32 v1, $0x4  }
0x7b: {  	(v2sf) =	vpush v1, $0x0  }
0x7c: {  	(v2sf) =	vpush v1, $0x1  }
0x7d: {  	(v2sf) =	vpush v1, $0x2;
	_ =	sdelay $0x1  }
0x7e: {  	(v2sf) =	vpush v1, $0x3;
	_ =	sdelay $0x1  }
0x7f: {  	(v2sf) =	vpush v1, $0x4;
	_ =	sdelay $0x1  }
0x80: {  	(v2sf) =	vpush v1, $0x5;
	_ =	sdelay $0x1  }
0x81: {  	(v2sf) =	vpush v1, $0x6  }
0x82: {  	s31 =	sadd.s32 $0xFFFFFE80, s28;
	s30 =	sadd.s32 $0xFFFFFF00, s28  }
0x83: {  	s5 =	sadd.s32 $0xFFFFFD00, s28;
	s4 =	sadd.s32 $0xFFFFFD80, s28;
	s0 =	sadd.s32 $0xFFFFFE00, s28;
	(v2sf) =	vpush v1, $0x7  }
0x84: {  	s14 =	sadd.s32 $0xFFFFFB80, s28;
	s2 =	sadd.s32 $0xFFFFFC00, s28;
	s3 =	sadd.s32 $0xFFFFFC80, s28  }
0x85: {  	s7 =	sadd.s32 $0xFFFFFA00, s28;
	s9 =	sadd.s32 $0xFFFFFA80, s28;
	s10 =	sadd.s32 $0xFFFFFB00, s28;
	(v2sf) =	vpush v1, $0x8  }
0x86: {  	s11 =	sadd.s32 $0xFFFFF900, s28;
	s13 =	sadd.s32 $0xFFFFF980, s28;
	s8 =	spop (v2sf)  }
0x87: {  	s20 =	sadd.s32 $0xFFFFF880, s28;
	s8 =	sand.u32 $0x1FFFFFF0, s8;
	s12 =	spop (v2sf);
	(v2sf) =	vpush v1, $0x9  }
0x88: {  	s8 =	sadd.s32 s6, s8;
	s12 =	sand.u32 $0x1FFFFFF0, s12;
	s15 =	spop (v2sf)  }
0x89: {  	[tilespmem:s20], [sflag:$0x9] =	stream.linear.gather [hbm4b:s8+s16], $0x40, $0x38;
	(v2sf) =	vpush v1, $0xA;
	[tilespmem:$0x1EF88] =	vst v63  }
0x8a: {  	s8 =	sadd.s32 s6, s12;
	s12 =	sand.u32 $0x1FFFFFF0, s15;
	s15 =	spop (v2sf)  }
0x8b: {  	[tilespmem:s11], [sflag:$0x9] =	stream.linear.gather [hbm4b:s8+s16], $0x40, $0x38;
	(v2sf) =	vpush v1, $0xB;
	[tilespmem:$0x1EF88] =	vst v63  }
0x8c: {  	s8 =	sadd.s32 s6, s12;
	s11 =	sand.u32 $0x1FFFFFF0, s15;
	s12 =	spop (v2sf)  }
0x8d: {  	[tilespmem:s13], [sflag:$0x9] =	stream.linear.gather [hbm4b:s8+s16], $0x40, $0x38;
	(v2sf) =	vpush v1, $0xC;
	[tilespmem:$0x1EF88] =	vst v63  }
0x8e: {  	s8 =	sadd.s32 s6, s11;
	s11 =	sand.u32 $0x1FFFFFF0, s12;
	s12 =	spop (v2sf)  }
0x8f: {  	[tilespmem:s7], [sflag:$0x9] =	stream.linear.gather [hbm4b:s8+s16], $0x40, $0x38;
	(v2sf) =	vpush v1, $0xD;
	[tilespmem:$0x1EF88] =	vst v63  }
0x90: {  	s7 =	sadd.s32 s6, s11;
	s8 =	sand.u32 $0x1FFFFFF0, s12;
	s11 =	spop (v2sf)  }
0x91: {  	[tilespmem:s9], [sflag:$0x9] =	stream.linear.gather [hbm4b:s7+s16], $0x40, $0x38;
	(v2sf) =	vpush v1, $0xE;
	[tilespmem:$0x1EF88] =	vst v63  }
0x92: {  	s7 =	sadd.s32 s6, s8;
	s8 =	sand.u32 $0x1FFFFFF0, s11;
	s9 =	spop (v2sf)  }
0x93: {  	[tilespmem:s10], [sflag:$0x9] =	stream.linear.gather [hbm4b:s7+s16], $0x40, $0x38;
	(v2sf) =	vpush v1, $0xF;
	[tilespmem:$0x1EF88] =	vst v63  }
0x94: {  	s7 =	sadd.s32 s6, s8;
	s8 =	sand.u32 $0x1FFFFFF0, s9;
	s9 =	spop (v2sf)  }
0x95: {  	[tilespmem:s14], [sflag:$0x9] =	stream.linear.gather [hbm4b:s7+s16], $0x40, $0x38;
	[tilespmem:$0x1EF88] =	vst v63  }
0x96: {  	s7 =	sadd.s32 s6, s8;
	s8 =	sand.u32 $0x1FFFFFF0, s9;
	s9 =	spop (v2sf)  }
0x97: {  	[tilespmem:s2], [sflag:$0x9] =	stream.linear.gather [hbm4b:s7+s16], $0x40, $0x38;
	[tilespmem:$0x1EF88] =	vst v63  }
0x98: {  	s2 =	sadd.s32 s6, s8;
	s7 =	sand.u32 $0x1FFFFFF0, s9;
	s8 =	spop (v2sf)  }
0x99: {  	[tilespmem:s3], [sflag:$0x9] =	stream.linear.gather [hbm4b:s2+s16], $0x40, $0x38;
	[tilespmem:$0x1EF88] =	vst v63  }
0x9a: {  	s2 =	sadd.s32 s6, s7;
	s3 =	sand.u32 $0x1FFFFFF0, s8;
	s7 =	spop (v2sf)  }
0x9b: {  	[tilespmem:s5], [sflag:$0x9] =	stream.linear.gather [hbm4b:s2+s16], $0x40, $0x38;
	[tilespmem:$0x1EF88] =	vst v63  }
0x9c: {  	s2 =	sadd.s32 s6, s3;
	s3 =	sand.u32 $0x1FFFFFF0, s7;
	s5 =	spop (v2sf)  }
0x9d: {  	[tilespmem:s4], [sflag:$0x9] =	stream.linear.gather [hbm4b:s2+s16], $0x40, $0x38;
	[tilespmem:$0x1EF88] =	vst v63  }
0x9e: {  	s2 =	sadd.s32 s6, s3;
	s3 =	sand.u32 $0x1FFFFFF0, s5;
	s4 =	spop (v2sf)  }
0x9f: {  	[tilespmem:s0], [sflag:$0x9] =	stream.linear.gather [hbm4b:s2+s16], $0x40, $0x38;
	[tilespmem:$0x1EF88] =	vst v63  }
0xa0: {  	s0 =	sadd.s32 s6, s3;
	s2 =	sand.u32 $0x1FFFFFF0, s4;
	s3 =	spop (v2sf)  }
0xa1: {  	[tilespmem:s31], [sflag:$0x9] =	stream.linear.gather [hbm4b:s0+s16], $0x40, $0x38;
	[tilespmem:$0x1EF88] =	vst v63  }
0xa2: {  	s0 =	sadd.s32 s6, s2  }
.Ltmp4:
0xa3: {  	s2 =	sand.u32 $0x1FFFFFF0, s3;
	s3 =	spop (v2sf);
	(pc) =	sbr.rel @p2 .LBB2_5-.Ltmp4, $4  }
0xa4: {  	[tilespmem:s30], [sflag:$0x9] =	stream.linear.gather [hbm4b:s0+s16], $0x40, $0x38;
	[tilespmem:$0x1EF88] =	vst v63  }
0xa5: {  	s0 =	sadd.s32 s6, s2;
	s2 =	sadd.s32 $0xFFFFFF80, s28;
	s3 =	sand.u32 $0x1FFFFFF0, s3  }
0xa6: {  	[tilespmem:s2], [sflag:$0x9] =	stream.linear.gather [hbm4b:s0+s16], $0x40, $0x38;
	[tilespmem:$0x1EF88] =	vst v63  }
0xa7: {  	s29 =	sadd.s32 $0x10, s29;
	s28 =	sadd.s32 $0x800, s28;
	s0 =	sadd.s32 s6, s3  }
0xa8: {  	[tilespmem:s25], [sflag:$0x9] =	stream.linear.gather [hbm4b:s0+s16], $0x40, $0x38;
	[tilespmem:$0x1EF88] =	vst v63  }
0xa9: {  	s9 =	rddreg [dreg:$0x5]  }
0xaa: {  	s10 =	rddreg [dreg:$0x6]  }
0xab: {  	s11 =	rddreg [dreg:$0x7]  }
0xac: {  	s12 =	rddreg [dreg:$0x9];
	s13 =	simm.s32 $0xC  }
.LBB2_7:
0xad: {  	p2 =	slt.u32 s21, $0x2  }
.Ltmp5:
0xae: {  	_ = 	snop;
	(pc) =	sbr.rel @p2 .LBB2_25-.Ltmp5, $1  }
0xaf: {  	_ =	sdelay $0x3  }
0xb0: {  	p2 =	sgt.s32 s24, $0x30D2C0;
	s0 =	smov.u32 s24;
	s2 =	sshra.s32 s24, $0x1F  }
0xb1: {  	s0 =	simm.s32 @!p2 $0x30D2C0;
	s2 =	sand.u32 s2, s24  }
0xb2: {  	s0 =	ssub.s32 s0, s2  }
0xb3: {  	s0 =	sadd.s32 $0xFFCF2D40, s0  }
0xb4: {  	s3 =	simm.s32 $0x9;
	s30 =	sshll.u32 s0, $0x2  }
0xb5: {  	_ =	swait.ge [sflag:s3], $0x5000;
	s2 =	ssub.s32 $0x500, s30  }
0xb6: {  	[sflag:s3] =	ssyncset.done $0x0;
	p2 =	sgt.s32 s0, $0x13F;
	s0 =	sshrl.u32 s2, $0x2  }
0xb7: {  	s31 =	simm.s32 $0xB;
	[sflag:s3] =	ssyncadd.s32 $0xFFFFB000;
	s0 =	simm.s32 @p2 $0x0  }
0xb8: {  	_ =	swait.ge [sflag:s31], s0  }
0xb9: {  	s0 =	ssub.s32 $0x0, s0;
	[sflag:s31] =	ssyncset.done $0x0  }
0xba: {  	[sflag:s31] =	ssyncadd.s32 s0  }
0xbb: {  	v1 =	vld [tilespmem:$0xA108];
	_ =	sdelay $0x4  }
0xbc: {  	(v2sf) =	vpush v1, $0x0  }
0xbd: {  	(v2sf) =	vpush v1, $0x1  }
0xbe: {  	(v2sf) =	vpush v1, $0x2;
	_ =	sdelay $0x3  }
0xbf: {  	s2 =	sadd.s32 $0x140, s24  }
0xc0: {  	s3 =	ssub.s32 $0x61A800, s24;
	p2 =	slt.s32 s10, s2  }
0xc1: {  	s2 =	smov.u32 @p2 s10;
	p2 =	sgt.s32 s3, $0x0  }
0xc2: {  	s25 =	ssub.s32 s2, s24;
	s3 =	simm.s32 @!p2 $0x0  }
0xc3: {  	p2 =	slt.s32 s3, s25  }
0xc4: {  	s25 =	smov.u32 @p2 s3  }
0xc5: {  	s0 =	simm.s32 $0x1;
	p2 =	slt.s32 s25, $0x1  }
.Ltmp6:
0xc6: {  	s0 =	simm.s32 @!p1 $0x0;
	(pc) =	sbr.rel @p2 .LBB2_12-.Ltmp6, $4  }
0xc7: {  	s4 =	smul.u32 $0x500, s0  }
0xc8: {  	s2 =	spop (v2sf)  }
0xc9: {  	s4 =	sshrl.u32 s4, $0x2;
	s3 =	spop (v2sf)  }
0xca: {  	s26 =	sadd.s32 $0xAD08, s4;
	s24 =	spop (v2sf)  }
0xcb: {  	s4 =	smin.u32 s25, $0x10  }
0xcc: {  	v1 =	vmov s4  }
0xcd: {  	p3 =	sgt.s32 s25, $0x10;
	vm1 =	vgt.u32 v1, v0  }
.Ltmp7:
0xce: {  	_ = 	snop;
	(pc) =	sbr.rel @!p3 .LBB2_11-.Ltmp7, $2  }
0xcf: {  	_ =	sdelay $0x2  }
0xd0: {  	s5 =	simm.s32 $0x10;
	s14 =	sadd.s32 $0xFFFFFFF0, s25;
	s4 =	smov.u32 s26;
	vm0 =	vmmov vm1  }
.LBB2_10:
0xd1: {  	s7 =	smin.u32 s14, $0x10;
	s5 =	sadd.s32 $0x10, s5;
	v1 =	vld.msk [tilespmem:s4+$0x0 ss:$0x1], vm1  }
0xd2: {  	v2 =	vmov s7;
	p3 =	slt.s32 s5, s25  }
0xd3: {  	vm1 =	vgt.u32 v2, v0  }
.Ltmp8:
0xd4: {  	(pc) =	sbr.rel @p3 .LBB2_10-.Ltmp8, $3  }
0xd5: {  	_ =	sdelay $0x1  }
0xd6: {  	v1 =	vshll.u32 v1, $0x4  }
0xd7: {  	s14 =	sadd.s32 $0xFFFFFFF0, s14;
	[tilespmem:s4+$0x0] =	vst.msk vm0, v1;
	s4 =	sadd.s32 $0x10, s4;
	vm0 =	vmmov vm1  }
.LBB2_11:
0xd8: {  	_ =	sdelay $0x4  }
0xd9: {  	v1 =	vld.msk [tilespmem:s4+$0x0 ss:$0x1], vm1;
	_ =	sdelay $0x4  }
0xda: {  	v1 =	vshll.u32 v1, $0x4  }
0xdb: {  	[tilespmem:s4+$0x0] =	vst.msk vm0, v1  }
.LBB2_12:
0xdc: {  	s4 =	sand.u32 $0x1, s21  }
0xdd: {  	s4 =	smul.u32 $0x140, s4  }
0xde: {  	p3 =	sne.s32 s3, $0xFFFFFFFF  }
0xdf: {  	v1 =	vld.msk @!p3 [tilespmem:s4+$0xAD08], $0x1;
	_ =	sdelay $0x4  }
0xe0: {  	(v2sf) =	vpush @!p3 v1, $0x0;
	_ =	sdelay $0xc  }
.Ltmp9:
0xe1: {  	_ = 	snop;
	(pc) =	sbr.rel @p2 .LBB2_23-.Ltmp9, $4  }
0xe2: {  	_ = 	snop  }
0xe3: {  	s31 =	spop @!p3 (v2sf)  }
0xe4: {  	s24 =	simm.s32 @!p3 $0x0;
	s28 =	smov.u32 s31  }
0xe5: {  	[sflag:s13] =	ssyncpa.u1 $0x0;
	s31 =	smov.u32 @p3 s2;
	s28 =	smov.u32 @p3 s3  }
0xe6: {  	v1 =	vld.msk [tilespmem:s26+$0x0], $0x1;
	_ =	sdelay $0x4  }
0xe7: {  	(v2sf) =	vpush v1, $0x0;
	_ =	sdelay $0xe  }
0xe8: {  	s0 =	smul.u32 $0x28000, s0;
	s3 =	spop (v2sf)  }
0xe9: {  	p2 =	seq.s32 s31, s3  }
0xea: {  	s2 =	smov.u32 s31;
	s0 =	sshrl.u32 s0, $0x2;
	p3 =	sgt.s32 @!p2 s31, $0x0  }
0xeb: {  	s29 =	sadd.s32 $0xAFA8, s0;
	s0 =	sadd.s32 $0xFFFFFFFF, s25;
	p3 =	por !p3, p2  }
0xec: {  	s2 =	simm.s32 @p3 $0x0;
	p3 =	sne.s32 s0, $0x0  }
.Ltmp10:
0xed: {  	_ = 	snop;
	(pc) =	sbr.rel @!p3 .LBB2_15-.Ltmp10, $4  }
0xee: {  	_ = 	snop  }
0xef: {  	s30 =	simm.s32 $0x0;
	s4 =	simm.s32 @!p2 $0x1;
	s2 =	smin.u32 @!p2 s2, $0x30D3F8  }
0xf0: {  	s5 =	simm.s32 @!p2 $0x50C8;
	s4 =	smov.u32 @p2 s30;
	s7 =	sand.u32 @!p2 $0x3FFFF8, s2  }
0xf1: {  	s14 =	sand.u32 @!p2 $0x7, s2;
	s2 =	sadd.s32 $0x1, s26;
	s7 =	sadd.s32 @!p2 s1, s7  }
.LBB2_14:
0xf2: {  	s8 =	smov.u32 s4  }
0xf3: {  	[tilespmem:s5], [sflag:$0x2] =	stream.linear.gather @!p2 [hbm4b:s7+s14], $0x40, $0x38;
	[tilespmem:$0x1EF88] =	vst v63  }
0xf4: {  	s0 =	sadd.s32 $0xFFFFFFFF, s0;
	s7 =	smov.u32 s3;
	v1 =	vld.msk [tilespmem:s2+$0x0], $0x1  }
0xf5: {  	p3 =	sne.s32 s0, $0x0;
	_ =	sdelay $0x3  }
0xf6: {  	(v2sf) =	vpush v1, $0x0;
	_ =	sdelay $0xe  }
0xf7: {  	s3 =	spop (v2sf)  }
0xf8: {  	p2 =	seq.s32 s7, s3  }
0xf9: {  	p4 =	sgt.s32 @!p2 s7, $0x0;
	s5 =	sshll.u32 @!p2 s4, $0x8;
	s4 =	sadd.s32 @!p2 $0x1, s4  }
.Ltmp11:
0xfa: {  	p4 =	por !p4, p2;
	s5 =	sshra.s32 @!p2 s5, $0x2;
	(pc) =	sbr.rel @p3 .LBB2_14-.Ltmp11, $4  }
0xfb: {  	s4 =	smov.u32 @p2 s8;
	s7 =	simm.s32 @p4 $0x0;
	s5 =	sadd.s32 @!p2 $0x50C8, s5  }
0xfc: {  	s7 =	smin.u32 @!p2 s7, $0x30D3F8  }
0xfd: {  	s8 =	sand.u32 @!p2 $0x3FFFF8, s7;
	s14 =	sand.u32 @!p2 $0x7, s7  }
0xfe: {  	s2 =	sadd.s32 $0x1, s2;
	s7 =	sadd.s32 @!p2 s1, s8  }
.LBB2_15:
0xff: {  	[tilespmem:s5], [sflag:$0x2] =	stream.linear.gather @!p2 [hbm4b:s7+s14], $0x40, $0x38;
	[tilespmem:$0x1EF88] =	vst v63  }
.Ltmp12:
0x100: {  	s0 =	sshll.u32 s4, $0x6;
	(pc) =	sbr.rel .LBB2_16-.Ltmp12, $4  }
0x101: {  	s2 =	simm.s32 $0x2;
	s0 =	sand.u32 $0x3FFFFFC0, s0  }
0x102: {  	_ =	swait.ge [sflag:s2], s0  }
0x103: {  	s0 =	ssub.s32 $0x0, s0;
	[sflag:s2] =	ssyncset.done $0x0  }
0x104: {  	s4 =	simm.s32 $0x0;
	[sflag:s2] =	ssyncadd.s32 s0  }
.LBB2_17:
0x105: {  	v1 =	vld [tilespmem:s29+$0xFFFFFFE0];
	_ =	sdelay $0x4  }
0x106: {  	[tilespmem:s2+$0x88] =	vst.add.f32.msk $0xffff, v1  }
0x107: {  	v1 =	vld [tilespmem:s29+$0xFFFFFFF0];
	_ =	sdelay $0x4  }
0x108: {  	[tilespmem:s2+$0x98] =	vst.add.f32.msk $0xffff, v1  }
0x109: {  	v1 =	vld [tilespmem:s29+$0x0];
	_ =	sdelay $0x4  }
0x10a: {  	[tilespmem:s2+$0xA8] =	vst.add.f32.msk $0xffff, v1  }
0x10b: {  	v1 =	vld [tilespmem:s29+$0x10];
	_ =	sdelay $0x4  }
0x10c: {  	[tilespmem:s2+$0xB8] =	vst.add.f32.msk $0xffff, v1  }
.LBB2_21:
0x10d: {  	s25 =	sadd.s32 $0xFFFFFFFF, s25  }
0x10e: {  	p2 =	sne.s32 s25, $0x0  }
.Ltmp13:
0x10f: {  	_ = 	snop;
	(pc) =	sbr.rel @!p2 .LBB2_22-.Ltmp13, $2  }
0x110: {  	_ =	sdelay $0x2  }
0x111: {  	s29 =	sadd.s32 $0x80, s29;
	s26 =	sadd.s32 $0x1, s26;
	s31 =	smov.u32 s0  }
.LBB2_16:
0x112: {  	v1 =	vld.msk [tilespmem:s26+$0x0], $0x1;
	_ =	sdelay $0x4  }
0x113: {  	(v2sf) =	vpush v1, $0x0;
	_ =	sdelay $0xe  }
0x114: {  	s0 =	spop (v2sf)  }
0x115: {  	p2 =	sne.s32 s31, s0  }
.Ltmp14:
0x116: {  	_ = 	snop;
	(pc) =	sbr.rel @!p2 .LBB2_17-.Ltmp14, $3  }
0x117: {  	_ =	sdelay $0x1  }
0x118: {  	s2 =	sshll.u32 s24, $0x8  }
0x119: {  	s2 =	sshra.s32 s2, $0x2  }
0x11a: {  	p2 =	seq.s32 s31, s28  }
.Ltmp15:
0x11b: {  	_ = 	snop;
	(pc) =	sbr.rel @!p2 .LBB2_19-.Ltmp15, $1  }
0x11c: {  	_ =	sdelay $0x3  }
.Ltmp16:
0x11d: {  	s2 =	sadd.s32 $0x88, s2;
	(pc) =	sbr.rel .LBB2_20-.Ltmp16, $4  }
0x11e: {  	[spmem:s12] =	stream.linear.scatter [tilespmem:s2], [sflag:$0x1], $0x40, $0x38;
	[tilespmem:$0x1EF88] =	vst v63  }
0x11f: {  	_ =	swait.ge [sflag:s19], $0x40  }
0x120: {  	[sflag:s19] =	ssyncset.done $0x0  }
0x121: {  	[sflag:s19] =	ssyncadd.s32 $0xFFFFFFC0  }
.LBB2_19:
0x122: {  	s3 =	sshll.u32 s30, $0x8  }
0x123: {  	s3 =	sshra.s32 s3, $0x2  }
0x124: {  	v1 =	vld [tilespmem:s3+$0x50C8];
	_ =	sdelay $0x4  }
0x125: {  	[tilespmem:s2+$0x88] =	vst.add.f32.msk $0xffff, v1  }
0x126: {  	v1 =	vld [tilespmem:s3+$0x50D8];
	_ =	sdelay $0x4  }
0x127: {  	[tilespmem:s2+$0x98] =	vst.add.f32.msk $0xffff, v1  }
0x128: {  	v1 =	vld [tilespmem:s3+$0x50E8];
	_ =	sdelay $0x4  }
0x129: {  	[tilespmem:s2+$0xA8] =	vst.add.f32.msk $0xffff, v1  }
0x12a: {  	v1 =	vld [tilespmem:s3+$0x50F8];
	_ =	sdelay $0x2  }
0x12b: {  	p2 =	sgt.u32 s31, $0x30D3F8  }
0x12c: {  	s3 =	sand.u32 @!p2 $0x3FFFF8, s31  }
0x12d: {  	s5 =	sadd.s32 $0x88, s2;
	[tilespmem:s2+$0xB8] =	vst.add.f32.msk $0xffff, v1;
	s2 =	sadd.s32 @!p2 s1, s3;
	s3 =	sand.u32 @!p2 $0x7, s31  }
0x12e: {  	[hbm4b:s2+s3] =	stream.linear.scatter @!p2 [tilespmem:s5], [sflag:$0xC], $0x40, $0x38;
	[tilespmem:$0x1EF88] =	vst v63  }
0x12f: {  	s2 =	simm.s32 $0x0  }
0x130: {  	s2 =	simm.s32 @!p2 $0x100  }
0x131: {  	s4 =	sadd.s32 s2, s4  }
.LBB2_20:
0x132: {  	s2 =	sadd.s32 $0x1, s24  }
0x133: {  	s3 =	smulhi.u32 $0xCCCCCCCD, s2;
	_ =	sdelay $0x1  }
0x134: {  	v1 =	vld [tilespmem:s29+$0xFFFFFFE0];
	s3 =	sshrl.u32 s3, $0x8  }
0x135: {  	s3 =	smul.u32 $0x140, s3;
	_ =	sdelay $0x1  }
0x136: {  	s24 =	ssub.s32 s2, s3  }
0x137: {  	s2 =	sshll.u32 s24, $0x6  }
0x138: {  	[tilespmem:s2+$0x88] =	vst v1  }
0x139: {  	v1 =	vld [tilespmem:s29+$0xFFFFFFF0];
	_ =	sdelay $0x4  }
0x13a: {  	[tilespmem:s2+$0x98] =	vst v1  }
0x13b: {  	v1 =	vld [tilespmem:s29+$0x0];
	_ =	sdelay $0x4  }
0x13c: {  	[tilespmem:s2+$0xA8] =	vst v1  }
0x13d: {  	v1 =	vld [tilespmem:s29+$0x10]  }
.Ltmp17:
0x13e: {  	_ = 	snop;
	(pc) =	sbr.rel .LBB2_21-.Ltmp17, $2  }
0x13f: {  	_ =	sdelay $0x2  }
0x140: {  	s30 =	sadd.s32 $0x1, s30;
	[tilespmem:s2+$0xB8] =	vst v1  }
.LBB2_23:
.Ltmp18:
0x141: {  	(pc) =	sbr.rel .LBB2_24-.Ltmp18, $4  }
0x142: {  	_ = 	snop  }
0x143: {  	s0 =	simm.s32 $0x2  }
0x144: {  	_ =	swait.ge [sflag:s0], $0x0  }
0x145: {  	s2 =	simm.s32 $0x0;
	[sflag:s0] =	ssyncset.done $0x0;
	s0 =	smov.u32 s31  }
.LBB2_26:
0x146: {  	_ =	sfence.sel $0x180000  }
0x147: {  	s0 =	simm.s32 $0x9;
	[bflag:$0x0] =	sbarrier.arrive $0xFFFF  }
0x148: {  	s24 =	simm.s32 $0xA;
	[sflag:s0] =	ssyncpa.u1 $0x1  }
0x149: {  	s25 =	simm.s32 $0xB;
	[sflag:s24] =	ssyncpa.u1 $0x1  }
0x14a: {  	s26 =	simm.s32 $0x2;
	[sflag:s25] =	ssyncpa.u1 $0x1  }
0x14b: {  	[sflag:s26] =	ssyncpa.u1 $0x1  }
0x14c: {  	v0 =	vld [tilespmem:$0xA108];
	_ =	sdelay $0x4  }
0x14d: {  	(v2sf) =	vpush v0, $0x0  }
0x14e: {  	(v2sf) =	vpush v0, $0x1;
	_ =	sdelay $0x1  }
0x14f: {  	(v2sf) =	vpush v0, $0x2;
	_ =	sdelay $0xb  }
0x150: {  	s0 =	spop (v2sf)  }
0x151: {  	s2 =	spop (v2sf)  }
0x152: {  	s3 =	smov.u32 s0;
	p0 =	sne.s32 s0, s2  }
0x153: {  	s4 =	spop (v2sf);
	s3 =	simm.s32 @!p0 $0xFFFFFFFF  }
0x154: {  	v2 =	vimm.s32 $0x1;
	v3 =	vlaneseq.u32;
	p0 =	seq.s32 s4, $0xFFFFFFFF;
	v1 =	vmov s3  }
0x155: {  	s14 =	stileid.u32;
	v0 =	vperm.xlane v0, v2;
	p1 =	sne.s32 @!p0 s0, s2;
	v1 =	vperm.xlane v1, v3  }
0x156: {  	vm0 =	vcmask $0x3F04;
	s6 =	simm.s32 $0xA108;
	s0 =	simm.s32 @!p0 $0x1;
	p1 =	por !p1, p0  }
0x157: {  	s3 =	sshll.u32 s14, $0x1;
	s2 =	sshll.u32 @!p0 s4, $0x8;
	s0 =	simm.s32 @p1 $0x0;
	v0 =	vsel vm0, v1, v0  }
0x158: {  	s5 =	sor.u32 $0x800, s3;
	s2 =	sshra.s32 @!p0 s2, $0x2;
	s0 =	sor.u32 @!p0 s0, s3;
	[tilespmem:$0xA108] =	vst v0  }
0x159: {  	[spmem:s5] =	stream.linear.scatter [tilespmem:s6], [sflag:$0x1], $0x2, $0x38;
	[tilespmem:$0x1EF88] =	vst v63  }
0x15a: {  	s2 =	sadd.s32 @!p0 $0x88, s2;
	s0 =	sshll.u32 @!p0 s0, $0x6  }
0x15b: {  	[spmem:s0] =	stream.linear.scatter @!p0 [tilespmem:s2], [sflag:$0x1], $0x40, $0x38;
	[tilespmem:$0x1EF88] =	vst v63  }
0x15c: {  	s0 =	simm.s32 @!p0 $0x42  }
0x15d: {  	s28 =	simm.s32 $0x1;
	s0 =	simm.s32 @p0 $0x2  }
0x15e: {  	_ =	swait.ge [sflag:s28], s0  }
0x15f: {  	s0 =	ssub.s32 $0x0, s0;
	[sflag:s28] =	ssyncset.done $0x0  }
0x160: {  	p0 =	sne.s32 s14, $0x0;
	[sflag:s28] =	ssyncadd.s32 s0  }
.Ltmp19:
0x161: {  	_ =	sfence.stream.spmem;
	(pc) =	sbr.rel @p0 .LBB2_43-.Ltmp19, $4  }
0x162: {  	s29 =	simm.s32 $0x3;
	[bflag:$0x0] =	sbarrier.arrive $0xFFFF  }
0x163: {  	s30 =	simm.s32 $0x4;
	[sflag:s29] =	ssyncpa.u1 $0x1  }
0x164: {  	s31 =	simm.s32 $0x3C;
	[sflag:s30] =	ssyncpa.u1 $0x1  }
0x165: {  	s13 =	rddreg [dreg:$0x4];
	[sflag:s31] =	ssyncpa.u1 $0x1  }
0x166: {  	_ =	sfence.stream.spmem;
	s0 =	simm.s32 $0x5  }
0x167: {  	s2 =	simm.s32 $0x800;
	s3 =	simm.s32 $0xA118;
	[sflag:s0] =	ssyncpa.u1 $0x0  }
0x168: {  	[tilespmem:s3], [sflag:$0x5] =	stream.linear.gather [spmem:s2], $0x20, $0x38;
	[tilespmem:$0x1EF88] =	vst v63  }
0x169: {  	s26 =	simm.s32 $0x0;
	s28 =	simm.s32 $0xA138  }
0x16a: {  	[tilespmem:s28], [sflag:$0x5] =	stream.linear.gather [spmem:s26], $0x800, $0x38;
	[tilespmem:$0x1EF88] =	vst v63  }
0x16b: {  	_ =	swait.ge [sflag:s0], $0x820  }
0x16c: {  	[sflag:s0] =	ssyncset.done $0x0  }
0x16d: {  	s29 =	simm.s32 $0x0;
	[sflag:s0] =	ssyncadd.s32 $0xFFFFF7E0  }
0x16e: {  	v0 =	vld.msk [tilespmem:s29+$0xA118], $0x1;
	_ =	sdelay $0x1  }
0x16f: {  	s30 =	simm.s32 $0x1  }
0x170: {  	v1 =	vld.msk [tilespmem:s30+$0xA118], $0x1;
	_ =	sdelay $0x1  }
0x171: {  	(v2sf) =	vpush v0, $0x0;
	_ =	sdelay $0x2  }
0x172: {  	(v2sf) =	vpush v1, $0x0;
	_ =	sdelay $0x2  }
0x173: {  	s31 =	simm.s32 $0x2  }
0x174: {  	v0 =	vld.msk [tilespmem:s31+$0xA118], $0x1;
	_ =	sdelay $0x2  }
0x175: {  	s2 =	simm.s32 $0xFFFFFFFF;
	s3 =	simm.s32 $0xFFFFFFFF;
	s0 =	simm.s32 $0xC  }
.LBB2_28:
0x176: {  	s4 =	smov.u32 s3;
	s5 =	smov.u32 s2  }
0x177: {  	s2 =	sshra.s32 s0, $0x2;
	p1 =	sne.s32 s0, $0x7C;
	s0 =	sadd.s32 $0x4, s0;
	(v2sf) =	vpush v0, $0x0  }
0x178: {  	v0 =	vld.msk [tilespmem:s2+$0xA118], $0x1  }
.Ltmp20:
0x179: {  	(pc) =	sbr.rel @p1 .LBB2_28-.Ltmp20, $4  }
0x17a: {  	s3 =	spop (v2sf)  }
0x17b: {  	p2 =	sne.s32 s5, $0xFFFFFFFF;
	s2 =	smov.u32 s3  }
0x17c: {  	p3 =	seq.s32 s3, $0xFFFFFFFF;
	s2 =	smov.u32 @p2 s5  }
0x17d: {  	s3 =	smov.u32 @p3 s4;
	s2 =	smov.u32 @p3 s5  }
0x17e: {  	(v2sf) =	vpush v0, $0x0;
	_ =	sdelay $0x8  }
0x17f: {  	s0 =	spop (v2sf)  }
0x180: {  	p1 =	sne.s32 s2, $0xFFFFFFFF;
	s4 =	smov.u32 s0  }
0x181: {  	s9 =	simm.s32 $0x6;
	p2 =	seq.s32 s0, $0xFFFFFFFF;
	s4 =	smov.u32 @p1 s2  }
0x182: {  	s6 =	simm.s32 $0x0;
	s4 =	smov.u32 @p2 s2;
	s2 =	spop (v2sf)  }
0x183: {  	s0 =	smov.u32 @p2 s3;
	p1 =	sne.s32 s4, $0xFFFFFFFF;
	s5 =	smov.u32 s2  }
.Ltmp21:
0x184: {  	p2 =	seq.s32 s2, $0xFFFFFFFF;
	s5 =	smov.u32 @p1 s4;
	(pc) =	sbr.rel .LBB2_30-.Ltmp21, $4  }
0x185: {  	s10 =	simm.s32 $0xA0C8;
	s5 =	smov.u32 @p2 s4;
	s7 =	spop (v2sf)  }
0x186: {  	s11 =	simm.s32 $0x0;
	p1 =	sne.s32 s5, $0xFFFFFFFF;
	s8 =	smov.u32 s7  }
0x187: {  	s2 =	smov.u32 @p2 s0;
	p2 =	seq.s32 s7, $0xFFFFFFFF;
	s8 =	smov.u32 @p1 s5  }
0x188: {  	[sflag:s9] =	ssyncpa.u1 $0x0;
	s7 =	smov.u32 @p2 s2;
	s8 =	smov.u32 @p2 s5  }
.LBB2_36:
0x189: {  	p1 =	sgt.u32 s0, $0x30D3F8  }
0x18a: {  	p2 =	seq.s32 @!p1 s0, s8  }
0x18b: {  	p1 =	por p1, p2  }
0x18c: {  	p2 =	sne.s32 @!p1 s0, s7  }
0x18d: {  	p1 =	por p1, !p2  }
0x18e: {  	s0 =	sshll.u32 @p1 s11, $0x8  }
0x18f: {  	s2 =	sand.u32 @!p1 $0x3FFFF8, s0  }
0x190: {  	s0 =	sand.u32 @!p1 $0x7, s0;
	s2 =	sadd.s32 @!p1 s1, s2  }
0x191: {  	[tilespmem:s10], [sflag:$0x6] =	stream.linear.gather @!p1 [hbm4b:s2+s0], $0x40, $0x38;
	[tilespmem:$0x1EF88] =	vst v63  }
0x192: {  	_ =	swait.ge @!p1 [sflag:s9], $0x40  }
0x193: {  	[sflag:s9] =	ssyncset.done @!p1 $0x0  }
0x194: {  	[sflag:s9] =	ssyncadd.s32 @!p1 $0xFFFFFFC0  }
0x195: {  	v1 =	vld @!p1 [tilespmem:$0xA0C8];
	_ =	sdelay $0x2  }
0x196: {  	s0 =	sshll.u32 @!p1 s11, $0x8  }
0x197: {  	s2 =	sshrl.u32 @!p1 s0, $0x2  }
0x198: {  	[tilespmem:s2+$0xA138] =	vst.add.f32.msk @!p1 $0xffff, v1  }
0x199: {  	v1 =	vld @!p1 [tilespmem:$0xA0D8];
	_ =	sdelay $0x4  }
0x19a: {  	[tilespmem:s2+$0xA148] =	vst.add.f32.msk @!p1 $0xffff, v1  }
0x19b: {  	v1 =	vld @!p1 [tilespmem:$0xA0E8];
	_ =	sdelay $0x4  }
0x19c: {  	[tilespmem:s2+$0xA158] =	vst.add.f32.msk @!p1 $0xffff, v1  }
0x19d: {  	v1 =	vld @!p1 [tilespmem:$0xA0F8];
	_ =	sdelay $0x4  }
0x19e: {  	[tilespmem:s2+$0xA168] =	vst.add.f32.msk @!p1 $0xffff, v1  }
0x19f: {  	s0 =	sshrl.u32 s0, $0x2;
	[tilespmem:s6+$0xA118] =	vst.msk $0x1, v0  }
0x1a0: {  	v0 =	vld [tilespmem:s0+$0xA138];
	_ =	sdelay $0x2  }
0x1a1: {  	s31 =	sshll.u32 s6, $0x8  }
0x1a2: {  	s2 =	sshra.s32 s31, $0x2  }
0x1a3: {  	[tilespmem:s2+$0xA138] =	vst v0  }
0x1a4: {  	v0 =	vld [tilespmem:s0+$0xA148];
	_ =	sdelay $0x4  }
0x1a5: {  	[tilespmem:s2+$0xA148] =	vst v0  }
0x1a6: {  	v0 =	vld [tilespmem:s0+$0xA158];
	_ =	sdelay $0x4  }
0x1a7: {  	[tilespmem:s2+$0xA158] =	vst v0  }
0x1a8: {  	v0 =	vld [tilespmem:s0+$0xA168];
	_ =	sdelay $0x4  }
0x1a9: {  	s6 =	sadd.s32 $0x1, s6;
	[tilespmem:s2+$0xA168] =	vst v0  }
.LBB2_37:
0x1aa: {  	s11 =	sadd.s32 $0x1, s11  }
0x1ab: {  	p1 =	sne.s32 s11, $0x20  }
.Ltmp22:
0x1ac: {  	_ = 	snop;
	(pc) =	sbr.rel @!p1 .LBB2_38-.Ltmp22, $1  }
0x1ad: {  	_ =	sdelay $0x3  }
.LBB2_30:
0x1ae: {  	v0 =	vld.msk [tilespmem:s11+$0xA118], $0x1;
	_ =	sdelay $0x4  }
0x1af: {  	(v2sf) =	vpush v0, $0x0;
	_ =	sdelay $0xe  }
0x1b0: {  	s0 =	spop (v2sf)  }
0x1b1: {  	p1 =	seq.s32 s0, $0xFFFFFFFF  }
.Ltmp23:
0x1b2: {  	_ = 	snop;
	(pc) =	sbr.rel @p1 .LBB2_37-.Ltmp23, $1  }
0x1b3: {  	_ =	sdelay $0x3  }
0x1b4: {  	p1 =	slt.s32 s6, $0x1  }
.Ltmp24:
0x1b5: {  	_ = 	snop;
	(pc) =	sbr.rel @p1 .LBB2_36-.Ltmp24, $1  }
0x1b6: {  	_ =	sdelay $0x3  }
0x1b7: {  	s2 =	simm.s32 $0xA118;
	p1 =	por $0x0, $0x0  }
0x1b8: {  	v1 =	vld.msk @!p1 [tilespmem:s2+$0x0], $0x1;
	_ =	sdelay $0x4  }
0x1b9: {  	(v2sf) =	vpush @!p1 v1, $0x0;
	_ =	sdelay $0xd  }
0x1ba: {  	p3 =	sne.s32 s6, $0x1  }
.Ltmp25:
0x1bb: {  	s3 =	spop @!p1 (v2sf);
	(pc) =	sbr.rel @!p3 .LBB2_34-.Ltmp25, $4  }
0x1bc: {  	p2 =	seq.s32 @!p1 s0, s3  }
0x1bd: {  	s3 =	simm.s32 $0x0;
	p2 =	por !p2, p1  }
0x1be: {  	s5 =	simm.s32 $0xFFFFFFFF;
	s3 =	simm.s32 @p2 $0xFFFFFFFF  }
0x1bf: {  	s4 =	simm.s32 $0x1;
	s3 =	smov.u32 @p1 s5  }
.LBB2_33:
0x1c0: {  	s5 =	smov.u32 s3;
	p1 =	sne.s32 s3, $0xFFFFFFFF  }
0x1c1: {  	s2 =	sadd.s32 $0x1, s2;
	s3 =	smov.u32 s4;
	s4 =	sadd.s32 $0x1, s4  }
0x1c2: {  	p2 =	sne.s32 s6, s4;
	v1 =	vld.msk @!p1 [tilespmem:s2+$0x0], $0x1;
	_ =	sdelay $0x4  }
0x1c3: {  	(v2sf) =	vpush @!p1 v1, $0x0;
	_ =	sdelay $0xe  }
.Ltmp26:
0x1c4: {  	s12 =	spop @!p1 (v2sf);
	(pc) =	sbr.rel @p2 .LBB2_33-.Ltmp26, $4  }
0x1c5: {  	p3 =	seq.s32 @!p1 s0, s12  }
0x1c6: {  	p3 =	por !p3, p1  }
0x1c7: {  	s3 =	simm.s32 @p3 $0xFFFFFFFF  }
0x1c8: {  	s3 =	smov.u32 @p1 s5  }
.LBB2_34:
0x1c9: {  	p1 =	seq.s32 s3, $0xFFFFFFFF  }
.Ltmp27:
0x1ca: {  	_ = 	snop;
	(pc) =	sbr.rel @p1 .LBB2_36-.Ltmp27, $1  }
0x1cb: {  	_ =	sdelay $0x3  }
0x1cc: {  	s0 =	sshll.u32 s11, $0x6  }
0x1cd: {  	s0 =	sand.u32 $0x3FFFFFC0, s0  }
0x1ce: {  	v0 =	vld [tilespmem:s0+$0xA138];
	_ =	sdelay $0x2  }
0x1cf: {  	s2 =	sshll.u32 s3, $0x8  }
0x1d0: {  	s2 =	sshra.s32 s2, $0x2  }
0x1d1: {  	[tilespmem:s2+$0xA138] =	vst.add.f32.msk $0xffff, v0  }
0x1d2: {  	v0 =	vld [tilespmem:s0+$0xA148];
	_ =	sdelay $0x4  }
0x1d3: {  	[tilespmem:s2+$0xA148] =	vst.add.f32.msk $0xffff, v0  }
0x1d4: {  	v0 =	vld [tilespmem:s0+$0xA158];
	_ =	sdelay $0x4  }
0x1d5: {  	[tilespmem:s2+$0xA158] =	vst.add.f32.msk $0xffff, v0  }
0x1d6: {  	v0 =	vld [tilespmem:s0+$0xA168]  }
.Ltmp28:
0x1d7: {  	_ = 	snop;
	(pc) =	sbr.rel .LBB2_37-.Ltmp28, $2  }
0x1d8: {  	_ =	sdelay $0x2  }
0x1d9: {  	[tilespmem:s2+$0xA168] =	vst.add.f32.msk $0xffff, v0  }
.LBB2_38:
0x1da: {  	s0 =	simm.s32 $0x6;
	p1 =	seq.s32 s6, $0x0  }
0x1db: {  	[sflag:s0] =	ssyncpa.u1 $0x1;
	v0 =	vimm.s32 @p1 $0xFFFFFFFF  }
0x1dc: {  	s0 =	sadd.s32 $0xFFFFFFFF, s6;
	[tilespmem:$0xA938] =	vst @p1 v0  }
0x1dd: {  	v0 =	vld.msk @!p1 [tilespmem:s0+$0xA118], $0x1;
	_ =	sdelay $0x1  }
0x1de: {  	v1 =	vld.msk @!p1 [tilespmem:$0xA118], $0x1;
	_ =	sdelay $0x2  }
0x1df: {  	p2 =	seq.s32 @!p1 s0, $0x0;
	v0 =	vbroadcast @!p1 v0, $0x0  }
0x1e0: {  	vm0 =	vmmov @!p1 $0x1;
	p2 =	por !p2, p1  }
0x1e1: {  	v1 =	vnsel @!p1 vm0, $0xFFFFFFFF, v1;
	vm0 =	vcmask @!p1 $0x308;
	v0 =	vpsel !p2, $0xFFFFFFFF, v0  }
0x1e2: {  	p2 =	sne.s32 @!p1 s8, s7;
	v0 =	vsel @!p1 vm0, v1, v0  }
0x1e3: {  	s2 =	simm.s32 @!p1 $0xA138;
	s3 =	simm.s32 @!p1 $0x0;
	p3 =	por !p2, p1;
	[tilespmem:$0xA938] =	vst @!p1 v0  }
0x1e4: {  	[spmem:s3] =	stream.linear.scatter @!p1 [tilespmem:s2], [sflag:$0x1], $0x40, $0x38;
	[tilespmem:$0x1EF88] =	vst v63  }
0x1e5: {  	s2 =	sshll.u32 @!p3 s0, $0x8  }
0x1e6: {  	s2 =	sshra.s32 @!p3 s2, $0x2  }
0x1e7: {  	s3 =	simm.s32 @!p3 $0x40;
	s2 =	sadd.s32 @!p3 $0xA138, s2  }
0x1e8: {  	[spmem:s3] =	stream.linear.scatter @!p3 [tilespmem:s2], [sflag:$0x1], $0x40, $0x38;
	[tilespmem:$0x1EF88] =	vst v63  }
0x1e9: {  	s2 =	simm.s32 @!p3 $0x1  }
0x1ea: {  	_ =	swait.ge @!p3 [sflag:s2], $0x80  }
0x1eb: {  	p1 =	por p2, p1;
	[sflag:s2] =	ssyncset.done @!p3 $0x0  }
0x1ec: {  	[sflag:s2] =	ssyncadd.s32 @!p3 $0xFFFFFF80;
	s2 =	simm.s32 @!p1 $0x1  }
0x1ed: {  	_ =	swait.ge @!p1 [sflag:s2], $0x40  }
0x1ee: {  	s29 =	simm.s32 $0xA938;
	[sflag:s2] =	ssyncset.done @!p1 $0x0  }
0x1ef: {  	s30 =	simm.s32 $0x800;
	s31 =	simm.s32 $0x1;
	[sflag:s2] =	ssyncadd.s32 @!p1 $0xFFFFFFC0  }
0x1f0: {  	[spmem:s30] =	stream.linear.scatter [tilespmem:s29], [sflag:$0x1], $0x10, $0x38;
	[tilespmem:$0x1EF88] =	vst v63  }
0x1f1: {  	_ =	swait.ge [sflag:s31], $0x10  }
0x1f2: {  	[sflag:s31] =	ssyncset.done $0x0  }
0x1f3: {  	p1 =	seq.s32 s13, $0x0;
	s9 =	rddreg [dreg:$0x1];
	[sflag:s31] =	ssyncadd.s32 $0xFFFFFFF0  }
0x1f4: {  	s3 =	sshll.u32 @p1 s9, $0xE;
	s8 =	rddreg [dreg:$0x2]  }
0x1f5: {  	s2 =	sadd.s32 @p1 $0x15C3C, s3;
	s3 =	sshll.u32 @p1 s8, $0x11  }
0x1f6: {  	_ =	sfence.stream.spmem;
	s2 =	sor.u32 @p1 s3, s2  }
0x1f7: {  	[sflag:s2] =	ssyncadd.remote.s32 @p1 $0x1;
	s2 =	simm.s32 @p1 $0x4  }
0x1f8: {  	s4 =	simm.s32 @!p1 $0x3C;
	s3 =	sand.u32 $0xFFFFFFFE, s9;
	_ =	swait.ge @p1 [sflag:s2], $0x12  }
0x1f9: {  	s5 =	simm.s32 @!p1 $0x0;
	s3 =	sadd.s32 @!p1 $0x4, s3;
	[sflag:s2] =	ssyncset.done @p1 $0x0  }
0x1fa: {  	s7 =	simm.s32 @!p1 $0x80;
	[sflag:s2] =	ssyncadd.s32 @p1 $0xFFFFFFEE;
	s2 =	sshll.u32 @!p1 s3, $0x1A  }
0x1fb: {  	s3 =	sshll.u32 @!p1 s3, $0xD;
	s2 =	sor.u32 @!p1 s2, s8;
	_ =	swait.eq @!p1 [sflag:s4], $0x1  }
0x1fc: {  	s3 =	sor.u32 @!p1 $0x1C04, s3;
	s4 =	simm.s32 @!p1 $0x1C03;
	s2 =	sor.u32 @!p1 $0x80004000, s2  }
0x1fd: {  	[spmem:s7], [sflag:s3] =	dma.general @!p1 [spmem:s5], [sflag:s4], length:$0x10, [dreg:$0x0], stride_count:$0x0, ici_dest:s2, dma_misc:DstOpCode:WRITE  }
0x1fe: {  	p2 =	slt.s32 s0, $0x2;
	s5 =	simm.s32 @!p1 $0x100;
	s7 =	simm.s32 @!p1 $0x102  }
0x1ff: {  	[spmem:s7], [sflag:s3] =	dma.general @!p1 [spmem:s5], [sflag:s4], length:$0x2, [dreg:$0x0], stride_count:$0x0, ici_dest:s2, dma_misc:DstOpCode:WRITE  }
.Ltmp29:
0x200: {  	s2 =	simm.s32 @!p1 $0x3;
	(pc) =	sbr.rel @p2 .LBB2_42-.Ltmp29, $4  }
0x201: {  	s3 =	sshll.u32 @!p1 s9, $0xE;
	_ =	swait.ge @!p1 [sflag:s2], $0x12  }
0x202: {  	s4 =	sshll.u32 @!p1 s8, $0x11;
	s3 =	sadd.s32 @!p1 $0x11C3C, s3;
	[sflag:s2] =	ssyncset.done @!p1 $0x0  }
0x203: {  	[sflag:s2] =	ssyncadd.s32 @!p1 $0xFFFFFFEE;
	s2 =	sor.u32 @!p1 s4, s3  }
0x204: {  	s0 =	simm.s32 $0x0;
	[sflag:s2] =	ssyncadd.remote.s32 @!p1 $0xFFFFFFFF  }
0x205: {  	s0 =	simm.s32 $0xA119  }
0x206: {  	v0 =	vld.msk [tilespmem:s0+$0x0], $0x1;
	_ =	sdelay $0x4  }
0x207: {  	(v2sf) =	vpush v0, $0x0;
	_ =	sdelay $0xc  }
0x208: {  	s2 =	sadd.s32 $0xFFFFFFFE, s6  }
0x209: {  	s2 =	sadd.s32 $0xFFFFFFFF, s2  }
0x20a: {  	p2 =	sne.s32 s2, $0x0;
	s3 =	spop (v2sf)  }
.Ltmp30:
0x20b: {  	p1 =	sgt.u32 s3, $0x30D3F8;
	(pc) =	sbr.rel @!p2 .LBB2_41-.Ltmp30, $4  }
0x20c: {  	s5 =	simm.s32 $0x0;
	s4 =	sand.u32 @!p1 $0x3FFFF8, s3  }
0x20d: {  	s0 =	simm.s32 $0xA178;
	s3 =	sand.u32 @!p1 $0x7, s3;
	s4 =	sadd.s32 @!p1 s1, s4  }
0x20e: {  	[hbm4b:s4+s3] =	stream.linear.scatter @!p1 [tilespmem:s0], [sflag:$0x5], $0x40, $0x38;
	[tilespmem:$0x1EF88] =	vst v63  }
0x20f: {  	s5 =	simm.s32 @!p1 $0x100;
	s3 =	simm.s32 $0x0;
	s4 =	simm.s32 $0xA11A  }
.LBB2_40:
0x210: {  	v0 =	vld.msk [tilespmem:s4+$0x0], $0x1;
	s2 =	sadd.s32 $0xFFFFFFFF, s2;
	s3 =	sadd.s32 s3, s5  }
0x211: {  	p1 =	sne.s32 s2, $0x0;
	_ =	sdelay $0x3  }
0x212: {  	(v2sf) =	vpush v0, $0x0;
	_ =	sdelay $0xe  }
.Ltmp31:
0x213: {  	s6 =	spop (v2sf);
	(pc) =	sbr.rel @p1 .LBB2_40-.Ltmp31, $4  }
0x214: {  	s5 =	simm.s32 $0x0;
	p2 =	sgt.u32 s6, $0x30D3F8  }
0x215: {  	s0 =	sadd.s32 $0x40, s0;
	s5 =	simm.s32 @!p2 $0x100;
	s7 =	sand.u32 @!p2 $0x3FFFF8, s6  }
0x216: {  	s4 =	sadd.s32 $0x1, s4;
	s6 =	sand.u32 @!p2 $0x7, s6;
	s7 =	sadd.s32 @!p2 s1, s7  }
0x217: {  	[hbm4b:s7+s6] =	stream.linear.scatter @!p2 [tilespmem:s0], [sflag:$0x5], $0x40, $0x38;
	[tilespmem:$0x1EF88] =	vst v63  }
.LBB2_41:
0x218: {  	s0 =	sadd.s32 s3, s5  }
0x219: {  	s0 =	sshrl.u32 s0, $0x2  }
.LBB2_42:
0x21a: {  	s2 =	simm.s32 $0x5  }
0x21b: {  	_ =	swait.ge [sflag:s2], s0  }
0x21c: {  	s31 =	ssub.s32 $0x0, s0;
	[sflag:s2] =	ssyncset.done $0x0  }
0x21d: {  	[sflag:s2] =	ssyncadd.s32 s31  }
0x21e: {  	[sflag:s2] =	ssyncpa.u1 $0x1  }
.LBB2_43:
0x21f: {  	s0 =	sor.u32 s13, s14  }
0x220: {  	p1 =	sne.s32 s0, $0x0  }
.Ltmp32:
0x221: {  	_ = 	snop;
	(pc) =	sbr.rel @p1 .LBB2_58-.Ltmp32, $3  }
0x222: {  	_ =	sdelay $0x1  }
0x223: {  	[bflag:$0x0] =	sbarrier.arrive $0xFFFF  }
0x224: {  	_ =	sfence  }
0x225: {  	s0 =	simm.s32 $0x7  }
0x226: {  	s2 =	simm.s32 $0x800;
	s3 =	simm.s32 $0xA118;
	[sflag:s0] =	ssyncpa.u1 $0x0  }
0x227: {  	[tilespmem:s3], [sflag:$0x7] =	stream.linear.gather [spmem:s2], $0x20, $0x38;
	[tilespmem:$0x1EF88] =	vst v63  }
0x228: {  	s30 =	simm.s32 $0xA138;
	s2 =	simm.s32 $0x0  }
0x229: {  	[tilespmem:s30], [sflag:$0x7] =	stream.linear.gather [spmem:s2], $0x800, $0x38;
	[tilespmem:$0x1EF88] =	vst v63  }
.Ltmp33:
0x22a: {  	_ = 	snop;
	(pc) =	sbr.rel .LBB2_45-.Ltmp33, $4  }
0x22b: {  	_ =	swait.ge [sflag:s0], $0x820  }
0x22c: {  	[sflag:s0] =	ssyncset.done $0x0  }
0x22d: {  	s31 =	simm.s32 $0x8;
	[sflag:s0] =	ssyncadd.s32 $0xFFFFF7E0  }
0x22e: {  	s3 =	simm.s32 $0x0;
	[sflag:s31] =	ssyncpa.u1 $0x0  }
.LBB2_51:
0x22f: {  	p1 =	slt.u32 s0, $0x30D3F9  }
0x230: {  	s4 =	sand.u32 @p1 $0x3FFFF8, s0  }
0x231: {  	s0 =	sand.u32 @p1 $0x7, s0;
	s5 =	simm.s32 @p1 $0xA0C8;
	s4 =	sadd.s32 @p1 s1, s4  }
0x232: {  	[tilespmem:s5], [sflag:$0x8] =	stream.linear.gather @p1 [hbm4b:s4+s0], $0x40, $0x38;
	[tilespmem:$0x1EF88] =	vst v63  }
0x233: {  	s0 =	simm.s32 @p1 $0x8  }
0x234: {  	_ =	swait.ge @p1 [sflag:s0], $0x40  }
0x235: {  	[sflag:s0] =	ssyncset.done @p1 $0x0  }
0x236: {  	[sflag:s0] =	ssyncadd.s32 @p1 $0xFFFFFFC0  }
0x237: {  	v1 =	vld @p1 [tilespmem:$0xA0C8];
	_ =	sdelay $0x2  }
0x238: {  	s0 =	sshll.u32 @p1 s3, $0x8  }
0x239: {  	s4 =	sshrl.u32 @p1 s0, $0x2  }
0x23a: {  	[tilespmem:s4+$0xA138] =	vst.add.f32.msk @p1 $0xffff, v1  }
0x23b: {  	v1 =	vld @p1 [tilespmem:$0xA0D8];
	_ =	sdelay $0x4  }
0x23c: {  	[tilespmem:s4+$0xA148] =	vst.add.f32.msk @p1 $0xffff, v1  }
0x23d: {  	v1 =	vld @p1 [tilespmem:$0xA0E8];
	_ =	sdelay $0x4  }
0x23e: {  	[tilespmem:s4+$0xA158] =	vst.add.f32.msk @p1 $0xffff, v1  }
0x23f: {  	v1 =	vld @p1 [tilespmem:$0xA0F8];
	_ =	sdelay $0x3  }
0x240: {  	s5 =	sshll.u32 @!p1 s3, $0x8  }
0x241: {  	s5 =	smov.u32 @p1 s0;
	[tilespmem:s4+$0xA168] =	vst.add.f32.msk @p1 $0xffff, v1  }
0x242: {  	s0 =	sshrl.u32 s5, $0x2;
	[tilespmem:s2+$0xA118] =	vst.msk $0x1, v0  }
0x243: {  	v0 =	vld [tilespmem:s0+$0xA138];
	_ =	sdelay $0x2  }
0x244: {  	s31 =	sshll.u32 s2, $0x8  }
0x245: {  	s4 =	sshra.s32 s31, $0x2  }
0x246: {  	[tilespmem:s4+$0xA138] =	vst v0  }
0x247: {  	v0 =	vld [tilespmem:s0+$0xA148];
	_ =	sdelay $0x4  }
0x248: {  	[tilespmem:s4+$0xA148] =	vst v0  }
0x249: {  	v0 =	vld [tilespmem:s0+$0xA158];
	_ =	sdelay $0x4  }
0x24a: {  	[tilespmem:s4+$0xA158] =	vst v0  }
0x24b: {  	v0 =	vld [tilespmem:s0+$0xA168];
	_ =	sdelay $0x4  }
0x24c: {  	s2 =	sadd.s32 $0x1, s2;
	[tilespmem:s4+$0xA168] =	vst v0  }
.LBB2_52:
0x24d: {  	s3 =	sadd.s32 $0x1, s3  }
0x24e: {  	p1 =	sne.s32 s3, $0x20  }
.Ltmp34:
0x24f: {  	_ = 	snop;
	(pc) =	sbr.rel @!p1 .LBB2_53-.Ltmp34, $1  }
0x250: {  	_ =	sdelay $0x3  }
.LBB2_45:
0x251: {  	v0 =	vld.msk [tilespmem:s3+$0xA118], $0x1;
	_ =	sdelay $0x4  }
0x252: {  	(v2sf) =	vpush v0, $0x0;
	_ =	sdelay $0xe  }
0x253: {  	s0 =	spop (v2sf)  }
0x254: {  	p1 =	seq.s32 s0, $0xFFFFFFFF  }
.Ltmp35:
0x255: {  	_ = 	snop;
	(pc) =	sbr.rel @p1 .LBB2_52-.Ltmp35, $1  }
0x256: {  	_ =	sdelay $0x3  }
0x257: {  	p1 =	slt.s32 s2, $0x1  }
.Ltmp36:
0x258: {  	_ = 	snop;
	(pc) =	sbr.rel @p1 .LBB2_51-.Ltmp36, $1  }
0x259: {  	_ =	sdelay $0x3  }
0x25a: {  	s4 =	simm.s32 $0xA118;
	p1 =	por $0x0, $0x0  }
0x25b: {  	v1 =	vld.msk @!p1 [tilespmem:s4+$0x0], $0x1;
	_ =	sdelay $0x4  }
0x25c: {  	(v2sf) =	vpush @!p1 v1, $0x0;
	_ =	sdelay $0xd  }
0x25d: {  	p3 =	sne.s32 s2, $0x1  }
.Ltmp37:
0x25e: {  	s5 =	spop @!p1 (v2sf);
	(pc) =	sbr.rel @!p3 .LBB2_49-.Ltmp37, $4  }
0x25f: {  	p2 =	seq.s32 @!p1 s0, s5  }
0x260: {  	s5 =	simm.s32 $0x0;
	p2 =	por !p2, p1  }
0x261: {  	s7 =	simm.s32 $0xFFFFFFFF;
	s5 =	simm.s32 @p2 $0xFFFFFFFF  }
0x262: {  	s6 =	simm.s32 $0x1;
	s5 =	smov.u32 @p1 s7  }
.LBB2_48:
0x263: {  	s7 =	smov.u32 s5;
	p1 =	sne.s32 s5, $0xFFFFFFFF  }
0x264: {  	s4 =	sadd.s32 $0x1, s4;
	s5 =	smov.u32 s6;
	s6 =	sadd.s32 $0x1, s6  }
0x265: {  	p2 =	sne.s32 s2, s6;
	v1 =	vld.msk @!p1 [tilespmem:s4+$0x0], $0x1;
	_ =	sdelay $0x4  }
0x266: {  	(v2sf) =	vpush @!p1 v1, $0x0;
	_ =	sdelay $0xe  }
.Ltmp38:
0x267: {  	s8 =	spop @!p1 (v2sf);
	(pc) =	sbr.rel @p2 .LBB2_48-.Ltmp38, $4  }
0x268: {  	p3 =	seq.s32 @!p1 s0, s8  }
0x269: {  	p3 =	por !p3, p1  }
0x26a: {  	s5 =	simm.s32 @p3 $0xFFFFFFFF  }
0x26b: {  	s5 =	smov.u32 @p1 s7  }
.LBB2_49:
0x26c: {  	p1 =	seq.s32 s5, $0xFFFFFFFF  }
.Ltmp39:
0x26d: {  	_ = 	snop;
	(pc) =	sbr.rel @p1 .LBB2_51-.Ltmp39, $1  }
0x26e: {  	_ =	sdelay $0x3  }
0x26f: {  	s0 =	sshll.u32 s3, $0x6  }
0x270: {  	s0 =	sand.u32 $0x3FFFFFC0, s0  }
0x271: {  	v0 =	vld [tilespmem:s0+$0xA138];
	_ =	sdelay $0x2  }
0x272: {  	s4 =	sshll.u32 s5, $0x8  }
0x273: {  	s4 =	sshra.s32 s4, $0x2  }
0x274: {  	[tilespmem:s4+$0xA138] =	vst.add.f32.msk $0xffff, v0  }
0x275: {  	v0 =	vld [tilespmem:s0+$0xA148];
	_ =	sdelay $0x4  }
0x276: {  	[tilespmem:s4+$0xA148] =	vst.add.f32.msk $0xffff, v0  }
0x277: {  	v0 =	vld [tilespmem:s0+$0xA158];
	_ =	sdelay $0x4  }
0x278: {  	[tilespmem:s4+$0xA158] =	vst.add.f32.msk $0xffff, v0  }
0x279: {  	v0 =	vld [tilespmem:s0+$0xA168]  }
.Ltmp40:
0x27a: {  	_ = 	snop;
	(pc) =	sbr.rel .LBB2_52-.Ltmp40, $2  }
0x27b: {  	_ =	sdelay $0x2  }
0x27c: {  	[tilespmem:s4+$0xA168] =	vst.add.f32.msk $0xffff, v0  }
.LBB2_53:
0x27d: {  	p1 =	slt.s32 s2, $0x1  }
.Ltmp41:
0x27e: {  	_ = 	snop;
	(pc) =	sbr.rel @p1 .LBB2_57-.Ltmp41, $3  }
0x27f: {  	_ =	sdelay $0x1  }
0x280: {  	s0 =	simm.s32 $0x8  }
0x281: {  	[sflag:s0] =	ssyncpa.u1 $0x1;
	s0 =	simm.s32 $0x0  }
0x282: {  	s3 =	simm.s32 $0xA118  }
0x283: {  	v0 =	vld.msk [tilespmem:s3+$0x0], $0x1;
	_ =	sdelay $0x4  }
0x284: {  	(v2sf) =	vpush v0, $0x0;
	_ =	sdelay $0xe  }
0x285: {  	s2 =	sadd.s32 $0xFFFFFFFF, s2;
	s4 =	spop (v2sf)  }
0x286: {  	p2 =	sne.s32 s2, $0x0;
	p1 =	sgt.u32 s4, $0x30D3F8  }
.Ltmp42:
0x287: {  	s5 =	sand.u32 @!p1 $0x3FFFF8, s4;
	(pc) =	sbr.rel @!p2 .LBB2_56-.Ltmp42, $4  }
0x288: {  	s3 =	simm.s32 $0xA138;
	s4 =	sand.u32 @!p1 $0x7, s4;
	s5 =	sadd.s32 @!p1 s1, s5  }
0x289: {  	[hbm4b:s5+s4] =	stream.linear.scatter @!p1 [tilespmem:s3], [sflag:$0x7], $0x40, $0x38;
	[tilespmem:$0x1EF88] =	vst v63  }
0x28a: {  	s5 =	simm.s32 $0x0  }
0x28b: {  	s4 =	simm.s32 $0xA119;
	s5 =	simm.s32 @!p1 $0x100  }
.LBB2_55:
0x28c: {  	v0 =	vld.msk [tilespmem:s4+$0x0], $0x1;
	s2 =	sadd.s32 $0xFFFFFFFF, s2;
	s0 =	sadd.s32 s0, s5  }
0x28d: {  	p1 =	sne.s32 s2, $0x0;
	_ =	sdelay $0x3  }
0x28e: {  	(v2sf) =	vpush v0, $0x0;
	_ =	sdelay $0xe  }
.Ltmp43:
0x28f: {  	s6 =	spop (v2sf);
	(pc) =	sbr.rel @p1 .LBB2_55-.Ltmp43, $4  }
0x290: {  	s5 =	simm.s32 $0x0;
	p2 =	sgt.u32 s6, $0x30D3F8  }
0x291: {  	s3 =	sadd.s32 $0x40, s3;
	s5 =	simm.s32 @!p2 $0x100;
	s7 =	sand.u32 @!p2 $0x3FFFF8, s6  }
0x292: {  	s4 =	sadd.s32 $0x1, s4;
	s6 =	sand.u32 @!p2 $0x7, s6;
	s7 =	sadd.s32 @!p2 s1, s7  }
0x293: {  	[hbm4b:s7+s6] =	stream.linear.scatter @!p2 [tilespmem:s3], [sflag:$0x7], $0x40, $0x38;
	[tilespmem:$0x1EF88] =	vst v63  }
.LBB2_56:
0x294: {  	s0 =	sadd.s32 s0, s5  }
0x295: {  	s0 =	sshrl.u32 s0, $0x2  }
.LBB2_57:
0x296: {  	s1 =	simm.s32 $0x7  }
0x297: {  	_ =	swait.ge [sflag:s1], s0  }
0x298: {  	s31 =	ssub.s32 $0x0, s0;
	[sflag:s1] =	ssyncset.done $0x0  }
0x299: {  	[sflag:s1] =	ssyncadd.s32 s31  }
0x29a: {  	[sflag:s1] =	ssyncpa.u1 $0x1  }
.LBB2_58:
0x29b: {  	_ =	sfence;
	s0 =	simm.s32 $0x1  }
0x29c: {  	[sflag:s0] =	ssyncpa.u1 $0x1  }
0x29d: {  	_ =	strace $0x9000005C  }
0x29e: {  	[bflag:$0x2] =	sbarrier.arrive $0xFFFF  }
0x29f: {  	s0 =	rddreg [dreg:$0x3]  }
0x2a0: {  	s0 =	sadd.s32 @!p0 $0x100000, s0  }
0x2a1: {  	[sflag:s0] =	ssyncadd.tile.s32 @!p0 $0x1;
	_ =	shalt  }
.Lfunc_end2:
_tile_overlayer_lowered:
.L_overlay_start_2:
0x2a2: {  	(tag) =	ssettag $0x2  }
0x2a3: {  	s0 =	rddreg [dreg:$0x0];
	s2 =	stileid.u32  }
0x2a4: {  	s1 =	rddreg [dreg:$0x1];
	p0 =	sne.s32 s2, $0x0  }
0x2a5: {  	s3 =	rddreg [dreg:$0x2];
	[bflag:$0x3] =	sbarrier.arrive $0xFFFF;
	s2 =	simm.s32 @!p0 $0x1C01  }
0x2a6: {  	[timem:s3], [sflag:s2] =	dma.local @!p0 [hbm:s0], s1  }
0x2a7: {  	s0 =	simm.s32 @!p0 $0x1  }
0x2a8: {  	_ =	swait.ge @!p0 [sflag:s0], s1  }
0x2a9: {  	s1 =	ssub.s32 @!p0 $0x0, s1;
	[sflag:s0] =	ssyncset.done @!p0 $0x0  }
0x2aa: {  	[sflag:s0] =	ssyncadd.s32 @!p0 s1  }
0x2ab: {  	[bflag:$0x3] =	sbarrier.arrive $0xFFFF  }
0x2ac: {  	_ =	shalt  }

// kernel: scatter_offload_async_start
scs
__scs_entry_jumppad:
0x0: {  	(pc) =	sbr.rel $0x88, $3  }
0x1: {  	(tag) =	ssettag $0x0;
	lr =	simm.s32 $0x1  }
0x2: {  	[smem:$0x3F8C] =	sst lr;
	_ =	strace $0xD0000000  }
0x3: {  	_ = 	snop  }
0x4: {  	_ = 	snop  }
0x5: {  	_ = 	snop  }
0x6: {  	_ = 	snop  }
0x7: {  	_ = 	snop  }
__scs_overlays_trampoline_lowered:
0x8: {  	[smem:$0x3F9B] =	sst s0  }
0x9: {  	[smem:$0x3F9C] =	sst s1  }
0xa: {  	[smem:$0x3F9D] =	sst s2  }
0xb: {  	[smem:$0x3F9E] =	sst s3  }
0xc: {  	[smem:$0x3F9F] =	sst s4  }
0xd: {  	[smem:$0x3FA0] =	sst s5  }
0xe: {  	[smem:$0x3FA1] =	sst s6  }
0xf: {  	[smem:$0x3FA2] =	sst s7  }
0x10: {  	[smem:$0x3FA3] =	sst s8  }
0x11: {  	[smem:$0x3FA4] =	sst s9;
	s0 =	simm.s32 @!p0 $0x0  }
0x12: {  	s1 =	sld [smem:$0x3F8A];
	s0 =	simm.s32 @p0 $0x1  }
0x13: {  	[smem:$0x3FA5] =	sst s0;
	s0 =	simm.s32 @!p1 $0x0  }
0x14: {  	s2 =	sld [smem:$0x3F89];
	s0 =	simm.s32 @p1 $0x1  }
0x15: {  	[smem:$0x3FA6] =	sst s0;
	s0 =	simm.s32 @!p2 $0x0  }
0x16: {  	s3 =	sld [smem:$0x3FDB];
	s0 =	simm.s32 @p2 $0x1  }
0x17: {  	s4 =	simm.s32 $0x1BF5;
	[smem:$0x3FA8] =	sst s0  }
0x18: {  	s0 =	sld [smem:$0x3F8B];
	_ =	swait.ge [sflag:s4], $0x0  }
0x19: {  	s7 =	sld [smem:$0x3F8C]  }
0x1a: {  	s8 =	sadd.s32 $0xFFFFE003, lr  }
0x1b: {  	s9 =	sadd.s32 $0xFFFFFEF7, lr;
	s5 =	simm.s32 $0xFFFFFFFF;
	p2 =	slt.u32 s8, $0xFFFFF086  }
0x1c: {  	p1 =	slt.u32 s9, $0xF7A;
	s5 =	simm.s32 @!p2 $0x0  }
0x1d: {  	s5 =	simm.s32 @p1 $0x1;
	p0 =	seq.s32 s7, s2  }
0x1e: {  	s7 =	smul.u32 @!p0 $0xF7A, s2;
	p2 =	seq.s32 @!p0 s5, $0x0  }
0x1f: {  	s9 =	smul.u32 $0xF7A, s1;
	s8 =	simm.s32 @!p0 $0x1BF5;
	p2 =	por !p2, p0  }
0x20: {  	[sflag:s8] =	ssyncset.s32 @!p0 $0xFFFFF086;
	s6 =	sadd.s32 @!p0 s3, s7;
	s7 =	simm.s32 @!p0 $0x108  }
0x21: {  	s3 =	sadd.s32 s3, s9;
	s6 =	sadd.s32 @!p0 $0x88, s6;
	s7 =	simm.s32 @p2 $0x1082  }
0x22: {  	[simem:s7], [sflag:s8] =	dma.local @!p0 [hbm:s6], $0xF7A  }
0x23: {  	s9 =	sor.u32 $0xD0000000, s2;
	s6 =	simm.s32 $0x108;
	_ =	swait.ge @!p0 [sflag:s8], $0x0  }
0x24: {  	s3 =	sadd.s32 $0x88, s3;
	s6 =	simm.s32 @!p1 $0x1082;
	[sflag:s4] =	ssyncset.s32 $0xFFFFF086  }
0x25: {  	[simem:s6], [sflag:s4] =	dma.local [hbm:s3], $0xF7A  }
0x26: {  	[smem:$0x3F8C] =	sst s1;
	(tag) =	ssettag s2;
	_ =	strace s9  }
0x27: {  	s1 =	sld [smem:$0x3F9C]  }
0x28: {  	s2 =	sld [smem:$0x3F9D]  }
0x29: {  	s4 =	sld [smem:$0x3F9F]  }
0x2a: {  	p0 =	seq.s32 s5, $0x0;
	s5 =	sld [smem:$0x3FA0]  }
0x2b: {  	s6 =	sld [smem:$0x3FA1]  }
0x2c: {  	s7 =	sld [smem:$0x3FA2]  }
0x2d: {  	s3 =	simm.s32 $0x108;
	s8 =	sld [smem:$0x3FA3]  }
0x2e: {  	s3 =	simm.s32 @!p0 $0x1082;
	s9 =	sld [smem:$0x3FA4]  }
0x2f: {  	lr =	sadd.s32 s0, s3;
	s0 =	sld [smem:$0x3F9B]  }
0x30: {  	s3 =	sld [smem:$0x3F9E]  }
0x31: {  	[smem:$0x3FA7] =	sst s10  }
0x32: {  	s10 =	sld [smem:$0x3FA5];
	_ =	sdelay $0x3  }
0x33: {  	p0 =	seq.s32 s10, $0x1;
	s10 =	sld [smem:$0x3FA7];
	_ =	sdelay $0x3  }
0x34: {  	[smem:$0x3FA7] =	sst s10  }
0x35: {  	s10 =	sld [smem:$0x3FA6];
	_ =	sdelay $0x3  }
0x36: {  	p1 =	seq.s32 s10, $0x1;
	s10 =	sld [smem:$0x3FA7];
	_ =	sdelay $0x3  }
0x37: {  	[smem:$0x3FA7] =	sst s10  }
0x38: {  	s10 =	sld [smem:$0x3FA8]  }
0x39: {  	_ = 	snop;
	(pc) =	sbr.ind lr, $3  }
0x3a: {  	_ = 	snop  }
0x3b: {  	_ = 	snop  }
0x3c: {  	p2 =	seq.s32 s10, $0x1;
	s10 =	sld [smem:$0x3FA7]  }
0x3d: {  	_ =	shalt  }
0x3e: {  	_ =	shalt  }
0x3f: {  	_ =	shalt  }
0x40: {  	_ =	shalt  }
0x41: {  	_ =	shalt  }
0x42: {  	_ =	shalt  }
0x43: {  	_ =	shalt  }
0x44: {  	_ =	shalt  }
0x45: {  	_ =	shalt  }
0x46: {  	_ =	shalt  }
0x47: {  	_ =	shalt  }
0x48: {  	_ =	shalt  }
0x49: {  	_ =	shalt  }
0x4a: {  	_ =	shalt  }
0x4b: {  	_ =	shalt  }
0x4c: {  	_ =	shalt  }
0x4d: {  	_ =	shalt  }
0x4e: {  	_ =	shalt  }
0x4f: {  	_ =	shalt  }
0x50: {  	_ =	shalt  }
0x51: {  	_ =	shalt  }
0x52: {  	_ =	shalt  }
0x53: {  	_ =	shalt  }
0x54: {  	_ =	shalt  }
0x55: {  	_ =	shalt  }
0x56: {  	_ =	shalt  }
0x57: {  	_ =	shalt  }
0x58: {  	_ =	shalt  }
0x59: {  	_ =	shalt  }
0x5a: {  	_ =	shalt  }
0x5b: {  	_ =	shalt  }
0x5c: {  	_ =	shalt  }
0x5d: {  	_ =	shalt  }
0x5e: {  	_ =	shalt  }
0x5f: {  	_ =	shalt  }
0x60: {  	_ =	shalt  }
0x61: {  	_ =	shalt  }
0x62: {  	_ =	shalt  }
0x63: {  	_ =	shalt  }
0x64: {  	_ =	shalt  }
0x65: {  	_ =	shalt  }
0x66: {  	_ =	shalt  }
0x67: {  	_ =	shalt  }
0x68: {  	_ =	shalt  }
0x69: {  	_ =	shalt  }
0x6a: {  	_ =	shalt  }
0x6b: {  	_ =	shalt  }
0x6c: {  	_ =	shalt  }
0x6d: {  	_ =	shalt  }
0x6e: {  	_ =	shalt  }
0x6f: {  	_ =	shalt  }
0x70: {  	_ =	shalt  }
0x71: {  	_ =	shalt  }
0x72: {  	_ =	shalt  }
0x73: {  	_ =	shalt  }
0x74: {  	_ =	shalt  }
0x75: {  	_ =	shalt  }
0x76: {  	_ =	shalt  }
0x77: {  	_ =	shalt  }
0x78: {  	_ =	shalt  }
0x79: {  	_ =	shalt  }
0x7a: {  	_ =	shalt  }
0x7b: {  	_ =	shalt  }
0x7c: {  	_ =	shalt  }
0x7d: {  	_ =	shalt  }
0x7e: {  	_ =	shalt  }
0x7f: {  	_ =	shalt  }
0x80: {  	_ =	shalt  }
0x81: {  	_ =	shalt  }
0x82: {  	_ =	shalt  }
0x83: {  	_ =	shalt  }
0x84: {  	_ =	shalt  }
0x85: {  	_ =	shalt  }
0x86: {  	_ =	shalt  }
0x87: {  	_ =	shalt  }
.Lfunc_end0:
.L_simem_size_0:
called_computation_lowered:
.L_overlay_start_0:
0x88: {  	s2 =	sld [smem:$0x3FD9]  }
0x89: {  	s3 =	sld [smem:$0x3FFE];
	_ =	sdelay $0x1  }
0x8a: {  	s1 =	srdreg.scid  }
0x8b: {  	s0 =	sand.u32 $0x1, s1  }
0x8c: {  	s15 =	sshll.u32 s0, $0xA;
	s2 =	sadd.s32 s3, s2  }
0x8d: {  	s2 =	sadd.s32 s2, s15  }
0x8e: {  	[smem:$0x3FB3] =	sst s2  }
0x8f: {  	_ = 	snop  }
0x90: {  	(tm) =	ssettm $0x1  }
0x91: {  	s16 =	sld [smem:$0x3FFB];
	_ =	sdelay $0x3  }
0x92: {  	_ =	strace s16  }
0x93: {  	s2 =	sld [smem:$0x3FFC];
	_ =	sdelay $0x3  }
0x94: {  	_ =	strace s2  }
0x95: {  	s2 =	sld [smem:$0x3FFD];
	_ =	sdelay $0x3  }
0x96: {  	_ =	strace s2  }
0x97: {  	_ =	strace $0x8FFFFFFF  }
0x98: {  	s17 =	sld [smem:$0x3FDB];
	_ =	sdelay $0x1  }
0x99: {  	s18 =	simm.s32 $_scs_section_size  }
0x9a: {  	s4 =	simm.s32 $_size__tile_overlayer_lowered;
	s5 =	simm.s32 $_tile_overlayer_lowered  }
0x9b: {  	s6 =	simm.s32 $0x1BFF;
	s19 =	sshll.u32 s5, $0x1;
	s3 =	sadd.s32 s18, s17  }
0x9c: {  	s20 =	simm.s32 $0x0;
	s4 =	sshll.u32 s4, $0x1;
	s5 =	sadd.s32 s19, s3  }
0x9d: {  	[timem:s20], [sflag:s6] =	dma.local [hbm:s5], s4  }
0x9e: {  	_ =	swait.ge [sflag:s6], s4  }
0x9f: {  	s4 =	ssub.s32 $0x0, s4;
	[sflag:s6] =	ssyncset.done $0x0  }
0xa0: {  	[sflag:s6] =	ssyncadd.s32 s4;
	_ =	sdelay $0x1  }
0xa1: {  	s21 =	simm.s32 $0x1B8B  }
0xa2: {  	_ =	swait.ge [sflag:s21], $0x1  }
0xa3: {  	[sflag:s21] =	ssyncset.done $0x0  }
0xa4: {  	s22 =	sld [smem:$0x3FFE];
	[sflag:s21] =	ssyncadd.s32 $0xFFFFFFFF  }
0xa5: {  	s24 =	simm.s32 $0x1B8E;
	s23 =	sld [smem:$0x0]  }
0xa6: {  	s25 =	simm.s32 $execute0_lowered;
	[smem:$0x3FD2] =	sst s24  }
0xa7: {  	s6 =	sshll.u32 s25, $0x1;
	_ =	strace $0x80000049;
	[dreg:$0x1] =	wrdreg $0xFFFFFFFF  }
0xa8: {  	s7 =	simm.s32 $_size_execute0_lowered;
	s6 =	sadd.s32 s3, s6;
	[dreg:$0x0] =	wrdreg $0x0  }
0xa9: {  	s7 =	sshll.u32 s7, $0x1;
	[dreg:$0x2] =	wrdreg s6  }
0xaa: {  	[dreg:$0x3] =	wrdreg s7  }
0xab: {  	[dreg:$0x4] =	wrdreg $0xC0  }
0xac: {  	s26 =	simm.s32 $execute1_lowered;
	_ =	task [dreg:s20], $0x5FFFF  }
0xad: {  	s6 =	sshll.u32 s26, $0x1;
	[dreg:$0x1] =	wrdreg $0xFFFFFFFF  }
0xae: {  	s3 =	sadd.s32 s3, s6;
	[dreg:$0x0] =	wrdreg $0x60  }
0xaf: {  	[dreg:$0x2] =	wrdreg s3  }
0xb0: {  	[dreg:$0x3] =	wrdreg s22  }
0xb1: {  	[dreg:$0x4] =	wrdreg $0x9  }
0xb2: {  	_ =	task.clear_ibuf [dreg:s20], $0x5FFFF;
	_ =	strace $0x90000049  }
0xb3: {  	s28 =	simm.s32 $0x9;
	_ =	strace $0x8000004B  }
0xb4: {  	_ =	swait.ge [sflag:s28], $0x1  }
0xb5: {  	[sflag:s28] =	ssyncadd.s32 $0xFFFFFFFF  }
0xb6: {  	_ =	strace $0x9000004B  }
0xb7: {  	s3 =	sld [smem:$0x0]  }
0xb8: {  	s6 =	sand.u32 $0xFFFFFFFE, s1  }
0xb9: {  	p0 =	sne.s32 s1, s6  }
0xba: {  	s6 =	sshll.u32 @p0 s6, $0xE  }
0xbb: {  	s6 =	sadd.s32 @p0 $0x11BF3, s6;
	s7 =	sshll.u32 @p0 s3, $0x11  }
0xbc: {  	s6 =	sor.u32 @p0 s7, s6  }
0xbd: {  	[sflag:s6] =	ssyncadd.remote.s32 @p0 $0x1;
	_ =	sdelay $0x1  }
0xbe: {  	s6 =	simm.s32 @p0 $0x1BF3  }
0xbf: {  	_ =	swait.eq @p0 [sflag:s6], $0x1  }
0xc0: {  	[sflag:s6] =	ssyncadd.s32 @p0 $0xFFFFFFFF  }
0xc1: {  	s7 =	sshll.u32 @!p0 s1, $0xE  }
0xc2: {  	s7 =	sor.u32 @!p0 $0x4000, s7;
	s6 =	simm.s32 @!p0 $0x1BF3  }
0xc3: {  	s3 =	sshll.u32 @!p0 s3, $0x11;
	s7 =	sadd.s32 @!p0 $0x11BF3, s7;
	_ =	swait.eq @!p0 [sflag:s6], $0x1  }
0xc4: {  	s3 =	sor.u32 @!p0 s3, s7;
	[sflag:s6] =	ssyncadd.s32 @!p0 $0xFFFFFFFF  }
0xc5: {  	[sflag:s3] =	ssyncadd.remote.s32 @!p0 $0x1  }
0xc6: {  	_ =	strace $0x8000004C;
	[dreg:$0x1] =	wrdreg $0xFFFFFFFF  }
0xc7: {  	[dreg:$0x0] =	wrdreg $0x2030  }
0xc8: {  	[dreg:$0x2] =	wrdreg s22  }
0xc9: {  	[dreg:$0x3] =	wrdreg s1  }
0xca: {  	[dreg:$0x4] =	wrdreg s23  }
0xcb: {  	[dreg:$0x5] =	wrdreg $0xA  }
0xcc: {  	_ =	task.clear_ibuf [dreg:s20], $0x6FFFF;
	_ =	strace $0x9000004C  }
0xcd: {  	s29 =	simm.s32 $0xA;
	_ =	strace $0x8000004E  }
0xce: {  	_ =	swait.ge [sflag:s29], $0x1  }
0xcf: {  	[sflag:s29] =	ssyncadd.s32 $0xFFFFFFFF  }
0xd0: {  	_ =	strace $0x9000004E  }
0xd1: {  	_ =	sfence  }
0xd2: {  	s30 =	sld [smem:$0x0];
	_ =	sdelay $0x2  }
0xd3: {  	s31 =	sshll.u32 s1, $0xD;
	s1 =	sshrl.u32 s1, $0x2  }
0xd4: {  	s4 =	sand.u32 $0x4000, s31;
	s1 =	sadd.s32 s1, s30  }
0xd5: {  	s0 =	sor.u32 s4, s0;
	s1 =	sshll.u32 s1, $0x11  }
0xd6: {  	s0 =	sor.u32 s1, s0  }
0xd7: {  	s0 =	sadd.s32 $0x8F2B, s0  }
0xd8: {  	[sflag:s0] =	ssyncadd.remote.s32 $0x1  }
0xd9: {  	_ =	sfence.sel $0xFFFF  }
0xda: {  	[dreg:$0x0] =	wrdreg $0xFFFFFFFF;
	(pc) =	sbr.abs _section_cstart, $3  }
0xdb: {  	[dreg:$0x1] =	wrdreg $0xFFFFFFFF  }
0xdc: {  	_ =	task.clear_ibuf [dreg:s20], $0x2FFFF;
	_ =	strace $0x9FFFFFFF  }
0xdd: {  	(tm) =	ssettm $0x7FFFFFFF  }
tec
execute0_lowered:
.L_overlay_start_1:
0x0: {  	(tag) =	ssettag $0x1  }
0x1: {  	s2 =	rddreg [dreg:$0x0]  }
0x2: {  	s5 =	rddreg [dreg:$0x1]  }
0x3: {  	s0 =	rddreg [dreg:$0x2];
	s3 =	stileid.u32;
	[bflag:$0x3] =	sbarrier.arrive $0xFFFF  }
0x4: {  	s1 =	simm.s32 $_size_execute1_lowered;
	s29 =	srdreg.scid;
	s31 =	simm.s32 $0x2  }
0x5: {  	s13 =	simm.s32 $0x0;
	s8 =	simm.s32 $0x40;
	p0 =	sne.s32 s3, $0x0  }
0x6: {  	s1 =	sshll.u32 s1, $0x1;
	s4 =	simm.s32 @!p0 $0x1C3F;
	s6 =	simm.s32 @!p0 $0x4060  }
0x7: {  	[timem:s6], [sflag:s4] =	dma.local @!p0 [hbm:s2], s1  }
0x8: {  	s9 =	simm.s32 $0x80;
	s11 =	simm.s32 $0x0;
	s2 =	sshll.u32 s29, $0x8  }
.Ltmp0:
0x9: {  	s3 =	sshll.u32 s3, $0x9;
	s30 =	sand.u32 $0x100, s2;
	(pc) =	sbr.rel .LBB2_1-.Ltmp0, $4  }
0xa: {  	s12 =	simm.s32 $0x0;
	_ =	strace $0x8000004A;
	s3 =	sor.u32 s3, s30  }
0xb: {  	s4 =	simm.s32 $0x1;
	s2 =	sadd.s32 $0x6E0200, s5;
	s7 =	ssub.s32 $0x30D00, s3  }
0xc: {  	s5 =	sadd.s32 $0x9ED600, s5;
	[sflag:s4] =	ssyncpa.u1 $0x0;
	s6 =	sshrl.u32 s7, $0xD  }
0xd: {  	[sflag:s31] =	ssyncpa.u1 $0x0;
	s10 =	smov.u32 s3;
	s7 =	sadd.s32 $0x2, s6  }
.LBB2_5:
0xe: {  	_ =	sdelay $0x3  }
0xf: {  	[tilespmem:v3+s18+$0x0 ss:$0x1] =	vst.idx.msk $0xffff, v1  }
0x10: {  	[tilespmem:v3+s17+$0x0 ss:$0x1] =	vst.idx.msk $0xffff, v2  }
0x11: {  	[tilespmem:v3+s16+$0x0 ss:$0x1] =	vst.idx.msk $0xffff, v4  }
0x12: {  	[tilespmem:v3+s19+$0x0 ss:$0x1] =	vst.idx.msk $0xffff, v5  }
.LBB2_6:
0x13: {  	s16 =	sand.u32 $0x1FFFFFF, s11  }
0x14: {  	s17 =	smulhi.u32 $0x14F8B59, s16;
	_ =	sdelay $0x1  }
0x15: {  	s17 =	sshrl.u32 s17, $0xA  }
0x16: {  	s17 =	smul.u32 $0x30D40, s17;
	_ =	sdelay $0x1  }
0x17: {  	s16 =	ssub.s32 s16, s17  }
0x18: {  	s16 =	sshll.u32 s16, $0x4  }
0x19: {  	s16 =	sadd.s32 s5, s16  }
0x1a: {  	[hbm4b:s16+s8] =	stream.strided.scatter [tilespmem:s15], [sflag:$0x2], s14, s9, s8, $0x38;
	[tilespmem:$0x10000] =	vst v63  }
.LBB2_7:
0x1b: {  	p1 =	slt.u32 s12, $0x2  }
0x1c: {  	p2 =	sgt.s32 @!p1 s13, $0x30C40  }
0x1d: {  	s14 =	smov.u32 s13;
	s15 =	sshra.s32 @!p1 s13, $0x1F;
	p2 =	por !p2, p1  }
0x1e: {  	s13 =	sand.u32 @!p1 s15, s13;
	s14 =	simm.s32 @p2 $0x30C40  }
0x1f: {  	s13 =	ssub.s32 @!p1 s14, s13  }
0x20: {  	s13 =	sadd.s32 @!p1 $0xFFFCF3C0, s13  }
0x21: {  	s14 =	sshll.u32 @!p1 s13, $0x8  }
0x22: {  	p2 =	sgt.s32 @!p1 s13, $0xFF;
	s13 =	ssub.s32 @!p1 $0x10000, s14  }
0x23: {  	s15 =	sadd.s32 $0x2000, s10;
	p2 =	por !p2, p1;
	s13 =	sshrl.u32 @!p1 s13, $0x2  }
0x24: {  	s13 =	simm.s32 @!p2 $0x0;
	p2 =	sgt.s32 s15, $0x30D3F  }
0x25: {  	s15 =	smov.u32 @p2 s3;
	p2 =	sne.s32 s12, s7  }
.Ltmp1:
0x26: {  	_ = 	snop;
	(pc) =	sbr.rel @!p2 .LBB2_8-.Ltmp1, $4  }
0x27: {  	s14 =	simm.s32 @!p1 $0x2  }
0x28: {  	_ =	swait.ge @!p1 [sflag:s14], s13;
	s16 =	ssub.s32 @!p1 $0x0, s13  }
0x29: {  	s13 =	smov.u32 s11;
	s12 =	sadd.s32 $0x1, s12;
	[sflag:s14] =	ssyncset.done @!p1 $0x0  }
0x2a: {  	s11 =	smov.u32 s10;
	s10 =	smov.u32 s15;
	[sflag:s14] =	ssyncadd.s32 @!p1 s16  }
.LBB2_1:
0x2b: {  	p1 =	sgt.u32 s12, s6  }
0x2c: {  	s15 =	smov.u32 s10;
	p2 =	sgt.s32 @!p1 s10, $0x30C40  }
0x2d: {  	s14 =	sand.u32 @!p1 $0x1FFFFFF, s10;
	s16 =	sshra.s32 @!p1 s10, $0x1F;
	p2 =	por !p2, p1  }
0x2e: {  	s17 =	smulhi.u32 @!p1 $0x14F8B59, s14;
	s16 =	sand.u32 @!p1 s16, s10;
	s15 =	simm.s32 @p2 $0x30C40  }
0x2f: {  	s15 =	ssub.s32 @!p1 s15, s16  }
0x30: {  	s16 =	sshrl.u32 @!p1 s17, $0xA;
	s15 =	sadd.s32 @!p1 $0xFFFCF3C0, s15  }
0x31: {  	s17 =	sxor.u32 @!p1 $0xFFFFFFFF, s12;
	s16 =	smul.u32 @!p1 $0x30D40, s16;
	s18 =	sshll.u32 @!p1 s15, $0x8  }
0x32: {  	s17 =	sshll.u32 @!p1 s17, $0xE;
	p2 =	sgt.s32 @!p1 s15, $0xFF;
	s15 =	ssub.s32 @!p1 $0x10000, s18  }
0x33: {  	s14 =	ssub.s32 @!p1 s14, s16;
	p2 =	por !p2, p1;
	s16 =	sand.u32 @!p1 $0x4000, s17  }
0x34: {  	s17 =	simm.s32 @!p1 $0x40;
	s15 =	sshrl.u32 @!p1 s15, $0x2;
	s14 =	sshll.u32 @!p1 s14, $0x4  }
0x35: {  	s18 =	simm.s32 @!p1 $0x80;
	s15 =	simm.s32 @!p2 $0x0;
	s14 =	sadd.s32 @!p1 s2, s14  }
0x36: {  	[tilespmem:s16], [sflag:$0x1] =	stream.strided.gather @!p1 [hbm4b:s14+s17], s15, s18, s17, $0x38;
	[tilespmem:$0x10000] =	vst v63  }
0x37: {  	p1 =	seq.s32 s12, $0x0  }
0x38: {  	p2 =	sge.u32 @!p1 s12, s7  }
0x39: {  	p1 =	por p1, p2  }
.Ltmp2:
0x3a: {  	_ = 	snop;
	(pc) =	sbr.rel @p1 .LBB2_7-.Ltmp2, $1  }
0x3b: {  	_ =	sdelay $0x3  }
0x3c: {  	p1 =	sgt.s32 s11, $0x30C40;
	s14 =	smov.u32 s11;
	s15 =	sshra.s32 s11, $0x1F  }
0x3d: {  	s14 =	simm.s32 @!p1 $0x30C40;
	s15 =	sand.u32 s15, s11  }
0x3e: {  	s14 =	ssub.s32 s14, s15  }
0x3f: {  	s14 =	sadd.s32 $0xFFFCF3C0, s14  }
0x40: {  	s31 =	sshll.u32 s14, $0x8  }
0x41: {  	s15 =	ssub.s32 $0x10000, s31  }
0x42: {  	p1 =	sgt.s32 s14, $0xFF;
	s14 =	sshrl.u32 s15, $0x2;
	s15 =	sadd.s32 $0x100, s11  }
0x43: {  	s14 =	simm.s32 @p1 $0x0;
	p1 =	slt.s32 s15, $0x30D40  }
0x44: {  	s15 =	simm.s32 @!p1 $0x30D40  }
0x45: {  	s20 =	ssub.s32 s15, s11  }
0x46: {  	p1 =	slt.s32 s20, $0x1  }
.Ltmp3:
0x47: {  	_ = 	snop;
	(pc) =	sbr.rel @p1 .LBB2_6-.Ltmp3, $4  }
0x48: {  	_ = 	snop  }
0x49: {  	s16 =	sshll.u32 s12, $0xE;
	_ =	swait.ge [sflag:s4], s14  }
0x4a: {  	s16 =	sand.u32 $0x4000, s16;
	s17 =	ssub.s32 $0x0, s14;
	[sflag:s4] =	ssyncset.done $0x0  }
0x4b: {  	s15 =	sor.u32 $0x8000, s16;
	[sflag:s4] =	ssyncadd.s32 s17  }
0x4c: {  	v0 =	vmov s16;
	_ =	sdelay $0x2  }
0x4d: {  	s31 =	simm.s32 $0x0;
	p1 =	sne.s32 s20, $0x1  }
.Ltmp4:
0x4e: {  	s18 =	sand.u32 $0x3FC0, s31;
	(pc) =	sbr.rel @!p1 .LBB2_5-.Ltmp4, $4  }
0x4f: {  	s17 =	sor.u32 $0x30, s18;
	v1 =	vld.idx.msk [tilespmem:v0+s18+$0x0 ss:$0x1], $0xffff  }
0x50: {  	v3 =	vmov s15;
	s16 =	sor.u32 $0x10, s18;
	v2 =	vld.idx.msk [tilespmem:v0+s17+$0x0 ss:$0x1], $0xffff  }
0x51: {  	s19 =	sor.u32 $0x20, s18;
	v4 =	vld.idx.msk [tilespmem:v0+s16+$0x0 ss:$0x1], $0xffff  }
0x52: {  	s20 =	sadd.s32 $0xFFFFFFFF, s20;
	s21 =	simm.s32 $0x40;
	v5 =	vld.idx.msk [tilespmem:v0+s19+$0x0 ss:$0x1], $0xffff  }
.LBB2_4:
0x53: {  	s22 =	sand.u32 $0x3FC0, s21  }
0x54: {  	p1 =	sne.s32 s20, $0x1;
	s20 =	sadd.s32 $0xFFFFFFFF, s20;
	s23 =	sor.u32 $0x10, s22  }
.Ltmp5:
0x55: {  	s24 =	sor.u32 $0x20, s22;
	s25 =	sor.u32 $0x30, s22;
	[tilespmem:v3+s18+$0x0 ss:$0x1] =	vst.idx.msk $0xffff, v1;
	v1 =	vld.idx.msk [tilespmem:v0+s22+$0x0 ss:$0x1], $0xffff;
	(pc) =	sbr.rel @p1 .LBB2_4-.Ltmp5, $4  }
0x56: {  	s18 =	smov.u32 s22;
	[tilespmem:v3+s17+$0x0 ss:$0x1] =	vst.idx.msk $0xffff, v2;
	v2 =	vld.idx.msk [tilespmem:v0+s25+$0x0 ss:$0x1], $0xffff;
	s17 =	smov.u32 s25  }
0x57: {  	[tilespmem:v3+s16+$0x0 ss:$0x1] =	vst.idx.msk $0xffff, v4;
	v4 =	vld.idx.msk [tilespmem:v0+s23+$0x0 ss:$0x1], $0xffff;
	s16 =	smov.u32 s23  }
0x58: {  	[tilespmem:v3+s19+$0x0 ss:$0x1] =	vst.idx.msk $0xffff, v5;
	v5 =	vld.idx.msk [tilespmem:v0+s24+$0x0 ss:$0x1], $0xffff;
	s19 =	smov.u32 s24  }
0x59: {  	s21 =	sadd.s32 $0x40, s21  }
.Ltmp6:
0x5a: {  	_ = 	snop;
	(pc) =	sbr.rel .LBB2_5-.Ltmp6, $1  }
0x5b: {  	_ =	sdelay $0x3  }
.LBB2_8:
0x5c: {  	_ =	sfence.sel $0x180000  }
0x5d: {  	s2 =	simm.s32 $0x1;
	[bflag:$0x0] =	sbarrier.arrive $0xFFFF  }
0x5e: {  	s31 =	simm.s32 $0x2;
	[sflag:s2] =	ssyncpa.u1 $0x1  }
0x5f: {  	[sflag:s31] =	ssyncpa.u1 $0x1  }
0x60: {  	_ =	strace $0x9000004A  }
0x61: {  	s0 =	sadd.s32 @!p0 $0x100000, s0;
	[bflag:$0x2] =	sbarrier.arrive $0xFFFF  }
0x62: {  	[sflag:s0] =	ssyncadd.tile.s32 @!p0 $0x1;
	s0 =	simm.s32 @!p0 $0x3F  }
0x63: {  	_ =	swait.ge @!p0 [sflag:s0], s1  }
0x64: {  	s1 =	ssub.s32 @!p0 $0x0, s1;
	[sflag:s0] =	ssyncset.done @!p0 $0x0  }
0x65: {  	[sflag:s0] =	ssyncadd.s32 @!p0 s1  }
0x66: {  	[bflag:$0x3] =	sbarrier.arrive $0xFFFF  }
0x67: {  	_ =	shalt  }
.Lfunc_end2:
execute1_lowered:
.L_overlay_start_2:
0x68: {  	(tag) =	ssettag $0x2  }
0x69: {  	s2 =	rddreg [dreg:$0x0]  }
0x6a: {  	s4 =	rddreg [dreg:$0x1];
	_ =	strace $0x8000004D;
	s0 =	simm.s32 $0x1  }
0x6b: {  	s3 =	simm.s32 $0x88;
	v0 =	vimm.s32 $0x0;
	[sflag:s0] =	ssyncpa.u1 $0x0  }
0x6c: {  	s1 =	sadd.s32 $0x9ED600, s2;
	[tilespmem:s3+$0x30] =	vst v0  }
0x6d: {  	s0 =	sadd.s32 $0x6888200, s2;
	s6 =	sadd.s32 $0x694B800, s2;
	[tilespmem:s3+$0x20] =	vst v0  }
0x6e: {  	s2 =	sadd.s32 $0x189000, s2;
	s5 =	sand.u32 $0x1, s4;
	s4 =	simm.s32 $0x40;
	[tilespmem:s3+$0x10] =	vst v0  }
.LBB3_1:
0x6f: {  	s4 =	sadd.s32 $0x40, s4  }
0x70: {  	[tilespmem:s3+$0x0] =	vst v0;
	s3 =	sadd.s32 $0x40, s3;
	p0 =	slt.u32 s4, $0x5040  }
.Ltmp7:
0x71: {  	(pc) =	sbr.rel @p0 .LBB3_1-.Ltmp7, $4  }
0x72: {  	_ = 	snop  }
0x73: {  	[tilespmem:s3+$0x30] =	vst v0  }
0x74: {  	[tilespmem:s3+$0x20] =	vst v0  }
0x75: {  	[tilespmem:s3+$0x10] =	vst v0  }
0x76: {  	s28 =	simm.s32 $0x2;
	s4 =	stileid.u32;
	s29 =	simm.s32 $0x9  }
0x77: {  	s7 =	simm.s32 $0xA;
	[dreg:$0x4] =	wrdreg s5;
	s30 =	smul.u32 $0x61A80, s5  }
0x78: {  	s31 =	simm.s32 $0xB;
	s16 =	simm.s32 $0x0;
	p0 =	por $0x1, $0x1  }
0x79: {  	s17 =	simm.s32 $0xFB00;
	s18 =	simm.s32 $0xFFFF;
	p1 =	por $0x0, $0x0  }
0x7a: {  	s19 =	simm.s32 $0x1;
	s13 =	simm.s32 $0xC;
	s24 =	simm.s32 $0x0  }
0x7b: {  	s22 =	simm.s32 $0x0;
	s9 =	smul.u32 $0x30D40, s4;
	s12 =	sshll.u32 s4, $0x7  }
.Ltmp8:
0x7c: {  	s0 =	sadd.s32 s30, s0;
	[dreg:$0x9] =	wrdreg s12;
	(pc) =	sbr.rel .LBB3_3-.Ltmp8, $4  }
0x7d: {  	[tilespmem:s3+$0x0] =	vst v0;
	v0 =	vimm.s32 $0xFFFFFFFF;
	s21 =	simm.s32 $0x0;
	[sflag:s28] =	ssyncpa.u1 $0x0;
	[dreg:$0x8] =	wrdreg s0  }
0x7e: {  	[tilespmem:$0xA108] =	vst v0;
	[sflag:s29] =	ssyncpa.u1 $0x0;
	s11 =	sadd.s32 s30, s2;
	[dreg:$0x5] =	wrdreg s9  }
0x7f: {  	[sflag:s7] =	ssyncpa.u1 $0x0;
	s10 =	sadd.s32 $0x30D40, s9;
	[dreg:$0x7] =	wrdreg s11  }
0x80: {  	v0 =	vlaneseq.u32;
	s23 =	smov.u32 s9;
	[sflag:s31] =	ssyncpa.u1 $0x0;
	[dreg:$0x6] =	wrdreg s10  }
.LBB3_22:
0x81: {  	s2 =	sshrl.u32 s4, $0x2  }
.LBB3_24:
0x82: {  	_ =	swait.ge [sflag:s13], s2  }
0x83: {  	s31 =	ssub.s32 $0x0, s2;
	v1 =	vmov s28;
	vm0 =	veq.s32 v0, $0x0;
	[sflag:s13] =	ssyncset.done $0x0  }
0x84: {  	vm15 =	veq.s32 v0, $0x2;
	v1 =	vsel vm0, s0, v1;
	[sflag:s13] =	ssyncadd.s32 s31  }
0x85: {  	v1 =	vsel vm15, s24, v1;
	[sflag:s13] =	ssyncpa.u1 $0x1  }
0x86: {  	[tilespmem:$0xA108] =	vst v1  }
.LBB3_25:
0x87: {  	s0 =	sadd.s32 $0x140, s23  }
0x88: {  	s2 =	smov.u32 s9;
	s21 =	sadd.s32 $0x1, s21;
	p2 =	slt.s32 s0, s10  }
0x89: {  	s2 =	smov.u32 @p2 s0;
	p2 =	sne.s32 s21, $0x273  }
.Ltmp9:
0x8a: {  	_ = 	snop;
	(pc) =	sbr.rel @!p2 .LBB3_26-.Ltmp9, $4  }
0x8b: {  	_ = 	snop  }
0x8c: {  	s24 =	smov.u32 s22  }
0x8d: {  	p0 =	por !p0, !p0;
	s22 =	smov.u32 s23;
	s17 =	sadd.s32 $0x500, s17  }
0x8e: {  	s18 =	sadd.s32 $0x1, s18;
	p1 =	por !p1, !p1;
	s23 =	smov.u32 s2  }
.LBB3_3:
0x8f: {  	p2 =	sgt.u32 s21, $0x270  }
0x90: {  	s0 =	smul.u32 @!p2 $0xAAAB, s21;
	_ =	sdelay $0x1  }
0x91: {  	s2 =	smov.u32 s23;
	p3 =	sgt.s32 @!p2 s23, $0x30D2C0;
	s0 =	sshrl.u32 @!p2 s0, $0x11  }
0x92: {  	s3 =	sshra.s32 @!p2 s23, $0x1F;
	p3 =	por !p3, p2;
	s0 =	smul.u32 @!p2 $0x3, s0  }
0x93: {  	s3 =	sand.u32 @!p2 s3, s23;
	s2 =	simm.s32 @p3 $0x30D2C0  }
0x94: {  	s2 =	ssub.s32 @!p2 s2, s3;
	s0 =	ssub.s32 @!p2 s21, s0  }
0x95: {  	s2 =	sadd.s32 @!p2 $0xFFCF2D40, s2;
	s0 =	smul.u32 @!p2 $0x500, s0  }
0x96: {  	s4 =	sand.u32 @!p2 $0x7, s23;
	s3 =	sshll.u32 @!p2 s2, $0x2;
	p3 =	sgt.s32 @!p2 s2, $0x13F  }
0x97: {  	s2 =	ssub.s32 @!p2 $0x500, s3;
	p3 =	por !p3, p2;
	s0 =	sand.u32 @!p2 $0xFF00, s0  }
0x98: {  	s3 =	sshrl.u32 @!p2 s23, $0x3;
	s2 =	sshrl.u32 @!p2 s2, $0x2;
	s0 =	sshrl.u32 @!p2 s0, $0x2  }
0x99: {  	s3 =	sadd.s32 @!p2 s3, s11;
	s2 =	simm.s32 @!p3 $0x0;
	s0 =	sadd.s32 @!p2 $0xA948, s0  }
0x9a: {  	[tilespmem:s0], [sflag:$0xA] =	stream.linear.gather @!p2 [hbm4b:s3+s4], s2, $0x38;
	[tilespmem:$0x1EF88] =	vst v63  }
0x9b: {  	s0 =	sadd.s32 $0xFFFFFFFF, s21  }
0x9c: {  	p2 =	sgt.u32 s0, $0x270  }
.Ltmp10:
0x9d: {  	_ = 	snop;
	(pc) =	sbr.rel @p2 .LBB3_7-.Ltmp10, $1  }
0x9e: {  	_ =	sdelay $0x3  }
0x9f: {  	s2 =	sand.u32 $0xFFFF, s18  }
0xa0: {  	p2 =	sgt.s32 s22, $0x30D2C0;
	s3 =	smov.u32 s22;
	s4 =	sshra.s32 s22, $0x1F  }
0xa1: {  	s2 =	smul.u32 $0xAAAB, s2;
	s3 =	simm.s32 @!p2 $0x30D2C0;
	s4 =	sand.u32 s4, s22  }
0xa2: {  	s0 =	sand.u32 $0x1, s0;
	s3 =	ssub.s32 s3, s4  }
0xa3: {  	s5 =	simm.s32 $0xA;
	s2 =	sshrl.u32 s2, $0x11;
	s3 =	sadd.s32 $0xFFCF2D40, s3  }
0xa4: {  	s8 =	sshrl.u32 s22, $0x3;
	s2 =	smul.u32 $0xF00, s2;
	s31 =	sshll.u32 s3, $0x2  }
0xa5: {  	s10 =	sand.u32 $0x7, s22;
	s0 =	smul.u32 $0x500, s0;
	s4 =	ssub.s32 $0x500, s31  }
0xa6: {  	p2 =	sgt.s32 s3, $0x13F;
	s2 =	ssub.s32 s17, s2;
	s3 =	sshrl.u32 s4, $0x2  }
0xa7: {  	s0 =	sshrl.u32 s0, $0x2;
	s2 =	sand.u32 $0xFFFC, s2;
	s3 =	simm.s32 @p2 $0x0  }
0xa8: {  	s0 =	sadd.s32 $0xAD08, s0;
	s2 =	sshrl.u32 s2, $0x2;
	_ =	swait.ge [sflag:s5], s3  }
0xa9: {  	s7 =	ssub.s32 $0x0, s3;
	[sflag:s5] =	ssyncset.done $0x0;
	s9 =	rddreg [dreg:$0x8]  }
0xaa: {  	s29 =	sadd.s32 $0xA948, s2;
	[sflag:s5] =	ssyncadd.s32 s7;
	s2 =	sadd.s32 s8, s9  }
0xab: {  	[tilespmem:s0], [sflag:$0xB] =	stream.linear.gather [hbm4b:s2+s10], s3, $0x38;
	[tilespmem:$0x1EF88] =	vst v63  }
0xac: {  	v1 =	vld.msk [tilespmem:s29+$0x0], $0xffff;
	_ =	sdelay $0x4  }
0xad: {  	v1 =	vshll.u32 v1, $0x4  }
0xae: {  	(v2sf) =	vpush v1, $0x0;
	_ =	sdelay $0x1  }
0xaf: {  	(v2sf) =	vpush v1, $0x1  }
0xb0: {  	(v2sf) =	vpush v1, $0x2;
	_ =	sdelay $0x1  }
0xb1: {  	(v2sf) =	vpush v1, $0x3  }
0xb2: {  	(v2sf) =	vpush v1, $0x4;
	_ =	sdelay $0x1  }
0xb3: {  	(v2sf) =	vpush v1, $0x5  }
0xb4: {  	s0 =	simm.s32 $0x1  }
0xb5: {  	s0 =	simm.s32 @!p0 $0x0  }
0xb6: {  	s0 =	smul.u32 $0x28000, s0  }
0xb7: {  	(v2sf) =	vpush v1, $0x6  }
0xb8: {  	s0 =	sshrl.u32 s0, $0x2  }
0xb9: {  	s25 =	sadd.s32 $0xB708, s0  }
0xba: {  	s13 =	sadd.s32 $0xFFFFF880, s25;
	s26 =	sadd.s32 $0xFFFFF900, s25;
	s11 =	spop (v2sf)  }
0xbb: {  	s30 =	sadd.s32 $0xFFFFF980, s25;
	s7 =	sadd.s32 $0xFFFFFA00, s25;
	(v2sf) =	vpush v1, $0x7;
	s12 =	sand.u32 $0x1FFFFFF0, s11  }
0xbc: {  	s8 =	sadd.s32 $0xFFFFFA80, s25;
	s14 =	spop (v2sf);
	s0 =	sadd.s32 s6, s12  }
0xbd: {  	(v2sf) =	vpush v1, $0x8;
	s15 =	sand.u32 $0x1FFFFFF0, s14;
	s20 =	spop (v2sf);
	s12 =	sadd.s32 $0xFFFFFB00, s25  }
0xbe: {  	(v2sf) =	vpush v1, $0x9;
	[tilespmem:s13], [sflag:$0x9] =	stream.linear.gather [hbm4b:s0+s16], $0x40, $0x38;
	[tilespmem:$0x1EF88] =	vst v63  }
0xbf: {  	s0 =	sadd.s32 s6, s15;
	s2 =	sand.u32 $0x1FFFFFF0, s20;
	s31 =	spop (v2sf)  }
0xc0: {  	(v2sf) =	vpush v1, $0xA;
	s13 =	sadd.s32 $0xFFFFFB80, s25;
	s4 =	sand.u32 $0x1FFFFFF0, s31;
	s5 =	spop (v2sf)  }
0xc1: {  	[tilespmem:s26], [sflag:$0x9] =	stream.linear.gather [hbm4b:s0+s16], $0x40, $0x38;
	[tilespmem:$0x1EF88] =	vst v63  }
0xc2: {  	s2 =	sadd.s32 s6, s2;
	(v2sf) =	vpush v1, $0xB;
	s0 =	sadd.s32 s6, s4;
	s9 =	spop (v2sf)  }
0xc3: {  	[tilespmem:s30], [sflag:$0x9] =	stream.linear.gather [hbm4b:s2+s16], $0x40, $0x38;
	[tilespmem:$0x1EF88] =	vst v63  }
0xc4: {  	(v2sf) =	vpush v1, $0xC;
	s26 =	sadd.s32 $0xFFFFFC00, s25;
	s10 =	sand.u32 $0x1FFFFFF0, s9;
	s2 =	sand.u32 $0x1FFFFFF0, s5  }
0xc5: {  	[tilespmem:s7], [sflag:$0x9] =	stream.linear.gather [hbm4b:s0+s16], $0x40, $0x38;
	[tilespmem:$0x1EF88] =	vst v63  }
0xc6: {  	s11 =	spop (v2sf);
	(v2sf) =	vpush v1, $0xD;
	s30 =	sadd.s32 $0xFFFFFC80, s25;
	s2 =	sadd.s32 s6, s2  }
0xc7: {  	[tilespmem:s8], [sflag:$0x9] =	stream.linear.gather [hbm4b:s2+s16], $0x40, $0x38;
	[tilespmem:$0x1EF88] =	vst v63  }
0xc8: {  	s0 =	sadd.s32 s6, s10;
	s7 =	sadd.s32 $0xFFFFFD00, s25;
	s2 =	sand.u32 $0x1FFFFFF0, s11  }
0xc9: {  	[tilespmem:s12], [sflag:$0x9] =	stream.linear.gather [hbm4b:s0+s16], $0x40, $0x38;
	[tilespmem:$0x1EF88] =	vst v63  }
0xca: {  	s8 =	sadd.s32 $0xFFFFFD80, s25;
	s2 =	sadd.s32 s6, s2;
	s14 =	spop (v2sf);
	(v2sf) =	vpush v1, $0xE  }
0xcb: {  	[tilespmem:s13], [sflag:$0x9] =	stream.linear.gather [hbm4b:s2+s16], $0x40, $0x38;
	[tilespmem:$0x1EF88] =	vst v63  }
0xcc: {  	s12 =	sadd.s32 $0xFFFFFE00, s25;
	s15 =	sand.u32 $0x1FFFFFF0, s14;
	s20 =	spop (v2sf);
	(v2sf) =	vpush v1, $0xF  }
0xcd: {  	s0 =	sadd.s32 s6, s15;
	s2 =	sand.u32 $0x1FFFFFF0, s20;
	s31 =	spop (v2sf)  }
0xce: {  	[tilespmem:s26], [sflag:$0x9] =	stream.linear.gather [hbm4b:s0+s16], $0x40, $0x38;
	[tilespmem:$0x1EF88] =	vst v63  }
0xcf: {  	s2 =	sadd.s32 s6, s2;
	s4 =	sand.u32 $0x1FFFFFF0, s31;
	s5 =	spop (v2sf)  }
0xd0: {  	[tilespmem:s30], [sflag:$0x9] =	stream.linear.gather [hbm4b:s2+s16], $0x40, $0x38;
	[tilespmem:$0x1EF88] =	vst v63  }
0xd1: {  	s0 =	sadd.s32 s6, s4;
	s9 =	spop (v2sf);
	s2 =	sand.u32 $0x1FFFFFF0, s5  }
0xd2: {  	[tilespmem:s7], [sflag:$0x9] =	stream.linear.gather [hbm4b:s0+s16], $0x40, $0x38;
	[tilespmem:$0x1EF88] =	vst v63  }
0xd3: {  	s10 =	sand.u32 $0x1FFFFFF0, s9;
	s11 =	spop (v2sf);
	s2 =	sadd.s32 s6, s2  }
0xd4: {  	[tilespmem:s8], [sflag:$0x9] =	stream.linear.gather [hbm4b:s2+s16], $0x40, $0x38;
	[tilespmem:$0x1EF88] =	vst v63  }
0xd5: {  	s14 =	spop (v2sf);
	s0 =	sadd.s32 s6, s10;
	s2 =	sand.u32 $0x1FFFFFF0, s11  }
0xd6: {  	[tilespmem:s12], [sflag:$0x9] =	stream.linear.gather [hbm4b:s0+s16], $0x40, $0x38;
	[tilespmem:$0x1EF88] =	vst v63  }
0xd7: {  	s13 =	sadd.s32 $0xFFFFFE80, s25;
	s15 =	sand.u32 $0x1FFFFFF0, s14;
	s2 =	sadd.s32 s6, s2  }
0xd8: {  	[tilespmem:s13], [sflag:$0x9] =	stream.linear.gather [hbm4b:s2+s16], $0x40, $0x38;
	[tilespmem:$0x1EF88] =	vst v63  }
0xd9: {  	s26 =	sadd.s32 $0xFFFFFF00, s25;
	s0 =	sadd.s32 s6, s15;
	s20 =	spop (v2sf)  }
0xda: {  	[tilespmem:s26], [sflag:$0x9] =	stream.linear.gather [hbm4b:s0+s16], $0x40, $0x38;
	[tilespmem:$0x1EF88] =	vst v63  }
0xdb: {  	s29 =	sadd.s32 $0x10, s29;
	s2 =	sand.u32 $0x1FFFFFF0, s20;
	s30 =	spop (v2sf)  }
0xdc: {  	s31 =	sadd.s32 $0xFFFFFF80, s25;
	s2 =	sadd.s32 s6, s2;
	s0 =	sand.u32 $0x1FFFFFF0, s30  }
0xdd: {  	[tilespmem:s31], [sflag:$0x9] =	stream.linear.gather [hbm4b:s2+s16], $0x40, $0x38;
	[tilespmem:$0x1EF88] =	vst v63  }
0xde: {  	s28 =	sadd.s32 $0x800, s25;
	s26 =	simm.s32 $0x0;
	s0 =	sadd.s32 s6, s0  }
.LBB3_5:
0xdf: {  	[tilespmem:s25], [sflag:$0x9] =	stream.linear.gather [hbm4b:s0+s16], $0x40, $0x38;
	[tilespmem:$0x1EF88] =	vst v63  }
0xe0: {  	s26 =	sadd.s32 $0x10, s26;
	s25 =	smov.u32 s28  }
0xe1: {  	p2 =	slt.u32 s26, $0x130;
	v1 =	vld.msk [tilespmem:s29+$0x0], $0xffff;
	_ =	sdelay $0x4  }
0xe2: {  	v1 =	vshll.u32 v1, $0x4  }
0xe3: {  	(v2sf) =	vpush v1, $0x0  }
0xe4: {  	(v2sf) =	vpush v1, $0x1  }
0xe5: {  	(v2sf) =	vpush v1, $0x2;
	_ =	sdelay $0x1  }
0xe6: {  	(v2sf) =	vpush v1, $0x3;
	_ =	sdelay $0x1  }
0xe7: {  	(v2sf) =	vpush v1, $0x4;
	_ =	sdelay $0x1  }
0xe8: {  	(v2sf) =	vpush v1, $0x5;
	_ =	sdelay $0x1  }
0xe9: {  	(v2sf) =	vpush v1, $0x6  }
0xea: {  	s31 =	sadd.s32 $0xFFFFFE80, s28;
	s30 =	sadd.s32 $0xFFFFFF00, s28  }
0xeb: {  	s5 =	sadd.s32 $0xFFFFFD00, s28;
	s4 =	sadd.s32 $0xFFFFFD80, s28;
	s0 =	sadd.s32 $0xFFFFFE00, s28;
	(v2sf) =	vpush v1, $0x7  }
0xec: {  	s14 =	sadd.s32 $0xFFFFFB80, s28;
	s2 =	sadd.s32 $0xFFFFFC00, s28;
	s3 =	sadd.s32 $0xFFFFFC80, s28  }
0xed: {  	s7 =	sadd.s32 $0xFFFFFA00, s28;
	s9 =	sadd.s32 $0xFFFFFA80, s28;
	s10 =	sadd.s32 $0xFFFFFB00, s28;
	(v2sf) =	vpush v1, $0x8  }
0xee: {  	s11 =	sadd.s32 $0xFFFFF900, s28;
	s13 =	sadd.s32 $0xFFFFF980, s28;
	s8 =	spop (v2sf)  }
0xef: {  	s20 =	sadd.s32 $0xFFFFF880, s28;
	s8 =	sand.u32 $0x1FFFFFF0, s8;
	s12 =	spop (v2sf);
	(v2sf) =	vpush v1, $0x9  }
0xf0: {  	s8 =	sadd.s32 s6, s8;
	s12 =	sand.u32 $0x1FFFFFF0, s12;
	s15 =	spop (v2sf)  }
0xf1: {  	[tilespmem:s20], [sflag:$0x9] =	stream.linear.gather [hbm4b:s8+s16], $0x40, $0x38;
	(v2sf) =	vpush v1, $0xA;
	[tilespmem:$0x1EF88] =	vst v63  }
0xf2: {  	s8 =	sadd.s32 s6, s12;
	s12 =	sand.u32 $0x1FFFFFF0, s15;
	s15 =	spop (v2sf)  }
0xf3: {  	[tilespmem:s11], [sflag:$0x9] =	stream.linear.gather [hbm4b:s8+s16], $0x40, $0x38;
	(v2sf) =	vpush v1, $0xB;
	[tilespmem:$0x1EF88] =	vst v63  }
0xf4: {  	s8 =	sadd.s32 s6, s12;
	s11 =	sand.u32 $0x1FFFFFF0, s15;
	s12 =	spop (v2sf)  }
0xf5: {  	[tilespmem:s13], [sflag:$0x9] =	stream.linear.gather [hbm4b:s8+s16], $0x40, $0x38;
	(v2sf) =	vpush v1, $0xC;
	[tilespmem:$0x1EF88] =	vst v63  }
0xf6: {  	s8 =	sadd.s32 s6, s11;
	s11 =	sand.u32 $0x1FFFFFF0, s12;
	s12 =	spop (v2sf)  }
0xf7: {  	[tilespmem:s7], [sflag:$0x9] =	stream.linear.gather [hbm4b:s8+s16], $0x40, $0x38;
	(v2sf) =	vpush v1, $0xD;
	[tilespmem:$0x1EF88] =	vst v63  }
0xf8: {  	s7 =	sadd.s32 s6, s11;
	s8 =	sand.u32 $0x1FFFFFF0, s12;
	s11 =	spop (v2sf)  }
0xf9: {  	[tilespmem:s9], [sflag:$0x9] =	stream.linear.gather [hbm4b:s7+s16], $0x40, $0x38;
	(v2sf) =	vpush v1, $0xE;
	[tilespmem:$0x1EF88] =	vst v63  }
0xfa: {  	s7 =	sadd.s32 s6, s8;
	s8 =	sand.u32 $0x1FFFFFF0, s11;
	s9 =	spop (v2sf)  }
0xfb: {  	[tilespmem:s10], [sflag:$0x9] =	stream.linear.gather [hbm4b:s7+s16], $0x40, $0x38;
	(v2sf) =	vpush v1, $0xF;
	[tilespmem:$0x1EF88] =	vst v63  }
0xfc: {  	s7 =	sadd.s32 s6, s8;
	s8 =	sand.u32 $0x1FFFFFF0, s9;
	s9 =	spop (v2sf)  }
0xfd: {  	[tilespmem:s14], [sflag:$0x9] =	stream.linear.gather [hbm4b:s7+s16], $0x40, $0x38;
	[tilespmem:$0x1EF88] =	vst v63  }
0xfe: {  	s7 =	sadd.s32 s6, s8;
	s8 =	sand.u32 $0x1FFFFFF0, s9;
	s9 =	spop (v2sf)  }
0xff: {  	[tilespmem:s2], [sflag:$0x9] =	stream.linear.gather [hbm4b:s7+s16], $0x40, $0x38;
	[tilespmem:$0x1EF88] =	vst v63  }
0x100: {  	s2 =	sadd.s32 s6, s8;
	s7 =	sand.u32 $0x1FFFFFF0, s9;
	s8 =	spop (v2sf)  }
0x101: {  	[tilespmem:s3], [sflag:$0x9] =	stream.linear.gather [hbm4b:s2+s16], $0x40, $0x38;
	[tilespmem:$0x1EF88] =	vst v63  }
0x102: {  	s2 =	sadd.s32 s6, s7;
	s3 =	sand.u32 $0x1FFFFFF0, s8;
	s7 =	spop (v2sf)  }
0x103: {  	[tilespmem:s5], [sflag:$0x9] =	stream.linear.gather [hbm4b:s2+s16], $0x40, $0x38;
	[tilespmem:$0x1EF88] =	vst v63  }
0x104: {  	s2 =	sadd.s32 s6, s3;
	s3 =	sand.u32 $0x1FFFFFF0, s7;
	s5 =	spop (v2sf)  }
0x105: {  	[tilespmem:s4], [sflag:$0x9] =	stream.linear.gather [hbm4b:s2+s16], $0x40, $0x38;
	[tilespmem:$0x1EF88] =	vst v63  }
0x106: {  	s2 =	sadd.s32 s6, s3;
	s3 =	sand.u32 $0x1FFFFFF0, s5;
	s4 =	spop (v2sf)  }
0x107: {  	[tilespmem:s0], [sflag:$0x9] =	stream.linear.gather [hbm4b:s2+s16], $0x40, $0x38;
	[tilespmem:$0x1EF88] =	vst v63  }
0x108: {  	s0 =	sadd.s32 s6, s3;
	s2 =	sand.u32 $0x1FFFFFF0, s4;
	s3 =	spop (v2sf)  }
0x109: {  	[tilespmem:s31], [sflag:$0x9] =	stream.linear.gather [hbm4b:s0+s16], $0x40, $0x38;
	[tilespmem:$0x1EF88] =	vst v63  }
0x10a: {  	s0 =	sadd.s32 s6, s2  }
.Ltmp11:
0x10b: {  	s2 =	sand.u32 $0x1FFFFFF0, s3;
	s3 =	spop (v2sf);
	(pc) =	sbr.rel @p2 .LBB3_5-.Ltmp11, $4  }
0x10c: {  	[tilespmem:s30], [sflag:$0x9] =	stream.linear.gather [hbm4b:s0+s16], $0x40, $0x38;
	[tilespmem:$0x1EF88] =	vst v63  }
0x10d: {  	s0 =	sadd.s32 s6, s2;
	s2 =	sadd.s32 $0xFFFFFF80, s28;
	s3 =	sand.u32 $0x1FFFFFF0, s3  }
0x10e: {  	[tilespmem:s2], [sflag:$0x9] =	stream.linear.gather [hbm4b:s0+s16], $0x40, $0x38;
	[tilespmem:$0x1EF88] =	vst v63  }
0x10f: {  	s29 =	sadd.s32 $0x10, s29;
	s28 =	sadd.s32 $0x800, s28;
	s0 =	sadd.s32 s6, s3  }
0x110: {  	[tilespmem:s25], [sflag:$0x9] =	stream.linear.gather [hbm4b:s0+s16], $0x40, $0x38;
	[tilespmem:$0x1EF88] =	vst v63  }
0x111: {  	s9 =	rddreg [dreg:$0x5]  }
0x112: {  	s10 =	rddreg [dreg:$0x6]  }
0x113: {  	s11 =	rddreg [dreg:$0x7]  }
0x114: {  	s12 =	rddreg [dreg:$0x9];
	s13 =	simm.s32 $0xC  }
.LBB3_7:
0x115: {  	p2 =	slt.u32 s21, $0x2  }
.Ltmp12:
0x116: {  	_ = 	snop;
	(pc) =	sbr.rel @p2 .LBB3_25-.Ltmp12, $1  }
0x117: {  	_ =	sdelay $0x3  }
0x118: {  	p2 =	sgt.s32 s24, $0x30D2C0;
	s0 =	smov.u32 s24;
	s2 =	sshra.s32 s24, $0x1F  }
0x119: {  	s0 =	simm.s32 @!p2 $0x30D2C0;
	s2 =	sand.u32 s2, s24  }
0x11a: {  	s0 =	ssub.s32 s0, s2  }
0x11b: {  	s0 =	sadd.s32 $0xFFCF2D40, s0  }
0x11c: {  	s3 =	simm.s32 $0x9;
	s30 =	sshll.u32 s0, $0x2  }
0x11d: {  	_ =	swait.ge [sflag:s3], $0x5000;
	s2 =	ssub.s32 $0x500, s30  }
0x11e: {  	[sflag:s3] =	ssyncset.done $0x0;
	p2 =	sgt.s32 s0, $0x13F;
	s0 =	sshrl.u32 s2, $0x2  }
0x11f: {  	s31 =	simm.s32 $0xB;
	[sflag:s3] =	ssyncadd.s32 $0xFFFFB000;
	s0 =	simm.s32 @p2 $0x0  }
0x120: {  	_ =	swait.ge [sflag:s31], s0  }
0x121: {  	s0 =	ssub.s32 $0x0, s0;
	[sflag:s31] =	ssyncset.done $0x0  }
0x122: {  	[sflag:s31] =	ssyncadd.s32 s0  }
0x123: {  	v1 =	vld [tilespmem:$0xA108];
	_ =	sdelay $0x4  }
0x124: {  	(v2sf) =	vpush v1, $0x0  }
0x125: {  	(v2sf) =	vpush v1, $0x1  }
0x126: {  	(v2sf) =	vpush v1, $0x2;
	_ =	sdelay $0x3  }
0x127: {  	s2 =	sadd.s32 $0x140, s24  }
0x128: {  	s3 =	ssub.s32 $0x61A800, s24;
	p2 =	slt.s32 s10, s2  }
0x129: {  	s2 =	smov.u32 @p2 s10;
	p2 =	sgt.s32 s3, $0x0  }
0x12a: {  	s25 =	ssub.s32 s2, s24;
	s3 =	simm.s32 @!p2 $0x0  }
0x12b: {  	p2 =	slt.s32 s3, s25  }
0x12c: {  	s25 =	smov.u32 @p2 s3  }
0x12d: {  	s0 =	simm.s32 $0x1;
	p2 =	slt.s32 s25, $0x1  }
.Ltmp13:
0x12e: {  	s0 =	simm.s32 @!p1 $0x0;
	(pc) =	sbr.rel @p2 .LBB3_12-.Ltmp13, $4  }
0x12f: {  	s4 =	smul.u32 $0x500, s0  }
0x130: {  	s2 =	spop (v2sf)  }
0x131: {  	s4 =	sshrl.u32 s4, $0x2;
	s3 =	spop (v2sf)  }
0x132: {  	s26 =	sadd.s32 $0xAD08, s4;
	s24 =	spop (v2sf)  }
0x133: {  	s4 =	smin.u32 s25, $0x10  }
0x134: {  	v1 =	vmov s4  }
0x135: {  	p3 =	sgt.s32 s25, $0x10;
	vm1 =	vgt.u32 v1, v0  }
.Ltmp14:
0x136: {  	_ = 	snop;
	(pc) =	sbr.rel @!p3 .LBB3_11-.Ltmp14, $2  }
0x137: {  	_ =	sdelay $0x2  }
0x138: {  	s5 =	simm.s32 $0x10;
	s14 =	sadd.s32 $0xFFFFFFF0, s25;
	s4 =	smov.u32 s26;
	vm0 =	vmmov vm1  }
.LBB3_10:
0x139: {  	s7 =	smin.u32 s14, $0x10;
	s5 =	sadd.s32 $0x10, s5;
	v1 =	vld.msk [tilespmem:s4+$0x0 ss:$0x1], vm1  }
0x13a: {  	v2 =	vmov s7;
	p3 =	slt.s32 s5, s25  }
0x13b: {  	vm1 =	vgt.u32 v2, v0  }
.Ltmp15:
0x13c: {  	(pc) =	sbr.rel @p3 .LBB3_10-.Ltmp15, $3  }
0x13d: {  	_ =	sdelay $0x1  }
0x13e: {  	v1 =	vshll.u32 v1, $0x4  }
0x13f: {  	s14 =	sadd.s32 $0xFFFFFFF0, s14;
	[tilespmem:s4+$0x0] =	vst.msk vm0, v1;
	s4 =	sadd.s32 $0x10, s4;
	vm0 =	vmmov vm1  }
.LBB3_11:
0x140: {  	_ =	sdelay $0x4  }
0x141: {  	v1 =	vld.msk [tilespmem:s4+$0x0 ss:$0x1], vm1;
	_ =	sdelay $0x4  }
0x142: {  	v1 =	vshll.u32 v1, $0x4  }
0x143: {  	[tilespmem:s4+$0x0] =	vst.msk vm0, v1  }
.LBB3_12:
0x144: {  	s4 =	sand.u32 $0x1, s21  }
0x145: {  	s4 =	smul.u32 $0x140, s4  }
0x146: {  	p3 =	sne.s32 s3, $0xFFFFFFFF  }
0x147: {  	v1 =	vld.msk @!p3 [tilespmem:s4+$0xAD08], $0x1;
	_ =	sdelay $0x4  }
0x148: {  	(v2sf) =	vpush @!p3 v1, $0x0;
	_ =	sdelay $0xc  }
.Ltmp16:
0x149: {  	_ = 	snop;
	(pc) =	sbr.rel @p2 .LBB3_23-.Ltmp16, $4  }
0x14a: {  	_ = 	snop  }
0x14b: {  	s31 =	spop @!p3 (v2sf)  }
0x14c: {  	s24 =	simm.s32 @!p3 $0x0;
	s28 =	smov.u32 s31  }
0x14d: {  	[sflag:s13] =	ssyncpa.u1 $0x0;
	s31 =	smov.u32 @p3 s2;
	s28 =	smov.u32 @p3 s3  }
0x14e: {  	v1 =	vld.msk [tilespmem:s26+$0x0], $0x1;
	_ =	sdelay $0x4  }
0x14f: {  	(v2sf) =	vpush v1, $0x0;
	_ =	sdelay $0xe  }
0x150: {  	s0 =	smul.u32 $0x28000, s0;
	s3 =	spop (v2sf)  }
0x151: {  	p2 =	seq.s32 s31, s3  }
0x152: {  	s2 =	smov.u32 s31;
	s0 =	sshrl.u32 s0, $0x2;
	p3 =	sgt.s32 @!p2 s31, $0x0  }
0x153: {  	s29 =	sadd.s32 $0xAFA8, s0;
	s0 =	sadd.s32 $0xFFFFFFFF, s25;
	p3 =	por !p3, p2  }
0x154: {  	s2 =	simm.s32 @p3 $0x0;
	p3 =	sne.s32 s0, $0x0  }
.Ltmp17:
0x155: {  	_ = 	snop;
	(pc) =	sbr.rel @!p3 .LBB3_15-.Ltmp17, $4  }
0x156: {  	_ = 	snop  }
0x157: {  	s30 =	simm.s32 $0x0;
	s4 =	simm.s32 @!p2 $0x1;
	s2 =	smin.u32 @!p2 s2, $0x30D3F8  }
0x158: {  	s5 =	simm.s32 @!p2 $0x50C8;
	s4 =	smov.u32 @p2 s30;
	s7 =	sand.u32 @!p2 $0x3FFFF8, s2  }
0x159: {  	s14 =	sand.u32 @!p2 $0x7, s2;
	s2 =	sadd.s32 $0x1, s26;
	s7 =	sadd.s32 @!p2 s1, s7  }
.LBB3_14:
0x15a: {  	s8 =	smov.u32 s4  }
0x15b: {  	[tilespmem:s5], [sflag:$0x2] =	stream.linear.gather @!p2 [hbm4b:s7+s14], $0x40, $0x38;
	[tilespmem:$0x1EF88] =	vst v63  }
0x15c: {  	s0 =	sadd.s32 $0xFFFFFFFF, s0;
	s7 =	smov.u32 s3;
	v1 =	vld.msk [tilespmem:s2+$0x0], $0x1  }
0x15d: {  	p3 =	sne.s32 s0, $0x0;
	_ =	sdelay $0x3  }
0x15e: {  	(v2sf) =	vpush v1, $0x0;
	_ =	sdelay $0xe  }
0x15f: {  	s3 =	spop (v2sf)  }
0x160: {  	p2 =	seq.s32 s7, s3  }
0x161: {  	p4 =	sgt.s32 @!p2 s7, $0x0;
	s5 =	sshll.u32 @!p2 s4, $0x8;
	s4 =	sadd.s32 @!p2 $0x1, s4  }
.Ltmp18:
0x162: {  	p4 =	por !p4, p2;
	s5 =	sshra.s32 @!p2 s5, $0x2;
	(pc) =	sbr.rel @p3 .LBB3_14-.Ltmp18, $4  }
0x163: {  	s4 =	smov.u32 @p2 s8;
	s7 =	simm.s32 @p4 $0x0;
	s5 =	sadd.s32 @!p2 $0x50C8, s5  }
0x164: {  	s7 =	smin.u32 @!p2 s7, $0x30D3F8  }
0x165: {  	s8 =	sand.u32 @!p2 $0x3FFFF8, s7;
	s14 =	sand.u32 @!p2 $0x7, s7  }
0x166: {  	s2 =	sadd.s32 $0x1, s2;
	s7 =	sadd.s32 @!p2 s1, s8  }
.LBB3_15:
0x167: {  	[tilespmem:s5], [sflag:$0x2] =	stream.linear.gather @!p2 [hbm4b:s7+s14], $0x40, $0x38;
	[tilespmem:$0x1EF88] =	vst v63  }
.Ltmp19:
0x168: {  	s0 =	sshll.u32 s4, $0x6;
	(pc) =	sbr.rel .LBB3_16-.Ltmp19, $4  }
0x169: {  	s2 =	simm.s32 $0x2;
	s0 =	sand.u32 $0x3FFFFFC0, s0  }
0x16a: {  	_ =	swait.ge [sflag:s2], s0  }
0x16b: {  	s0 =	ssub.s32 $0x0, s0;
	[sflag:s2] =	ssyncset.done $0x0  }
0x16c: {  	s4 =	simm.s32 $0x0;
	[sflag:s2] =	ssyncadd.s32 s0  }
.LBB3_17:
0x16d: {  	v1 =	vld [tilespmem:s29+$0xFFFFFFE0];
	_ =	sdelay $0x4  }
0x16e: {  	[tilespmem:s2+$0x88] =	vst.add.f32.msk $0xffff, v1  }
0x16f: {  	v1 =	vld [tilespmem:s29+$0xFFFFFFF0];
	_ =	sdelay $0x4  }
0x170: {  	[tilespmem:s2+$0x98] =	vst.add.f32.msk $0xffff, v1  }
0x171: {  	v1 =	vld [tilespmem:s29+$0x0];
	_ =	sdelay $0x4  }
0x172: {  	[tilespmem:s2+$0xA8] =	vst.add.f32.msk $0xffff, v1  }
0x173: {  	v1 =	vld [tilespmem:s29+$0x10];
	_ =	sdelay $0x4  }
0x174: {  	[tilespmem:s2+$0xB8] =	vst.add.f32.msk $0xffff, v1  }
.LBB3_21:
0x175: {  	s25 =	sadd.s32 $0xFFFFFFFF, s25  }
0x176: {  	p2 =	sne.s32 s25, $0x0  }
.Ltmp20:
0x177: {  	_ = 	snop;
	(pc) =	sbr.rel @!p2 .LBB3_22-.Ltmp20, $2  }
0x178: {  	_ =	sdelay $0x2  }
0x179: {  	s29 =	sadd.s32 $0x80, s29;
	s26 =	sadd.s32 $0x1, s26;
	s31 =	smov.u32 s0  }
.LBB3_16:
0x17a: {  	v1 =	vld.msk [tilespmem:s26+$0x0], $0x1;
	_ =	sdelay $0x4  }
0x17b: {  	(v2sf) =	vpush v1, $0x0;
	_ =	sdelay $0xe  }
0x17c: {  	s0 =	spop (v2sf)  }
0x17d: {  	p2 =	sne.s32 s31, s0  }
.Ltmp21:
0x17e: {  	_ = 	snop;
	(pc) =	sbr.rel @!p2 .LBB3_17-.Ltmp21, $3  }
0x17f: {  	_ =	sdelay $0x1  }
0x180: {  	s2 =	sshll.u32 s24, $0x8  }
0x181: {  	s2 =	sshra.s32 s2, $0x2  }
0x182: {  	p2 =	seq.s32 s31, s28  }
.Ltmp22:
0x183: {  	_ = 	snop;
	(pc) =	sbr.rel @!p2 .LBB3_19-.Ltmp22, $1  }
0x184: {  	_ =	sdelay $0x3  }
.Ltmp23:
0x185: {  	s2 =	sadd.s32 $0x88, s2;
	(pc) =	sbr.rel .LBB3_20-.Ltmp23, $4  }
0x186: {  	[spmem:s12] =	stream.linear.scatter [tilespmem:s2], [sflag:$0x1], $0x40, $0x38;
	[tilespmem:$0x1EF88] =	vst v63  }
0x187: {  	_ =	swait.ge [sflag:s19], $0x40  }
0x188: {  	[sflag:s19] =	ssyncset.done $0x0  }
0x189: {  	[sflag:s19] =	ssyncadd.s32 $0xFFFFFFC0  }
.LBB3_19:
0x18a: {  	s3 =	sshll.u32 s30, $0x8  }
0x18b: {  	s3 =	sshra.s32 s3, $0x2  }
0x18c: {  	v1 =	vld [tilespmem:s3+$0x50C8];
	_ =	sdelay $0x4  }
0x18d: {  	[tilespmem:s2+$0x88] =	vst.add.f32.msk $0xffff, v1  }
0x18e: {  	v1 =	vld [tilespmem:s3+$0x50D8];
	_ =	sdelay $0x4  }
0x18f: {  	[tilespmem:s2+$0x98] =	vst.add.f32.msk $0xffff, v1  }
0x190: {  	v1 =	vld [tilespmem:s3+$0x50E8];
	_ =	sdelay $0x4  }
0x191: {  	[tilespmem:s2+$0xA8] =	vst.add.f32.msk $0xffff, v1  }
0x192: {  	v1 =	vld [tilespmem:s3+$0x50F8];
	_ =	sdelay $0x2  }
0x193: {  	p2 =	sgt.u32 s31, $0x30D3F8  }
0x194: {  	s3 =	sand.u32 @!p2 $0x3FFFF8, s31  }
0x195: {  	s5 =	sadd.s32 $0x88, s2;
	[tilespmem:s2+$0xB8] =	vst.add.f32.msk $0xffff, v1;
	s2 =	sadd.s32 @!p2 s1, s3;
	s3 =	sand.u32 @!p2 $0x7, s31  }
0x196: {  	[hbm4b:s2+s3] =	stream.linear.scatter @!p2 [tilespmem:s5], [sflag:$0xC], $0x40, $0x38;
	[tilespmem:$0x1EF88] =	vst v63  }
0x197: {  	s2 =	simm.s32 $0x0  }
0x198: {  	s2 =	simm.s32 @!p2 $0x100  }
0x199: {  	s4 =	sadd.s32 s2, s4  }
.LBB3_20:
0x19a: {  	s2 =	sadd.s32 $0x1, s24  }
0x19b: {  	s3 =	smulhi.u32 $0xCCCCCCCD, s2;
	_ =	sdelay $0x1  }
0x19c: {  	v1 =	vld [tilespmem:s29+$0xFFFFFFE0];
	s3 =	sshrl.u32 s3, $0x8  }
0x19d: {  	s3 =	smul.u32 $0x140, s3;
	_ =	sdelay $0x1  }
0x19e: {  	s24 =	ssub.s32 s2, s3  }
0x19f: {  	s2 =	sshll.u32 s24, $0x6  }
0x1a0: {  	[tilespmem:s2+$0x88] =	vst v1  }
0x1a1: {  	v1 =	vld [tilespmem:s29+$0xFFFFFFF0];
	_ =	sdelay $0x4  }
0x1a2: {  	[tilespmem:s2+$0x98] =	vst v1  }
0x1a3: {  	v1 =	vld [tilespmem:s29+$0x0];
	_ =	sdelay $0x4  }
0x1a4: {  	[tilespmem:s2+$0xA8] =	vst v1  }
0x1a5: {  	v1 =	vld [tilespmem:s29+$0x10]  }
.Ltmp24:
0x1a6: {  	_ = 	snop;
	(pc) =	sbr.rel .LBB3_21-.Ltmp24, $2  }
0x1a7: {  	_ =	sdelay $0x2  }
0x1a8: {  	s30 =	sadd.s32 $0x1, s30;
	[tilespmem:s2+$0xB8] =	vst v1  }
.LBB3_23:
.Ltmp25:
0x1a9: {  	(pc) =	sbr.rel .LBB3_24-.Ltmp25, $4  }
0x1aa: {  	_ = 	snop  }
0x1ab: {  	s0 =	simm.s32 $0x2  }
0x1ac: {  	_ =	swait.ge [sflag:s0], $0x0  }
0x1ad: {  	s2 =	simm.s32 $0x0;
	[sflag:s0] =	ssyncset.done $0x0;
	s0 =	smov.u32 s31  }
.LBB3_26:
0x1ae: {  	_ =	sfence.sel $0x180000  }
0x1af: {  	s0 =	simm.s32 $0x9;
	[bflag:$0x0] =	sbarrier.arrive $0xFFFF  }
0x1b0: {  	s24 =	simm.s32 $0xA;
	[sflag:s0] =	ssyncpa.u1 $0x1  }
0x1b1: {  	s25 =	simm.s32 $0xB;
	[sflag:s24] =	ssyncpa.u1 $0x1  }
0x1b2: {  	s26 =	simm.s32 $0x2;
	[sflag:s25] =	ssyncpa.u1 $0x1  }
0x1b3: {  	[sflag:s26] =	ssyncpa.u1 $0x1  }
0x1b4: {  	v0 =	vld [tilespmem:$0xA108];
	_ =	sdelay $0x4  }
0x1b5: {  	(v2sf) =	vpush v0, $0x0  }
0x1b6: {  	(v2sf) =	vpush v0, $0x1;
	_ =	sdelay $0x1  }
0x1b7: {  	(v2sf) =	vpush v0, $0x2;
	_ =	sdelay $0xb  }
0x1b8: {  	s0 =	spop (v2sf)  }
0x1b9: {  	s2 =	spop (v2sf)  }
0x1ba: {  	s3 =	smov.u32 s0;
	p0 =	sne.s32 s0, s2  }
0x1bb: {  	s4 =	spop (v2sf);
	s3 =	simm.s32 @!p0 $0xFFFFFFFF  }
0x1bc: {  	v2 =	vimm.s32 $0x1;
	v3 =	vlaneseq.u32;
	p0 =	seq.s32 s4, $0xFFFFFFFF;
	v1 =	vmov s3  }
0x1bd: {  	s14 =	stileid.u32;
	v0 =	vperm.xlane v0, v2;
	p1 =	sne.s32 @!p0 s0, s2;
	v1 =	vperm.xlane v1, v3  }
0x1be: {  	vm0 =	vcmask $0x3F04;
	s6 =	simm.s32 $0xA108;
	s0 =	simm.s32 @!p0 $0x1;
	p1 =	por !p1, p0  }
0x1bf: {  	s3 =	sshll.u32 s14, $0x1;
	s2 =	sshll.u32 @!p0 s4, $0x8;
	s0 =	simm.s32 @p1 $0x0;
	v0 =	vsel vm0, v1, v0  }
0x1c0: {  	s5 =	sor.u32 $0x800, s3;
	s2 =	sshra.s32 @!p0 s2, $0x2;
	s0 =	sor.u32 @!p0 s0, s3;
	[tilespmem:$0xA108] =	vst v0  }
0x1c1: {  	[spmem:s5] =	stream.linear.scatter [tilespmem:s6], [sflag:$0x1], $0x2, $0x38;
	[tilespmem:$0x1EF88] =	vst v63  }
0x1c2: {  	s2 =	sadd.s32 @!p0 $0x88, s2;
	s0 =	sshll.u32 @!p0 s0, $0x6  }
0x1c3: {  	[spmem:s0] =	stream.linear.scatter @!p0 [tilespmem:s2], [sflag:$0x1], $0x40, $0x38;
	[tilespmem:$0x1EF88] =	vst v63  }
0x1c4: {  	s0 =	simm.s32 @!p0 $0x42  }
0x1c5: {  	s28 =	simm.s32 $0x1;
	s0 =	simm.s32 @p0 $0x2  }
0x1c6: {  	_ =	swait.ge [sflag:s28], s0  }
0x1c7: {  	s0 =	ssub.s32 $0x0, s0;
	[sflag:s28] =	ssyncset.done $0x0  }
0x1c8: {  	p0 =	sne.s32 s14, $0x0;
	[sflag:s28] =	ssyncadd.s32 s0  }
.Ltmp26:
0x1c9: {  	_ =	sfence.stream.spmem;
	(pc) =	sbr.rel @p0 .LBB3_43-.Ltmp26, $4  }
0x1ca: {  	s29 =	simm.s32 $0x3;
	[bflag:$0x0] =	sbarrier.arrive $0xFFFF  }
0x1cb: {  	s30 =	simm.s32 $0x4;
	[sflag:s29] =	ssyncpa.u1 $0x1  }
0x1cc: {  	s31 =	simm.s32 $0x3C;
	[sflag:s30] =	ssyncpa.u1 $0x1  }
0x1cd: {  	s13 =	rddreg [dreg:$0x4];
	[sflag:s31] =	ssyncpa.u1 $0x1  }
0x1ce: {  	_ =	sfence.stream.spmem;
	s0 =	simm.s32 $0x5  }
0x1cf: {  	s2 =	simm.s32 $0x800;
	s3 =	simm.s32 $0xA118;
	[sflag:s0] =	ssyncpa.u1 $0x0  }
0x1d0: {  	[tilespmem:s3], [sflag:$0x5] =	stream.linear.gather [spmem:s2], $0x20, $0x38;
	[tilespmem:$0x1EF88] =	vst v63  }
0x1d1: {  	s26 =	simm.s32 $0x0;
	s28 =	simm.s32 $0xA138  }
0x1d2: {  	[tilespmem:s28], [sflag:$0x5] =	stream.linear.gather [spmem:s26], $0x800, $0x38;
	[tilespmem:$0x1EF88] =	vst v63  }
0x1d3: {  	_ =	swait.ge [sflag:s0], $0x820  }
0x1d4: {  	[sflag:s0] =	ssyncset.done $0x0  }
0x1d5: {  	s29 =	simm.s32 $0x0;
	[sflag:s0] =	ssyncadd.s32 $0xFFFFF7E0  }
0x1d6: {  	v0 =	vld.msk [tilespmem:s29+$0xA118], $0x1;
	_ =	sdelay $0x1  }
0x1d7: {  	s30 =	simm.s32 $0x1  }
0x1d8: {  	v1 =	vld.msk [tilespmem:s30+$0xA118], $0x1;
	_ =	sdelay $0x1  }
0x1d9: {  	(v2sf) =	vpush v0, $0x0;
	_ =	sdelay $0x2  }
0x1da: {  	(v2sf) =	vpush v1, $0x0;
	_ =	sdelay $0x2  }
0x1db: {  	s31 =	simm.s32 $0x2  }
0x1dc: {  	v0 =	vld.msk [tilespmem:s31+$0xA118], $0x1;
	_ =	sdelay $0x2  }
0x1dd: {  	s2 =	simm.s32 $0xFFFFFFFF;
	s3 =	simm.s32 $0xFFFFFFFF;
	s0 =	simm.s32 $0xC  }
.LBB3_28:
0x1de: {  	s4 =	smov.u32 s3;
	s5 =	smov.u32 s2  }
0x1df: {  	s2 =	sshra.s32 s0, $0x2;
	p1 =	sne.s32 s0, $0x7C;
	s0 =	sadd.s32 $0x4, s0;
	(v2sf) =	vpush v0, $0x0  }
0x1e0: {  	v0 =	vld.msk [tilespmem:s2+$0xA118], $0x1  }
.Ltmp27:
0x1e1: {  	(pc) =	sbr.rel @p1 .LBB3_28-.Ltmp27, $4  }
0x1e2: {  	s3 =	spop (v2sf)  }
0x1e3: {  	p2 =	sne.s32 s5, $0xFFFFFFFF;
	s2 =	smov.u32 s3  }
0x1e4: {  	p3 =	seq.s32 s3, $0xFFFFFFFF;
	s2 =	smov.u32 @p2 s5  }
0x1e5: {  	s3 =	smov.u32 @p3 s4;
	s2 =	smov.u32 @p3 s5  }
0x1e6: {  	(v2sf) =	vpush v0, $0x0;
	_ =	sdelay $0x8  }
0x1e7: {  	s0 =	spop (v2sf)  }
0x1e8: {  	p1 =	sne.s32 s2, $0xFFFFFFFF;
	s4 =	smov.u32 s0  }
0x1e9: {  	s9 =	simm.s32 $0x6;
	p2 =	seq.s32 s0, $0xFFFFFFFF;
	s4 =	smov.u32 @p1 s2  }
0x1ea: {  	s6 =	simm.s32 $0x0;
	s4 =	smov.u32 @p2 s2;
	s2 =	spop (v2sf)  }
0x1eb: {  	s0 =	smov.u32 @p2 s3;
	p1 =	sne.s32 s4, $0xFFFFFFFF;
	s5 =	smov.u32 s2  }
.Ltmp28:
0x1ec: {  	p2 =	seq.s32 s2, $0xFFFFFFFF;
	s5 =	smov.u32 @p1 s4;
	(pc) =	sbr.rel .LBB3_30-.Ltmp28, $4  }
0x1ed: {  	s10 =	simm.s32 $0xA0C8;
	s5 =	smov.u32 @p2 s4;
	s7 =	spop (v2sf)  }
0x1ee: {  	s11 =	simm.s32 $0x0;
	p1 =	sne.s32 s5, $0xFFFFFFFF;
	s8 =	smov.u32 s7  }
0x1ef: {  	s2 =	smov.u32 @p2 s0;
	p2 =	seq.s32 s7, $0xFFFFFFFF;
	s8 =	smov.u32 @p1 s5  }
0x1f0: {  	[sflag:s9] =	ssyncpa.u1 $0x0;
	s7 =	smov.u32 @p2 s2;
	s8 =	smov.u32 @p2 s5  }
.LBB3_36:
0x1f1: {  	p1 =	sgt.u32 s0, $0x30D3F8  }
0x1f2: {  	p2 =	seq.s32 @!p1 s0, s8  }
0x1f3: {  	p1 =	por p1, p2  }
0x1f4: {  	p2 =	sne.s32 @!p1 s0, s7  }
0x1f5: {  	p1 =	por p1, !p2  }
0x1f6: {  	s0 =	sshll.u32 @p1 s11, $0x8  }
0x1f7: {  	s2 =	sand.u32 @!p1 $0x3FFFF8, s0  }
0x1f8: {  	s0 =	sand.u32 @!p1 $0x7, s0;
	s2 =	sadd.s32 @!p1 s1, s2  }
0x1f9: {  	[tilespmem:s10], [sflag:$0x6] =	stream.linear.gather @!p1 [hbm4b:s2+s0], $0x40, $0x38;
	[tilespmem:$0x1EF88] =	vst v63  }
0x1fa: {  	_ =	swait.ge @!p1 [sflag:s9], $0x40  }
0x1fb: {  	[sflag:s9] =	ssyncset.done @!p1 $0x0  }
0x1fc: {  	[sflag:s9] =	ssyncadd.s32 @!p1 $0xFFFFFFC0  }
0x1fd: {  	v1 =	vld @!p1 [tilespmem:$0xA0C8];
	_ =	sdelay $0x2  }
0x1fe: {  	s0 =	sshll.u32 @!p1 s11, $0x8  }
0x1ff: {  	s2 =	sshrl.u32 @!p1 s0, $0x2  }
0x200: {  	[tilespmem:s2+$0xA138] =	vst.add.f32.msk @!p1 $0xffff, v1  }
0x201: {  	v1 =	vld @!p1 [tilespmem:$0xA0D8];
	_ =	sdelay $0x4  }
0x202: {  	[tilespmem:s2+$0xA148] =	vst.add.f32.msk @!p1 $0xffff, v1  }
0x203: {  	v1 =	vld @!p1 [tilespmem:$0xA0E8];
	_ =	sdelay $0x4  }
0x204: {  	[tilespmem:s2+$0xA158] =	vst.add.f32.msk @!p1 $0xffff, v1  }
0x205: {  	v1 =	vld @!p1 [tilespmem:$0xA0F8];
	_ =	sdelay $0x4  }
0x206: {  	[tilespmem:s2+$0xA168] =	vst.add.f32.msk @!p1 $0xffff, v1  }
0x207: {  	s0 =	sshrl.u32 s0, $0x2;
	[tilespmem:s6+$0xA118] =	vst.msk $0x1, v0  }
0x208: {  	v0 =	vld [tilespmem:s0+$0xA138];
	_ =	sdelay $0x2  }
0x209: {  	s31 =	sshll.u32 s6, $0x8  }
0x20a: {  	s2 =	sshra.s32 s31, $0x2  }
0x20b: {  	[tilespmem:s2+$0xA138] =	vst v0  }
0x20c: {  	v0 =	vld [tilespmem:s0+$0xA148];
	_ =	sdelay $0x4  }
0x20d: {  	[tilespmem:s2+$0xA148] =	vst v0  }
0x20e: {  	v0 =	vld [tilespmem:s0+$0xA158];
	_ =	sdelay $0x4  }
0x20f: {  	[tilespmem:s2+$0xA158] =	vst v0  }
0x210: {  	v0 =	vld [tilespmem:s0+$0xA168];
	_ =	sdelay $0x4  }
0x211: {  	s6 =	sadd.s32 $0x1, s6;
	[tilespmem:s2+$0xA168] =	vst v0  }
.LBB3_37:
0x212: {  	s11 =	sadd.s32 $0x1, s11  }
0x213: {  	p1 =	sne.s32 s11, $0x20  }
.Ltmp29:
0x214: {  	_ = 	snop;
	(pc) =	sbr.rel @!p1 .LBB3_38-.Ltmp29, $1  }
0x215: {  	_ =	sdelay $0x3  }
.LBB3_30:
0x216: {  	v0 =	vld.msk [tilespmem:s11+$0xA118], $0x1;
	_ =	sdelay $0x4  }
0x217: {  	(v2sf) =	vpush v0, $0x0;
	_ =	sdelay $0xe  }
0x218: {  	s0 =	spop (v2sf)  }
0x219: {  	p1 =	seq.s32 s0, $0xFFFFFFFF  }
.Ltmp30:
0x21a: {  	_ = 	snop;
	(pc) =	sbr.rel @p1 .LBB3_37-.Ltmp30, $1  }
0x21b: {  	_ =	sdelay $0x3  }
0x21c: {  	p1 =	slt.s32 s6, $0x1  }
.Ltmp31:
0x21d: {  	_ = 	snop;
	(pc) =	sbr.rel @p1 .LBB3_36-.Ltmp31, $1  }
0x21e: {  	_ =	sdelay $0x3  }
0x21f: {  	s2 =	simm.s32 $0xA118;
	p1 =	por $0x0, $0x0  }
0x220: {  	v1 =	vld.msk @!p1 [tilespmem:s2+$0x0], $0x1;
	_ =	sdelay $0x4  }
0x221: {  	(v2sf) =	vpush @!p1 v1, $0x0;
	_ =	sdelay $0xd  }
0x222: {  	p3 =	sne.s32 s6, $0x1  }
.Ltmp32:
0x223: {  	s3 =	spop @!p1 (v2sf);
	(pc) =	sbr.rel @!p3 .LBB3_34-.Ltmp32, $4  }
0x224: {  	p2 =	seq.s32 @!p1 s0, s3  }
0x225: {  	s3 =	simm.s32 $0x0;
	p2 =	por !p2, p1  }
0x226: {  	s5 =	simm.s32 $0xFFFFFFFF;
	s3 =	simm.s32 @p2 $0xFFFFFFFF  }
0x227: {  	s4 =	simm.s32 $0x1;
	s3 =	smov.u32 @p1 s5  }
.LBB3_33:
0x228: {  	s5 =	smov.u32 s3;
	p1 =	sne.s32 s3, $0xFFFFFFFF  }
0x229: {  	s2 =	sadd.s32 $0x1, s2;
	s3 =	smov.u32 s4;
	s4 =	sadd.s32 $0x1, s4  }
0x22a: {  	p2 =	sne.s32 s6, s4;
	v1 =	vld.msk @!p1 [tilespmem:s2+$0x0], $0x1;
	_ =	sdelay $0x4  }
0x22b: {  	(v2sf) =	vpush @!p1 v1, $0x0;
	_ =	sdelay $0xe  }
.Ltmp33:
0x22c: {  	s12 =	spop @!p1 (v2sf);
	(pc) =	sbr.rel @p2 .LBB3_33-.Ltmp33, $4  }
0x22d: {  	p3 =	seq.s32 @!p1 s0, s12  }
0x22e: {  	p3 =	por !p3, p1  }
0x22f: {  	s3 =	simm.s32 @p3 $0xFFFFFFFF  }
0x230: {  	s3 =	smov.u32 @p1 s5  }
.LBB3_34:
0x231: {  	p1 =	seq.s32 s3, $0xFFFFFFFF  }
.Ltmp34:
0x232: {  	_ = 	snop;
	(pc) =	sbr.rel @p1 .LBB3_36-.Ltmp34, $1  }
0x233: {  	_ =	sdelay $0x3  }
0x234: {  	s0 =	sshll.u32 s11, $0x6  }
0x235: {  	s0 =	sand.u32 $0x3FFFFFC0, s0  }
0x236: {  	v0 =	vld [tilespmem:s0+$0xA138];
	_ =	sdelay $0x2  }
0x237: {  	s2 =	sshll.u32 s3, $0x8  }
0x238: {  	s2 =	sshra.s32 s2, $0x2  }
0x239: {  	[tilespmem:s2+$0xA138] =	vst.add.f32.msk $0xffff, v0  }
0x23a: {  	v0 =	vld [tilespmem:s0+$0xA148];
	_ =	sdelay $0x4  }
0x23b: {  	[tilespmem:s2+$0xA148] =	vst.add.f32.msk $0xffff, v0  }
0x23c: {  	v0 =	vld [tilespmem:s0+$0xA158];
	_ =	sdelay $0x4  }
0x23d: {  	[tilespmem:s2+$0xA158] =	vst.add.f32.msk $0xffff, v0  }
0x23e: {  	v0 =	vld [tilespmem:s0+$0xA168]  }
.Ltmp35:
0x23f: {  	_ = 	snop;
	(pc) =	sbr.rel .LBB3_37-.Ltmp35, $2  }
0x240: {  	_ =	sdelay $0x2  }
0x241: {  	[tilespmem:s2+$0xA168] =	vst.add.f32.msk $0xffff, v0  }
.LBB3_38:
0x242: {  	s0 =	simm.s32 $0x6;
	p1 =	seq.s32 s6, $0x0  }
0x243: {  	[sflag:s0] =	ssyncpa.u1 $0x1;
	v0 =	vimm.s32 @p1 $0xFFFFFFFF  }
0x244: {  	s0 =	sadd.s32 $0xFFFFFFFF, s6;
	[tilespmem:$0xA938] =	vst @p1 v0  }
0x245: {  	v0 =	vld.msk @!p1 [tilespmem:s0+$0xA118], $0x1;
	_ =	sdelay $0x1  }
0x246: {  	v1 =	vld.msk @!p1 [tilespmem:$0xA118], $0x1;
	_ =	sdelay $0x2  }
0x247: {  	p2 =	seq.s32 @!p1 s0, $0x0;
	v0 =	vbroadcast @!p1 v0, $0x0  }
0x248: {  	vm0 =	vmmov @!p1 $0x1;
	p2 =	por !p2, p1  }
0x249: {  	v1 =	vnsel @!p1 vm0, $0xFFFFFFFF, v1;
	vm0 =	vcmask @!p1 $0x308;
	v0 =	vpsel !p2, $0xFFFFFFFF, v0  }
0x24a: {  	p2 =	sne.s32 @!p1 s8, s7;
	v0 =	vsel @!p1 vm0, v1, v0  }
0x24b: {  	s2 =	simm.s32 @!p1 $0xA138;
	s3 =	simm.s32 @!p1 $0x0;
	p3 =	por !p2, p1;
	[tilespmem:$0xA938] =	vst @!p1 v0  }
0x24c: {  	[spmem:s3] =	stream.linear.scatter @!p1 [tilespmem:s2], [sflag:$0x1], $0x40, $0x38;
	[tilespmem:$0x1EF88] =	vst v63  }
0x24d: {  	s2 =	sshll.u32 @!p3 s0, $0x8  }
0x24e: {  	s2 =	sshra.s32 @!p3 s2, $0x2  }
0x24f: {  	s3 =	simm.s32 @!p3 $0x40;
	s2 =	sadd.s32 @!p3 $0xA138, s2  }
0x250: {  	[spmem:s3] =	stream.linear.scatter @!p3 [tilespmem:s2], [sflag:$0x1], $0x40, $0x38;
	[tilespmem:$0x1EF88] =	vst v63  }
0x251: {  	s2 =	simm.s32 @!p3 $0x1  }
0x252: {  	_ =	swait.ge @!p3 [sflag:s2], $0x80  }
0x253: {  	p1 =	por p2, p1;
	[sflag:s2] =	ssyncset.done @!p3 $0x0  }
0x254: {  	[sflag:s2] =	ssyncadd.s32 @!p3 $0xFFFFFF80;
	s2 =	simm.s32 @!p1 $0x1  }
0x255: {  	_ =	swait.ge @!p1 [sflag:s2], $0x40  }
0x256: {  	s29 =	simm.s32 $0xA938;
	[sflag:s2] =	ssyncset.done @!p1 $0x0  }
0x257: {  	s30 =	simm.s32 $0x800;
	s31 =	simm.s32 $0x1;
	[sflag:s2] =	ssyncadd.s32 @!p1 $0xFFFFFFC0  }
0x258: {  	[spmem:s30] =	stream.linear.scatter [tilespmem:s29], [sflag:$0x1], $0x10, $0x38;
	[tilespmem:$0x1EF88] =	vst v63  }
0x259: {  	_ =	swait.ge [sflag:s31], $0x10  }
0x25a: {  	[sflag:s31] =	ssyncset.done $0x0  }
0x25b: {  	p1 =	seq.s32 s13, $0x0;
	s9 =	rddreg [dreg:$0x1];
	[sflag:s31] =	ssyncadd.s32 $0xFFFFFFF0  }
0x25c: {  	s3 =	sshll.u32 @p1 s9, $0xE;
	s8 =	rddreg [dreg:$0x2]  }
0x25d: {  	s2 =	sadd.s32 @p1 $0x15C3C, s3;
	s3 =	sshll.u32 @p1 s8, $0x11  }
0x25e: {  	_ =	sfence.stream.spmem;
	s2 =	sor.u32 @p1 s3, s2  }
0x25f: {  	[sflag:s2] =	ssyncadd.remote.s32 @p1 $0x1;
	s2 =	simm.s32 @p1 $0x4  }
0x260: {  	s4 =	simm.s32 @!p1 $0x3C;
	s3 =	sand.u32 $0xFFFFFFFE, s9;
	_ =	swait.ge @p1 [sflag:s2], $0x12  }
0x261: {  	s5 =	simm.s32 @!p1 $0x0;
	s3 =	sadd.s32 @!p1 $0x4, s3;
	[sflag:s2] =	ssyncset.done @p1 $0x0  }
0x262: {  	s7 =	simm.s32 @!p1 $0x80;
	[sflag:s2] =	ssyncadd.s32 @p1 $0xFFFFFFEE;
	s2 =	sshll.u32 @!p1 s3, $0x1A  }
0x263: {  	s3 =	sshll.u32 @!p1 s3, $0xD;
	s2 =	sor.u32 @!p1 s2, s8;
	_ =	swait.eq @!p1 [sflag:s4], $0x1  }
0x264: {  	s3 =	sor.u32 @!p1 $0x1C04, s3;
	s4 =	simm.s32 @!p1 $0x1C03;
	s2 =	sor.u32 @!p1 $0x80004000, s2  }
0x265: {  	[spmem:s7], [sflag:s3] =	dma.general @!p1 [spmem:s5], [sflag:s4], length:$0x10, [dreg:$0x0], stride_count:$0x0, ici_dest:s2, dma_misc:DstOpCode:WRITE  }
0x266: {  	p2 =	slt.s32 s0, $0x2;
	s5 =	simm.s32 @!p1 $0x100;
	s7 =	simm.s32 @!p1 $0x102  }
0x267: {  	[spmem:s7], [sflag:s3] =	dma.general @!p1 [spmem:s5], [sflag:s4], length:$0x2, [dreg:$0x0], stride_count:$0x0, ici_dest:s2, dma_misc:DstOpCode:WRITE  }
.Ltmp36:
0x268: {  	s2 =	simm.s32 @!p1 $0x3;
	(pc) =	sbr.rel @p2 .LBB3_42-.Ltmp36, $4  }
0x269: {  	s3 =	sshll.u32 @!p1 s9, $0xE;
	_ =	swait.ge @!p1 [sflag:s2], $0x12  }
0x26a: {  	s4 =	sshll.u32 @!p1 s8, $0x11;
	s3 =	sadd.s32 @!p1 $0x11C3C, s3;
	[sflag:s2] =	ssyncset.done @!p1 $0x0  }
0x26b: {  	[sflag:s2] =	ssyncadd.s32 @!p1 $0xFFFFFFEE;
	s2 =	sor.u32 @!p1 s4, s3  }
0x26c: {  	s0 =	simm.s32 $0x0;
	[sflag:s2] =	ssyncadd.remote.s32 @!p1 $0xFFFFFFFF  }
0x26d: {  	s0 =	simm.s32 $0xA119  }
0x26e: {  	v0 =	vld.msk [tilespmem:s0+$0x0], $0x1;
	_ =	sdelay $0x4  }
0x26f: {  	(v2sf) =	vpush v0, $0x0;
	_ =	sdelay $0xc  }
0x270: {  	s2 =	sadd.s32 $0xFFFFFFFE, s6  }
0x271: {  	s2 =	sadd.s32 $0xFFFFFFFF, s2  }
0x272: {  	p2 =	sne.s32 s2, $0x0;
	s3 =	spop (v2sf)  }
.Ltmp37:
0x273: {  	p1 =	sgt.u32 s3, $0x30D3F8;
	(pc) =	sbr.rel @!p2 .LBB3_41-.Ltmp37, $4  }
0x274: {  	s5 =	simm.s32 $0x0;
	s4 =	sand.u32 @!p1 $0x3FFFF8, s3  }
0x275: {  	s0 =	simm.s32 $0xA178;
	s3 =	sand.u32 @!p1 $0x7, s3;
	s4 =	sadd.s32 @!p1 s1, s4  }
0x276: {  	[hbm4b:s4+s3] =	stream.linear.scatter @!p1 [tilespmem:s0], [sflag:$0x5], $0x40, $0x38;
	[tilespmem:$0x1EF88] =	vst v63  }
0x277: {  	s5 =	simm.s32 @!p1 $0x100;
	s3 =	simm.s32 $0x0;
	s4 =	simm.s32 $0xA11A  }
.LBB3_40:
0x278: {  	v0 =	vld.msk [tilespmem:s4+$0x0], $0x1;
	s2 =	sadd.s32 $0xFFFFFFFF, s2;
	s3 =	sadd.s32 s3, s5  }
0x279: {  	p1 =	sne.s32 s2, $0x0;
	_ =	sdelay $0x3  }
0x27a: {  	(v2sf) =	vpush v0, $0x0;
	_ =	sdelay $0xe  }
.Ltmp38:
0x27b: {  	s6 =	spop (v2sf);
	(pc) =	sbr.rel @p1 .LBB3_40-.Ltmp38, $4  }
0x27c: {  	s5 =	simm.s32 $0x0;
	p2 =	sgt.u32 s6, $0x30D3F8  }
0x27d: {  	s0 =	sadd.s32 $0x40, s0;
	s5 =	simm.s32 @!p2 $0x100;
	s7 =	sand.u32 @!p2 $0x3FFFF8, s6  }
0x27e: {  	s4 =	sadd.s32 $0x1, s4;
	s6 =	sand.u32 @!p2 $0x7, s6;
	s7 =	sadd.s32 @!p2 s1, s7  }
0x27f: {  	[hbm4b:s7+s6] =	stream.linear.scatter @!p2 [tilespmem:s0], [sflag:$0x5], $0x40, $0x38;
	[tilespmem:$0x1EF88] =	vst v63  }
.LBB3_41:
0x280: {  	s0 =	sadd.s32 s3, s5  }
0x281: {  	s0 =	sshrl.u32 s0, $0x2  }
.LBB3_42:
0x282: {  	s2 =	simm.s32 $0x5  }
0x283: {  	_ =	swait.ge [sflag:s2], s0  }
0x284: {  	s31 =	ssub.s32 $0x0, s0;
	[sflag:s2] =	ssyncset.done $0x0  }
0x285: {  	[sflag:s2] =	ssyncadd.s32 s31  }
0x286: {  	[sflag:s2] =	ssyncpa.u1 $0x1  }
.LBB3_43:
0x287: {  	s0 =	sor.u32 s13, s14  }
0x288: {  	p1 =	sne.s32 s0, $0x0  }
.Ltmp39:
0x289: {  	_ = 	snop;
	(pc) =	sbr.rel @p1 .LBB3_58-.Ltmp39, $3  }
0x28a: {  	_ =	sdelay $0x1  }
0x28b: {  	[bflag:$0x0] =	sbarrier.arrive $0xFFFF  }
0x28c: {  	_ =	sfence  }
0x28d: {  	s0 =	simm.s32 $0x7  }
0x28e: {  	s2 =	simm.s32 $0x800;
	s3 =	simm.s32 $0xA118;
	[sflag:s0] =	ssyncpa.u1 $0x0  }
0x28f: {  	[tilespmem:s3], [sflag:$0x7] =	stream.linear.gather [spmem:s2], $0x20, $0x38;
	[tilespmem:$0x1EF88] =	vst v63  }
0x290: {  	s30 =	simm.s32 $0xA138;
	s2 =	simm.s32 $0x0  }
0x291: {  	[tilespmem:s30], [sflag:$0x7] =	stream.linear.gather [spmem:s2], $0x800, $0x38;
	[tilespmem:$0x1EF88] =	vst v63  }
.Ltmp40:
0x292: {  	_ = 	snop;
	(pc) =	sbr.rel .LBB3_45-.Ltmp40, $4  }
0x293: {  	_ =	swait.ge [sflag:s0], $0x820  }
0x294: {  	[sflag:s0] =	ssyncset.done $0x0  }
0x295: {  	s31 =	simm.s32 $0x8;
	[sflag:s0] =	ssyncadd.s32 $0xFFFFF7E0  }
0x296: {  	s3 =	simm.s32 $0x0;
	[sflag:s31] =	ssyncpa.u1 $0x0  }
.LBB3_51:
0x297: {  	p1 =	slt.u32 s0, $0x30D3F9  }
0x298: {  	s4 =	sand.u32 @p1 $0x3FFFF8, s0  }
0x299: {  	s0 =	sand.u32 @p1 $0x7, s0;
	s5 =	simm.s32 @p1 $0xA0C8;
	s4 =	sadd.s32 @p1 s1, s4  }
0x29a: {  	[tilespmem:s5], [sflag:$0x8] =	stream.linear.gather @p1 [hbm4b:s4+s0], $0x40, $0x38;
	[tilespmem:$0x1EF88] =	vst v63  }
0x29b: {  	s0 =	simm.s32 @p1 $0x8  }
0x29c: {  	_ =	swait.ge @p1 [sflag:s0], $0x40  }
0x29d: {  	[sflag:s0] =	ssyncset.done @p1 $0x0  }
0x29e: {  	[sflag:s0] =	ssyncadd.s32 @p1 $0xFFFFFFC0  }
0x29f: {  	v1 =	vld @p1 [tilespmem:$0xA0C8];
	_ =	sdelay $0x2  }
0x2a0: {  	s0 =	sshll.u32 @p1 s3, $0x8  }
0x2a1: {  	s4 =	sshrl.u32 @p1 s0, $0x2  }
0x2a2: {  	[tilespmem:s4+$0xA138] =	vst.add.f32.msk @p1 $0xffff, v1  }
0x2a3: {  	v1 =	vld @p1 [tilespmem:$0xA0D8];
	_ =	sdelay $0x4  }
0x2a4: {  	[tilespmem:s4+$0xA148] =	vst.add.f32.msk @p1 $0xffff, v1  }
0x2a5: {  	v1 =	vld @p1 [tilespmem:$0xA0E8];
	_ =	sdelay $0x4  }
0x2a6: {  	[tilespmem:s4+$0xA158] =	vst.add.f32.msk @p1 $0xffff, v1  }
0x2a7: {  	v1 =	vld @p1 [tilespmem:$0xA0F8];
	_ =	sdelay $0x3  }
0x2a8: {  	s5 =	sshll.u32 @!p1 s3, $0x8  }
0x2a9: {  	s5 =	smov.u32 @p1 s0;
	[tilespmem:s4+$0xA168] =	vst.add.f32.msk @p1 $0xffff, v1  }
0x2aa: {  	s0 =	sshrl.u32 s5, $0x2;
	[tilespmem:s2+$0xA118] =	vst.msk $0x1, v0  }
0x2ab: {  	v0 =	vld [tilespmem:s0+$0xA138];
	_ =	sdelay $0x2  }
0x2ac: {  	s31 =	sshll.u32 s2, $0x8  }
0x2ad: {  	s4 =	sshra.s32 s31, $0x2  }
0x2ae: {  	[tilespmem:s4+$0xA138] =	vst v0  }
0x2af: {  	v0 =	vld [tilespmem:s0+$0xA148];
	_ =	sdelay $0x4  }
0x2b0: {  	[tilespmem:s4+$0xA148] =	vst v0  }
0x2b1: {  	v0 =	vld [tilespmem:s0+$0xA158];
	_ =	sdelay $0x4  }
0x2b2: {  	[tilespmem:s4+$0xA158] =	vst v0  }
0x2b3: {  	v0 =	vld [tilespmem:s0+$0xA168];
	_ =	sdelay $0x4  }
0x2b4: {  	s2 =	sadd.s32 $0x1, s2;
	[tilespmem:s4+$0xA168] =	vst v0  }
.LBB3_52:
0x2b5: {  	s3 =	sadd.s32 $0x1, s3  }
0x2b6: {  	p1 =	sne.s32 s3, $0x20  }
.Ltmp41:
0x2b7: {  	_ = 	snop;
	(pc) =	sbr.rel @!p1 .LBB3_53-.Ltmp41, $1  }
0x2b8: {  	_ =	sdelay $0x3  }
.LBB3_45:
0x2b9: {  	v0 =	vld.msk [tilespmem:s3+$0xA118], $0x1;
	_ =	sdelay $0x4  }
0x2ba: {  	(v2sf) =	vpush v0, $0x0;
	_ =	sdelay $0xe  }
0x2bb: {  	s0 =	spop (v2sf)  }
0x2bc: {  	p1 =	seq.s32 s0, $0xFFFFFFFF  }
.Ltmp42:
0x2bd: {  	_ = 	snop;
	(pc) =	sbr.rel @p1 .LBB3_52-.Ltmp42, $1  }
0x2be: {  	_ =	sdelay $0x3  }
0x2bf: {  	p1 =	slt.s32 s2, $0x1  }
.Ltmp43:
0x2c0: {  	_ = 	snop;
	(pc) =	sbr.rel @p1 .LBB3_51-.Ltmp43, $1  }
0x2c1: {  	_ =	sdelay $0x3  }
0x2c2: {  	s4 =	simm.s32 $0xA118;
	p1 =	por $0x0, $0x0  }
0x2c3: {  	v1 =	vld.msk @!p1 [tilespmem:s4+$0x0], $0x1;
	_ =	sdelay $0x4  }
0x2c4: {  	(v2sf) =	vpush @!p1 v1, $0x0;
	_ =	sdelay $0xd  }
0x2c5: {  	p3 =	sne.s32 s2, $0x1  }
.Ltmp44:
0x2c6: {  	s5 =	spop @!p1 (v2sf);
	(pc) =	sbr.rel @!p3 .LBB3_49-.Ltmp44, $4  }
0x2c7: {  	p2 =	seq.s32 @!p1 s0, s5  }
0x2c8: {  	s5 =	simm.s32 $0x0;
	p2 =	por !p2, p1  }
0x2c9: {  	s7 =	simm.s32 $0xFFFFFFFF;
	s5 =	simm.s32 @p2 $0xFFFFFFFF  }
0x2ca: {  	s6 =	simm.s32 $0x1;
	s5 =	smov.u32 @p1 s7  }
.LBB3_48:
0x2cb: {  	s7 =	smov.u32 s5;
	p1 =	sne.s32 s5, $0xFFFFFFFF  }
0x2cc: {  	s4 =	sadd.s32 $0x1, s4;
	s5 =	smov.u32 s6;
	s6 =	sadd.s32 $0x1, s6  }
0x2cd: {  	p2 =	sne.s32 s2, s6;
	v1 =	vld.msk @!p1 [tilespmem:s4+$0x0], $0x1;
	_ =	sdelay $0x4  }
0x2ce: {  	(v2sf) =	vpush @!p1 v1, $0x0;
	_ =	sdelay $0xe  }
.Ltmp45:
0x2cf: {  	s8 =	spop @!p1 (v2sf);
	(pc) =	sbr.rel @p2 .LBB3_48-.Ltmp45, $4  }
0x2d0: {  	p3 =	seq.s32 @!p1 s0, s8  }
0x2d1: {  	p3 =	por !p3, p1  }
0x2d2: {  	s5 =	simm.s32 @p3 $0xFFFFFFFF  }
0x2d3: {  	s5 =	smov.u32 @p1 s7  }
.LBB3_49:
0x2d4: {  	p1 =	seq.s32 s5, $0xFFFFFFFF  }
.Ltmp46:
0x2d5: {  	_ = 	snop;
	(pc) =	sbr.rel @p1 .LBB3_51-.Ltmp46, $1  }
0x2d6: {  	_ =	sdelay $0x3  }
0x2d7: {  	s0 =	sshll.u32 s3, $0x6  }
0x2d8: {  	s0 =	sand.u32 $0x3FFFFFC0, s0  }
0x2d9: {  	v0 =	vld [tilespmem:s0+$0xA138];
	_ =	sdelay $0x2  }
0x2da: {  	s4 =	sshll.u32 s5, $0x8  }
0x2db: {  	s4 =	sshra.s32 s4, $0x2  }
0x2dc: {  	[tilespmem:s4+$0xA138] =	vst.add.f32.msk $0xffff, v0  }
0x2dd: {  	v0 =	vld [tilespmem:s0+$0xA148];
	_ =	sdelay $0x4  }
0x2de: {  	[tilespmem:s4+$0xA148] =	vst.add.f32.msk $0xffff, v0  }
0x2df: {  	v0 =	vld [tilespmem:s0+$0xA158];
	_ =	sdelay $0x4  }
0x2e0: {  	[tilespmem:s4+$0xA158] =	vst.add.f32.msk $0xffff, v0  }
0x2e1: {  	v0 =	vld [tilespmem:s0+$0xA168]  }
.Ltmp47:
0x2e2: {  	_ = 	snop;
	(pc) =	sbr.rel .LBB3_52-.Ltmp47, $2  }
0x2e3: {  	_ =	sdelay $0x2  }
0x2e4: {  	[tilespmem:s4+$0xA168] =	vst.add.f32.msk $0xffff, v0  }
.LBB3_53:
0x2e5: {  	p1 =	slt.s32 s2, $0x1  }
.Ltmp48:
0x2e6: {  	_ = 	snop;
	(pc) =	sbr.rel @p1 .LBB3_57-.Ltmp48, $3  }
0x2e7: {  	_ =	sdelay $0x1  }
0x2e8: {  	s0 =	simm.s32 $0x8  }
0x2e9: {  	[sflag:s0] =	ssyncpa.u1 $0x1;
	s0 =	simm.s32 $0x0  }
0x2ea: {  	s3 =	simm.s32 $0xA118  }
0x2eb: {  	v0 =	vld.msk [tilespmem:s3+$0x0], $0x1;
	_ =	sdelay $0x4  }
0x2ec: {  	(v2sf) =	vpush v0, $0x0;
	_ =	sdelay $0xe  }
0x2ed: {  	s2 =	sadd.s32 $0xFFFFFFFF, s2;
	s4 =	spop (v2sf)  }
0x2ee: {  	p2 =	sne.s32 s2, $0x0;
	p1 =	sgt.u32 s4, $0x30D3F8  }
.Ltmp49:
0x2ef: {  	s5 =	sand.u32 @!p1 $0x3FFFF8, s4;
	(pc) =	sbr.rel @!p2 .LBB3_56-.Ltmp49, $4  }
0x2f0: {  	s3 =	simm.s32 $0xA138;
	s4 =	sand.u32 @!p1 $0x7, s4;
	s5 =	sadd.s32 @!p1 s1, s5  }
0x2f1: {  	[hbm4b:s5+s4] =	stream.linear.scatter @!p1 [tilespmem:s3], [sflag:$0x7], $0x40, $0x38;
	[tilespmem:$0x1EF88] =	vst v63  }
0x2f2: {  	s5 =	simm.s32 $0x0  }
0x2f3: {  	s4 =	simm.s32 $0xA119;
	s5 =	simm.s32 @!p1 $0x100  }
.LBB3_55:
0x2f4: {  	v0 =	vld.msk [tilespmem:s4+$0x0], $0x1;
	s2 =	sadd.s32 $0xFFFFFFFF, s2;
	s0 =	sadd.s32 s0, s5  }
0x2f5: {  	p1 =	sne.s32 s2, $0x0;
	_ =	sdelay $0x3  }
0x2f6: {  	(v2sf) =	vpush v0, $0x0;
	_ =	sdelay $0xe  }
.Ltmp50:
0x2f7: {  	s6 =	spop (v2sf);
	(pc) =	sbr.rel @p1 .LBB3_55-.Ltmp50, $4  }
0x2f8: {  	s5 =	simm.s32 $0x0;
	p2 =	sgt.u32 s6, $0x30D3F8  }
0x2f9: {  	s3 =	sadd.s32 $0x40, s3;
	s5 =	simm.s32 @!p2 $0x100;
	s7 =	sand.u32 @!p2 $0x3FFFF8, s6  }
0x2fa: {  	s4 =	sadd.s32 $0x1, s4;
	s6 =	sand.u32 @!p2 $0x7, s6;
	s7 =	sadd.s32 @!p2 s1, s7  }
0x2fb: {  	[hbm4b:s7+s6] =	stream.linear.scatter @!p2 [tilespmem:s3], [sflag:$0x7], $0x40, $0x38;
	[tilespmem:$0x1EF88] =	vst v63  }
.LBB3_56:
0x2fc: {  	s0 =	sadd.s32 s0, s5  }
0x2fd: {  	s0 =	sshrl.u32 s0, $0x2  }
.LBB3_57:
0x2fe: {  	s1 =	simm.s32 $0x7  }
0x2ff: {  	_ =	swait.ge [sflag:s1], s0  }
0x300: {  	s31 =	ssub.s32 $0x0, s0;
	[sflag:s1] =	ssyncset.done $0x0  }
0x301: {  	[sflag:s1] =	ssyncadd.s32 s31  }
0x302: {  	[sflag:s1] =	ssyncpa.u1 $0x1  }
.LBB3_58:
0x303: {  	_ =	sfence;
	s0 =	simm.s32 $0x1  }
0x304: {  	[sflag:s0] =	ssyncpa.u1 $0x1  }
0x305: {  	_ =	strace $0x9000004D  }
0x306: {  	[bflag:$0x2] =	sbarrier.arrive $0xFFFF  }
0x307: {  	s0 =	rddreg [dreg:$0x3]  }
0x308: {  	s0 =	sadd.s32 @!p0 $0x100000, s0  }
0x309: {  	[sflag:s0] =	ssyncadd.tile.s32 @!p0 $0x1;
	_ =	shalt  }
.Lfunc_end3:
_tile_overlayer_lowered:
.L_overlay_start_3:
0x30a: {  	(tag) =	ssettag $0x3  }
0x30b: {  	s0 =	rddreg [dreg:$0x0];
	s2 =	stileid.u32  }
0x30c: {  	s1 =	rddreg [dreg:$0x1];
	p0 =	sne.s32 s2, $0x0  }
0x30d: {  	s3 =	rddreg [dreg:$0x2];
	[bflag:$0x3] =	sbarrier.arrive $0xFFFF;
	s2 =	simm.s32 @!p0 $0x1C01  }
0x30e: {  	[timem:s3], [sflag:s2] =	dma.local @!p0 [hbm:s0], s1  }
0x30f: {  	s0 =	simm.s32 @!p0 $0x1  }
0x310: {  	_ =	swait.ge @!p0 [sflag:s0], s1  }
0x311: {  	s1 =	ssub.s32 @!p0 $0x0, s1;
	[sflag:s0] =	ssyncset.done @!p0 $0x0  }
0x312: {  	[sflag:s0] =	ssyncadd.s32 @!p0 s1  }
0x313: {  	[bflag:$0x3] =	sbarrier.arrive $0xFFFF  }
0x314: {  	_ =	shalt  }

</sc_bundles>
